<compile_context>
chip_gen: v7x
topology: tpu7x:2x2x1
jax: 0.10.2.dev20260603
libtpu: 0.0.44.dev20260713+nightly
codegen_flags: <defaults>
</compile_context>

<pallas_src>
import functools

import jax
import jax.numpy as jnp
from jax import lax
from jax.experimental import pallas as pl
from jax.experimental.pallas import tpu as pltpu
from jax.experimental.pallas import tpu_sc as plsc

_N = 10000
_HID = 128
_G = 64
_NC = 2
_NS = 16
_K = 128
_NXL = 10008
_NTAB = 10240
_TAB_SLAB = _NTAB // _NS
_ACC_SLAB = _N // _NS
_ZCH = _ACC_SLAB // 5

_GATHER_DNUMS = lax.GatherDimensionNumbers(
    offset_dims=(), collapsed_slice_dims=(0,), start_index_map=(0,))


def _perm(vec, idx16):
    return lax.gather(vec, idx16.reshape(16, 1), _GATHER_DNUMS, (1,),
                      mode=lax.GatherScatterMode.PROMISE_IN_BOUNDS)


def _bcast_lane(vec, j):
    return _perm(vec, jnp.full((16,), j, jnp.int32))


def _rot8(vec):
    return _perm(vec, (lax.iota(jnp.int32, 16) % 8) + 8)


def _sc_gat(xlp, tab, mv2d, src, dst, heads):
    e_pad = src.shape[0]
    chunks = e_pad // (_NC * _NS * _K)
    mesh = plsc.VectorSubcoreMesh(core_axis_name="c", subcore_axis_name="s")

    def body(xlp_hbm, tab_hbm, m_hbm, src_hbm, dst_hbm, num_hbm, den_hbm,
             num_sh, den_sh, tab_sh, idx_s, idx_d, rows, gs_b, gd_b,
             e_b, t1d, t2d, m_b, sem_r, sem_a, sem_d):
        c = lax.axis_index("c")
        s = lax.axis_index("s")
        zero = jnp.zeros((16,), jnp.float32)
        pltpu.sync_copy(m_hbm, m_b)

        @pl.loop(0, _K)
        def _zero_bufs(k):
            for j in range(8):
                rows[k, pl.ds(16 * j, 16)] = zero
            e_b[k, :] = zero

        acc_base = s * _ACC_SLAB
        for t in range(5):
            pltpu.sync_copy(rows.at[pl.ds(0, _ZCH)],
                            num_sh.at[pl.ds(acc_base + t * _ZCH, _ZCH)])
            pltpu.sync_copy(e_b.at[pl.ds(0, _ZCH)],
                            den_sh.at[pl.ds(acc_base + t * _ZCH, _ZCH)])
        tab_base = s * _TAB_SLAB
        for t in range(_TAB_SLAB // _K):
            pltpu.sync_copy(
                tab_hbm.at[pl.ds((tab_base + t * _K) * 16, _K * 16)], t1d)

            @pl.loop(0, _K)
            def _to2d(r):
                t2d[r, :] = t1d[pl.ds(r * 16, 16)]

            pltpu.sync_copy(t2d, tab_sh.at[pl.ds(tab_base + t * _K, _K)])
        plsc.subcore_barrier()

        tile_edges = chunks * _K
        tile_base = (c * _NS + s) * tile_edges
        mv = m_b[:]

        @pl.loop(0, chunks)
        def _chunk(g):
            off = tile_base + g * _K
            pltpu.sync_copy(src_hbm.at[pl.ds(off, _K)], idx_s)
            pltpu.sync_copy(dst_hbm.at[pl.ds(off, _K)], idx_d)
            cp_r = pltpu.async_copy(xlp_hbm.at[idx_s], rows, sem_r)
            cp_a = pltpu.async_copy(tab_sh.at[idx_s], gs_b, sem_a)
            cp_d = pltpu.async_copy(tab_sh.at[idx_d], gd_b, sem_d)
            cp_a.wait()
            cp_d.wait()
            cp_r.wait()

            @pl.loop(0, _K)
            def _edge(k):
                a = gs_b[k, :] + _rot8(gd_b[k, :])
                a = jnp.where(a > 0.0, a, 0.2 * a)
                ev = jnp.exp(a - mv)
                e_b[k, :] = ev
                if heads == 1:
                    ej = _bcast_lane(ev, 0)
                    for j in range(8):
                        rows[k, pl.ds(16 * j, 16)] = (
                            rows[k, pl.ds(16 * j, 16)] * ej)
                else:
                    for j in range(8):
                        ej = _bcast_lane(ev, j)
                        rows[k, pl.ds(16 * j, 16)] = (
                            rows[k, pl.ds(16 * j, 16)] * ej)

            pltpu.sync_copy(rows, num_sh.at[idx_d], add=True)
            pltpu.sync_copy(e_b, den_sh.at[idx_d], add=True)

        plsc.subcore_barrier()
        pltpu.sync_copy(num_sh.at[pl.ds(acc_base, _ACC_SLAB)],
                        num_hbm.at[c, pl.ds(acc_base, _ACC_SLAB)])
        for t in range(5):
            pltpu.sync_copy(den_sh.at[pl.ds(acc_base + t * _ZCH, _ZCH)],
                            t2d.at[pl.ds(0, _ZCH)])

            @pl.loop(0, _ZCH)
            def _to1d(r):
                t1d[pl.ds(r * 16, 16)] = t2d[r, :]

            pltpu.sync_copy(
                t1d.at[pl.ds(0, _ZCH * 16)],
                den_hbm.at[pl.ds((c * _N + acc_base + t * _ZCH) * 16,
                                 _ZCH * 16)])

    f = pl.kernel(
        body,
        out_type=[
            jax.ShapeDtypeStruct((_NC, _N, _HID), jnp.float32),
            jax.ShapeDtypeStruct((_NC * _N * 16,), jnp.float32),
        ],
        mesh=mesh,
        scratch_types=[
            pltpu.VMEM_SHARED((_N, _HID), jnp.float32),
            pltpu.VMEM_SHARED((_N, 16), jnp.float32),
            pltpu.VMEM_SHARED((_NTAB, 16), jnp.float32),
            pltpu.VMEM((_K,), jnp.int32),
            pltpu.VMEM((_K,), jnp.int32),
            pltpu.VMEM((_K, _HID), jnp.float32),
            pltpu.VMEM((_K, 16), jnp.float32),
            pltpu.VMEM((_K, 16), jnp.float32),
            pltpu.VMEM((_K, 16), jnp.float32),
            pltpu.VMEM((_K * 16,), jnp.float32),
            pltpu.VMEM((_K, 16), jnp.float32),
            pltpu.VMEM((16,), jnp.float32),
            pltpu.SemaphoreType.DMA,
            pltpu.SemaphoreType.DMA,
            pltpu.SemaphoreType.DMA,
        ],
        compiler_params=pltpu.CompilerParams(use_tc_tiling_on_sc=False),
    )
    num, den_flat = f(xlp, tab.reshape(-1), mv2d.reshape(-1), src, dst)
    return num, den_flat.reshape(_NC, _N, 16)


def _prep_tail(xl, as_ref, ad_ref, xlp_ref, tab_ref, m_ref):
    als = jnp.dot(xl, as_ref[...], preferred_element_type=jnp.float32,
                  precision=lax.Precision.HIGHEST)
    ald = jnp.dot(xl, ad_ref[...], preferred_element_type=jnp.float32,
                  precision=lax.Precision.HIGHEST)
    m = (jnp.max(als, axis=0, keepdims=True)
         + jnp.max(ald, axis=0, keepdims=True))
    c = jnp.where(m > 0.0, m, 0.2 * m)
    m_ref[...] = jnp.concatenate([c, c], axis=1)
    xlp_ref[0:_N, :] = xl
    xlp_ref[_N:_NXL, :] = jnp.zeros((_NXL - _N, _HID), jnp.float32)
    tab_ref[0:_N, :] = jnp.concatenate([als, ald], axis=1)
    tab_ref[_N:_NTAB, :] = jnp.concatenate(
        [jnp.full((_NTAB - _N, 8), -1e30, jnp.float32),
         jnp.zeros((_NTAB - _N, 8), jnp.float32)], axis=1)


def _embed_body(x_ref, we_ref, be_ref, w0_ref, as_ref, ad_ref,
                h_ref, xlp_ref, tab_ref, m_ref):
    h = jnp.dot(x_ref[...], we_ref[...],
                preferred_element_type=jnp.float32,
                precision=lax.Precision.HIGHEST) + be_ref[...]
    h_ref[...] = h
    xl = jnp.dot(h, w0_ref[...], preferred_element_type=jnp.float32,
                precision=lax.Precision.HIGHEST)
    _prep_tail(xl, as_ref, ad_ref, xlp_ref, tab_ref, m_ref)


def _merge_core(heads, num_ref, den_ref, cb_ref, g_ref, b_ref, hp_ref):
    nm = num_ref[0, :, :] + num_ref[1, :, :]
    dn = den_ref[0, :, :] + den_ref[1, :, :]
    jj = lax.broadcasted_iota(jnp.int32, (16, _HID), 0)
    ff = lax.broadcasted_iota(jnp.int32, (16, _HID), 1)
    if heads == 8:
        expm = (ff // 16) == jj
    else:
        expm = jj == 0
    den_feat = jnp.dot(dn, expm.astype(jnp.float32),
                       preferred_element_type=jnp.float32,
                       precision=lax.Precision.HIGHEST)
    out = nm / (den_feat + 1e-16) + cb_ref[...]
    mu = jnp.mean(out, axis=0, keepdims=True)
    var = jnp.mean((out - mu) ** 2, axis=0, keepdims=True)
    bn = (out - mu) / jnp.sqrt(var + 1e-5) * g_ref[...] + b_ref[...]
    return jnp.maximum(bn, 0.0) + hp_ref[...]


def _merge_body(heads, num_ref, den_ref, cb_ref, g_ref, b_ref, hp_ref,
                wn_ref, asn_ref, adn_ref, hn_ref, xlp_ref, tab_ref, m_ref):
    hn = _merge_core(heads, num_ref, den_ref, cb_ref, g_ref, b_ref, hp_ref)
    hn_ref[...] = hn
    xl = jnp.dot(hn, wn_ref[...], preferred_element_type=jnp.float32,
                precision=lax.Precision.HIGHEST)
    _prep_tail(xl, asn_ref, adn_ref, xlp_ref, tab_ref, m_ref)


def _final_body(num_ref, den_ref, cb_ref, g_ref, b_ref, hp_ref, bt_ref,
                l1w_ref, l1b_ref, l2w_ref, l2b_ref, l3w_ref, l3b_ref, o_ref):
    h3 = _merge_core(1, num_ref, den_ref, cb_ref, g_ref, b_ref, hp_ref)
    bt = bt_ref[...]
    gi = lax.broadcasted_iota(jnp.int32, (_G, _N), 0)
    onehot = (gi == bt).astype(jnp.float32)
    sums = jnp.dot(onehot, h3, preferred_element_type=jnp.float32,
                   precision=lax.Precision.HIGHEST)
    cnt = jnp.sum(onehot, axis=1, keepdims=True)
    pooled = sums / jnp.maximum(cnt, 1.0)
    o = jnp.maximum(jnp.dot(pooled, l1w_ref[...],
                            preferred_element_type=jnp.float32,
                precision=lax.Precision.HIGHEST)
                    + l1b_ref[...], 0.0)
    o = jnp.maximum(jnp.dot(o, l2w_ref[...],
                            preferred_element_type=jnp.float32,
                precision=lax.Precision.HIGHEST)
                    + l2b_ref[...], 0.0)
    o_ref[...] = jnp.dot(o, l3w_ref[...],
                         preferred_element_type=jnp.float32,
                precision=lax.Precision.HIGHEST) + l3b_ref[...]


def _as8(a):
    h = jnp.arange(8)
    cp = jnp.arange(_HID)
    val = a[h[None, :], (cp % 16)[:, None]]
    mask = (cp[:, None] // 16) == h[None, :]
    return jnp.where(mask, val, 0.0).astype(jnp.float32)


def _as1(a):
    return jnp.broadcast_to(a.reshape(_HID, 1), (_HID, 8)).astype(jnp.float32)


_PREP_OUT = [
    jax.ShapeDtypeStruct((_N, _HID), jnp.float32),
    jax.ShapeDtypeStruct((_NXL, _HID), jnp.float32),
    jax.ShapeDtypeStruct((_NTAB, 16), jnp.float32),
    jax.ShapeDtypeStruct((1, 16), jnp.float32),
]


def kernel(x, edge_index, cycle_index, batch, W_emb, b_emb,
           conv0_W, conv0_as, conv0_ad, conv0_b,
           conv1_W, conv1_as, conv1_ad, conv1_b,
           conv2_W, conv2_as, conv2_ad, conv2_b,
           bn0_g, bn0_b, bn1_g, bn1_b, bn2_g, bn2_b,
           lin1_W, lin1_b, lin2_W, lin2_b, lin3_W, lin3_b):
    ei = edge_index.astype(jnp.int32)
    e = ei.shape[1]
    loop = jnp.arange(_N, dtype=jnp.int32)
    e_tot = e + _N
    chunk_sz = _NC * _NS * _K
    e_pad = ((e_tot + chunk_sz - 1) // chunk_sz) * chunk_sz
    pad = e_pad - e_tot
    src = jnp.concatenate([ei[0], loop, jnp.full((pad,), _N, jnp.int32)])
    dst = jnp.concatenate([ei[1], loop, jnp.zeros((pad,), jnp.int32)])

    as0, ad0 = _as8(conv0_as), _as8(conv0_ad)
    as1, ad1 = _as8(conv1_as), _as8(conv1_ad)
    as2, ad2 = _as1(conv2_as), _as1(conv2_ad)
    r1 = lambda v: v.reshape(1, -1)

    _tc_params = pltpu.CompilerParams(vmem_limit_bytes=67108864)
    h0, xlp0, tab0, mv0 = pl.pallas_call(
        _embed_body, out_shape=_PREP_OUT,
        compiler_params=_tc_params)(
        x, W_emb, r1(b_emb), conv0_W, as0, ad0)
    num0, den0 = _sc_gat(xlp0, tab0, mv0, src, dst, heads=8)

    h1, xlp1, tab1, mv1 = pl.pallas_call(
        functools.partial(_merge_body, 8), out_shape=_PREP_OUT,
        compiler_params=_tc_params)(
        num0, den0, r1(conv0_b), r1(bn0_g), r1(bn0_b), h0,
        conv1_W, as1, ad1)
    num1, den1 = _sc_gat(xlp1, tab1, mv1, src, dst, heads=8)

    h2, xlp2, tab2, mv2 = pl.pallas_call(
        functools.partial(_merge_body, 8), out_shape=_PREP_OUT,
        compiler_params=_tc_params)(
        num1, den1, r1(conv1_b), r1(bn1_g), r1(bn1_b), h1,
        conv2_W, as2, ad2)
    num2, den2 = _sc_gat(xlp2, tab2, mv2, src, dst, heads=1)

    bt = batch.astype(jnp.int32).reshape(1, _N)
    o = pl.pallas_call(
        _final_body,
        out_shape=jax.ShapeDtypeStruct((_G, 128), jnp.float32),
        compiler_params=_tc_params)(
        num2, den2, r1(conv2_b), r1(bn2_g), r1(bn2_b), h2, bt,
        lin1_W, r1(lin1_b), lin2_W, r1(lin2_b), lin3_W, r1(lin3_b))
    return o

# --- scband reference (transcript-rebuilt; emitter-appended) ---
"""Pipeline reference for scband-gat-30039001268364 (READ-ONLY COPY).

The authoritative reference and input builder live on the scoring server;
editing this copy changes nothing except your own understanding.
"""

import jax, jax.numpy as jnp
import numpy as np

N = 10000
E = 320000
D = 128
HID = 128
HEADS = 8
MID = 16
OUT = 128
G = 64


def _gat_conv(x, W, a_s, a_d, b, src, dst, n, H, C):
    xl = (x @ W).reshape(n, H, C)
    al_s = jnp.sum(xl * a_s[None, :, :], axis=-1)
    al_d = jnp.sum(xl * a_d[None, :, :], axis=-1)
    alpha = jax.nn.leaky_relu(al_s[src] + al_d[dst], 0.2)
    m = jax.ops.segment_max(alpha, dst, num_segments=n)
    m = jnp.where(jnp.isfinite(m), m, 0.0)
    e = jnp.exp(alpha - m[dst])
    den = jax.ops.segment_sum(e, dst, num_segments=n)
    coef = e / (den[dst] + 1e-16)
    out = jax.ops.segment_sum(xl[src] * coef[:, :, None], dst, num_segments=n)
    return out.reshape(n, H * C) + b


def _bn(x, g, b):
    mu = jnp.mean(x, axis=0)
    var = jnp.var(x, axis=0)
    return (x - mu) / jnp.sqrt(var + 1e-5) * g + b


def setup_inputs(seed: int = 0):
    key = jax.random.key(seed)
    ks = jax.random.split(key, 24)
    s = 0.05
    inp = {}
    inp['x'] = jax.random.normal(ks[0], (N, D), jnp.float32)
    inp['edge_index'] = jax.random.randint(ks[1], (2, E), 0, N)
    inp['cycle_index'] = jax.random.randint(ks[2], (2, 1000), 0, N)
    inp['batch'] = jnp.sort(jax.random.randint(ks[3], (N,), 0, G))
    inp['W_emb'] = jax.random.normal(ks[4], (D, HID), jnp.float32) * s
    inp['b_emb'] = jnp.zeros((HID,), jnp.float32)
    inp['conv0_W'] = jax.random.normal(ks[5], (HID, HEADS * MID), jnp.float32) * s
    inp['conv0_as'] = jax.random.normal(ks[6], (HEADS, MID), jnp.float32) * s
    inp['conv0_ad'] = jax.random.normal(ks[7], (HEADS, MID), jnp.float32) * s
    inp['conv0_b'] = jnp.zeros((HEADS * MID,), jnp.float32)
    inp['conv1_W'] = jax.random.normal(ks[8], (HID, HEADS * MID), jnp.float32) * s
    inp['conv1_as'] = jax.random.normal(ks[9], (HEADS, MID), jnp.float32) * s
    inp['conv1_ad'] = jax.random.normal(ks[10], (HEADS, MID), jnp.float32) * s
    inp['conv1_b'] = jnp.zeros((HEADS * MID,), jnp.float32)
    inp['conv2_W'] = jax.random.normal(ks[11], (HID, HID), jnp.float32) * s
    inp['conv2_as'] = jax.random.normal(ks[12], (1, HID), jnp.float32) * s
    inp['conv2_ad'] = jax.random.normal(ks[13], (1, HID), jnp.float32) * s
    inp['conv2_b'] = jnp.zeros((HID,), jnp.float32)
    inp['bn0_g'] = jnp.ones((HID,), jnp.float32)
    inp['bn0_b'] = jnp.zeros((HID,), jnp.float32)
    inp['bn1_g'] = jnp.ones((HID,), jnp.float32)
    inp['bn1_b'] = jnp.zeros((HID,), jnp.float32)
    inp['bn2_g'] = jnp.ones((HID,), jnp.float32)
    inp['bn2_b'] = jnp.zeros((HID,), jnp.float32)
    inp['lin1_W'] = jax.random.normal(ks[14], (HID, HID), jnp.float32) * s
    inp['lin1_b'] = jnp.zeros((HID,), jnp.float32)
    inp['lin2_W'] = jax.random.normal(ks[15], (HID, HID), jnp.float32) * s
    inp['lin2_b'] = jnp.zeros((HID,), jnp.float32)
    inp['lin3_W'] = jax.random.normal(ks[16], (HID, OUT), jnp.float32) * s
    inp['lin3_b'] = jnp.zeros((OUT,), jnp.float32)
    return inp


def reference(x, edge_index, cycle_index, batch, W_emb, b_emb, conv0_W, conv0_as, conv0_ad, conv0_b, conv1_W, conv1_as, conv1_ad, conv1_b, conv2_W, conv2_as, conv2_ad, conv2_b, bn0_g, bn0_b, bn1_g, bn1_b, bn2_g, bn2_b, lin1_W, lin1_b, lin2_W, lin2_b, lin3_W, lin3_b):
    n = x.shape[0]
    loop = jnp.arange(n, dtype=edge_index.dtype)
    src = jnp.concatenate([edge_index[0], loop])
    dst = jnp.concatenate([edge_index[1], loop])
    h = x @ W_emb + b_emb
    h = jax.nn.relu(_bn(_gat_conv(h, conv0_W, conv0_as, conv0_ad, conv0_b, src, dst, n, HEADS, MID), bn0_g, bn0_b)) + h
    h = jax.nn.relu(_bn(_gat_conv(h, conv1_W, conv1_as, conv1_ad, conv1_b, src, dst, n, HEADS, MID), bn1_g, bn1_b)) + h
    h = jax.nn.relu(_bn(_gat_conv(h, conv2_W, conv2_as, conv2_ad, conv2_b, src, dst, n, 1, HID), bn2_g, bn2_b)) + h
    sums = jax.ops.segment_sum(h, batch, num_segments=G)
    cnt = jax.ops.segment_sum(jnp.ones((n,), jnp.float32), batch, num_segments=G)
    pooled = sums / jnp.maximum(cnt, 1.0)[:, None]
    o = jax.nn.relu(pooled @ lin1_W + lin1_b)
    o = jax.nn.relu(o @ lin2_W + lin2_b)
    return o @ lin3_W + lin3_b

if __name__ == "__main__":
    import jax
    _d = setup_inputs()
    print(jax.jit(kernel)(*tuple(_d.values())))

</pallas_src>

<mosaic_0001>
#map = affine_map<(d0, d1) -> (0, 0)>
#map1 = affine_map<(d0, d1) -> (0)>
#map2 = affine_map<(d0, d1) -> (0, 0, 0)>
module attributes {stable_mosaic.version = 14 : i64} {
  func.func @body(%arg0: i32, %arg1: i32, %arg2: memref<10008x128xf32, #tpu.memory_space<hbm>>, %arg3: memref<163840xf32, #tpu.memory_space<hbm>>, %arg4: memref<16xf32, #tpu.memory_space<hbm>>, %arg5: memref<331776xi32, #tpu.memory_space<hbm>>, %arg6: memref<331776xi32, #tpu.memory_space<hbm>>, %arg7: memref<2x10000x128xf32, #tpu.memory_space<hbm>>, %arg8: memref<320000xf32, #tpu.memory_space<hbm>>, %arg9: memref<10000x128xf32, #tpu.memory_space<vmem_shared>>, %arg10: memref<10000x16xf32, #tpu.memory_space<vmem_shared>>, %arg11: memref<10240x16xf32, #tpu.memory_space<vmem_shared>>, %arg12: memref<128xi32, #tpu.memory_space<vmem>>, %arg13: memref<128xi32, #tpu.memory_space<vmem>>, %arg14: memref<128x128xf32, #tpu.memory_space<vmem>>, %arg15: memref<128x16xf32, #tpu.memory_space<vmem>>, %arg16: memref<128x16xf32, #tpu.memory_space<vmem>>, %arg17: memref<128x16xf32, #tpu.memory_space<vmem>>, %arg18: memref<2048xf32, #tpu.memory_space<vmem>>, %arg19: memref<128x16xf32, #tpu.memory_space<vmem>>, %arg20: memref<16xf32, #tpu.memory_space<vmem>>, %arg21: memref<!tpu.dma_semaphore, #tpu.memory_space<semaphore_mem>>, %arg22: memref<!tpu.dma_semaphore, #tpu.memory_space<semaphore_mem>>, %arg23: memref<!tpu.dma_semaphore, #tpu.memory_space<semaphore_mem>>) attributes {dimension_semantics = [#tpu.dimension_semantics<core_parallel>, #tpu.dimension_semantics<subcore_parallel>], iteration_bounds = array<i64: 2, 16>, scalar_prefetch = 0 : i64, scratch_operands = 15 : i64, tpu.core_type = #tpu.core_type<sc_vector_subcore>, window_params = [{transform_indices = #map}, {transform_indices = #map1}, {transform_indices = #map1}, {transform_indices = #map1}, {transform_indices = #map1}, {transform_indices = #map2}, {transform_indices = #map1}]} {
    %broadcast_in_dim3A = arith.constant 0.000000e+00 : f32
    %broadcast_in_dim3A_0 = vector.broadcast %broadcast_in_dim3A : f32 to vector<16xf32>
    "tpu.region"() ({
      %run_scoped3A = tpu.sem_alloc : memref<!tpu.dma_semaphore, #tpu.memory_space<semaphore_mem>>
      tpu.enqueue_dma source(%arg4 : memref<16xf32, #tpu.memory_space<hbm>>) target(%arg20 : memref<16xf32, #tpu.memory_space<vmem>>) target_semaphore(%run_scoped3A : memref<!tpu.dma_semaphore, #tpu.memory_space<semaphore_mem>>)
      tpu.wait_dma2 semaphore(%run_scoped3A : memref<!tpu.dma_semaphore, #tpu.memory_space<semaphore_mem>>) src(%arg4 : memref<16xf32, #tpu.memory_space<hbm>>) dst(%arg20 : memref<16xf32, #tpu.memory_space<vmem>>)
      tpu.yield
    }) : () -> ()
    %scan3A = arith.constant 0 : i32
    %scan3A_1 = arith.constant 128 : i32
    %scan3A_2 = arith.addi %scan3A, %scan3A_1 : i32
    %scan3A_3 = arith.constant 1 : i32
    scf.for %scan3A_165 = %scan3A to %scan3A_2 step %scan3A_3  : i32 {
      %mul3A_166 = arith.constant 1 : i32
      %mul3A_167 = arith.muli %scan3A_165, %mul3A_166 : i32
      %add3A_168 = arith.constant 0 : i32
      %add3A_169 = arith.addi %add3A_168, %mul3A_167 : i32
      %swap3A = arith.index_cast %add3A_169 : i32 to index
      %swap3A_170 = arith.constant 0 : index
      %swap3A_171 = tpu.vector_load %arg14[%swap3A, %swap3A_170] {strides = array<i32>} : memref<128x128xf32, #tpu.memory_space<vmem>>, vector<1x16xf32>,
      %swap3A_172 = vector.shape_cast %swap3A_171 : vector<1x16xf32> to vector<16xf32>
      %swap3A_173 = vector.shape_cast %broadcast_in_dim3A_0 : vector<16xf32> to vector<1x16xf32>
      tpu.vector_store %arg14[%swap3A, %swap3A_170], %swap3A_173 {strides = array<i32>} : memref<128x128xf32, #tpu.memory_space<vmem>>, vector<1x16xf32>,
      %swap3A_174 = arith.index_cast %add3A_169 : i32 to index
      %swap3A_175 = arith.constant 16 : index
      %swap3A_176 = tpu.vector_load %arg14[%swap3A_174, %swap3A_175] {strides = array<i32>} : memref<128x128xf32, #tpu.memory_space<vmem>>, vector<1x16xf32>,
      %swap3A_177 = vector.shape_cast %swap3A_176 : vector<1x16xf32> to vector<16xf32>
      %swap3A_178 = vector.shape_cast %broadcast_in_dim3A_0 : vector<16xf32> to vector<1x16xf32>
      tpu.vector_store %arg14[%swap3A_174, %swap3A_175], %swap3A_178 {strides = array<i32>} : memref<128x128xf32, #tpu.memory_space<vmem>>, vector<1x16xf32>,
      %swap3A_179 = arith.index_cast %add3A_169 : i32 to index
      %swap3A_180 = arith.constant 32 : index
      %swap3A_181 = tpu.vector_load %arg14[%swap3A_179, %swap3A_180] {strides = array<i32>} : memref<128x128xf32, #tpu.memory_space<vmem>>, vector<1x16xf32>,
      %swap3A_182 = vector.shape_cast %swap3A_181 : vector<1x16xf32> to vector<16xf32>
      %swap3A_183 = vector.shape_cast %broadcast_in_dim3A_0 : vector<16xf32> to vector<1x16xf32>
      tpu.vector_store %arg14[%swap3A_179, %swap3A_180], %swap3A_183 {strides = array<i32>} : memref<128x128xf32, #tpu.memory_space<vmem>>, vector<1x16xf32>,
      %swap3A_184 = arith.index_cast %add3A_169 : i32 to index
      %swap3A_185 = arith.constant 48 : index
      %swap3A_186 = tpu.vector_load %arg14[%swap3A_184, %swap3A_185] {strides = array<i32>} : memref<128x128xf32, #tpu.memory_space<vmem>>, vector<1x16xf32>,
      %swap3A_187 = vector.shape_cast %swap3A_186 : vector<1x16xf32> to vector<16xf32>
      %swap3A_188 = vector.shape_cast %broadcast_in_dim3A_0 : vector<16xf32> to vector<1x16xf32>
      tpu.vector_store %arg14[%swap3A_184, %swap3A_185], %swap3A_188 {strides = array<i32>} : memref<128x128xf32, #tpu.memory_space<vmem>>, vector<1x16xf32>,
      %swap3A_189 = arith.index_cast %add3A_169 : i32 to index
      %swap3A_190 = arith.constant 64 : index
      %swap3A_191 = tpu.vector_load %arg14[%swap3A_189, %swap3A_190] {strides = array<i32>} : memref<128x128xf32, #tpu.memory_space<vmem>>, vector<1x16xf32>,
      %swap3A_192 = vector.shape_cast %swap3A_191 : vector<1x16xf32> to vector<16xf32>
      %swap3A_193 = vector.shape_cast %broadcast_in_dim3A_0 : vector<16xf32> to vector<1x16xf32>
      tpu.vector_store %arg14[%swap3A_189, %swap3A_190], %swap3A_193 {strides = array<i32>} : memref<128x128xf32, #tpu.memory_space<vmem>>, vector<1x16xf32>,
      %swap3A_194 = arith.index_cast %add3A_169 : i32 to index
      %swap3A_195 = arith.constant 80 : index
      %swap3A_196 = tpu.vector_load %arg14[%swap3A_194, %swap3A_195] {strides = array<i32>} : memref<128x128xf32, #tpu.memory_space<vmem>>, vector<1x16xf32>,
      %swap3A_197 = vector.shape_cast %swap3A_196 : vector<1x16xf32> to vector<16xf32>
      %swap3A_198 = vector.shape_cast %broadcast_in_dim3A_0 : vector<16xf32> to vector<1x16xf32>
      tpu.vector_store %arg14[%swap3A_194, %swap3A_195], %swap3A_198 {strides = array<i32>} : memref<128x128xf32, #tpu.memory_space<vmem>>, vector<1x16xf32>,
      %swap3A_199 = arith.index_cast %add3A_169 : i32 to index
      %swap3A_200 = arith.constant 96 : index
      %swap3A_201 = tpu.vector_load %arg14[%swap3A_199, %swap3A_200] {strides = array<i32>} : memref<128x128xf32, #tpu.memory_space<vmem>>, vector<1x16xf32>,
      %swap3A_202 = vector.shape_cast %swap3A_201 : vector<1x16xf32> to vector<16xf32>
      %swap3A_203 = vector.shape_cast %broadcast_in_dim3A_0 : vector<16xf32> to vector<1x16xf32>
      tpu.vector_store %arg14[%swap3A_199, %swap3A_200], %swap3A_203 {strides = array<i32>} : memref<128x128xf32, #tpu.memory_space<vmem>>, vector<1x16xf32>,
      %swap3A_204 = arith.index_cast %add3A_169 : i32 to index
      %swap3A_205 = arith.constant 112 : index
      %swap3A_206 = tpu.vector_load %arg14[%swap3A_204, %swap3A_205] {strides = array<i32>} : memref<128x128xf32, #tpu.memory_space<vmem>>, vector<1x16xf32>,
      %swap3A_207 = vector.shape_cast %swap3A_206 : vector<1x16xf32> to vector<16xf32>
      %swap3A_208 = vector.shape_cast %broadcast_in_dim3A_0 : vector<16xf32> to vector<1x16xf32>
      tpu.vector_store %arg14[%swap3A_204, %swap3A_205], %swap3A_208 {strides = array<i32>} : memref<128x128xf32, #tpu.memory_space<vmem>>, vector<1x16xf32>,
      %swap3A_209 = arith.index_cast %add3A_169 : i32 to index
      %swap3A_210 = arith.constant 0 : index
      %swap3A_211 = tpu.vector_load %arg17[%swap3A_209, %swap3A_210] {strides = array<i32>} : memref<128x16xf32, #tpu.memory_space<vmem>>, vector<1x16xf32>,
      %swap3A_212 = vector.shape_cast %swap3A_211 : vector<1x16xf32> to vector<16xf32>
      %swap3A_213 = vector.shape_cast %broadcast_in_dim3A_0 : vector<16xf32> to vector<1x16xf32>
      tpu.vector_store %arg17[%swap3A_209, %swap3A_210], %swap3A_213 {strides = array<i32>} : memref<128x16xf32, #tpu.memory_space<vmem>>, vector<1x16xf32>,
    }
    %scan3A_4 = arith.constant 128 : i32
    %mul3A = arith.constant 625 : i32
    %mul3A_5 = arith.muli %arg1, %mul3A : i32
    %add3A = arith.constant 0 : i32
    %add3A_6 = arith.addi %mul3A_5, %add3A : i32
    "tpu.region"() ({
      %run_scoped3A = tpu.sem_alloc : memref<!tpu.dma_semaphore, #tpu.memory_space<semaphore_mem>>
      %dma_start3A = arith.constant 0 : i32
      %dma_start3A_165 = arith.constant 0 : i32
      %dma_start3A_166 = tpu.memref_slice %arg14[%dma_start3A, %dma_start3A_165] : memref<128x128xf32, #tpu.memory_space<vmem>> -> memref<125x128xf32, #tpu.memory_space<vmem>>
      %dma_start3A_167 = arith.constant 0 : i32
      %dma_start3A_168 = tpu.memref_slice %arg9[%add3A_6, %dma_start3A_167] : memref<10000x128xf32, #tpu.memory_space<vmem_shared>> -> memref<125x128xf32, #tpu.memory_space<vmem_shared>>
      %dma_start3A_169 = arith.constant 0 : i32
      %dma_start3A_170 = tpu.memref_slice %arg9[%add3A_6, %dma_start3A_169] : memref<10000x128xf32, #tpu.memory_space<vmem_shared>> -> memref<125x128xf32, #tpu.memory_space<vmem_shared>>
      %dma_start3A_171 = arith.constant 0 : i32
      %dma_start3A_172 = arith.constant 0 : i32
      %dma_start3A_173 = tpu.memref_slice %arg14[%dma_start3A_171, %dma_start3A_172] : memref<128x128xf32, #tpu.memory_space<vmem>> -> memref<125x128xf32, #tpu.memory_space<vmem>>
      tpu.enqueue_dma source(%dma_start3A_173 : memref<125x128xf32, #tpu.memory_space<vmem>>) target(%dma_start3A_170 : memref<125x128xf32, #tpu.memory_space<vmem_shared>>) target_semaphore(%run_scoped3A : memref<!tpu.dma_semaphore, #tpu.memory_space<semaphore_mem>>)
      %dma_wait3A = arith.constant 0 : i32
      %dma_wait3A_174 = arith.constant 0 : i32
      %dma_wait3A_175 = tpu.memref_slice %arg14[%dma_wait3A, %dma_wait3A_174] : memref<128x128xf32, #tpu.memory_space<vmem>> -> memref<125x128xf32, #tpu.memory_space<vmem>>
      %dma_wait3A_176 = arith.constant 0 : i32
      %dma_wait3A_177 = tpu.memref_slice %arg9[%add3A_6, %dma_wait3A_176] : memref<10000x128xf32, #tpu.memory_space<vmem_shared>> -> memref<125x128xf32, #tpu.memory_space<vmem_shared>>
      %dma_wait3A_178 = arith.constant 0 : i32
      %dma_wait3A_179 = tpu.memref_slice %arg9[%add3A_6, %dma_wait3A_178] : memref<10000x128xf32, #tpu.memory_space<vmem_shared>> -> memref<125x128xf32, #tpu.memory_space<vmem_shared>>
      %dma_wait3A_180 = arith.constant 0 : i32
      %dma_wait3A_181 = arith.constant 0 : i32
      %dma_wait3A_182 = tpu.memref_slice %arg14[%dma_wait3A_180, %dma_wait3A_181] : memref<128x128xf32, #tpu.memory_space<vmem>> -> memref<125x128xf32, #tpu.memory_space<vmem>>
      tpu.wait_dma2 semaphore(%run_scoped3A : memref<!tpu.dma_semaphore, #tpu.memory_space<semaphore_mem>>) src(%dma_wait3A_182 : memref<125x128xf32, #tpu.memory_space<vmem>>) dst(%dma_wait3A_179 : memref<125x128xf32, #tpu.memory_space<vmem_shared>>)
      tpu.yield
    }) : () -> ()
    %add3A_7 = arith.constant 0 : i32
    %add3A_8 = arith.addi %mul3A_5, %add3A_7 : i32
    "tpu.region"() ({
      %run_scoped3A = tpu.sem_alloc : memref<!tpu.dma_semaphore, #tpu.memory_space<semaphore_mem>>
      %dma_start3A = arith.constant 0 : i32
      %dma_start3A_165 = arith.constant 0 : i32
      %dma_start3A_166 = tpu.memref_slice %arg17[%dma_start3A, %dma_start3A_165] : memref<128x16xf32, #tpu.memory_space<vmem>> -> memref<125x16xf32, #tpu.memory_space<vmem>>
      %dma_start3A_167 = arith.constant 0 : i32
      %dma_start3A_168 = tpu.memref_slice %arg10[%add3A_8, %dma_start3A_167] : memref<10000x16xf32, #tpu.memory_space<vmem_shared>> -> memref<125x16xf32, #tpu.memory_space<vmem_shared>>
      %dma_start3A_169 = arith.constant 0 : i32
      %dma_start3A_170 = tpu.memref_slice %arg10[%add3A_8, %dma_start3A_169] : memref<10000x16xf32, #tpu.memory_space<vmem_shared>> -> memref<125x16xf32, #tpu.memory_space<vmem_shared>>
      %dma_start3A_171 = arith.constant 0 : i32
      %dma_start3A_172 = arith.constant 0 : i32
      %dma_start3A_173 = tpu.memref_slice %arg17[%dma_start3A_171, %dma_start3A_172] : memref<128x16xf32, #tpu.memory_space<vmem>> -> memref<125x16xf32, #tpu.memory_space<vmem>>
      tpu.enqueue_dma source(%dma_start3A_173 : memref<125x16xf32, #tpu.memory_space<vmem>>) target(%dma_start3A_170 : memref<125x16xf32, #tpu.memory_space<vmem_shared>>) target_semaphore(%run_scoped3A : memref<!tpu.dma_semaphore, #tpu.memory_space<semaphore_mem>>)
      %dma_wait3A = arith.constant 0 : i32
      %dma_wait3A_174 = arith.constant 0 : i32
      %dma_wait3A_175 = tpu.memref_slice %arg17[%dma_wait3A, %dma_wait3A_174] : memref<128x16xf32, #tpu.memory_space<vmem>> -> memref<125x16xf32, #tpu.memory_space<vmem>>
      %dma_wait3A_176 = arith.constant 0 : i32
      %dma_wait3A_177 = tpu.memref_slice %arg10[%add3A_8, %dma_wait3A_176] : memref<10000x16xf32, #tpu.memory_space<vmem_shared>> -> memref<125x16xf32, #tpu.memory_space<vmem_shared>>
      %dma_wait3A_178 = arith.constant 0 : i32
      %dma_wait3A_179 = tpu.memref_slice %arg10[%add3A_8, %dma_wait3A_178] : memref<10000x16xf32, #tpu.memory_space<vmem_shared>> -> memref<125x16xf32, #tpu.memory_space<vmem_shared>>
      %dma_wait3A_180 = arith.constant 0 : i32
      %dma_wait3A_181 = arith.constant 0 : i32
      %dma_wait3A_182 = tpu.memref_slice %arg17[%dma_wait3A_180, %dma_wait3A_181] : memref<128x16xf32, #tpu.memory_space<vmem>> -> memref<125x16xf32, #tpu.memory_space<vmem>>
      tpu.wait_dma2 semaphore(%run_scoped3A : memref<!tpu.dma_semaphore, #tpu.memory_space<semaphore_mem>>) src(%dma_wait3A_182 : memref<125x16xf32, #tpu.memory_space<vmem>>) dst(%dma_wait3A_179 : memref<125x16xf32, #tpu.memory_space<vmem_shared>>)
      tpu.yield
    }) : () -> ()
    %add3A_9 = arith.constant 125 : i32
    %add3A_10 = arith.addi %mul3A_5, %add3A_9 : i32
    "tpu.region"() ({
      %run_scoped3A = tpu.sem_alloc : memref<!tpu.dma_semaphore, #tpu.memory_space<semaphore_mem>>
      %dma_start3A = arith.constant 0 : i32
      %dma_start3A_165 = arith.constant 0 : i32
      %dma_start3A_166 = tpu.memref_slice %arg14[%dma_start3A, %dma_start3A_165] : memref<128x128xf32, #tpu.memory_space<vmem>> -> memref<125x128xf32, #tpu.memory_space<vmem>>
      %dma_start3A_167 = arith.constant 0 : i32
      %dma_start3A_168 = tpu.memref_slice %arg9[%add3A_10, %dma_start3A_167] : memref<10000x128xf32, #tpu.memory_space<vmem_shared>> -> memref<125x128xf32, #tpu.memory_space<vmem_shared>>
      %dma_start3A_169 = arith.constant 0 : i32
      %dma_start3A_170 = tpu.memref_slice %arg9[%add3A_10, %dma_start3A_169] : memref<10000x128xf32, #tpu.memory_space<vmem_shared>> -> memref<125x128xf32, #tpu.memory_space<vmem_shared>>
      %dma_start3A_171 = arith.constant 0 : i32
      %dma_start3A_172 = arith.constant 0 : i32
      %dma_start3A_173 = tpu.memref_slice %arg14[%dma_start3A_171, %dma_start3A_172] : memref<128x128xf32, #tpu.memory_space<vmem>> -> memref<125x128xf32, #tpu.memory_space<vmem>>
      tpu.enqueue_dma source(%dma_start3A_173 : memref<125x128xf32, #tpu.memory_space<vmem>>) target(%dma_start3A_170 : memref<125x128xf32, #tpu.memory_space<vmem_shared>>) target_semaphore(%run_scoped3A : memref<!tpu.dma_semaphore, #tpu.memory_space<semaphore_mem>>)
      %dma_wait3A = arith.constant 0 : i32
      %dma_wait3A_174 = arith.constant 0 : i32
      %dma_wait3A_175 = tpu.memref_slice %arg14[%dma_wait3A, %dma_wait3A_174] : memref<128x128xf32, #tpu.memory_space<vmem>> -> memref<125x128xf32, #tpu.memory_space<vmem>>
      %dma_wait3A_176 = arith.constant 0 : i32
      %dma_wait3A_177 = tpu.memref_slice %arg9[%add3A_10, %dma_wait3A_176] : memref<10000x128xf32, #tpu.memory_space<vmem_shared>> -> memref<125x128xf32, #tpu.memory_space<vmem_shared>>
      %dma_wait3A_178 = arith.constant 0 : i32
      %dma_wait3A_179 = tpu.memref_slice %arg9[%add3A_10, %dma_wait3A_178] : memref<10000x128xf32, #tpu.memory_space<vmem_shared>> -> memref<125x128xf32, #tpu.memory_space<vmem_shared>>
      %dma_wait3A_180 = arith.constant 0 : i32
      %dma_wait3A_181 = arith.constant 0 : i32
      %dma_wait3A_182 = tpu.memref_slice %arg14[%dma_wait3A_180, %dma_wait3A_181] : memref<128x128xf32, #tpu.memory_space<vmem>> -> memref<125x128xf32, #tpu.memory_space<vmem>>
      tpu.wait_dma2 semaphore(%run_scoped3A : memref<!tpu.dma_semaphore, #tpu.memory_space<semaphore_mem>>) src(%dma_wait3A_182 : memref<125x128xf32, #tpu.memory_space<vmem>>) dst(%dma_wait3A_179 : memref<125x128xf32, #tpu.memory_space<vmem_shared>>)
      tpu.yield
    }) : () -> ()
    %add3A_11 = arith.constant 125 : i32
    %add3A_12 = arith.addi %mul3A_5, %add3A_11 : i32
    "tpu.region"() ({
      %run_scoped3A = tpu.sem_alloc : memref<!tpu.dma_semaphore, #tpu.memory_space<semaphore_mem>>
      %dma_start3A = arith.constant 0 : i32
      %dma_start3A_165 = arith.constant 0 : i32
      %dma_start3A_166 = tpu.memref_slice %arg17[%dma_start3A, %dma_start3A_165] : memref<128x16xf32, #tpu.memory_space<vmem>> -> memref<125x16xf32, #tpu.memory_space<vmem>>
      %dma_start3A_167 = arith.constant 0 : i32
      %dma_start3A_168 = tpu.memref_slice %arg10[%add3A_12, %dma_start3A_167] : memref<10000x16xf32, #tpu.memory_space<vmem_shared>> -> memref<125x16xf32, #tpu.memory_space<vmem_shared>>
      %dma_start3A_169 = arith.constant 0 : i32
      %dma_start3A_170 = tpu.memref_slice %arg10[%add3A_12, %dma_start3A_169] : memref<10000x16xf32, #tpu.memory_space<vmem_shared>> -> memref<125x16xf32, #tpu.memory_space<vmem_shared>>
      %dma_start3A_171 = arith.constant 0 : i32
      %dma_start3A_172 = arith.constant 0 : i32
      %dma_start3A_173 = tpu.memref_slice %arg17[%dma_start3A_171, %dma_start3A_172] : memref<128x16xf32, #tpu.memory_space<vmem>> -> memref<125x16xf32, #tpu.memory_space<vmem>>
      tpu.enqueue_dma source(%dma_start3A_173 : memref<125x16xf32, #tpu.memory_space<vmem>>) target(%dma_start3A_170 : memref<125x16xf32, #tpu.memory_space<vmem_shared>>) target_semaphore(%run_scoped3A : memref<!tpu.dma_semaphore, #tpu.memory_space<semaphore_mem>>)
      %dma_wait3A = arith.constant 0 : i32
      %dma_wait3A_174 = arith.constant 0 : i32
      %dma_wait3A_175 = tpu.memref_slice %arg17[%dma_wait3A, %dma_wait3A_174] : memref<128x16xf32, #tpu.memory_space<vmem>> -> memref<125x16xf32, #tpu.memory_space<vmem>>
      %dma_wait3A_176 = arith.constant 0 : i32
      %dma_wait3A_177 = tpu.memref_slice %arg10[%add3A_12, %dma_wait3A_176] : memref<10000x16xf32, #tpu.memory_space<vmem_shared>> -> memref<125x16xf32, #tpu.memory_space<vmem_shared>>
      %dma_wait3A_178 = arith.constant 0 : i32
      %dma_wait3A_179 = tpu.memref_slice %arg10[%add3A_12, %dma_wait3A_178] : memref<10000x16xf32, #tpu.memory_space<vmem_shared>> -> memref<125x16xf32, #tpu.memory_space<vmem_shared>>
      %dma_wait3A_180 = arith.constant 0 : i32
      %dma_wait3A_181 = arith.constant 0 : i32
      %dma_wait3A_182 = tpu.memref_slice %arg17[%dma_wait3A_180, %dma_wait3A_181] : memref<128x16xf32, #tpu.memory_space<vmem>> -> memref<125x16xf32, #tpu.memory_space<vmem>>
      tpu.wait_dma2 semaphore(%run_scoped3A : memref<!tpu.dma_semaphore, #tpu.memory_space<semaphore_mem>>) src(%dma_wait3A_182 : memref<125x16xf32, #tpu.memory_space<vmem>>) dst(%dma_wait3A_179 : memref<125x16xf32, #tpu.memory_space<vmem_shared>>)
      tpu.yield
    }) : () -> ()
    %add3A_13 = arith.constant 250 : i32
    %add3A_14 = arith.addi %mul3A_5, %add3A_13 : i32
    "tpu.region"() ({
      %run_scoped3A = tpu.sem_alloc : memref<!tpu.dma_semaphore, #tpu.memory_space<semaphore_mem>>
      %dma_start3A = arith.constant 0 : i32
      %dma_start3A_165 = arith.constant 0 : i32
      %dma_start3A_166 = tpu.memref_slice %arg14[%dma_start3A, %dma_start3A_165] : memref<128x128xf32, #tpu.memory_space<vmem>> -> memref<125x128xf32, #tpu.memory_space<vmem>>
      %dma_start3A_167 = arith.constant 0 : i32
      %dma_start3A_168 = tpu.memref_slice %arg9[%add3A_14, %dma_start3A_167] : memref<10000x128xf32, #tpu.memory_space<vmem_shared>> -> memref<125x128xf32, #tpu.memory_space<vmem_shared>>
      %dma_start3A_169 = arith.constant 0 : i32
      %dma_start3A_170 = tpu.memref_slice %arg9[%add3A_14, %dma_start3A_169] : memref<10000x128xf32, #tpu.memory_space<vmem_shared>> -> memref<125x128xf32, #tpu.memory_space<vmem_shared>>
      %dma_start3A_171 = arith.constant 0 : i32
      %dma_start3A_172 = arith.constant 0 : i32
      %dma_start3A_173 = tpu.memref_slice %arg14[%dma_start3A_171, %dma_start3A_172] : memref<128x128xf32, #tpu.memory_space<vmem>> -> memref<125x128xf32, #tpu.memory_space<vmem>>
      tpu.enqueue_dma source(%dma_start3A_173 : memref<125x128xf32, #tpu.memory_space<vmem>>) target(%dma_start3A_170 : memref<125x128xf32, #tpu.memory_space<vmem_shared>>) target_semaphore(%run_scoped3A : memref<!tpu.dma_semaphore, #tpu.memory_space<semaphore_mem>>)
      %dma_wait3A = arith.constant 0 : i32
      %dma_wait3A_174 = arith.constant 0 : i32
      %dma_wait3A_175 = tpu.memref_slice %arg14[%dma_wait3A, %dma_wait3A_174] : memref<128x128xf32, #tpu.memory_space<vmem>> -> memref<125x128xf32, #tpu.memory_space<vmem>>
      %dma_wait3A_176 = arith.constant 0 : i32
      %dma_wait3A_177 = tpu.memref_slice %arg9[%add3A_14, %dma_wait3A_176] : memref<10000x128xf32, #tpu.memory_space<vmem_shared>> -> memref<125x128xf32, #tpu.memory_space<vmem_shared>>
      %dma_wait3A_178 = arith.constant 0 : i32
      %dma_wait3A_179 = tpu.memref_slice %arg9[%add3A_14, %dma_wait3A_178] : memref<10000x128xf32, #tpu.memory_space<vmem_shared>> -> memref<125x128xf32, #tpu.memory_space<vmem_shared>>
      %dma_wait3A_180 = arith.constant 0 : i32
      %dma_wait3A_181 = arith.constant 0 : i32
      %dma_wait3A_182 = tpu.memref_slice %arg14[%dma_wait3A_180, %dma_wait3A_181] : memref<128x128xf32, #tpu.memory_space<vmem>> -> memref<125x128xf32, #tpu.memory_space<vmem>>
      tpu.wait_dma2 semaphore(%run_scoped3A : memref<!tpu.dma_semaphore, #tpu.memory_space<semaphore_mem>>) src(%dma_wait3A_182 : memref<125x128xf32, #tpu.memory_space<vmem>>) dst(%dma_wait3A_179 : memref<125x128xf32, #tpu.memory_space<vmem_shared>>)
      tpu.yield
    }) : () -> ()
    %add3A_15 = arith.constant 250 : i32
    %add3A_16 = arith.addi %mul3A_5, %add3A_15 : i32
    "tpu.region"() ({
      %run_scoped3A = tpu.sem_alloc : memref<!tpu.dma_semaphore, #tpu.memory_space<semaphore_mem>>
      %dma_start3A = arith.constant 0 : i32
      %dma_start3A_165 = arith.constant 0 : i32
      %dma_start3A_166 = tpu.memref_slice %arg17[%dma_start3A, %dma_start3A_165] : memref<128x16xf32, #tpu.memory_space<vmem>> -> memref<125x16xf32, #tpu.memory_space<vmem>>
      %dma_start3A_167 = arith.constant 0 : i32
      %dma_start3A_168 = tpu.memref_slice %arg10[%add3A_16, %dma_start3A_167] : memref<10000x16xf32, #tpu.memory_space<vmem_shared>> -> memref<125x16xf32, #tpu.memory_space<vmem_shared>>
      %dma_start3A_169 = arith.constant 0 : i32
      %dma_start3A_170 = tpu.memref_slice %arg10[%add3A_16, %dma_start3A_169] : memref<10000x16xf32, #tpu.memory_space<vmem_shared>> -> memref<125x16xf32, #tpu.memory_space<vmem_shared>>
      %dma_start3A_171 = arith.constant 0 : i32
      %dma_start3A_172 = arith.constant 0 : i32
      %dma_start3A_173 = tpu.memref_slice %arg17[%dma_start3A_171, %dma_start3A_172] : memref<128x16xf32, #tpu.memory_space<vmem>> -> memref<125x16xf32, #tpu.memory_space<vmem>>
      tpu.enqueue_dma source(%dma_start3A_173 : memref<125x16xf32, #tpu.memory_space<vmem>>) target(%dma_start3A_170 : memref<125x16xf32, #tpu.memory_space<vmem_shared>>) target_semaphore(%run_scoped3A : memref<!tpu.dma_semaphore, #tpu.memory_space<semaphore_mem>>)
      %dma_wait3A = arith.constant 0 : i32
      %dma_wait3A_174 = arith.constant 0 : i32
      %dma_wait3A_175 = tpu.memref_slice %arg17[%dma_wait3A, %dma_wait3A_174] : memref<128x16xf32, #tpu.memory_space<vmem>> -> memref<125x16xf32, #tpu.memory_space<vmem>>
      %dma_wait3A_176 = arith.constant 0 : i32
      %dma_wait3A_177 = tpu.memref_slice %arg10[%add3A_16, %dma_wait3A_176] : memref<10000x16xf32, #tpu.memory_space<vmem_shared>> -> memref<125x16xf32, #tpu.memory_space<vmem_shared>>
      %dma_wait3A_178 = arith.constant 0 : i32
      %dma_wait3A_179 = tpu.memref_slice %arg10[%add3A_16, %dma_wait3A_178] : memref<10000x16xf32, #tpu.memory_space<vmem_shared>> -> memref<125x16xf32, #tpu.memory_space<vmem_shared>>
      %dma_wait3A_180 = arith.constant 0 : i32
      %dma_wait3A_181 = arith.constant 0 : i32
      %dma_wait3A_182 = tpu.memref_slice %arg17[%dma_wait3A_180, %dma_wait3A_181] : memref<128x16xf32, #tpu.memory_space<vmem>> -> memref<125x16xf32, #tpu.memory_space<vmem>>
      tpu.wait_dma2 semaphore(%run_scoped3A : memref<!tpu.dma_semaphore, #tpu.memory_space<semaphore_mem>>) src(%dma_wait3A_182 : memref<125x16xf32, #tpu.memory_space<vmem>>) dst(%dma_wait3A_179 : memref<125x16xf32, #tpu.memory_space<vmem_shared>>)
      tpu.yield
    }) : () -> ()
    %add3A_17 = arith.constant 375 : i32
    %add3A_18 = arith.addi %mul3A_5, %add3A_17 : i32
    "tpu.region"() ({
      %run_scoped3A = tpu.sem_alloc : memref<!tpu.dma_semaphore, #tpu.memory_space<semaphore_mem>>
      %dma_start3A = arith.constant 0 : i32
      %dma_start3A_165 = arith.constant 0 : i32
      %dma_start3A_166 = tpu.memref_slice %arg14[%dma_start3A, %dma_start3A_165] : memref<128x128xf32, #tpu.memory_space<vmem>> -> memref<125x128xf32, #tpu.memory_space<vmem>>
      %dma_start3A_167 = arith.constant 0 : i32
      %dma_start3A_168 = tpu.memref_slice %arg9[%add3A_18, %dma_start3A_167] : memref<10000x128xf32, #tpu.memory_space<vmem_shared>> -> memref<125x128xf32, #tpu.memory_space<vmem_shared>>
      %dma_start3A_169 = arith.constant 0 : i32
      %dma_start3A_170 = tpu.memref_slice %arg9[%add3A_18, %dma_start3A_169] : memref<10000x128xf32, #tpu.memory_space<vmem_shared>> -> memref<125x128xf32, #tpu.memory_space<vmem_shared>>
      %dma_start3A_171 = arith.constant 0 : i32
      %dma_start3A_172 = arith.constant 0 : i32
      %dma_start3A_173 = tpu.memref_slice %arg14[%dma_start3A_171, %dma_start3A_172] : memref<128x128xf32, #tpu.memory_space<vmem>> -> memref<125x128xf32, #tpu.memory_space<vmem>>
      tpu.enqueue_dma source(%dma_start3A_173 : memref<125x128xf32, #tpu.memory_space<vmem>>) target(%dma_start3A_170 : memref<125x128xf32, #tpu.memory_space<vmem_shared>>) target_semaphore(%run_scoped3A : memref<!tpu.dma_semaphore, #tpu.memory_space<semaphore_mem>>)
      %dma_wait3A = arith.constant 0 : i32
      %dma_wait3A_174 = arith.constant 0 : i32
      %dma_wait3A_175 = tpu.memref_slice %arg14[%dma_wait3A, %dma_wait3A_174] : memref<128x128xf32, #tpu.memory_space<vmem>> -> memref<125x128xf32, #tpu.memory_space<vmem>>
      %dma_wait3A_176 = arith.constant 0 : i32
      %dma_wait3A_177 = tpu.memref_slice %arg9[%add3A_18, %dma_wait3A_176] : memref<10000x128xf32, #tpu.memory_space<vmem_shared>> -> memref<125x128xf32, #tpu.memory_space<vmem_shared>>
      %dma_wait3A_178 = arith.constant 0 : i32
      %dma_wait3A_179 = tpu.memref_slice %arg9[%add3A_18, %dma_wait3A_178] : memref<10000x128xf32, #tpu.memory_space<vmem_shared>> -> memref<125x128xf32, #tpu.memory_space<vmem_shared>>
      %dma_wait3A_180 = arith.constant 0 : i32
      %dma_wait3A_181 = arith.constant 0 : i32
      %dma_wait3A_182 = tpu.memref_slice %arg14[%dma_wait3A_180, %dma_wait3A_181] : memref<128x128xf32, #tpu.memory_space<vmem>> -> memref<125x128xf32, #tpu.memory_space<vmem>>
      tpu.wait_dma2 semaphore(%run_scoped3A : memref<!tpu.dma_semaphore, #tpu.memory_space<semaphore_mem>>) src(%dma_wait3A_182 : memref<125x128xf32, #tpu.memory_space<vmem>>) dst(%dma_wait3A_179 : memref<125x128xf32, #tpu.memory_space<vmem_shared>>)
      tpu.yield
    }) : () -> ()
    %add3A_19 = arith.constant 375 : i32
    %add3A_20 = arith.addi %mul3A_5, %add3A_19 : i32
    "tpu.region"() ({
      %run_scoped3A = tpu.sem_alloc : memref<!tpu.dma_semaphore, #tpu.memory_space<semaphore_mem>>
      %dma_start3A = arith.constant 0 : i32
      %dma_start3A_165 = arith.constant 0 : i32
      %dma_start3A_166 = tpu.memref_slice %arg17[%dma_start3A, %dma_start3A_165] : memref<128x16xf32, #tpu.memory_space<vmem>> -> memref<125x16xf32, #tpu.memory_space<vmem>>
      %dma_start3A_167 = arith.constant 0 : i32
      %dma_start3A_168 = tpu.memref_slice %arg10[%add3A_20, %dma_start3A_167] : memref<10000x16xf32, #tpu.memory_space<vmem_shared>> -> memref<125x16xf32, #tpu.memory_space<vmem_shared>>
      %dma_start3A_169 = arith.constant 0 : i32
      %dma_start3A_170 = tpu.memref_slice %arg10[%add3A_20, %dma_start3A_169] : memref<10000x16xf32, #tpu.memory_space<vmem_shared>> -> memref<125x16xf32, #tpu.memory_space<vmem_shared>>
      %dma_start3A_171 = arith.constant 0 : i32
      %dma_start3A_172 = arith.constant 0 : i32
      %dma_start3A_173 = tpu.memref_slice %arg17[%dma_start3A_171, %dma_start3A_172] : memref<128x16xf32, #tpu.memory_space<vmem>> -> memref<125x16xf32, #tpu.memory_space<vmem>>
      tpu.enqueue_dma source(%dma_start3A_173 : memref<125x16xf32, #tpu.memory_space<vmem>>) target(%dma_start3A_170 : memref<125x16xf32, #tpu.memory_space<vmem_shared>>) target_semaphore(%run_scoped3A : memref<!tpu.dma_semaphore, #tpu.memory_space<semaphore_mem>>)
      %dma_wait3A = arith.constant 0 : i32
      %dma_wait3A_174 = arith.constant 0 : i32
      %dma_wait3A_175 = tpu.memref_slice %arg17[%dma_wait3A, %dma_wait3A_174] : memref<128x16xf32, #tpu.memory_space<vmem>> -> memref<125x16xf32, #tpu.memory_space<vmem>>
      %dma_wait3A_176 = arith.constant 0 : i32
      %dma_wait3A_177 = tpu.memref_slice %arg10[%add3A_20, %dma_wait3A_176] : memref<10000x16xf32, #tpu.memory_space<vmem_shared>> -> memref<125x16xf32, #tpu.memory_space<vmem_shared>>
      %dma_wait3A_178 = arith.constant 0 : i32
      %dma_wait3A_179 = tpu.memref_slice %arg10[%add3A_20, %dma_wait3A_178] : memref<10000x16xf32, #tpu.memory_space<vmem_shared>> -> memref<125x16xf32, #tpu.memory_space<vmem_shared>>
      %dma_wait3A_180 = arith.constant 0 : i32
      %dma_wait3A_181 = arith.constant 0 : i32
      %dma_wait3A_182 = tpu.memref_slice %arg17[%dma_wait3A_180, %dma_wait3A_181] : memref<128x16xf32, #tpu.memory_space<vmem>> -> memref<125x16xf32, #tpu.memory_space<vmem>>
      tpu.wait_dma2 semaphore(%run_scoped3A : memref<!tpu.dma_semaphore, #tpu.memory_space<semaphore_mem>>) src(%dma_wait3A_182 : memref<125x16xf32, #tpu.memory_space<vmem>>) dst(%dma_wait3A_179 : memref<125x16xf32, #tpu.memory_space<vmem_shared>>)
      tpu.yield
    }) : () -> ()
    %add3A_21 = arith.constant 500 : i32
    %add3A_22 = arith.addi %mul3A_5, %add3A_21 : i32
    "tpu.region"() ({
      %run_scoped3A = tpu.sem_alloc : memref<!tpu.dma_semaphore, #tpu.memory_space<semaphore_mem>>
      %dma_start3A = arith.constant 0 : i32
      %dma_start3A_165 = arith.constant 0 : i32
      %dma_start3A_166 = tpu.memref_slice %arg14[%dma_start3A, %dma_start3A_165] : memref<128x128xf32, #tpu.memory_space<vmem>> -> memref<125x128xf32, #tpu.memory_space<vmem>>
      %dma_start3A_167 = arith.constant 0 : i32
      %dma_start3A_168 = tpu.memref_slice %arg9[%add3A_22, %dma_start3A_167] : memref<10000x128xf32, #tpu.memory_space<vmem_shared>> -> memref<125x128xf32, #tpu.memory_space<vmem_shared>>
      %dma_start3A_169 = arith.constant 0 : i32
      %dma_start3A_170 = tpu.memref_slice %arg9[%add3A_22, %dma_start3A_169] : memref<10000x128xf32, #tpu.memory_space<vmem_shared>> -> memref<125x128xf32, #tpu.memory_space<vmem_shared>>
      %dma_start3A_171 = arith.constant 0 : i32
      %dma_start3A_172 = arith.constant 0 : i32
      %dma_start3A_173 = tpu.memref_slice %arg14[%dma_start3A_171, %dma_start3A_172] : memref<128x128xf32, #tpu.memory_space<vmem>> -> memref<125x128xf32, #tpu.memory_space<vmem>>
      tpu.enqueue_dma source(%dma_start3A_173 : memref<125x128xf32, #tpu.memory_space<vmem>>) target(%dma_start3A_170 : memref<125x128xf32, #tpu.memory_space<vmem_shared>>) target_semaphore(%run_scoped3A : memref<!tpu.dma_semaphore, #tpu.memory_space<semaphore_mem>>)
      %dma_wait3A = arith.constant 0 : i32
      %dma_wait3A_174 = arith.constant 0 : i32
      %dma_wait3A_175 = tpu.memref_slice %arg14[%dma_wait3A, %dma_wait3A_174] : memref<128x128xf32, #tpu.memory_space<vmem>> -> memref<125x128xf32, #tpu.memory_space<vmem>>
      %dma_wait3A_176 = arith.constant 0 : i32
      %dma_wait3A_177 = tpu.memref_slice %arg9[%add3A_22, %dma_wait3A_176] : memref<10000x128xf32, #tpu.memory_space<vmem_shared>> -> memref<125x128xf32, #tpu.memory_space<vmem_shared>>
      %dma_wait3A_178 = arith.constant 0 : i32
      %dma_wait3A_179 = tpu.memref_slice %arg9[%add3A_22, %dma_wait3A_178] : memref<10000x128xf32, #tpu.memory_space<vmem_shared>> -> memref<125x128xf32, #tpu.memory_space<vmem_shared>>
      %dma_wait3A_180 = arith.constant 0 : i32
      %dma_wait3A_181 = arith.constant 0 : i32
      %dma_wait3A_182 = tpu.memref_slice %arg14[%dma_wait3A_180, %dma_wait3A_181] : memref<128x128xf32, #tpu.memory_space<vmem>> -> memref<125x128xf32, #tpu.memory_space<vmem>>
      tpu.wait_dma2 semaphore(%run_scoped3A : memref<!tpu.dma_semaphore, #tpu.memory_space<semaphore_mem>>) src(%dma_wait3A_182 : memref<125x128xf32, #tpu.memory_space<vmem>>) dst(%dma_wait3A_179 : memref<125x128xf32, #tpu.memory_space<vmem_shared>>)
      tpu.yield
    }) : () -> ()
    %add3A_23 = arith.constant 500 : i32
    %add3A_24 = arith.addi %mul3A_5, %add3A_23 : i32
    "tpu.region"() ({
      %run_scoped3A = tpu.sem_alloc : memref<!tpu.dma_semaphore, #tpu.memory_space<semaphore_mem>>
      %dma_start3A = arith.constant 0 : i32
      %dma_start3A_165 = arith.constant 0 : i32
      %dma_start3A_166 = tpu.memref_slice %arg17[%dma_start3A, %dma_start3A_165] : memref<128x16xf32, #tpu.memory_space<vmem>> -> memref<125x16xf32, #tpu.memory_space<vmem>>
      %dma_start3A_167 = arith.constant 0 : i32
      %dma_start3A_168 = tpu.memref_slice %arg10[%add3A_24, %dma_start3A_167] : memref<10000x16xf32, #tpu.memory_space<vmem_shared>> -> memref<125x16xf32, #tpu.memory_space<vmem_shared>>
      %dma_start3A_169 = arith.constant 0 : i32
      %dma_start3A_170 = tpu.memref_slice %arg10[%add3A_24, %dma_start3A_169] : memref<10000x16xf32, #tpu.memory_space<vmem_shared>> -> memref<125x16xf32, #tpu.memory_space<vmem_shared>>
      %dma_start3A_171 = arith.constant 0 : i32
      %dma_start3A_172 = arith.constant 0 : i32
      %dma_start3A_173 = tpu.memref_slice %arg17[%dma_start3A_171, %dma_start3A_172] : memref<128x16xf32, #tpu.memory_space<vmem>> -> memref<125x16xf32, #tpu.memory_space<vmem>>
      tpu.enqueue_dma source(%dma_start3A_173 : memref<125x16xf32, #tpu.memory_space<vmem>>) target(%dma_start3A_170 : memref<125x16xf32, #tpu.memory_space<vmem_shared>>) target_semaphore(%run_scoped3A : memref<!tpu.dma_semaphore, #tpu.memory_space<semaphore_mem>>)
      %dma_wait3A = arith.constant 0 : i32
      %dma_wait3A_174 = arith.constant 0 : i32
      %dma_wait3A_175 = tpu.memref_slice %arg17[%dma_wait3A, %dma_wait3A_174] : memref<128x16xf32, #tpu.memory_space<vmem>> -> memref<125x16xf32, #tpu.memory_space<vmem>>
      %dma_wait3A_176 = arith.constant 0 : i32
      %dma_wait3A_177 = tpu.memref_slice %arg10[%add3A_24, %dma_wait3A_176] : memref<10000x16xf32, #tpu.memory_space<vmem_shared>> -> memref<125x16xf32, #tpu.memory_space<vmem_shared>>
      %dma_wait3A_178 = arith.constant 0 : i32
      %dma_wait3A_179 = tpu.memref_slice %arg10[%add3A_24, %dma_wait3A_178] : memref<10000x16xf32, #tpu.memory_space<vmem_shared>> -> memref<125x16xf32, #tpu.memory_space<vmem_shared>>
      %dma_wait3A_180 = arith.constant 0 : i32
      %dma_wait3A_181 = arith.constant 0 : i32
      %dma_wait3A_182 = tpu.memref_slice %arg17[%dma_wait3A_180, %dma_wait3A_181] : memref<128x16xf32, #tpu.memory_space<vmem>> -> memref<125x16xf32, #tpu.memory_space<vmem>>
      tpu.wait_dma2 semaphore(%run_scoped3A : memref<!tpu.dma_semaphore, #tpu.memory_space<semaphore_mem>>) src(%dma_wait3A_182 : memref<125x16xf32, #tpu.memory_space<vmem>>) dst(%dma_wait3A_179 : memref<125x16xf32, #tpu.memory_space<vmem_shared>>)
      tpu.yield
    }) : () -> ()
    %mul3A_25 = arith.constant 640 : i32
    %mul3A_26 = arith.muli %arg1, %mul3A_25 : i32
    %add3A_27 = arith.constant 0 : i32
    %add3A_28 = arith.addi %mul3A_26, %add3A_27 : i32
    %mul3A_29 = arith.constant 16 : i32
    %mul3A_30 = arith.muli %add3A_28, %mul3A_29 : i32
    "tpu.region"() ({
      %run_scoped3A = tpu.sem_alloc : memref<!tpu.dma_semaphore, #tpu.memory_space<semaphore_mem>>
      %dma_start3A = tpu.memref_slice %arg3[%mul3A_30] : memref<163840xf32, #tpu.memory_space<hbm>> -> memref<2048xf32, #tpu.memory_space<hbm>>
      %dma_start3A_165 = tpu.memref_slice %arg3[%mul3A_30] : memref<163840xf32, #tpu.memory_space<hbm>> -> memref<2048xf32, #tpu.memory_space<hbm>>
      tpu.enqueue_dma source(%dma_start3A_165 : memref<2048xf32, #tpu.memory_space<hbm>>) target(%arg18 : memref<2048xf32, #tpu.memory_space<vmem>>) target_semaphore(%run_scoped3A : memref<!tpu.dma_semaphore, #tpu.memory_space<semaphore_mem>>)
      %dma_wait3A = tpu.memref_slice %arg3[%mul3A_30] : memref<163840xf32, #tpu.memory_space<hbm>> -> memref<2048xf32, #tpu.memory_space<hbm>>
      %dma_wait3A_166 = tpu.memref_slice %arg3[%mul3A_30] : memref<163840xf32, #tpu.memory_space<hbm>> -> memref<2048xf32, #tpu.memory_space<hbm>>
      tpu.wait_dma2 semaphore(%run_scoped3A : memref<!tpu.dma_semaphore, #tpu.memory_space<semaphore_mem>>) src(%dma_wait3A_166 : memref<2048xf32, #tpu.memory_space<hbm>>) dst(%arg18 : memref<2048xf32, #tpu.memory_space<vmem>>)
      tpu.yield
    }) : () -> ()
    %scan3A_31 = arith.constant 0 : i32
    %scan3A_32 = arith.constant 128 : i32
    %scan3A_33 = arith.addi %scan3A_31, %scan3A_32 : i32
    %scan3A_34 = arith.constant 1 : i32
    scf.for %scan3A_165 = %scan3A_31 to %scan3A_33 step %scan3A_34  : i32 {
      %mul3A_166 = arith.constant 1 : i32
      %mul3A_167 = arith.muli %scan3A_165, %mul3A_166 : i32
      %add3A_168 = arith.constant 0 : i32
      %add3A_169 = arith.addi %add3A_168, %mul3A_167 : i32
      %mul3A_170 = arith.constant 16 : i32
      %mul3A_171 = arith.muli %add3A_169, %mul3A_170 : i32
      %get3A_172 = arith.index_cast %mul3A_171 : i32 to index
      %get3A_173 = tpu.vector_load %arg18[%get3A_172] {strides = array<i32>} : memref<2048xf32, #tpu.memory_space<vmem>>, vector<16xf32>,
      %get3A_174 = vector.shape_cast %get3A_173 : vector<16xf32> to vector<16xf32>
      %swap3A = arith.index_cast %add3A_169 : i32 to index
      %swap3A_175 = arith.constant 0 : index
      %swap3A_176 = tpu.vector_load %arg19[%swap3A, %swap3A_175] {strides = array<i32>} : memref<128x16xf32, #tpu.memory_space<vmem>>, vector<1x16xf32>,
      %swap3A_177 = vector.shape_cast %swap3A_176 : vector<1x16xf32> to vector<16xf32>
      %swap3A_178 = vector.shape_cast %get3A_174 : vector<16xf32> to vector<1x16xf32>
      tpu.vector_store %arg19[%swap3A, %swap3A_175], %swap3A_178 {strides = array<i32>} : memref<128x16xf32, #tpu.memory_space<vmem>>, vector<1x16xf32>,
    }
    %scan3A_35 = arith.constant 128 : i32
    %add3A_36 = arith.constant 0 : i32
    %add3A_37 = arith.addi %mul3A_26, %add3A_36 : i32
    "tpu.region"() ({
      %run_scoped3A = tpu.sem_alloc : memref<!tpu.dma_semaphore, #tpu.memory_space<semaphore_mem>>
      %dma_start3A = arith.constant 0 : i32
      %dma_start3A_165 = tpu.memref_slice %arg11[%add3A_37, %dma_start3A] : memref<10240x16xf32, #tpu.memory_space<vmem_shared>> -> memref<128x16xf32, #tpu.memory_space<vmem_shared>>
      %dma_start3A_166 = arith.constant 0 : i32
      %dma_start3A_167 = tpu.memref_slice %arg11[%add3A_37, %dma_start3A_166] : memref<10240x16xf32, #tpu.memory_space<vmem_shared>> -> memref<128x16xf32, #tpu.memory_space<vmem_shared>>
      tpu.enqueue_dma source(%arg19 : memref<128x16xf32, #tpu.memory_space<vmem>>) target(%dma_start3A_167 : memref<128x16xf32, #tpu.memory_space<vmem_shared>>) target_semaphore(%run_scoped3A : memref<!tpu.dma_semaphore, #tpu.memory_space<semaphore_mem>>)
      %dma_wait3A = arith.constant 0 : i32
      %dma_wait3A_168 = tpu.memref_slice %arg11[%add3A_37, %dma_wait3A] : memref<10240x16xf32, #tpu.memory_space<vmem_shared>> -> memref<128x16xf32, #tpu.memory_space<vmem_shared>>
      %dma_wait3A_169 = arith.constant 0 : i32
      %dma_wait3A_170 = tpu.memref_slice %arg11[%add3A_37, %dma_wait3A_169] : memref<10240x16xf32, #tpu.memory_space<vmem_shared>> -> memref<128x16xf32, #tpu.memory_space<vmem_shared>>
      tpu.wait_dma2 semaphore(%run_scoped3A : memref<!tpu.dma_semaphore, #tpu.memory_space<semaphore_mem>>) src(%arg19 : memref<128x16xf32, #tpu.memory_space<vmem>>) dst(%dma_wait3A_170 : memref<128x16xf32, #tpu.memory_space<vmem_shared>>)
      tpu.yield
    }) : () -> ()
    %add3A_38 = arith.constant 128 : i32
    %add3A_39 = arith.addi %mul3A_26, %add3A_38 : i32
    %mul3A_40 = arith.constant 16 : i32
    %mul3A_41 = arith.muli %add3A_39, %mul3A_40 : i32
    "tpu.region"() ({
      %run_scoped3A = tpu.sem_alloc : memref<!tpu.dma_semaphore, #tpu.memory_space<semaphore_mem>>
      %dma_start3A = tpu.memref_slice %arg3[%mul3A_41] : memref<163840xf32, #tpu.memory_space<hbm>> -> memref<2048xf32, #tpu.memory_space<hbm>>
      %dma_start3A_165 = tpu.memref_slice %arg3[%mul3A_41] : memref<163840xf32, #tpu.memory_space<hbm>> -> memref<2048xf32, #tpu.memory_space<hbm>>
      tpu.enqueue_dma source(%dma_start3A_165 : memref<2048xf32, #tpu.memory_space<hbm>>) target(%arg18 : memref<2048xf32, #tpu.memory_space<vmem>>) target_semaphore(%run_scoped3A : memref<!tpu.dma_semaphore, #tpu.memory_space<semaphore_mem>>)
      %dma_wait3A = tpu.memref_slice %arg3[%mul3A_41] : memref<163840xf32, #tpu.memory_space<hbm>> -> memref<2048xf32, #tpu.memory_space<hbm>>
      %dma_wait3A_166 = tpu.memref_slice %arg3[%mul3A_41] : memref<163840xf32, #tpu.memory_space<hbm>> -> memref<2048xf32, #tpu.memory_space<hbm>>
      tpu.wait_dma2 semaphore(%run_scoped3A : memref<!tpu.dma_semaphore, #tpu.memory_space<semaphore_mem>>) src(%dma_wait3A_166 : memref<2048xf32, #tpu.memory_space<hbm>>) dst(%arg18 : memref<2048xf32, #tpu.memory_space<vmem>>)
      tpu.yield
    }) : () -> ()
    %scan3A_42 = arith.constant 0 : i32
    %scan3A_43 = arith.constant 128 : i32
    %scan3A_44 = arith.addi %scan3A_42, %scan3A_43 : i32
    %scan3A_45 = arith.constant 1 : i32
    scf.for %scan3A_165 = %scan3A_42 to %scan3A_44 step %scan3A_45  : i32 {
      %mul3A_166 = arith.constant 1 : i32
      %mul3A_167 = arith.muli %scan3A_165, %mul3A_166 : i32
      %add3A_168 = arith.constant 0 : i32
      %add3A_169 = arith.addi %add3A_168, %mul3A_167 : i32
      %mul3A_170 = arith.constant 16 : i32
      %mul3A_171 = arith.muli %add3A_169, %mul3A_170 : i32
      %get3A_172 = arith.index_cast %mul3A_171 : i32 to index
      %get3A_173 = tpu.vector_load %arg18[%get3A_172] {strides = array<i32>} : memref<2048xf32, #tpu.memory_space<vmem>>, vector<16xf32>,
      %get3A_174 = vector.shape_cast %get3A_173 : vector<16xf32> to vector<16xf32>
      %swap3A = arith.index_cast %add3A_169 : i32 to index
      %swap3A_175 = arith.constant 0 : index
      %swap3A_176 = tpu.vector_load %arg19[%swap3A, %swap3A_175] {strides = array<i32>} : memref<128x16xf32, #tpu.memory_space<vmem>>, vector<1x16xf32>,
      %swap3A_177 = vector.shape_cast %swap3A_176 : vector<1x16xf32> to vector<16xf32>
      %swap3A_178 = vector.shape_cast %get3A_174 : vector<16xf32> to vector<1x16xf32>
      tpu.vector_store %arg19[%swap3A, %swap3A_175], %swap3A_178 {strides = array<i32>} : memref<128x16xf32, #tpu.memory_space<vmem>>, vector<1x16xf32>,
    }
    %scan3A_46 = arith.constant 128 : i32
    %add3A_47 = arith.constant 128 : i32
    %add3A_48 = arith.addi %mul3A_26, %add3A_47 : i32
    "tpu.region"() ({
      %run_scoped3A = tpu.sem_alloc : memref<!tpu.dma_semaphore, #tpu.memory_space<semaphore_mem>>
      %dma_start3A = arith.constant 0 : i32
      %dma_start3A_165 = tpu.memref_slice %arg11[%add3A_48, %dma_start3A] : memref<10240x16xf32, #tpu.memory_space<vmem_shared>> -> memref<128x16xf32, #tpu.memory_space<vmem_shared>>
      %dma_start3A_166 = arith.constant 0 : i32
      %dma_start3A_167 = tpu.memref_slice %arg11[%add3A_48, %dma_start3A_166] : memref<10240x16xf32, #tpu.memory_space<vmem_shared>> -> memref<128x16xf32, #tpu.memory_space<vmem_shared>>
      tpu.enqueue_dma source(%arg19 : memref<128x16xf32, #tpu.memory_space<vmem>>) target(%dma_start3A_167 : memref<128x16xf32, #tpu.memory_space<vmem_shared>>) target_semaphore(%run_scoped3A : memref<!tpu.dma_semaphore, #tpu.memory_space<semaphore_mem>>)
      %dma_wait3A = arith.constant 0 : i32
      %dma_wait3A_168 = tpu.memref_slice %arg11[%add3A_48, %dma_wait3A] : memref<10240x16xf32, #tpu.memory_space<vmem_shared>> -> memref<128x16xf32, #tpu.memory_space<vmem_shared>>
      %dma_wait3A_169 = arith.constant 0 : i32
      %dma_wait3A_170 = tpu.memref_slice %arg11[%add3A_48, %dma_wait3A_169] : memref<10240x16xf32, #tpu.memory_space<vmem_shared>> -> memref<128x16xf32, #tpu.memory_space<vmem_shared>>
      tpu.wait_dma2 semaphore(%run_scoped3A : memref<!tpu.dma_semaphore, #tpu.memory_space<semaphore_mem>>) src(%arg19 : memref<128x16xf32, #tpu.memory_space<vmem>>) dst(%dma_wait3A_170 : memref<128x16xf32, #tpu.memory_space<vmem_shared>>)
      tpu.yield
    }) : () -> ()
    %add3A_49 = arith.constant 256 : i32
    %add3A_50 = arith.addi %mul3A_26, %add3A_49 : i32
    %mul3A_51 = arith.constant 16 : i32
    %mul3A_52 = arith.muli %add3A_50, %mul3A_51 : i32
    "tpu.region"() ({
      %run_scoped3A = tpu.sem_alloc : memref<!tpu.dma_semaphore, #tpu.memory_space<semaphore_mem>>
      %dma_start3A = tpu.memref_slice %arg3[%mul3A_52] : memref<163840xf32, #tpu.memory_space<hbm>> -> memref<2048xf32, #tpu.memory_space<hbm>>
      %dma_start3A_165 = tpu.memref_slice %arg3[%mul3A_52] : memref<163840xf32, #tpu.memory_space<hbm>> -> memref<2048xf32, #tpu.memory_space<hbm>>
      tpu.enqueue_dma source(%dma_start3A_165 : memref<2048xf32, #tpu.memory_space<hbm>>) target(%arg18 : memref<2048xf32, #tpu.memory_space<vmem>>) target_semaphore(%run_scoped3A : memref<!tpu.dma_semaphore, #tpu.memory_space<semaphore_mem>>)
      %dma_wait3A = tpu.memref_slice %arg3[%mul3A_52] : memref<163840xf32, #tpu.memory_space<hbm>> -> memref<2048xf32, #tpu.memory_space<hbm>>
      %dma_wait3A_166 = tpu.memref_slice %arg3[%mul3A_52] : memref<163840xf32, #tpu.memory_space<hbm>> -> memref<2048xf32, #tpu.memory_space<hbm>>
      tpu.wait_dma2 semaphore(%run_scoped3A : memref<!tpu.dma_semaphore, #tpu.memory_space<semaphore_mem>>) src(%dma_wait3A_166 : memref<2048xf32, #tpu.memory_space<hbm>>) dst(%arg18 : memref<2048xf32, #tpu.memory_space<vmem>>)
      tpu.yield
    }) : () -> ()
    %scan3A_53 = arith.constant 0 : i32
    %scan3A_54 = arith.constant 128 : i32
    %scan3A_55 = arith.addi %scan3A_53, %scan3A_54 : i32
    %scan3A_56 = arith.constant 1 : i32
    scf.for %scan3A_165 = %scan3A_53 to %scan3A_55 step %scan3A_56  : i32 {
      %mul3A_166 = arith.constant 1 : i32
      %mul3A_167 = arith.muli %scan3A_165, %mul3A_166 : i32
      %add3A_168 = arith.constant 0 : i32
      %add3A_169 = arith.addi %add3A_168, %mul3A_167 : i32
      %mul3A_170 = arith.constant 16 : i32
      %mul3A_171 = arith.muli %add3A_169, %mul3A_170 : i32
      %get3A_172 = arith.index_cast %mul3A_171 : i32 to index
      %get3A_173 = tpu.vector_load %arg18[%get3A_172] {strides = array<i32>} : memref<2048xf32, #tpu.memory_space<vmem>>, vector<16xf32>,
      %get3A_174 = vector.shape_cast %get3A_173 : vector<16xf32> to vector<16xf32>
      %swap3A = arith.index_cast %add3A_169 : i32 to index
      %swap3A_175 = arith.constant 0 : index
      %swap3A_176 = tpu.vector_load %arg19[%swap3A, %swap3A_175] {strides = array<i32>} : memref<128x16xf32, #tpu.memory_space<vmem>>, vector<1x16xf32>,
      %swap3A_177 = vector.shape_cast %swap3A_176 : vector<1x16xf32> to vector<16xf32>
      %swap3A_178 = vector.shape_cast %get3A_174 : vector<16xf32> to vector<1x16xf32>
      tpu.vector_store %arg19[%swap3A, %swap3A_175], %swap3A_178 {strides = array<i32>} : memref<128x16xf32, #tpu.memory_space<vmem>>, vector<1x16xf32>,
    }
    %scan3A_57 = arith.constant 128 : i32
    %add3A_58 = arith.constant 256 : i32
    %add3A_59 = arith.addi %mul3A_26, %add3A_58 : i32
    "tpu.region"() ({
      %run_scoped3A = tpu.sem_alloc : memref<!tpu.dma_semaphore, #tpu.memory_space<semaphore_mem>>
      %dma_start3A = arith.constant 0 : i32
      %dma_start3A_165 = tpu.memref_slice %arg11[%add3A_59, %dma_start3A] : memref<10240x16xf32, #tpu.memory_space<vmem_shared>> -> memref<128x16xf32, #tpu.memory_space<vmem_shared>>
      %dma_start3A_166 = arith.constant 0 : i32
      %dma_start3A_167 = tpu.memref_slice %arg11[%add3A_59, %dma_start3A_166] : memref<10240x16xf32, #tpu.memory_space<vmem_shared>> -> memref<128x16xf32, #tpu.memory_space<vmem_shared>>
      tpu.enqueue_dma source(%arg19 : memref<128x16xf32, #tpu.memory_space<vmem>>) target(%dma_start3A_167 : memref<128x16xf32, #tpu.memory_space<vmem_shared>>) target_semaphore(%run_scoped3A : memref<!tpu.dma_semaphore, #tpu.memory_space<semaphore_mem>>)
      %dma_wait3A = arith.constant 0 : i32
      %dma_wait3A_168 = tpu.memref_slice %arg11[%add3A_59, %dma_wait3A] : memref<10240x16xf32, #tpu.memory_space<vmem_shared>> -> memref<128x16xf32, #tpu.memory_space<vmem_shared>>
      %dma_wait3A_169 = arith.constant 0 : i32
      %dma_wait3A_170 = tpu.memref_slice %arg11[%add3A_59, %dma_wait3A_169] : memref<10240x16xf32, #tpu.memory_space<vmem_shared>> -> memref<128x16xf32, #tpu.memory_space<vmem_shared>>
      tpu.wait_dma2 semaphore(%run_scoped3A : memref<!tpu.dma_semaphore, #tpu.memory_space<semaphore_mem>>) src(%arg19 : memref<128x16xf32, #tpu.memory_space<vmem>>) dst(%dma_wait3A_170 : memref<128x16xf32, #tpu.memory_space<vmem_shared>>)
      tpu.yield
    }) : () -> ()
    %add3A_60 = arith.constant 384 : i32
    %add3A_61 = arith.addi %mul3A_26, %add3A_60 : i32
    %mul3A_62 = arith.constant 16 : i32
    %mul3A_63 = arith.muli %add3A_61, %mul3A_62 : i32
    "tpu.region"() ({
      %run_scoped3A = tpu.sem_alloc : memref<!tpu.dma_semaphore, #tpu.memory_space<semaphore_mem>>
      %dma_start3A = tpu.memref_slice %arg3[%mul3A_63] : memref<163840xf32, #tpu.memory_space<hbm>> -> memref<2048xf32, #tpu.memory_space<hbm>>
      %dma_start3A_165 = tpu.memref_slice %arg3[%mul3A_63] : memref<163840xf32, #tpu.memory_space<hbm>> -> memref<2048xf32, #tpu.memory_space<hbm>>
      tpu.enqueue_dma source(%dma_start3A_165 : memref<2048xf32, #tpu.memory_space<hbm>>) target(%arg18 : memref<2048xf32, #tpu.memory_space<vmem>>) target_semaphore(%run_scoped3A : memref<!tpu.dma_semaphore, #tpu.memory_space<semaphore_mem>>)
      %dma_wait3A = tpu.memref_slice %arg3[%mul3A_63] : memref<163840xf32, #tpu.memory_space<hbm>> -> memref<2048xf32, #tpu.memory_space<hbm>>
      %dma_wait3A_166 = tpu.memref_slice %arg3[%mul3A_63] : memref<163840xf32, #tpu.memory_space<hbm>> -> memref<2048xf32, #tpu.memory_space<hbm>>
      tpu.wait_dma2 semaphore(%run_scoped3A : memref<!tpu.dma_semaphore, #tpu.memory_space<semaphore_mem>>) src(%dma_wait3A_166 : memref<2048xf32, #tpu.memory_space<hbm>>) dst(%arg18 : memref<2048xf32, #tpu.memory_space<vmem>>)
      tpu.yield
    }) : () -> ()
    %scan3A_64 = arith.constant 0 : i32
    %scan3A_65 = arith.constant 128 : i32
    %scan3A_66 = arith.addi %scan3A_64, %scan3A_65 : i32
    %scan3A_67 = arith.constant 1 : i32
    scf.for %scan3A_165 = %scan3A_64 to %scan3A_66 step %scan3A_67  : i32 {
      %mul3A_166 = arith.constant 1 : i32
      %mul3A_167 = arith.muli %scan3A_165, %mul3A_166 : i32
      %add3A_168 = arith.constant 0 : i32
      %add3A_169 = arith.addi %add3A_168, %mul3A_167 : i32
      %mul3A_170 = arith.constant 16 : i32
      %mul3A_171 = arith.muli %add3A_169, %mul3A_170 : i32
      %get3A_172 = arith.index_cast %mul3A_171 : i32 to index
      %get3A_173 = tpu.vector_load %arg18[%get3A_172] {strides = array<i32>} : memref<2048xf32, #tpu.memory_space<vmem>>, vector<16xf32>,
      %get3A_174 = vector.shape_cast %get3A_173 : vector<16xf32> to vector<16xf32>
      %swap3A = arith.index_cast %add3A_169 : i32 to index
      %swap3A_175 = arith.constant 0 : index
      %swap3A_176 = tpu.vector_load %arg19[%swap3A, %swap3A_175] {strides = array<i32>} : memref<128x16xf32, #tpu.memory_space<vmem>>, vector<1x16xf32>,
      %swap3A_177 = vector.shape_cast %swap3A_176 : vector<1x16xf32> to vector<16xf32>
      %swap3A_178 = vector.shape_cast %get3A_174 : vector<16xf32> to vector<1x16xf32>
      tpu.vector_store %arg19[%swap3A, %swap3A_175], %swap3A_178 {strides = array<i32>} : memref<128x16xf32, #tpu.memory_space<vmem>>, vector<1x16xf32>,
    }
    %scan3A_68 = arith.constant 128 : i32
    %add3A_69 = arith.constant 384 : i32
    %add3A_70 = arith.addi %mul3A_26, %add3A_69 : i32
    "tpu.region"() ({
      %run_scoped3A = tpu.sem_alloc : memref<!tpu.dma_semaphore, #tpu.memory_space<semaphore_mem>>
      %dma_start3A = arith.constant 0 : i32
      %dma_start3A_165 = tpu.memref_slice %arg11[%add3A_70, %dma_start3A] : memref<10240x16xf32, #tpu.memory_space<vmem_shared>> -> memref<128x16xf32, #tpu.memory_space<vmem_shared>>
      %dma_start3A_166 = arith.constant 0 : i32
      %dma_start3A_167 = tpu.memref_slice %arg11[%add3A_70, %dma_start3A_166] : memref<10240x16xf32, #tpu.memory_space<vmem_shared>> -> memref<128x16xf32, #tpu.memory_space<vmem_shared>>
      tpu.enqueue_dma source(%arg19 : memref<128x16xf32, #tpu.memory_space<vmem>>) target(%dma_start3A_167 : memref<128x16xf32, #tpu.memory_space<vmem_shared>>) target_semaphore(%run_scoped3A : memref<!tpu.dma_semaphore, #tpu.memory_space<semaphore_mem>>)
      %dma_wait3A = arith.constant 0 : i32
      %dma_wait3A_168 = tpu.memref_slice %arg11[%add3A_70, %dma_wait3A] : memref<10240x16xf32, #tpu.memory_space<vmem_shared>> -> memref<128x16xf32, #tpu.memory_space<vmem_shared>>
      %dma_wait3A_169 = arith.constant 0 : i32
      %dma_wait3A_170 = tpu.memref_slice %arg11[%add3A_70, %dma_wait3A_169] : memref<10240x16xf32, #tpu.memory_space<vmem_shared>> -> memref<128x16xf32, #tpu.memory_space<vmem_shared>>
      tpu.wait_dma2 semaphore(%run_scoped3A : memref<!tpu.dma_semaphore, #tpu.memory_space<semaphore_mem>>) src(%arg19 : memref<128x16xf32, #tpu.memory_space<vmem>>) dst(%dma_wait3A_170 : memref<128x16xf32, #tpu.memory_space<vmem_shared>>)
      tpu.yield
    }) : () -> ()
    %add3A_71 = arith.constant 512 : i32
    %add3A_72 = arith.addi %mul3A_26, %add3A_71 : i32
    %mul3A_73 = arith.constant 16 : i32
    %mul3A_74 = arith.muli %add3A_72, %mul3A_73 : i32
    "tpu.region"() ({
      %run_scoped3A = tpu.sem_alloc : memref<!tpu.dma_semaphore, #tpu.memory_space<semaphore_mem>>
      %dma_start3A = tpu.memref_slice %arg3[%mul3A_74] : memref<163840xf32, #tpu.memory_space<hbm>> -> memref<2048xf32, #tpu.memory_space<hbm>>
      %dma_start3A_165 = tpu.memref_slice %arg3[%mul3A_74] : memref<163840xf32, #tpu.memory_space<hbm>> -> memref<2048xf32, #tpu.memory_space<hbm>>
      tpu.enqueue_dma source(%dma_start3A_165 : memref<2048xf32, #tpu.memory_space<hbm>>) target(%arg18 : memref<2048xf32, #tpu.memory_space<vmem>>) target_semaphore(%run_scoped3A : memref<!tpu.dma_semaphore, #tpu.memory_space<semaphore_mem>>)
      %dma_wait3A = tpu.memref_slice %arg3[%mul3A_74] : memref<163840xf32, #tpu.memory_space<hbm>> -> memref<2048xf32, #tpu.memory_space<hbm>>
      %dma_wait3A_166 = tpu.memref_slice %arg3[%mul3A_74] : memref<163840xf32, #tpu.memory_space<hbm>> -> memref<2048xf32, #tpu.memory_space<hbm>>
      tpu.wait_dma2 semaphore(%run_scoped3A : memref<!tpu.dma_semaphore, #tpu.memory_space<semaphore_mem>>) src(%dma_wait3A_166 : memref<2048xf32, #tpu.memory_space<hbm>>) dst(%arg18 : memref<2048xf32, #tpu.memory_space<vmem>>)
      tpu.yield
    }) : () -> ()
    %scan3A_75 = arith.constant 0 : i32
    %scan3A_76 = arith.constant 128 : i32
    %scan3A_77 = arith.addi %scan3A_75, %scan3A_76 : i32
    %scan3A_78 = arith.constant 1 : i32
    scf.for %scan3A_165 = %scan3A_75 to %scan3A_77 step %scan3A_78  : i32 {
      %mul3A_166 = arith.constant 1 : i32
      %mul3A_167 = arith.muli %scan3A_165, %mul3A_166 : i32
      %add3A_168 = arith.constant 0 : i32
      %add3A_169 = arith.addi %add3A_168, %mul3A_167 : i32
      %mul3A_170 = arith.constant 16 : i32
      %mul3A_171 = arith.muli %add3A_169, %mul3A_170 : i32
      %get3A_172 = arith.index_cast %mul3A_171 : i32 to index
      %get3A_173 = tpu.vector_load %arg18[%get3A_172] {strides = array<i32>} : memref<2048xf32, #tpu.memory_space<vmem>>, vector<16xf32>,
      %get3A_174 = vector.shape_cast %get3A_173 : vector<16xf32> to vector<16xf32>
      %swap3A = arith.index_cast %add3A_169 : i32 to index
      %swap3A_175 = arith.constant 0 : index
      %swap3A_176 = tpu.vector_load %arg19[%swap3A, %swap3A_175] {strides = array<i32>} : memref<128x16xf32, #tpu.memory_space<vmem>>, vector<1x16xf32>,
      %swap3A_177 = vector.shape_cast %swap3A_176 : vector<1x16xf32> to vector<16xf32>
      %swap3A_178 = vector.shape_cast %get3A_174 : vector<16xf32> to vector<1x16xf32>
      tpu.vector_store %arg19[%swap3A, %swap3A_175], %swap3A_178 {strides = array<i32>} : memref<128x16xf32, #tpu.memory_space<vmem>>, vector<1x16xf32>,
    }
    %scan3A_79 = arith.constant 128 : i32
    %add3A_80 = arith.constant 512 : i32
    %add3A_81 = arith.addi %mul3A_26, %add3A_80 : i32
    "tpu.region"() ({
      %run_scoped3A = tpu.sem_alloc : memref<!tpu.dma_semaphore, #tpu.memory_space<semaphore_mem>>
      %dma_start3A = arith.constant 0 : i32
      %dma_start3A_165 = tpu.memref_slice %arg11[%add3A_81, %dma_start3A] : memref<10240x16xf32, #tpu.memory_space<vmem_shared>> -> memref<128x16xf32, #tpu.memory_space<vmem_shared>>
      %dma_start3A_166 = arith.constant 0 : i32
      %dma_start3A_167 = tpu.memref_slice %arg11[%add3A_81, %dma_start3A_166] : memref<10240x16xf32, #tpu.memory_space<vmem_shared>> -> memref<128x16xf32, #tpu.memory_space<vmem_shared>>
      tpu.enqueue_dma source(%arg19 : memref<128x16xf32, #tpu.memory_space<vmem>>) target(%dma_start3A_167 : memref<128x16xf32, #tpu.memory_space<vmem_shared>>) target_semaphore(%run_scoped3A : memref<!tpu.dma_semaphore, #tpu.memory_space<semaphore_mem>>)
      %dma_wait3A = arith.constant 0 : i32
      %dma_wait3A_168 = tpu.memref_slice %arg11[%add3A_81, %dma_wait3A] : memref<10240x16xf32, #tpu.memory_space<vmem_shared>> -> memref<128x16xf32, #tpu.memory_space<vmem_shared>>
      %dma_wait3A_169 = arith.constant 0 : i32
      %dma_wait3A_170 = tpu.memref_slice %arg11[%add3A_81, %dma_wait3A_169] : memref<10240x16xf32, #tpu.memory_space<vmem_shared>> -> memref<128x16xf32, #tpu.memory_space<vmem_shared>>
      tpu.wait_dma2 semaphore(%run_scoped3A : memref<!tpu.dma_semaphore, #tpu.memory_space<semaphore_mem>>) src(%arg19 : memref<128x16xf32, #tpu.memory_space<vmem>>) dst(%dma_wait3A_170 : memref<128x16xf32, #tpu.memory_space<vmem_shared>>)
      tpu.yield
    }) : () -> ()
    %barrier3A = arith.constant 0 : index
    tpu.barrier barrier_id(%barrier3A)
    %mul3A_82 = arith.constant 16 : i32
    %mul3A_83 = arith.muli %arg0, %mul3A_82 : i32
    %add3A_84 = arith.addi %mul3A_83, %arg1 : i32
    %mul3A_85 = arith.constant 10368 : i32
    %mul3A_86 = arith.muli %add3A_84, %mul3A_85 : i32
    %get3A = arith.constant 0 : index
    %get3A_87 = tpu.vector_load %arg20[%get3A] {strides = array<i32>} : memref<16xf32, #tpu.memory_space<vmem>>, vector<16xf32>,
    %get3A_88 = vector.shape_cast %get3A_87 : vector<16xf32> to vector<16xf32>
    %scan3A_89 = arith.constant 0 : i32
    %scan3A_90 = arith.constant 81 : i32
    %scan3A_91 = arith.addi %scan3A_89, %scan3A_90 : i32
    %scan3A_92 = arith.constant 1 : i32
    scf.for %scan3A_165 = %scan3A_89 to %scan3A_91 step %scan3A_92  : i32 {
      %mul3A_166 = arith.constant 1 : i32
      %mul3A_167 = arith.muli %scan3A_165, %mul3A_166 : i32
      %add3A_168 = arith.constant 0 : i32
      %add3A_169 = arith.addi %add3A_168, %mul3A_167 : i32
      %mul3A_170 = arith.constant 128 : i32
      %mul3A_171 = arith.muli %add3A_169, %mul3A_170 : i32
      %add3A_172 = arith.addi %mul3A_86, %mul3A_171 : i32
      "tpu.region"() ({
        %run_scoped3A = tpu.sem_alloc : memref<!tpu.dma_semaphore, #tpu.memory_space<semaphore_mem>>
        %dma_start3A_194 = tpu.memref_slice %arg5[%add3A_172] : memref<331776xi32, #tpu.memory_space<hbm>> -> memref<128xi32, #tpu.memory_space<hbm>>
        %dma_start3A_195 = tpu.memref_slice %arg5[%add3A_172] : memref<331776xi32, #tpu.memory_space<hbm>> -> memref<128xi32, #tpu.memory_space<hbm>>
        tpu.enqueue_dma source(%dma_start3A_195 : memref<128xi32, #tpu.memory_space<hbm>>) target(%arg12 : memref<128xi32, #tpu.memory_space<vmem>>) target_semaphore(%run_scoped3A : memref<!tpu.dma_semaphore, #tpu.memory_space<semaphore_mem>>)
        %dma_wait3A_196 = tpu.memref_slice %arg5[%add3A_172] : memref<331776xi32, #tpu.memory_space<hbm>> -> memref<128xi32, #tpu.memory_space<hbm>>
        %dma_wait3A_197 = tpu.memref_slice %arg5[%add3A_172] : memref<331776xi32, #tpu.memory_space<hbm>> -> memref<128xi32, #tpu.memory_space<hbm>>
        tpu.wait_dma2 semaphore(%run_scoped3A : memref<!tpu.dma_semaphore, #tpu.memory_space<semaphore_mem>>) src(%dma_wait3A_197 : memref<128xi32, #tpu.memory_space<hbm>>) dst(%arg12 : memref<128xi32, #tpu.memory_space<vmem>>)
        tpu.yield
      }) : () -> ()
      "tpu.region"() ({
        %run_scoped3A = tpu.sem_alloc : memref<!tpu.dma_semaphore, #tpu.memory_space<semaphore_mem>>
        %dma_start3A_194 = tpu.memref_slice %arg6[%add3A_172] : memref<331776xi32, #tpu.memory_space<hbm>> -> memref<128xi32, #tpu.memory_space<hbm>>
        %dma_start3A_195 = tpu.memref_slice %arg6[%add3A_172] : memref<331776xi32, #tpu.memory_space<hbm>> -> memref<128xi32, #tpu.memory_space<hbm>>
        tpu.enqueue_dma source(%dma_start3A_195 : memref<128xi32, #tpu.memory_space<hbm>>) target(%arg13 : memref<128xi32, #tpu.memory_space<vmem>>) target_semaphore(%run_scoped3A : memref<!tpu.dma_semaphore, #tpu.memory_space<semaphore_mem>>)
        %dma_wait3A_196 = tpu.memref_slice %arg6[%add3A_172] : memref<331776xi32, #tpu.memory_space<hbm>> -> memref<128xi32, #tpu.memory_space<hbm>>
        %dma_wait3A_197 = tpu.memref_slice %arg6[%add3A_172] : memref<331776xi32, #tpu.memory_space<hbm>> -> memref<128xi32, #tpu.memory_space<hbm>>
        tpu.wait_dma2 semaphore(%run_scoped3A : memref<!tpu.dma_semaphore, #tpu.memory_space<semaphore_mem>>) src(%dma_wait3A_197 : memref<128xi32, #tpu.memory_space<hbm>>) dst(%arg13 : memref<128xi32, #tpu.memory_space<vmem>>)
        tpu.yield
      }) : () -> ()
      %dma_start3A = arith.constant 0 : i32
      %dma_start3A_173 = arith.constant 0 : i32
      %dma_start3A_174 = tpu.memref_slice %arg2[%dma_start3A, %dma_start3A_173] : memref<10008x128xf32, #tpu.memory_space<hbm>> -> memref<10008x128xf32, #tpu.memory_space<hbm>>
      tpu.enqueue_indirect_dma source(%dma_start3A_174 : memref<10008x128xf32, #tpu.memory_space<hbm>>) target(%arg14 : memref<128x128xf32, #tpu.memory_space<vmem>>) offsets(%arg12 : memref<128xi32, #tpu.memory_space<vmem>>) semaphore(%arg21 : memref<!tpu.dma_semaphore, #tpu.memory_space<semaphore_mem>>)
      %dma_start3A_175 = arith.constant 0 : i32
      %dma_start3A_176 = arith.constant 0 : i32
      %dma_start3A_177 = tpu.memref_slice %arg11[%dma_start3A_175, %dma_start3A_176] : memref<10240x16xf32, #tpu.memory_space<vmem_shared>> -> memref<10240x16xf32, #tpu.memory_space<vmem_shared>>
      tpu.enqueue_indirect_dma source(%dma_start3A_177 : memref<10240x16xf32, #tpu.memory_space<vmem_shared>>) target(%arg15 : memref<128x16xf32, #tpu.memory_space<vmem>>) offsets(%arg12 : memref<128xi32, #tpu.memory_space<vmem>>) semaphore(%arg22 : memref<!tpu.dma_semaphore, #tpu.memory_space<semaphore_mem>>)
      %dma_start3A_178 = arith.constant 0 : i32
      %dma_start3A_179 = arith.constant 0 : i32
      %dma_start3A_180 = tpu.memref_slice %arg11[%dma_start3A_178, %dma_start3A_179] : memref<10240x16xf32, #tpu.memory_space<vmem_shared>> -> memref<10240x16xf32, #tpu.memory_space<vmem_shared>>
      tpu.enqueue_indirect_dma source(%dma_start3A_180 : memref<10240x16xf32, #tpu.memory_space<vmem_shared>>) target(%arg16 : memref<128x16xf32, #tpu.memory_space<vmem>>) offsets(%arg13 : memref<128xi32, #tpu.memory_space<vmem>>) semaphore(%arg23 : memref<!tpu.dma_semaphore, #tpu.memory_space<semaphore_mem>>)
      %dma_wait3A = arith.constant 0 : i32
      %dma_wait3A_181 = arith.constant 0 : i32
      %dma_wait3A_182 = tpu.memref_slice %arg11[%dma_wait3A, %dma_wait3A_181] : memref<10240x16xf32, #tpu.memory_space<vmem_shared>> -> memref<10240x16xf32, #tpu.memory_space<vmem_shared>>
      tpu.wait_indirect_dma semaphore(%arg22 : memref<!tpu.dma_semaphore, #tpu.memory_space<semaphore_mem>>) src(%dma_wait3A_182 : memref<10240x16xf32, #tpu.memory_space<vmem_shared>>) dst(%arg15 : memref<128x16xf32, #tpu.memory_space<vmem>>)
      %dma_wait3A_183 = arith.constant 0 : i32
      %dma_wait3A_184 = arith.constant 0 : i32
      %dma_wait3A_185 = tpu.memref_slice %arg11[%dma_wait3A_183, %dma_wait3A_184] : memref<10240x16xf32, #tpu.memory_space<vmem_shared>> -> memref<10240x16xf32, #tpu.memory_space<vmem_shared>>
      tpu.wait_indirect_dma semaphore(%arg23 : memref<!tpu.dma_semaphore, #tpu.memory_space<semaphore_mem>>) src(%dma_wait3A_185 : memref<10240x16xf32, #tpu.memory_space<vmem_shared>>) dst(%arg16 : memref<128x16xf32, #tpu.memory_space<vmem>>)
      %dma_wait3A_186 = arith.constant 0 : i32
      %dma_wait3A_187 = arith.constant 0 : i32
      %dma_wait3A_188 = tpu.memref_slice %arg2[%dma_wait3A_186, %dma_wait3A_187] : memref<10008x128xf32, #tpu.memory_space<hbm>> -> memref<10008x128xf32, #tpu.memory_space<hbm>>
      tpu.wait_indirect_dma semaphore(%arg21 : memref<!tpu.dma_semaphore, #tpu.memory_space<semaphore_mem>>) src(%dma_wait3A_188 : memref<10008x128xf32, #tpu.memory_space<hbm>>) dst(%arg14 : memref<128x128xf32, #tpu.memory_space<vmem>>)
      %scan3A_189 = arith.constant 0 : i32
      %scan3A_190 = arith.constant 128 : i32
      %scan3A_191 = arith.addi %scan3A_189, %scan3A_190 : i32
      %scan3A_192 = arith.constant 1 : i32
      scf.for %scan3A_194 = %scan3A_189 to %scan3A_191 step %scan3A_192  : i32 {
        %mul3A_195 = arith.constant 1 : i32
        %mul3A_196 = arith.muli %scan3A_194, %mul3A_195 : i32
        %add3A_197 = arith.constant 0 : i32
        %add3A_198 = arith.addi %add3A_197, %mul3A_196 : i32
        %get3A_199 = arith.index_cast %add3A_198 : i32 to index
        %get3A_200 = arith.constant 0 : index
        %get3A_201 = tpu.vector_load %arg15[%get3A_199, %get3A_200] {strides = array<i32>} : memref<128x16xf32, #tpu.memory_space<vmem>>, vector<1x16xf32>,
        %get3A_202 = vector.shape_cast %get3A_201 : vector<1x16xf32> to vector<16xf32>
        %get3A_203 = arith.index_cast %add3A_198 : i32 to index
        %get3A_204 = arith.constant 0 : index
        %get3A_205 = tpu.vector_load %arg16[%get3A_203, %get3A_204] {strides = array<i32>} : memref<128x16xf32, #tpu.memory_space<vmem>>, vector<1x16xf32>,
        %get3A_206 = vector.shape_cast %get3A_205 : vector<1x16xf32> to vector<16xf32>
        %iota3A = tpu.iota {dimensions = array<i32: 0>} : vector<16xi32>
        %jit3A = arith.constant 8 : i32
        %eq3A = arith.constant 0 : i32
        %eq3A_207 = arith.cmpi eq, %jit3A, %eq3A : i32
        %jit3A_208 = arith.constant 1 : i32
        %select_n3A = arith.select %eq3A_207, %jit3A_208, %jit3A : i32
        %rem3A = vector.broadcast %select_n3A : i32 to vector<16xi32>
        %rem3A_209 = arith.remsi %iota3A, %rem3A : vector<16xi32>
        %ne3A = arith.constant 0 : i32
        %ne3A_210 = vector.broadcast %ne3A : i32 to vector<16xi32>
        %ne3A_211 = arith.cmpi ne, %rem3A_209, %ne3A_210 : vector<16xi32>
        %lt3A = arith.constant 0 : i32
        %lt3A_212 = vector.broadcast %lt3A : i32 to vector<16xi32>
        %lt3A_213 = arith.cmpi slt, %rem3A_209, %lt3A_212 : vector<16xi32>
        %lt3A_214 = arith.constant 0 : i32
        %lt3A_215 = arith.cmpi slt, %select_n3A, %lt3A_214 : i32
        %ne3A_216 = vector.broadcast %lt3A_215 : i1 to vector<16xi1>
        %ne3A_217 = vector.broadcast %ne3A_216 : vector<16xi1> to vector<16xi1>
        %ne3A_218 = arith.xori %lt3A_213, %ne3A_217 : vector<16xi1>
        %and3A = arith.andi %ne3A_218, %ne3A_211 : vector<16xi1>
        %add3A_219 = vector.broadcast %select_n3A : i32 to vector<16xi32>
        %add3A_220 = arith.addi %rem3A_209, %add3A_219 : vector<16xi32>
        %select_n3A_221 = arith.select %and3A, %add3A_220, %rem3A_209 : vector<16xi1>, vector<16xi32>
        %add3A_222 = arith.constant 8 : i32
        %add3A_223 = vector.broadcast %add3A_222 : i32 to vector<16xi32>
        %add3A_224 = arith.addi %select_n3A_221, %add3A_223 : vector<16xi32>
        %reshape3A = vector.shape_cast %add3A_224 : vector<16xi32> to vector<16x1xi32>
        %gather3A = vector.shape_cast %reshape3A : vector<16x1xi32> to vector<16xi32>
        %gather3A_225 = tpu.dynamic_gather %get3A_206[%gather3A] in [0] : vector<16xf32>, vector<16xi32> -> vector<16xf32>
        %add3A_226 = arith.addf %get3A_202, %gather3A_225 : vector<16xf32>
        %gt3A = arith.constant 0.000000e+00 : f32
        %gt3A_227 = vector.broadcast %gt3A : f32 to vector<16xf32>
        %gt3A_228 = arith.cmpf ogt, %add3A_226, %gt3A_227 : vector<16xf32>
        %mul3A_229 = arith.constant 2.000000e-01 : f32
        %mul3A_230 = vector.broadcast %mul3A_229 : f32 to vector<16xf32>
        %mul3A_231 = arith.mulf %mul3A_230, %add3A_226 : vector<16xf32>
        %select_n3A_232 = arith.select %gt3A_228, %add3A_226, %mul3A_231 : vector<16xi1>, vector<16xf32>
        %sub3A = arith.subf %select_n3A_232, %get3A_88 : vector<16xf32>
        %exp3A = math.exp %sub3A : vector<16xf32>
        %swap3A = arith.index_cast %add3A_198 : i32 to index
        %swap3A_233 = arith.constant 0 : index
        %swap3A_234 = tpu.vector_load %arg17[%swap3A, %swap3A_233] {strides = array<i32>} : memref<128x16xf32, #tpu.memory_space<vmem>>, vector<1x16xf32>,
        %swap3A_235 = vector.shape_cast %swap3A_234 : vector<1x16xf32> to vector<16xf32>
        %swap3A_236 = vector.shape_cast %exp3A : vector<16xf32> to vector<1x16xf32>
        tpu.vector_store %arg17[%swap3A, %swap3A_233], %swap3A_236 {strides = array<i32>} : memref<128x16xf32, #tpu.memory_space<vmem>>, vector<1x16xf32>,
        %broadcast_in_dim3A_237 = arith.constant 0 : i32
        %broadcast_in_dim3A_238 = vector.broadcast %broadcast_in_dim3A_237 : i32 to vector<16xi32>
        %reshape3A_239 = vector.shape_cast %broadcast_in_dim3A_238 : vector<16xi32> to vector<16x1xi32>
        %gather3A_240 = vector.shape_cast %reshape3A_239 : vector<16x1xi32> to vector<16xi32>
        %gather3A_241 = tpu.dynamic_gather %exp3A[%gather3A_240] in [0] : vector<16xf32>, vector<16xi32> -> vector<16xf32>
        %get3A_242 = arith.index_cast %add3A_198 : i32 to index
        %get3A_243 = arith.constant 0 : index
        %get3A_244 = tpu.vector_load %arg14[%get3A_242, %get3A_243] {strides = array<i32>} : memref<128x128xf32, #tpu.memory_space<vmem>>, vector<1x16xf32>,
        %get3A_245 = vector.shape_cast %get3A_244 : vector<1x16xf32> to vector<16xf32>
        %mul3A_246 = arith.mulf %get3A_245, %gather3A_241 : vector<16xf32>
        %swap3A_247 = arith.index_cast %add3A_198 : i32 to index
        %swap3A_248 = arith.constant 0 : index
        %swap3A_249 = tpu.vector_load %arg14[%swap3A_247, %swap3A_248] {strides = array<i32>} : memref<128x128xf32, #tpu.memory_space<vmem>>, vector<1x16xf32>,
        %swap3A_250 = vector.shape_cast %swap3A_249 : vector<1x16xf32> to vector<16xf32>
        %swap3A_251 = vector.shape_cast %mul3A_246 : vector<16xf32> to vector<1x16xf32>
        tpu.vector_store %arg14[%swap3A_247, %swap3A_248], %swap3A_251 {strides = array<i32>} : memref<128x128xf32, #tpu.memory_space<vmem>>, vector<1x16xf32>,
        %broadcast_in_dim3A_252 = arith.constant 1 : i32
        %broadcast_in_dim3A_253 = vector.broadcast %broadcast_in_dim3A_252 : i32 to vector<16xi32>
        %reshape3A_254 = vector.shape_cast %broadcast_in_dim3A_253 : vector<16xi32> to vector<16x1xi32>
        %gather3A_255 = vector.shape_cast %reshape3A_254 : vector<16x1xi32> to vector<16xi32>
        %gather3A_256 = tpu.dynamic_gather %exp3A[%gather3A_255] in [0] : vector<16xf32>, vector<16xi32> -> vector<16xf32>
        %get3A_257 = arith.index_cast %add3A_198 : i32 to index
        %get3A_258 = arith.constant 16 : index
        %get3A_259 = tpu.vector_load %arg14[%get3A_257, %get3A_258] {strides = array<i32>} : memref<128x128xf32, #tpu.memory_space<vmem>>, vector<1x16xf32>,
        %get3A_260 = vector.shape_cast %get3A_259 : vector<1x16xf32> to vector<16xf32>
        %mul3A_261 = arith.mulf %get3A_260, %gather3A_256 : vector<16xf32>
        %swap3A_262 = arith.index_cast %add3A_198 : i32 to index
        %swap3A_263 = arith.constant 16 : index
        %swap3A_264 = tpu.vector_load %arg14[%swap3A_262, %swap3A_263] {strides = array<i32>} : memref<128x128xf32, #tpu.memory_space<vmem>>, vector<1x16xf32>,
        %swap3A_265 = vector.shape_cast %swap3A_264 : vector<1x16xf32> to vector<16xf32>
        %swap3A_266 = vector.shape_cast %mul3A_261 : vector<16xf32> to vector<1x16xf32>
        tpu.vector_store %arg14[%swap3A_262, %swap3A_263], %swap3A_266 {strides = array<i32>} : memref<128x128xf32, #tpu.memory_space<vmem>>, vector<1x16xf32>,
        %broadcast_in_dim3A_267 = arith.constant 2 : i32
        %broadcast_in_dim3A_268 = vector.broadcast %broadcast_in_dim3A_267 : i32 to vector<16xi32>
        %reshape3A_269 = vector.shape_cast %broadcast_in_dim3A_268 : vector<16xi32> to vector<16x1xi32>
        %gather3A_270 = vector.shape_cast %reshape3A_269 : vector<16x1xi32> to vector<16xi32>
        %gather3A_271 = tpu.dynamic_gather %exp3A[%gather3A_270] in [0] : vector<16xf32>, vector<16xi32> -> vector<16xf32>
        %get3A_272 = arith.index_cast %add3A_198 : i32 to index
        %get3A_273 = arith.constant 32 : index
        %get3A_274 = tpu.vector_load %arg14[%get3A_272, %get3A_273] {strides = array<i32>} : memref<128x128xf32, #tpu.memory_space<vmem>>, vector<1x16xf32>,
        %get3A_275 = vector.shape_cast %get3A_274 : vector<1x16xf32> to vector<16xf32>
        %mul3A_276 = arith.mulf %get3A_275, %gather3A_271 : vector<16xf32>
        %swap3A_277 = arith.index_cast %add3A_198 : i32 to index
        %swap3A_278 = arith.constant 32 : index
        %swap3A_279 = tpu.vector_load %arg14[%swap3A_277, %swap3A_278] {strides = array<i32>} : memref<128x128xf32, #tpu.memory_space<vmem>>, vector<1x16xf32>,
        %swap3A_280 = vector.shape_cast %swap3A_279 : vector<1x16xf32> to vector<16xf32>
        %swap3A_281 = vector.shape_cast %mul3A_276 : vector<16xf32> to vector<1x16xf32>
        tpu.vector_store %arg14[%swap3A_277, %swap3A_278], %swap3A_281 {strides = array<i32>} : memref<128x128xf32, #tpu.memory_space<vmem>>, vector<1x16xf32>,
        %broadcast_in_dim3A_282 = arith.constant 3 : i32
        %broadcast_in_dim3A_283 = vector.broadcast %broadcast_in_dim3A_282 : i32 to vector<16xi32>
        %reshape3A_284 = vector.shape_cast %broadcast_in_dim3A_283 : vector<16xi32> to vector<16x1xi32>
        %gather3A_285 = vector.shape_cast %reshape3A_284 : vector<16x1xi32> to vector<16xi32>
        %gather3A_286 = tpu.dynamic_gather %exp3A[%gather3A_285] in [0] : vector<16xf32>, vector<16xi32> -> vector<16xf32>
        %get3A_287 = arith.index_cast %add3A_198 : i32 to index
        %get3A_288 = arith.constant 48 : index
        %get3A_289 = tpu.vector_load %arg14[%get3A_287, %get3A_288] {strides = array<i32>} : memref<128x128xf32, #tpu.memory_space<vmem>>, vector<1x16xf32>,
        %get3A_290 = vector.shape_cast %get3A_289 : vector<1x16xf32> to vector<16xf32>
        %mul3A_291 = arith.mulf %get3A_290, %gather3A_286 : vector<16xf32>
        %swap3A_292 = arith.index_cast %add3A_198 : i32 to index
        %swap3A_293 = arith.constant 48 : index
        %swap3A_294 = tpu.vector_load %arg14[%swap3A_292, %swap3A_293] {strides = array<i32>} : memref<128x128xf32, #tpu.memory_space<vmem>>, vector<1x16xf32>,
        %swap3A_295 = vector.shape_cast %swap3A_294 : vector<1x16xf32> to vector<16xf32>
        %swap3A_296 = vector.shape_cast %mul3A_291 : vector<16xf32> to vector<1x16xf32>
        tpu.vector_store %arg14[%swap3A_292, %swap3A_293], %swap3A_296 {strides = array<i32>} : memref<128x128xf32, #tpu.memory_space<vmem>>, vector<1x16xf32>,
        %broadcast_in_dim3A_297 = arith.constant 4 : i32
        %broadcast_in_dim3A_298 = vector.broadcast %broadcast_in_dim3A_297 : i32 to vector<16xi32>
        %reshape3A_299 = vector.shape_cast %broadcast_in_dim3A_298 : vector<16xi32> to vector<16x1xi32>
        %gather3A_300 = vector.shape_cast %reshape3A_299 : vector<16x1xi32> to vector<16xi32>
        %gather3A_301 = tpu.dynamic_gather %exp3A[%gather3A_300] in [0] : vector<16xf32>, vector<16xi32> -> vector<16xf32>
        %get3A_302 = arith.index_cast %add3A_198 : i32 to index
        %get3A_303 = arith.constant 64 : index
        %get3A_304 = tpu.vector_load %arg14[%get3A_302, %get3A_303] {strides = array<i32>} : memref<128x128xf32, #tpu.memory_space<vmem>>, vector<1x16xf32>,
        %get3A_305 = vector.shape_cast %get3A_304 : vector<1x16xf32> to vector<16xf32>
        %mul3A_306 = arith.mulf %get3A_305, %gather3A_301 : vector<16xf32>
        %swap3A_307 = arith.index_cast %add3A_198 : i32 to index
        %swap3A_308 = arith.constant 64 : index
        %swap3A_309 = tpu.vector_load %arg14[%swap3A_307, %swap3A_308] {strides = array<i32>} : memref<128x128xf32, #tpu.memory_space<vmem>>, vector<1x16xf32>,
        %swap3A_310 = vector.shape_cast %swap3A_309 : vector<1x16xf32> to vector<16xf32>
        %swap3A_311 = vector.shape_cast %mul3A_306 : vector<16xf32> to vector<1x16xf32>
        tpu.vector_store %arg14[%swap3A_307, %swap3A_308], %swap3A_311 {strides = array<i32>} : memref<128x128xf32, #tpu.memory_space<vmem>>, vector<1x16xf32>,
        %broadcast_in_dim3A_312 = arith.constant 5 : i32
        %broadcast_in_dim3A_313 = vector.broadcast %broadcast_in_dim3A_312 : i32 to vector<16xi32>
        %reshape3A_314 = vector.shape_cast %broadcast_in_dim3A_313 : vector<16xi32> to vector<16x1xi32>
        %gather3A_315 = vector.shape_cast %reshape3A_314 : vector<16x1xi32> to vector<16xi32>
        %gather3A_316 = tpu.dynamic_gather %exp3A[%gather3A_315] in [0] : vector<16xf32>, vector<16xi32> -> vector<16xf32>
        %get3A_317 = arith.index_cast %add3A_198 : i32 to index
        %get3A_318 = arith.constant 80 : index
        %get3A_319 = tpu.vector_load %arg14[%get3A_317, %get3A_318] {strides = array<i32>} : memref<128x128xf32, #tpu.memory_space<vmem>>, vector<1x16xf32>,
        %get3A_320 = vector.shape_cast %get3A_319 : vector<1x16xf32> to vector<16xf32>
        %mul3A_321 = arith.mulf %get3A_320, %gather3A_316 : vector<16xf32>
        %swap3A_322 = arith.index_cast %add3A_198 : i32 to index
        %swap3A_323 = arith.constant 80 : index
        %swap3A_324 = tpu.vector_load %arg14[%swap3A_322, %swap3A_323] {strides = array<i32>} : memref<128x128xf32, #tpu.memory_space<vmem>>, vector<1x16xf32>,
        %swap3A_325 = vector.shape_cast %swap3A_324 : vector<1x16xf32> to vector<16xf32>
        %swap3A_326 = vector.shape_cast %mul3A_321 : vector<16xf32> to vector<1x16xf32>
        tpu.vector_store %arg14[%swap3A_322, %swap3A_323], %swap3A_326 {strides = array<i32>} : memref<128x128xf32, #tpu.memory_space<vmem>>, vector<1x16xf32>,
        %broadcast_in_dim3A_327 = arith.constant 6 : i32
        %broadcast_in_dim3A_328 = vector.broadcast %broadcast_in_dim3A_327 : i32 to vector<16xi32>
        %reshape3A_329 = vector.shape_cast %broadcast_in_dim3A_328 : vector<16xi32> to vector<16x1xi32>
        %gather3A_330 = vector.shape_cast %reshape3A_329 : vector<16x1xi32> to vector<16xi32>
        %gather3A_331 = tpu.dynamic_gather %exp3A[%gather3A_330] in [0] : vector<16xf32>, vector<16xi32> -> vector<16xf32>
        %get3A_332 = arith.index_cast %add3A_198 : i32 to index
        %get3A_333 = arith.constant 96 : index
        %get3A_334 = tpu.vector_load %arg14[%get3A_332, %get3A_333] {strides = array<i32>} : memref<128x128xf32, #tpu.memory_space<vmem>>, vector<1x16xf32>,
        %get3A_335 = vector.shape_cast %get3A_334 : vector<1x16xf32> to vector<16xf32>
        %mul3A_336 = arith.mulf %get3A_335, %gather3A_331 : vector<16xf32>
        %swap3A_337 = arith.index_cast %add3A_198 : i32 to index
        %swap3A_338 = arith.constant 96 : index
        %swap3A_339 = tpu.vector_load %arg14[%swap3A_337, %swap3A_338] {strides = array<i32>} : memref<128x128xf32, #tpu.memory_space<vmem>>, vector<1x16xf32>,
        %swap3A_340 = vector.shape_cast %swap3A_339 : vector<1x16xf32> to vector<16xf32>
        %swap3A_341 = vector.shape_cast %mul3A_336 : vector<16xf32> to vector<1x16xf32>
        tpu.vector_store %arg14[%swap3A_337, %swap3A_338], %swap3A_341 {strides = array<i32>} : memref<128x128xf32, #tpu.memory_space<vmem>>, vector<1x16xf32>,
        %broadcast_in_dim3A_342 = arith.constant 7 : i32
        %broadcast_in_dim3A_343 = vector.broadcast %broadcast_in_dim3A_342 : i32 to vector<16xi32>
        %reshape3A_344 = vector.shape_cast %broadcast_in_dim3A_343 : vector<16xi32> to vector<16x1xi32>
        %gather3A_345 = vector.shape_cast %reshape3A_344 : vector<16x1xi32> to vector<16xi32>
        %gather3A_346 = tpu.dynamic_gather %exp3A[%gather3A_345] in [0] : vector<16xf32>, vector<16xi32> -> vector<16xf32>
        %get3A_347 = arith.index_cast %add3A_198 : i32 to index
        %get3A_348 = arith.constant 112 : index
        %get3A_349 = tpu.vector_load %arg14[%get3A_347, %get3A_348] {strides = array<i32>} : memref<128x128xf32, #tpu.memory_space<vmem>>, vector<1x16xf32>,
        %get3A_350 = vector.shape_cast %get3A_349 : vector<1x16xf32> to vector<16xf32>
        %mul3A_351 = arith.mulf %get3A_350, %gather3A_346 : vector<16xf32>
        %swap3A_352 = arith.index_cast %add3A_198 : i32 to index
        %swap3A_353 = arith.constant 112 : index
        %swap3A_354 = tpu.vector_load %arg14[%swap3A_352, %swap3A_353] {strides = array<i32>} : memref<128x128xf32, #tpu.memory_space<vmem>>, vector<1x16xf32>,
        %swap3A_355 = vector.shape_cast %swap3A_354 : vector<1x16xf32> to vector<16xf32>
        %swap3A_356 = vector.shape_cast %mul3A_351 : vector<16xf32> to vector<1x16xf32>
        tpu.vector_store %arg14[%swap3A_352, %swap3A_353], %swap3A_356 {strides = array<i32>} : memref<128x128xf32, #tpu.memory_space<vmem>>, vector<1x16xf32>,
      }
      %scan3A_193 = arith.constant 128 : i32
      "tpu.region"() ({
        %run_scoped3A = tpu.sem_alloc : memref<!tpu.dma_semaphore, #tpu.memory_space<semaphore_mem>>
        %dma_start3A_194 = arith.constant 0 : i32
        %dma_start3A_195 = arith.constant 0 : i32
        %dma_start3A_196 = tpu.memref_slice %arg9[%dma_start3A_194, %dma_start3A_195] : memref<10000x128xf32, #tpu.memory_space<vmem_shared>> -> memref<10000x128xf32, #tpu.memory_space<vmem_shared>>
        tpu.enqueue_indirect_dma source(%arg14 : memref<128x128xf32, #tpu.memory_space<vmem>>) target(%dma_start3A_196 : memref<10000x128xf32, #tpu.memory_space<vmem_shared>>) offsets(%arg13 : memref<128xi32, #tpu.memory_space<vmem>>) semaphore(%run_scoped3A : memref<!tpu.dma_semaphore, #tpu.memory_space<semaphore_mem>>) {add = true}
        %dma_wait3A_197 = arith.constant 0 : i32
        %dma_wait3A_198 = arith.constant 0 : i32
        %dma_wait3A_199 = tpu.memref_slice %arg9[%dma_wait3A_197, %dma_wait3A_198] : memref<10000x128xf32, #tpu.memory_space<vmem_shared>> -> memref<10000x128xf32, #tpu.memory_space<vmem_shared>>
        tpu.wait_indirect_dma semaphore(%run_scoped3A : memref<!tpu.dma_semaphore, #tpu.memory_space<semaphore_mem>>) src(%arg14 : memref<128x128xf32, #tpu.memory_space<vmem>>) dst(%dma_wait3A_199 : memref<10000x128xf32, #tpu.memory_space<vmem_shared>>)
        tpu.yield
      }) : () -> ()
      "tpu.region"() ({
        %run_scoped3A = tpu.sem_alloc : memref<!tpu.dma_semaphore, #tpu.memory_space<semaphore_mem>>
        %dma_start3A_194 = arith.constant 0 : i32
        %dma_start3A_195 = arith.constant 0 : i32
        %dma_start3A_196 = tpu.memref_slice %arg10[%dma_start3A_194, %dma_start3A_195] : memref<10000x16xf32, #tpu.memory_space<vmem_shared>> -> memref<10000x16xf32, #tpu.memory_space<vmem_shared>>
        tpu.enqueue_indirect_dma source(%arg17 : memref<128x16xf32, #tpu.memory_space<vmem>>) target(%dma_start3A_196 : memref<10000x16xf32, #tpu.memory_space<vmem_shared>>) offsets(%arg13 : memref<128xi32, #tpu.memory_space<vmem>>) semaphore(%run_scoped3A : memref<!tpu.dma_semaphore, #tpu.memory_space<semaphore_mem>>) {add = true}
        %dma_wait3A_197 = arith.constant 0 : i32
        %dma_wait3A_198 = arith.constant 0 : i32
        %dma_wait3A_199 = tpu.memref_slice %arg10[%dma_wait3A_197, %dma_wait3A_198] : memref<10000x16xf32, #tpu.memory_space<vmem_shared>> -> memref<10000x16xf32, #tpu.memory_space<vmem_shared>>
        tpu.wait_indirect_dma semaphore(%run_scoped3A : memref<!tpu.dma_semaphore, #tpu.memory_space<semaphore_mem>>) src(%arg17 : memref<128x16xf32, #tpu.memory_space<vmem>>) dst(%dma_wait3A_199 : memref<10000x16xf32, #tpu.memory_space<vmem_shared>>)
        tpu.yield
      }) : () -> ()
    }
    %scan3A_93 = arith.constant 81 : i32
    %barrier3A_94 = arith.constant 0 : index
    tpu.barrier barrier_id(%barrier3A_94)
    "tpu.region"() ({
      %run_scoped3A = tpu.sem_alloc : memref<!tpu.dma_semaphore, #tpu.memory_space<semaphore_mem>>
      %dma_start3A = arith.constant 0 : i32
      %dma_start3A_165 = tpu.memref_slice %arg7[%arg0, %mul3A_5, %dma_start3A] : memref<2x10000x128xf32, #tpu.memory_space<hbm>> -> memref<1x625x128xf32, #tpu.memory_space<hbm>>
      %dma_start3A_166 = tpu.memref_squeeze %dma_start3A_165 : memref<1x625x128xf32, #tpu.memory_space<hbm>> -> memref<625x128xf32, #tpu.memory_space<hbm>>
      %dma_start3A_167 = arith.constant 0 : i32
      %dma_start3A_168 = tpu.memref_slice %arg9[%mul3A_5, %dma_start3A_167] : memref<10000x128xf32, #tpu.memory_space<vmem_shared>> -> memref<625x128xf32, #tpu.memory_space<vmem_shared>>
      tpu.enqueue_dma source(%dma_start3A_168 : memref<625x128xf32, #tpu.memory_space<vmem_shared>>) target(%dma_start3A_166 : memref<625x128xf32, #tpu.memory_space<hbm>>) target_semaphore(%run_scoped3A : memref<!tpu.dma_semaphore, #tpu.memory_space<semaphore_mem>>)
      %dma_wait3A = arith.constant 0 : i32
      %dma_wait3A_169 = tpu.memref_slice %arg7[%arg0, %mul3A_5, %dma_wait3A] : memref<2x10000x128xf32, #tpu.memory_space<hbm>> -> memref<1x625x128xf32, #tpu.memory_space<hbm>>
      %dma_wait3A_170 = tpu.memref_squeeze %dma_wait3A_169 : memref<1x625x128xf32, #tpu.memory_space<hbm>> -> memref<625x128xf32, #tpu.memory_space<hbm>>
      %dma_wait3A_171 = arith.constant 0 : i32
      %dma_wait3A_172 = tpu.memref_slice %arg9[%mul3A_5, %dma_wait3A_171] : memref<10000x128xf32, #tpu.memory_space<vmem_shared>> -> memref<625x128xf32, #tpu.memory_space<vmem_shared>>
      tpu.wait_dma2 semaphore(%run_scoped3A : memref<!tpu.dma_semaphore, #tpu.memory_space<semaphore_mem>>) src(%dma_wait3A_172 : memref<625x128xf32, #tpu.memory_space<vmem_shared>>) dst(%dma_wait3A_170 : memref<625x128xf32, #tpu.memory_space<hbm>>)
      tpu.yield
    }) : () -> ()
    %add3A_95 = arith.constant 0 : i32
    %add3A_96 = arith.addi %mul3A_5, %add3A_95 : i32
    "tpu.region"() ({
      %run_scoped3A = tpu.sem_alloc : memref<!tpu.dma_semaphore, #tpu.memory_space<semaphore_mem>>
      %dma_start3A = arith.constant 0 : i32
      %dma_start3A_165 = arith.constant 0 : i32
      %dma_start3A_166 = tpu.memref_slice %arg19[%dma_start3A, %dma_start3A_165] : memref<128x16xf32, #tpu.memory_space<vmem>> -> memref<125x16xf32, #tpu.memory_space<vmem>>
      %dma_start3A_167 = arith.constant 0 : i32
      %dma_start3A_168 = tpu.memref_slice %arg10[%add3A_96, %dma_start3A_167] : memref<10000x16xf32, #tpu.memory_space<vmem_shared>> -> memref<125x16xf32, #tpu.memory_space<vmem_shared>>
      %dma_start3A_169 = arith.constant 0 : i32
      %dma_start3A_170 = arith.constant 0 : i32
      %dma_start3A_171 = tpu.memref_slice %arg19[%dma_start3A_169, %dma_start3A_170] : memref<128x16xf32, #tpu.memory_space<vmem>> -> memref<125x16xf32, #tpu.memory_space<vmem>>
      %dma_start3A_172 = arith.constant 0 : i32
      %dma_start3A_173 = tpu.memref_slice %arg10[%add3A_96, %dma_start3A_172] : memref<10000x16xf32, #tpu.memory_space<vmem_shared>> -> memref<125x16xf32, #tpu.memory_space<vmem_shared>>
      tpu.enqueue_dma source(%dma_start3A_173 : memref<125x16xf32, #tpu.memory_space<vmem_shared>>) target(%dma_start3A_171 : memref<125x16xf32, #tpu.memory_space<vmem>>) target_semaphore(%run_scoped3A : memref<!tpu.dma_semaphore, #tpu.memory_space<semaphore_mem>>)
      %dma_wait3A = arith.constant 0 : i32
      %dma_wait3A_174 = arith.constant 0 : i32
      %dma_wait3A_175 = tpu.memref_slice %arg19[%dma_wait3A, %dma_wait3A_174] : memref<128x16xf32, #tpu.memory_space<vmem>> -> memref<125x16xf32, #tpu.memory_space<vmem>>
      %dma_wait3A_176 = arith.constant 0 : i32
      %dma_wait3A_177 = tpu.memref_slice %arg10[%add3A_96, %dma_wait3A_176] : memref<10000x16xf32, #tpu.memory_space<vmem_shared>> -> memref<125x16xf32, #tpu.memory_space<vmem_shared>>
      %dma_wait3A_178 = arith.constant 0 : i32
      %dma_wait3A_179 = arith.constant 0 : i32
      %dma_wait3A_180 = tpu.memref_slice %arg19[%dma_wait3A_178, %dma_wait3A_179] : memref<128x16xf32, #tpu.memory_space<vmem>> -> memref<125x16xf32, #tpu.memory_space<vmem>>
      %dma_wait3A_181 = arith.constant 0 : i32
      %dma_wait3A_182 = tpu.memref_slice %arg10[%add3A_96, %dma_wait3A_181] : memref<10000x16xf32, #tpu.memory_space<vmem_shared>> -> memref<125x16xf32, #tpu.memory_space<vmem_shared>>
      tpu.wait_dma2 semaphore(%run_scoped3A : memref<!tpu.dma_semaphore, #tpu.memory_space<semaphore_mem>>) src(%dma_wait3A_182 : memref<125x16xf32, #tpu.memory_space<vmem_shared>>) dst(%dma_wait3A_180 : memref<125x16xf32, #tpu.memory_space<vmem>>)
      tpu.yield
    }) : () -> ()
    %scan3A_97 = arith.constant 0 : i32
    %scan3A_98 = arith.constant 125 : i32
    %scan3A_99 = arith.addi %scan3A_97, %scan3A_98 : i32
    %scan3A_100 = arith.constant 1 : i32
    scf.for %scan3A_165 = %scan3A_97 to %scan3A_99 step %scan3A_100  : i32 {
      %mul3A_166 = arith.constant 1 : i32
      %mul3A_167 = arith.muli %scan3A_165, %mul3A_166 : i32
      %add3A_168 = arith.constant 0 : i32
      %add3A_169 = arith.addi %add3A_168, %mul3A_167 : i32
      %get3A_170 = arith.index_cast %add3A_169 : i32 to index
      %get3A_171 = arith.constant 0 : index
      %get3A_172 = tpu.vector_load %arg19[%get3A_170, %get3A_171] {strides = array<i32>} : memref<128x16xf32, #tpu.memory_space<vmem>>, vector<1x16xf32>,
      %get3A_173 = vector.shape_cast %get3A_172 : vector<1x16xf32> to vector<16xf32>
      %mul3A_174 = arith.constant 16 : i32
      %mul3A_175 = arith.muli %add3A_169, %mul3A_174 : i32
      %swap3A = arith.index_cast %mul3A_175 : i32 to index
      %swap3A_176 = tpu.vector_load %arg18[%swap3A] {strides = array<i32>} : memref<2048xf32, #tpu.memory_space<vmem>>, vector<16xf32>,
      %swap3A_177 = vector.shape_cast %swap3A_176 : vector<16xf32> to vector<16xf32>
      %swap3A_178 = vector.shape_cast %get3A_173 : vector<16xf32> to vector<16xf32>
      tpu.vector_store %arg18[%swap3A], %swap3A_178 {strides = array<i32>} : memref<2048xf32, #tpu.memory_space<vmem>>, vector<16xf32>,
    }
    %scan3A_101 = arith.constant 125 : i32
    %mul3A_102 = arith.constant 10000 : i32
    %mul3A_103 = arith.muli %arg0, %mul3A_102 : i32
    %add3A_104 = arith.addi %mul3A_103, %mul3A_5 : i32
    %add3A_105 = arith.constant 0 : i32
    %add3A_106 = arith.addi %add3A_104, %add3A_105 : i32
    %mul3A_107 = arith.constant 16 : i32
    %mul3A_108 = arith.muli %add3A_106, %mul3A_107 : i32
    "tpu.region"() ({
      %run_scoped3A = tpu.sem_alloc : memref<!tpu.dma_semaphore, #tpu.memory_space<semaphore_mem>>
      %dma_start3A = arith.constant 0 : i32
      %dma_start3A_165 = tpu.memref_slice %arg18[%dma_start3A] : memref<2048xf32, #tpu.memory_space<vmem>> -> memref<2000xf32, #tpu.memory_space<vmem>>
      %dma_start3A_166 = tpu.memref_slice %arg8[%mul3A_108] : memref<320000xf32, #tpu.memory_space<hbm>> -> memref<2000xf32, #tpu.memory_space<hbm>>
      %dma_start3A_167 = tpu.memref_slice %arg8[%mul3A_108] : memref<320000xf32, #tpu.memory_space<hbm>> -> memref<2000xf32, #tpu.memory_space<hbm>>
      %dma_start3A_168 = arith.constant 0 : i32
      %dma_start3A_169 = tpu.memref_slice %arg18[%dma_start3A_168] : memref<2048xf32, #tpu.memory_space<vmem>> -> memref<2000xf32, #tpu.memory_space<vmem>>
      tpu.enqueue_dma source(%dma_start3A_169 : memref<2000xf32, #tpu.memory_space<vmem>>) target(%dma_start3A_167 : memref<2000xf32, #tpu.memory_space<hbm>>) target_semaphore(%run_scoped3A : memref<!tpu.dma_semaphore, #tpu.memory_space<semaphore_mem>>)
      %dma_wait3A = arith.constant 0 : i32
      %dma_wait3A_170 = tpu.memref_slice %arg18[%dma_wait3A] : memref<2048xf32, #tpu.memory_space<vmem>> -> memref<2000xf32, #tpu.memory_space<vmem>>
      %dma_wait3A_171 = tpu.memref_slice %arg8[%mul3A_108] : memref<320000xf32, #tpu.memory_space<hbm>> -> memref<2000xf32, #tpu.memory_space<hbm>>
      %dma_wait3A_172 = tpu.memref_slice %arg8[%mul3A_108] : memref<320000xf32, #tpu.memory_space<hbm>> -> memref<2000xf32, #tpu.memory_space<hbm>>
      %dma_wait3A_173 = arith.constant 0 : i32
      %dma_wait3A_174 = tpu.memref_slice %arg18[%dma_wait3A_173] : memref<2048xf32, #tpu.memory_space<vmem>> -> memref<2000xf32, #tpu.memory_space<vmem>>
      tpu.wait_dma2 semaphore(%run_scoped3A : memref<!tpu.dma_semaphore, #tpu.memory_space<semaphore_mem>>) src(%dma_wait3A_174 : memref<2000xf32, #tpu.memory_space<vmem>>) dst(%dma_wait3A_172 : memref<2000xf32, #tpu.memory_space<hbm>>)
      tpu.yield
    }) : () -> ()
    %add3A_109 = arith.constant 125 : i32
    %add3A_110 = arith.addi %mul3A_5, %add3A_109 : i32
    "tpu.region"() ({
      %run_scoped3A = tpu.sem_alloc : memref<!tpu.dma_semaphore, #tpu.memory_space<semaphore_mem>>
      %dma_start3A = arith.constant 0 : i32
      %dma_start3A_165 = arith.constant 0 : i32
      %dma_start3A_166 = tpu.memref_slice %arg19[%dma_start3A, %dma_start3A_165] : memref<128x16xf32, #tpu.memory_space<vmem>> -> memref<125x16xf32, #tpu.memory_space<vmem>>
      %dma_start3A_167 = arith.constant 0 : i32
      %dma_start3A_168 = tpu.memref_slice %arg10[%add3A_110, %dma_start3A_167] : memref<10000x16xf32, #tpu.memory_space<vmem_shared>> -> memref<125x16xf32, #tpu.memory_space<vmem_shared>>
      %dma_start3A_169 = arith.constant 0 : i32
      %dma_start3A_170 = arith.constant 0 : i32
      %dma_start3A_171 = tpu.memref_slice %arg19[%dma_start3A_169, %dma_start3A_170] : memref<128x16xf32, #tpu.memory_space<vmem>> -> memref<125x16xf32, #tpu.memory_space<vmem>>
      %dma_start3A_172 = arith.constant 0 : i32
      %dma_start3A_173 = tpu.memref_slice %arg10[%add3A_110, %dma_start3A_172] : memref<10000x16xf32, #tpu.memory_space<vmem_shared>> -> memref<125x16xf32, #tpu.memory_space<vmem_shared>>
      tpu.enqueue_dma source(%dma_start3A_173 : memref<125x16xf32, #tpu.memory_space<vmem_shared>>) target(%dma_start3A_171 : memref<125x16xf32, #tpu.memory_space<vmem>>) target_semaphore(%run_scoped3A : memref<!tpu.dma_semaphore, #tpu.memory_space<semaphore_mem>>)
      %dma_wait3A = arith.constant 0 : i32
      %dma_wait3A_174 = arith.constant 0 : i32
      %dma_wait3A_175 = tpu.memref_slice %arg19[%dma_wait3A, %dma_wait3A_174] : memref<128x16xf32, #tpu.memory_space<vmem>> -> memref<125x16xf32, #tpu.memory_space<vmem>>
      %dma_wait3A_176 = arith.constant 0 : i32
      %dma_wait3A_177 = tpu.memref_slice %arg10[%add3A_110, %dma_wait3A_176] : memref<10000x16xf32, #tpu.memory_space<vmem_shared>> -> memref<125x16xf32, #tpu.memory_space<vmem_shared>>
      %dma_wait3A_178 = arith.constant 0 : i32
      %dma_wait3A_179 = arith.constant 0 : i32
      %dma_wait3A_180 = tpu.memref_slice %arg19[%dma_wait3A_178, %dma_wait3A_179] : memref<128x16xf32, #tpu.memory_space<vmem>> -> memref<125x16xf32, #tpu.memory_space<vmem>>
      %dma_wait3A_181 = arith.constant 0 : i32
      %dma_wait3A_182 = tpu.memref_slice %arg10[%add3A_110, %dma_wait3A_181] : memref<10000x16xf32, #tpu.memory_space<vmem_shared>> -> memref<125x16xf32, #tpu.memory_space<vmem_shared>>
      tpu.wait_dma2 semaphore(%run_scoped3A : memref<!tpu.dma_semaphore, #tpu.memory_space<semaphore_mem>>) src(%dma_wait3A_182 : memref<125x16xf32, #tpu.memory_space<vmem_shared>>) dst(%dma_wait3A_180 : memref<125x16xf32, #tpu.memory_space<vmem>>)
      tpu.yield
    }) : () -> ()
    %scan3A_111 = arith.constant 0 : i32
    %scan3A_112 = arith.constant 125 : i32
    %scan3A_113 = arith.addi %scan3A_111, %scan3A_112 : i32
    %scan3A_114 = arith.constant 1 : i32
    scf.for %scan3A_165 = %scan3A_111 to %scan3A_113 step %scan3A_114  : i32 {
      %mul3A_166 = arith.constant 1 : i32
      %mul3A_167 = arith.muli %scan3A_165, %mul3A_166 : i32
      %add3A_168 = arith.constant 0 : i32
      %add3A_169 = arith.addi %add3A_168, %mul3A_167 : i32
      %get3A_170 = arith.index_cast %add3A_169 : i32 to index
      %get3A_171 = arith.constant 0 : index
      %get3A_172 = tpu.vector_load %arg19[%get3A_170, %get3A_171] {strides = array<i32>} : memref<128x16xf32, #tpu.memory_space<vmem>>, vector<1x16xf32>,
      %get3A_173 = vector.shape_cast %get3A_172 : vector<1x16xf32> to vector<16xf32>
      %mul3A_174 = arith.constant 16 : i32
      %mul3A_175 = arith.muli %add3A_169, %mul3A_174 : i32
      %swap3A = arith.index_cast %mul3A_175 : i32 to index
      %swap3A_176 = tpu.vector_load %arg18[%swap3A] {strides = array<i32>} : memref<2048xf32, #tpu.memory_space<vmem>>, vector<16xf32>,
      %swap3A_177 = vector.shape_cast %swap3A_176 : vector<16xf32> to vector<16xf32>
      %swap3A_178 = vector.shape_cast %get3A_173 : vector<16xf32> to vector<16xf32>
      tpu.vector_store %arg18[%swap3A], %swap3A_178 {strides = array<i32>} : memref<2048xf32, #tpu.memory_space<vmem>>, vector<16xf32>,
    }
    %scan3A_115 = arith.constant 125 : i32
    %mul3A_116 = arith.constant 10000 : i32
    %mul3A_117 = arith.muli %arg0, %mul3A_116 : i32
    %add3A_118 = arith.addi %mul3A_117, %mul3A_5 : i32
    %add3A_119 = arith.constant 125 : i32
    %add3A_120 = arith.addi %add3A_118, %add3A_119 : i32
    %mul3A_121 = arith.constant 16 : i32
    %mul3A_122 = arith.muli %add3A_120, %mul3A_121 : i32
    "tpu.region"() ({
      %run_scoped3A = tpu.sem_alloc : memref<!tpu.dma_semaphore, #tpu.memory_space<semaphore_mem>>
      %dma_start3A = arith.constant 0 : i32
      %dma_start3A_165 = tpu.memref_slice %arg18[%dma_start3A] : memref<2048xf32, #tpu.memory_space<vmem>> -> memref<2000xf32, #tpu.memory_space<vmem>>
      %dma_start3A_166 = tpu.memref_slice %arg8[%mul3A_122] : memref<320000xf32, #tpu.memory_space<hbm>> -> memref<2000xf32, #tpu.memory_space<hbm>>
      %dma_start3A_167 = tpu.memref_slice %arg8[%mul3A_122] : memref<320000xf32, #tpu.memory_space<hbm>> -> memref<2000xf32, #tpu.memory_space<hbm>>
      %dma_start3A_168 = arith.constant 0 : i32
      %dma_start3A_169 = tpu.memref_slice %arg18[%dma_start3A_168] : memref<2048xf32, #tpu.memory_space<vmem>> -> memref<2000xf32, #tpu.memory_space<vmem>>
      tpu.enqueue_dma source(%dma_start3A_169 : memref<2000xf32, #tpu.memory_space<vmem>>) target(%dma_start3A_167 : memref<2000xf32, #tpu.memory_space<hbm>>) target_semaphore(%run_scoped3A : memref<!tpu.dma_semaphore, #tpu.memory_space<semaphore_mem>>)
      %dma_wait3A = arith.constant 0 : i32
      %dma_wait3A_170 = tpu.memref_slice %arg18[%dma_wait3A] : memref<2048xf32, #tpu.memory_space<vmem>> -> memref<2000xf32, #tpu.memory_space<vmem>>
      %dma_wait3A_171 = tpu.memref_slice %arg8[%mul3A_122] : memref<320000xf32, #tpu.memory_space<hbm>> -> memref<2000xf32, #tpu.memory_space<hbm>>
      %dma_wait3A_172 = tpu.memref_slice %arg8[%mul3A_122] : memref<320000xf32, #tpu.memory_space<hbm>> -> memref<2000xf32, #tpu.memory_space<hbm>>
      %dma_wait3A_173 = arith.constant 0 : i32
      %dma_wait3A_174 = tpu.memref_slice %arg18[%dma_wait3A_173] : memref<2048xf32, #tpu.memory_space<vmem>> -> memref<2000xf32, #tpu.memory_space<vmem>>
      tpu.wait_dma2 semaphore(%run_scoped3A : memref<!tpu.dma_semaphore, #tpu.memory_space<semaphore_mem>>) src(%dma_wait3A_174 : memref<2000xf32, #tpu.memory_space<vmem>>) dst(%dma_wait3A_172 : memref<2000xf32, #tpu.memory_space<hbm>>)
      tpu.yield
    }) : () -> ()
    %add3A_123 = arith.constant 250 : i32
    %add3A_124 = arith.addi %mul3A_5, %add3A_123 : i32
    "tpu.region"() ({
      %run_scoped3A = tpu.sem_alloc : memref<!tpu.dma_semaphore, #tpu.memory_space<semaphore_mem>>
      %dma_start3A = arith.constant 0 : i32
      %dma_start3A_165 = arith.constant 0 : i32
      %dma_start3A_166 = tpu.memref_slice %arg19[%dma_start3A, %dma_start3A_165] : memref<128x16xf32, #tpu.memory_space<vmem>> -> memref<125x16xf32, #tpu.memory_space<vmem>>
      %dma_start3A_167 = arith.constant 0 : i32
      %dma_start3A_168 = tpu.memref_slice %arg10[%add3A_124, %dma_start3A_167] : memref<10000x16xf32, #tpu.memory_space<vmem_shared>> -> memref<125x16xf32, #tpu.memory_space<vmem_shared>>
      %dma_start3A_169 = arith.constant 0 : i32
      %dma_start3A_170 = arith.constant 0 : i32
      %dma_start3A_171 = tpu.memref_slice %arg19[%dma_start3A_169, %dma_start3A_170] : memref<128x16xf32, #tpu.memory_space<vmem>> -> memref<125x16xf32, #tpu.memory_space<vmem>>
      %dma_start3A_172 = arith.constant 0 : i32
      %dma_start3A_173 = tpu.memref_slice %arg10[%add3A_124, %dma_start3A_172] : memref<10000x16xf32, #tpu.memory_space<vmem_shared>> -> memref<125x16xf32, #tpu.memory_space<vmem_shared>>
      tpu.enqueue_dma source(%dma_start3A_173 : memref<125x16xf32, #tpu.memory_space<vmem_shared>>) target(%dma_start3A_171 : memref<125x16xf32, #tpu.memory_space<vmem>>) target_semaphore(%run_scoped3A : memref<!tpu.dma_semaphore, #tpu.memory_space<semaphore_mem>>)
      %dma_wait3A = arith.constant 0 : i32
      %dma_wait3A_174 = arith.constant 0 : i32
      %dma_wait3A_175 = tpu.memref_slice %arg19[%dma_wait3A, %dma_wait3A_174] : memref<128x16xf32, #tpu.memory_space<vmem>> -> memref<125x16xf32, #tpu.memory_space<vmem>>
      %dma_wait3A_176 = arith.constant 0 : i32
      %dma_wait3A_177 = tpu.memref_slice %arg10[%add3A_124, %dma_wait3A_176] : memref<10000x16xf32, #tpu.memory_space<vmem_shared>> -> memref<125x16xf32, #tpu.memory_space<vmem_shared>>
      %dma_wait3A_178 = arith.constant 0 : i32
      %dma_wait3A_179 = arith.constant 0 : i32
      %dma_wait3A_180 = tpu.memref_slice %arg19[%dma_wait3A_178, %dma_wait3A_179] : memref<128x16xf32, #tpu.memory_space<vmem>> -> memref<125x16xf32, #tpu.memory_space<vmem>>
      %dma_wait3A_181 = arith.constant 0 : i32
      %dma_wait3A_182 = tpu.memref_slice %arg10[%add3A_124, %dma_wait3A_181] : memref<10000x16xf32, #tpu.memory_space<vmem_shared>> -> memref<125x16xf32, #tpu.memory_space<vmem_shared>>
      tpu.wait_dma2 semaphore(%run_scoped3A : memref<!tpu.dma_semaphore, #tpu.memory_space<semaphore_mem>>) src(%dma_wait3A_182 : memref<125x16xf32, #tpu.memory_space<vmem_shared>>) dst(%dma_wait3A_180 : memref<125x16xf32, #tpu.memory_space<vmem>>)
      tpu.yield
    }) : () -> ()
    %scan3A_125 = arith.constant 0 : i32
    %scan3A_126 = arith.constant 125 : i32
    %scan3A_127 = arith.addi %scan3A_125, %scan3A_126 : i32
    %scan3A_128 = arith.constant 1 : i32
    scf.for %scan3A_165 = %scan3A_125 to %scan3A_127 step %scan3A_128  : i32 {
      %mul3A_166 = arith.constant 1 : i32
      %mul3A_167 = arith.muli %scan3A_165, %mul3A_166 : i32
      %add3A_168 = arith.constant 0 : i32
      %add3A_169 = arith.addi %add3A_168, %mul3A_167 : i32
      %get3A_170 = arith.index_cast %add3A_169 : i32 to index
      %get3A_171 = arith.constant 0 : index
      %get3A_172 = tpu.vector_load %arg19[%get3A_170, %get3A_171] {strides = array<i32>} : memref<128x16xf32, #tpu.memory_space<vmem>>, vector<1x16xf32>,
      %get3A_173 = vector.shape_cast %get3A_172 : vector<1x16xf32> to vector<16xf32>
      %mul3A_174 = arith.constant 16 : i32
      %mul3A_175 = arith.muli %add3A_169, %mul3A_174 : i32
      %swap3A = arith.index_cast %mul3A_175 : i32 to index
      %swap3A_176 = tpu.vector_load %arg18[%swap3A] {strides = array<i32>} : memref<2048xf32, #tpu.memory_space<vmem>>, vector<16xf32>,
      %swap3A_177 = vector.shape_cast %swap3A_176 : vector<16xf32> to vector<16xf32>
      %swap3A_178 = vector.shape_cast %get3A_173 : vector<16xf32> to vector<16xf32>
      tpu.vector_store %arg18[%swap3A], %swap3A_178 {strides = array<i32>} : memref<2048xf32, #tpu.memory_space<vmem>>, vector<16xf32>,
    }
    %scan3A_129 = arith.constant 125 : i32
    %mul3A_130 = arith.constant 10000 : i32
    %mul3A_131 = arith.muli %arg0, %mul3A_130 : i32
    %add3A_132 = arith.addi %mul3A_131, %mul3A_5 : i32
    %add3A_133 = arith.constant 250 : i32
    %add3A_134 = arith.addi %add3A_132, %add3A_133 : i32
    %mul3A_135 = arith.constant 16 : i32
    %mul3A_136 = arith.muli %add3A_134, %mul3A_135 : i32
    "tpu.region"() ({
      %run_scoped3A = tpu.sem_alloc : memref<!tpu.dma_semaphore, #tpu.memory_space<semaphore_mem>>
      %dma_start3A = arith.constant 0 : i32
      %dma_start3A_165 = tpu.memref_slice %arg18[%dma_start3A] : memref<2048xf32, #tpu.memory_space<vmem>> -> memref<2000xf32, #tpu.memory_space<vmem>>
      %dma_start3A_166 = tpu.memref_slice %arg8[%mul3A_136] : memref<320000xf32, #tpu.memory_space<hbm>> -> memref<2000xf32, #tpu.memory_space<hbm>>
      %dma_start3A_167 = tpu.memref_slice %arg8[%mul3A_136] : memref<320000xf32, #tpu.memory_space<hbm>> -> memref<2000xf32, #tpu.memory_space<hbm>>
      %dma_start3A_168 = arith.constant 0 : i32
      %dma_start3A_169 = tpu.memref_slice %arg18[%dma_start3A_168] : memref<2048xf32, #tpu.memory_space<vmem>> -> memref<2000xf32, #tpu.memory_space<vmem>>
      tpu.enqueue_dma source(%dma_start3A_169 : memref<2000xf32, #tpu.memory_space<vmem>>) target(%dma_start3A_167 : memref<2000xf32, #tpu.memory_space<hbm>>) target_semaphore(%run_scoped3A : memref<!tpu.dma_semaphore, #tpu.memory_space<semaphore_mem>>)
      %dma_wait3A = arith.constant 0 : i32
      %dma_wait3A_170 = tpu.memref_slice %arg18[%dma_wait3A] : memref<2048xf32, #tpu.memory_space<vmem>> -> memref<2000xf32, #tpu.memory_space<vmem>>
      %dma_wait3A_171 = tpu.memref_slice %arg8[%mul3A_136] : memref<320000xf32, #tpu.memory_space<hbm>> -> memref<2000xf32, #tpu.memory_space<hbm>>
      %dma_wait3A_172 = tpu.memref_slice %arg8[%mul3A_136] : memref<320000xf32, #tpu.memory_space<hbm>> -> memref<2000xf32, #tpu.memory_space<hbm>>
      %dma_wait3A_173 = arith.constant 0 : i32
      %dma_wait3A_174 = tpu.memref_slice %arg18[%dma_wait3A_173] : memref<2048xf32, #tpu.memory_space<vmem>> -> memref<2000xf32, #tpu.memory_space<vmem>>
      tpu.wait_dma2 semaphore(%run_scoped3A : memref<!tpu.dma_semaphore, #tpu.memory_space<semaphore_mem>>) src(%dma_wait3A_174 : memref<2000xf32, #tpu.memory_space<vmem>>) dst(%dma_wait3A_172 : memref<2000xf32, #tpu.memory_space<hbm>>)
      tpu.yield
    }) : () -> ()
    %add3A_137 = arith.constant 375 : i32
    %add3A_138 = arith.addi %mul3A_5, %add3A_137 : i32
    "tpu.region"() ({
      %run_scoped3A = tpu.sem_alloc : memref<!tpu.dma_semaphore, #tpu.memory_space<semaphore_mem>>
      %dma_start3A = arith.constant 0 : i32
      %dma_start3A_165 = arith.constant 0 : i32
      %dma_start3A_166 = tpu.memref_slice %arg19[%dma_start3A, %dma_start3A_165] : memref<128x16xf32, #tpu.memory_space<vmem>> -> memref<125x16xf32, #tpu.memory_space<vmem>>
      %dma_start3A_167 = arith.constant 0 : i32
      %dma_start3A_168 = tpu.memref_slice %arg10[%add3A_138, %dma_start3A_167] : memref<10000x16xf32, #tpu.memory_space<vmem_shared>> -> memref<125x16xf32, #tpu.memory_space<vmem_shared>>
      %dma_start3A_169 = arith.constant 0 : i32
      %dma_start3A_170 = arith.constant 0 : i32
      %dma_start3A_171 = tpu.memref_slice %arg19[%dma_start3A_169, %dma_start3A_170] : memref<128x16xf32, #tpu.memory_space<vmem>> -> memref<125x16xf32, #tpu.memory_space<vmem>>
      %dma_start3A_172 = arith.constant 0 : i32
      %dma_start3A_173 = tpu.memref_slice %arg10[%add3A_138, %dma_start3A_172] : memref<10000x16xf32, #tpu.memory_space<vmem_shared>> -> memref<125x16xf32, #tpu.memory_space<vmem_shared>>
      tpu.enqueue_dma source(%dma_start3A_173 : memref<125x16xf32, #tpu.memory_space<vmem_shared>>) target(%dma_start3A_171 : memref<125x16xf32, #tpu.memory_space<vmem>>) target_semaphore(%run_scoped3A : memref<!tpu.dma_semaphore, #tpu.memory_space<semaphore_mem>>)
      %dma_wait3A = arith.constant 0 : i32
      %dma_wait3A_174 = arith.constant 0 : i32
      %dma_wait3A_175 = tpu.memref_slice %arg19[%dma_wait3A, %dma_wait3A_174] : memref<128x16xf32, #tpu.memory_space<vmem>> -> memref<125x16xf32, #tpu.memory_space<vmem>>
      %dma_wait3A_176 = arith.constant 0 : i32
      %dma_wait3A_177 = tpu.memref_slice %arg10[%add3A_138, %dma_wait3A_176] : memref<10000x16xf32, #tpu.memory_space<vmem_shared>> -> memref<125x16xf32, #tpu.memory_space<vmem_shared>>
      %dma_wait3A_178 = arith.constant 0 : i32
      %dma_wait3A_179 = arith.constant 0 : i32
      %dma_wait3A_180 = tpu.memref_slice %arg19[%dma_wait3A_178, %dma_wait3A_179] : memref<128x16xf32, #tpu.memory_space<vmem>> -> memref<125x16xf32, #tpu.memory_space<vmem>>
      %dma_wait3A_181 = arith.constant 0 : i32
      %dma_wait3A_182 = tpu.memref_slice %arg10[%add3A_138, %dma_wait3A_181] : memref<10000x16xf32, #tpu.memory_space<vmem_shared>> -> memref<125x16xf32, #tpu.memory_space<vmem_shared>>
      tpu.wait_dma2 semaphore(%run_scoped3A : memref<!tpu.dma_semaphore, #tpu.memory_space<semaphore_mem>>) src(%dma_wait3A_182 : memref<125x16xf32, #tpu.memory_space<vmem_shared>>) dst(%dma_wait3A_180 : memref<125x16xf32, #tpu.memory_space<vmem>>)
      tpu.yield
    }) : () -> ()
    %scan3A_139 = arith.constant 0 : i32
    %scan3A_140 = arith.constant 125 : i32
    %scan3A_141 = arith.addi %scan3A_139, %scan3A_140 : i32
    %scan3A_142 = arith.constant 1 : i32
    scf.for %scan3A_165 = %scan3A_139 to %scan3A_141 step %scan3A_142  : i32 {
      %mul3A_166 = arith.constant 1 : i32
      %mul3A_167 = arith.muli %scan3A_165, %mul3A_166 : i32
      %add3A_168 = arith.constant 0 : i32
      %add3A_169 = arith.addi %add3A_168, %mul3A_167 : i32
      %get3A_170 = arith.index_cast %add3A_169 : i32 to index
      %get3A_171 = arith.constant 0 : index
      %get3A_172 = tpu.vector_load %arg19[%get3A_170, %get3A_171] {strides = array<i32>} : memref<128x16xf32, #tpu.memory_space<vmem>>, vector<1x16xf32>,
      %get3A_173 = vector.shape_cast %get3A_172 : vector<1x16xf32> to vector<16xf32>
      %mul3A_174 = arith.constant 16 : i32
      %mul3A_175 = arith.muli %add3A_169, %mul3A_174 : i32
      %swap3A = arith.index_cast %mul3A_175 : i32 to index
      %swap3A_176 = tpu.vector_load %arg18[%swap3A] {strides = array<i32>} : memref<2048xf32, #tpu.memory_space<vmem>>, vector<16xf32>,
      %swap3A_177 = vector.shape_cast %swap3A_176 : vector<16xf32> to vector<16xf32>
      %swap3A_178 = vector.shape_cast %get3A_173 : vector<16xf32> to vector<16xf32>
      tpu.vector_store %arg18[%swap3A], %swap3A_178 {strides = array<i32>} : memref<2048xf32, #tpu.memory_space<vmem>>, vector<16xf32>,
    }
    %scan3A_143 = arith.constant 125 : i32
    %mul3A_144 = arith.constant 10000 : i32
    %mul3A_145 = arith.muli %arg0, %mul3A_144 : i32
    %add3A_146 = arith.addi %mul3A_145, %mul3A_5 : i32
    %add3A_147 = arith.constant 375 : i32
    %add3A_148 = arith.addi %add3A_146, %add3A_147 : i32
    %mul3A_149 = arith.constant 16 : i32
    %mul3A_150 = arith.muli %add3A_148, %mul3A_149 : i32
    "tpu.region"() ({
      %run_scoped3A = tpu.sem_alloc : memref<!tpu.dma_semaphore, #tpu.memory_space<semaphore_mem>>
      %dma_start3A = arith.constant 0 : i32
      %dma_start3A_165 = tpu.memref_slice %arg18[%dma_start3A] : memref<2048xf32, #tpu.memory_space<vmem>> -> memref<2000xf32, #tpu.memory_space<vmem>>
      %dma_start3A_166 = tpu.memref_slice %arg8[%mul3A_150] : memref<320000xf32, #tpu.memory_space<hbm>> -> memref<2000xf32, #tpu.memory_space<hbm>>
      %dma_start3A_167 = tpu.memref_slice %arg8[%mul3A_150] : memref<320000xf32, #tpu.memory_space<hbm>> -> memref<2000xf32, #tpu.memory_space<hbm>>
      %dma_start3A_168 = arith.constant 0 : i32
      %dma_start3A_169 = tpu.memref_slice %arg18[%dma_start3A_168] : memref<2048xf32, #tpu.memory_space<vmem>> -> memref<2000xf32, #tpu.memory_space<vmem>>
      tpu.enqueue_dma source(%dma_start3A_169 : memref<2000xf32, #tpu.memory_space<vmem>>) target(%dma_start3A_167 : memref<2000xf32, #tpu.memory_space<hbm>>) target_semaphore(%run_scoped3A : memref<!tpu.dma_semaphore, #tpu.memory_space<semaphore_mem>>)
      %dma_wait3A = arith.constant 0 : i32
      %dma_wait3A_170 = tpu.memref_slice %arg18[%dma_wait3A] : memref<2048xf32, #tpu.memory_space<vmem>> -> memref<2000xf32, #tpu.memory_space<vmem>>
      %dma_wait3A_171 = tpu.memref_slice %arg8[%mul3A_150] : memref<320000xf32, #tpu.memory_space<hbm>> -> memref<2000xf32, #tpu.memory_space<hbm>>
      %dma_wait3A_172 = tpu.memref_slice %arg8[%mul3A_150] : memref<320000xf32, #tpu.memory_space<hbm>> -> memref<2000xf32, #tpu.memory_space<hbm>>
      %dma_wait3A_173 = arith.constant 0 : i32
      %dma_wait3A_174 = tpu.memref_slice %arg18[%dma_wait3A_173] : memref<2048xf32, #tpu.memory_space<vmem>> -> memref<2000xf32, #tpu.memory_space<vmem>>
      tpu.wait_dma2 semaphore(%run_scoped3A : memref<!tpu.dma_semaphore, #tpu.memory_space<semaphore_mem>>) src(%dma_wait3A_174 : memref<2000xf32, #tpu.memory_space<vmem>>) dst(%dma_wait3A_172 : memref<2000xf32, #tpu.memory_space<hbm>>)
      tpu.yield
    }) : () -> ()
    %add3A_151 = arith.constant 500 : i32
    %add3A_152 = arith.addi %mul3A_5, %add3A_151 : i32
    "tpu.region"() ({
      %run_scoped3A = tpu.sem_alloc : memref<!tpu.dma_semaphore, #tpu.memory_space<semaphore_mem>>
      %dma_start3A = arith.constant 0 : i32
      %dma_start3A_165 = arith.constant 0 : i32
      %dma_start3A_166 = tpu.memref_slice %arg19[%dma_start3A, %dma_start3A_165] : memref<128x16xf32, #tpu.memory_space<vmem>> -> memref<125x16xf32, #tpu.memory_space<vmem>>
      %dma_start3A_167 = arith.constant 0 : i32
      %dma_start3A_168 = tpu.memref_slice %arg10[%add3A_152, %dma_start3A_167] : memref<10000x16xf32, #tpu.memory_space<vmem_shared>> -> memref<125x16xf32, #tpu.memory_space<vmem_shared>>
      %dma_start3A_169 = arith.constant 0 : i32
      %dma_start3A_170 = arith.constant 0 : i32
      %dma_start3A_171 = tpu.memref_slice %arg19[%dma_start3A_169, %dma_start3A_170] : memref<128x16xf32, #tpu.memory_space<vmem>> -> memref<125x16xf32, #tpu.memory_space<vmem>>
      %dma_start3A_172 = arith.constant 0 : i32
      %dma_start3A_173 = tpu.memref_slice %arg10[%add3A_152, %dma_start3A_172] : memref<10000x16xf32, #tpu.memory_space<vmem_shared>> -> memref<125x16xf32, #tpu.memory_space<vmem_shared>>
      tpu.enqueue_dma source(%dma_start3A_173 : memref<125x16xf32, #tpu.memory_space<vmem_shared>>) target(%dma_start3A_171 : memref<125x16xf32, #tpu.memory_space<vmem>>) target_semaphore(%run_scoped3A : memref<!tpu.dma_semaphore, #tpu.memory_space<semaphore_mem>>)
      %dma_wait3A = arith.constant 0 : i32
      %dma_wait3A_174 = arith.constant 0 : i32
      %dma_wait3A_175 = tpu.memref_slice %arg19[%dma_wait3A, %dma_wait3A_174] : memref<128x16xf32, #tpu.memory_space<vmem>> -> memref<125x16xf32, #tpu.memory_space<vmem>>
      %dma_wait3A_176 = arith.constant 0 : i32
      %dma_wait3A_177 = tpu.memref_slice %arg10[%add3A_152, %dma_wait3A_176] : memref<10000x16xf32, #tpu.memory_space<vmem_shared>> -> memref<125x16xf32, #tpu.memory_space<vmem_shared>>
      %dma_wait3A_178 = arith.constant 0 : i32
      %dma_wait3A_179 = arith.constant 0 : i32
      %dma_wait3A_180 = tpu.memref_slice %arg19[%dma_wait3A_178, %dma_wait3A_179] : memref<128x16xf32, #tpu.memory_space<vmem>> -> memref<125x16xf32, #tpu.memory_space<vmem>>
      %dma_wait3A_181 = arith.constant 0 : i32
      %dma_wait3A_182 = tpu.memref_slice %arg10[%add3A_152, %dma_wait3A_181] : memref<10000x16xf32, #tpu.memory_space<vmem_shared>> -> memref<125x16xf32, #tpu.memory_space<vmem_shared>>
      tpu.wait_dma2 semaphore(%run_scoped3A : memref<!tpu.dma_semaphore, #tpu.memory_space<semaphore_mem>>) src(%dma_wait3A_182 : memref<125x16xf32, #tpu.memory_space<vmem_shared>>) dst(%dma_wait3A_180 : memref<125x16xf32, #tpu.memory_space<vmem>>)
      tpu.yield
    }) : () -> ()
    %scan3A_153 = arith.constant 0 : i32
    %scan3A_154 = arith.constant 125 : i32
    %scan3A_155 = arith.addi %scan3A_153, %scan3A_154 : i32
    %scan3A_156 = arith.constant 1 : i32
    scf.for %scan3A_165 = %scan3A_153 to %scan3A_155 step %scan3A_156  : i32 {
      %mul3A_166 = arith.constant 1 : i32
      %mul3A_167 = arith.muli %scan3A_165, %mul3A_166 : i32
      %add3A_168 = arith.constant 0 : i32
      %add3A_169 = arith.addi %add3A_168, %mul3A_167 : i32
      %get3A_170 = arith.index_cast %add3A_169 : i32 to index
      %get3A_171 = arith.constant 0 : index
      %get3A_172 = tpu.vector_load %arg19[%get3A_170, %get3A_171] {strides = array<i32>} : memref<128x16xf32, #tpu.memory_space<vmem>>, vector<1x16xf32>,
      %get3A_173 = vector.shape_cast %get3A_172 : vector<1x16xf32> to vector<16xf32>
      %mul3A_174 = arith.constant 16 : i32
      %mul3A_175 = arith.muli %add3A_169, %mul3A_174 : i32
      %swap3A = arith.index_cast %mul3A_175 : i32 to index
      %swap3A_176 = tpu.vector_load %arg18[%swap3A] {strides = array<i32>} : memref<2048xf32, #tpu.memory_space<vmem>>, vector<16xf32>,
      %swap3A_177 = vector.shape_cast %swap3A_176 : vector<16xf32> to vector<16xf32>
      %swap3A_178 = vector.shape_cast %get3A_173 : vector<16xf32> to vector<16xf32>
      tpu.vector_store %arg18[%swap3A], %swap3A_178 {strides = array<i32>} : memref<2048xf32, #tpu.memory_space<vmem>>, vector<16xf32>,
    }
    %scan3A_157 = arith.constant 125 : i32
    %mul3A_158 = arith.constant 10000 : i32
    %mul3A_159 = arith.muli %arg0, %mul3A_158 : i32
    %add3A_160 = arith.addi %mul3A_159, %mul3A_5 : i32
    %add3A_161 = arith.constant 500 : i32
    %add3A_162 = arith.addi %add3A_160, %add3A_161 : i32
    %mul3A_163 = arith.constant 16 : i32
    %mul3A_164 = arith.muli %add3A_162, %mul3A_163 : i32
    "tpu.region"() ({
      %run_scoped3A = tpu.sem_alloc : memref<!tpu.dma_semaphore, #tpu.memory_space<semaphore_mem>>
      %dma_start3A = arith.constant 0 : i32
      %dma_start3A_165 = tpu.memref_slice %arg18[%dma_start3A] : memref<2048xf32, #tpu.memory_space<vmem>> -> memref<2000xf32, #tpu.memory_space<vmem>>
      %dma_start3A_166 = tpu.memref_slice %arg8[%mul3A_164] : memref<320000xf32, #tpu.memory_space<hbm>> -> memref<2000xf32, #tpu.memory_space<hbm>>
      %dma_start3A_167 = tpu.memref_slice %arg8[%mul3A_164] : memref<320000xf32, #tpu.memory_space<hbm>> -> memref<2000xf32, #tpu.memory_space<hbm>>
      %dma_start3A_168 = arith.constant 0 : i32
      %dma_start3A_169 = tpu.memref_slice %arg18[%dma_start3A_168] : memref<2048xf32, #tpu.memory_space<vmem>> -> memref<2000xf32, #tpu.memory_space<vmem>>
      tpu.enqueue_dma source(%dma_start3A_169 : memref<2000xf32, #tpu.memory_space<vmem>>) target(%dma_start3A_167 : memref<2000xf32, #tpu.memory_space<hbm>>) target_semaphore(%run_scoped3A : memref<!tpu.dma_semaphore, #tpu.memory_space<semaphore_mem>>)
      %dma_wait3A = arith.constant 0 : i32
      %dma_wait3A_170 = tpu.memref_slice %arg18[%dma_wait3A] : memref<2048xf32, #tpu.memory_space<vmem>> -> memref<2000xf32, #tpu.memory_space<vmem>>
      %dma_wait3A_171 = tpu.memref_slice %arg8[%mul3A_164] : memref<320000xf32, #tpu.memory_space<hbm>> -> memref<2000xf32, #tpu.memory_space<hbm>>
      %dma_wait3A_172 = tpu.memref_slice %arg8[%mul3A_164] : memref<320000xf32, #tpu.memory_space<hbm>> -> memref<2000xf32, #tpu.memory_space<hbm>>
      %dma_wait3A_173 = arith.constant 0 : i32
      %dma_wait3A_174 = tpu.memref_slice %arg18[%dma_wait3A_173] : memref<2048xf32, #tpu.memory_space<vmem>> -> memref<2000xf32, #tpu.memory_space<vmem>>
      tpu.wait_dma2 semaphore(%run_scoped3A : memref<!tpu.dma_semaphore, #tpu.memory_space<semaphore_mem>>) src(%dma_wait3A_174 : memref<2000xf32, #tpu.memory_space<vmem>>) dst(%dma_wait3A_172 : memref<2000xf32, #tpu.memory_space<hbm>>)
      tpu.yield
    }) : () -> ()
    return
  }
}

#map = affine_map<(d0, d1) -> (0, 0)>
#map1 = affine_map<(d0, d1) -> (0)>
#map2 = affine_map<(d0, d1) -> (0, 0, 0)>
module attributes {stable_mosaic.version = 14 : i64} {
  func.func @body(%arg0: i32, %arg1: i32, %arg2: memref<10008x128xf32, #tpu.memory_space<hbm>>, %arg3: memref<163840xf32, #tpu.memory_space<hbm>>, %arg4: memref<16xf32, #tpu.memory_space<hbm>>, %arg5: memref<331776xi32, #tpu.memory_space<hbm>>, %arg6: memref<331776xi32, #tpu.memory_space<hbm>>, %arg7: memref<2x10000x128xf32, #tpu.memory_space<hbm>>, %arg8: memref<320000xf32, #tpu.memory_space<hbm>>, %arg9: memref<10000x128xf32, #tpu.memory_space<vmem_shared>>, %arg10: memref<10000x16xf32, #tpu.memory_space<vmem_shared>>, %arg11: memref<10240x16xf32, #tpu.memory_space<vmem_shared>>, %arg12: memref<128xi32, #tpu.memory_space<vmem>>, %arg13: memref<128xi32, #tpu.memory_space<vmem>>, %arg14: memref<128x128xf32, #tpu.memory_space<vmem>>, %arg15: memref<128x16xf32, #tpu.memory_space<vmem>>, %arg16: memref<128x16xf32, #tpu.memory_space<vmem>>, %arg17: memref<128x16xf32, #tpu.memory_space<vmem>>, %arg18: memref<2048xf32, #tpu.memory_space<vmem>>, %arg19: memref<128x16xf32, #tpu.memory_space<vmem>>, %arg20: memref<16xf32, #tpu.memory_space<vmem>>, %arg21: memref<!tpu.dma_semaphore, #tpu.memory_space<semaphore_mem>>, %arg22: memref<!tpu.dma_semaphore, #tpu.memory_space<semaphore_mem>>, %arg23: memref<!tpu.dma_semaphore, #tpu.memory_space<semaphore_mem>>) attributes {dimension_semantics = [#tpu.dimension_semantics<core_parallel>, #tpu.dimension_semantics<subcore_parallel>], iteration_bounds = array<i64: 2, 16>, scalar_prefetch = 0 : i64, scratch_operands = 15 : i64, tpu.core_type = #tpu.core_type<sc_vector_subcore>, window_params = [{transform_indices = #map}, {transform_indices = #map1}, {transform_indices = #map1}, {transform_indices = #map1}, {transform_indices = #map1}, {transform_indices = #map2}, {transform_indices = #map1}]} {
    %broadcast_in_dim3A = arith.constant 0.000000e+00 : f32
    %broadcast_in_dim3A_0 = vector.broadcast %broadcast_in_dim3A : f32 to vector<16xf32>
    "tpu.region"() ({
      %run_scoped3A = tpu.sem_alloc : memref<!tpu.dma_semaphore, #tpu.memory_space<semaphore_mem>>
      tpu.enqueue_dma source(%arg4 : memref<16xf32, #tpu.memory_space<hbm>>) target(%arg20 : memref<16xf32, #tpu.memory_space<vmem>>) target_semaphore(%run_scoped3A : memref<!tpu.dma_semaphore, #tpu.memory_space<semaphore_mem>>)
      tpu.wait_dma2 semaphore(%run_scoped3A : memref<!tpu.dma_semaphore, #tpu.memory_space<semaphore_mem>>) src(%arg4 : memref<16xf32, #tpu.memory_space<hbm>>) dst(%arg20 : memref<16xf32, #tpu.memory_space<vmem>>)
      tpu.yield
    }) : () -> ()
    %scan3A = arith.constant 0 : i32
    %scan3A_1 = arith.constant 128 : i32
    %scan3A_2 = arith.addi %scan3A, %scan3A_1 : i32
    %scan3A_3 = arith.constant 1 : i32
    scf.for %scan3A_165 = %scan3A to %scan3A_2 step %scan3A_3  : i32 {
      %mul3A_166 = arith.constant 1 : i32
      %mul3A_167 = arith.muli %scan3A_165, %mul3A_166 : i32
      %add3A_168 = arith.constant 0 : i32
      %add3A_169 = arith.addi %add3A_168, %mul3A_167 : i32
      %swap3A = arith.index_cast %add3A_169 : i32 to index
      %swap3A_170 = arith.constant 0 : index
      %swap3A_171 = tpu.vector_load %arg14[%swap3A, %swap3A_170] {strides = array<i32>} : memref<128x128xf32, #tpu.memory_space<vmem>>, vector<1x16xf32>,
      %swap3A_172 = vector.shape_cast %swap3A_171 : vector<1x16xf32> to vector<16xf32>
      %swap3A_173 = vector.shape_cast %broadcast_in_dim3A_0 : vector<16xf32> to vector<1x16xf32>
      tpu.vector_store %arg14[%swap3A, %swap3A_170], %swap3A_173 {strides = array<i32>} : memref<128x128xf32, #tpu.memory_space<vmem>>, vector<1x16xf32>,
      %swap3A_174 = arith.index_cast %add3A_169 : i32 to index
      %swap3A_175 = arith.constant 16 : index
      %swap3A_176 = tpu.vector_load %arg14[%swap3A_174, %swap3A_175] {strides = array<i32>} : memref<128x128xf32, #tpu.memory_space<vmem>>, vector<1x16xf32>,
      %swap3A_177 = vector.shape_cast %swap3A_176 : vector<1x16xf32> to vector<16xf32>
      %swap3A_178 = vector.shape_cast %broadcast_in_dim3A_0 : vector<16xf32> to vector<1x16xf32>
      tpu.vector_store %arg14[%swap3A_174, %swap3A_175], %swap3A_178 {strides = array<i32>} : memref<128x128xf32, #tpu.memory_space<vmem>>, vector<1x16xf32>,
      %swap3A_179 = arith.index_cast %add3A_169 : i32 to index
      %swap3A_180 = arith.constant 32 : index
      %swap3A_181 = tpu.vector_load %arg14[%swap3A_179, %swap3A_180] {strides = array<i32>} : memref<128x128xf32, #tpu.memory_space<vmem>>, vector<1x16xf32>,
      %swap3A_182 = vector.shape_cast %swap3A_181 : vector<1x16xf32> to vector<16xf32>
      %swap3A_183 = vector.shape_cast %broadcast_in_dim3A_0 : vector<16xf32> to vector<1x16xf32>
      tpu.vector_store %arg14[%swap3A_179, %swap3A_180], %swap3A_183 {strides = array<i32>} : memref<128x128xf32, #tpu.memory_space<vmem>>, vector<1x16xf32>,
      %swap3A_184 = arith.index_cast %add3A_169 : i32 to index
      %swap3A_185 = arith.constant 48 : index
      %swap3A_186 = tpu.vector_load %arg14[%swap3A_184, %swap3A_185] {strides = array<i32>} : memref<128x128xf32, #tpu.memory_space<vmem>>, vector<1x16xf32>,
      %swap3A_187 = vector.shape_cast %swap3A_186 : vector<1x16xf32> to vector<16xf32>
      %swap3A_188 = vector.shape_cast %broadcast_in_dim3A_0 : vector<16xf32> to vector<1x16xf32>
      tpu.vector_store %arg14[%swap3A_184, %swap3A_185], %swap3A_188 {strides = array<i32>} : memref<128x128xf32, #tpu.memory_space<vmem>>, vector<1x16xf32>,
      %swap3A_189 = arith.index_cast %add3A_169 : i32 to index
      %swap3A_190 = arith.constant 64 : index
      %swap3A_191 = tpu.vector_load %arg14[%swap3A_189, %swap3A_190] {strides = array<i32>} : memref<128x128xf32, #tpu.memory_space<vmem>>, vector<1x16xf32>,
      %swap3A_192 = vector.shape_cast %swap3A_191 : vector<1x16xf32> to vector<16xf32>
      %swap3A_193 = vector.shape_cast %broadcast_in_dim3A_0 : vector<16xf32> to vector<1x16xf32>
      tpu.vector_store %arg14[%swap3A_189, %swap3A_190], %swap3A_193 {strides = array<i32>} : memref<128x128xf32, #tpu.memory_space<vmem>>, vector<1x16xf32>,
      %swap3A_194 = arith.index_cast %add3A_169 : i32 to index
      %swap3A_195 = arith.constant 80 : index
      %swap3A_196 = tpu.vector_load %arg14[%swap3A_194, %swap3A_195] {strides = array<i32>} : memref<128x128xf32, #tpu.memory_space<vmem>>, vector<1x16xf32>,
      %swap3A_197 = vector.shape_cast %swap3A_196 : vector<1x16xf32> to vector<16xf32>
      %swap3A_198 = vector.shape_cast %broadcast_in_dim3A_0 : vector<16xf32> to vector<1x16xf32>
      tpu.vector_store %arg14[%swap3A_194, %swap3A_195], %swap3A_198 {strides = array<i32>} : memref<128x128xf32, #tpu.memory_space<vmem>>, vector<1x16xf32>,
      %swap3A_199 = arith.index_cast %add3A_169 : i32 to index
      %swap3A_200 = arith.constant 96 : index
      %swap3A_201 = tpu.vector_load %arg14[%swap3A_199, %swap3A_200] {strides = array<i32>} : memref<128x128xf32, #tpu.memory_space<vmem>>, vector<1x16xf32>,
      %swap3A_202 = vector.shape_cast %swap3A_201 : vector<1x16xf32> to vector<16xf32>
      %swap3A_203 = vector.shape_cast %broadcast_in_dim3A_0 : vector<16xf32> to vector<1x16xf32>
      tpu.vector_store %arg14[%swap3A_199, %swap3A_200], %swap3A_203 {strides = array<i32>} : memref<128x128xf32, #tpu.memory_space<vmem>>, vector<1x16xf32>,
      %swap3A_204 = arith.index_cast %add3A_169 : i32 to index
      %swap3A_205 = arith.constant 112 : index
      %swap3A_206 = tpu.vector_load %arg14[%swap3A_204, %swap3A_205] {strides = array<i32>} : memref<128x128xf32, #tpu.memory_space<vmem>>, vector<1x16xf32>,
      %swap3A_207 = vector.shape_cast %swap3A_206 : vector<1x16xf32> to vector<16xf32>
      %swap3A_208 = vector.shape_cast %broadcast_in_dim3A_0 : vector<16xf32> to vector<1x16xf32>
      tpu.vector_store %arg14[%swap3A_204, %swap3A_205], %swap3A_208 {strides = array<i32>} : memref<128x128xf32, #tpu.memory_space<vmem>>, vector<1x16xf32>,
      %swap3A_209 = arith.index_cast %add3A_169 : i32 to index
      %swap3A_210 = arith.constant 0 : index
      %swap3A_211 = tpu.vector_load %arg17[%swap3A_209, %swap3A_210] {strides = array<i32>} : memref<128x16xf32, #tpu.memory_space<vmem>>, vector<1x16xf32>,
      %swap3A_212 = vector.shape_cast %swap3A_211 : vector<1x16xf32> to vector<16xf32>
      %swap3A_213 = vector.shape_cast %broadcast_in_dim3A_0 : vector<16xf32> to vector<1x16xf32>
      tpu.vector_store %arg17[%swap3A_209, %swap3A_210], %swap3A_213 {strides = array<i32>} : memref<128x16xf32, #tpu.memory_space<vmem>>, vector<1x16xf32>,
    }
    %scan3A_4 = arith.constant 128 : i32
    %mul3A = arith.constant 625 : i32
    %mul3A_5 = arith.muli %arg1, %mul3A : i32
    %add3A = arith.constant 0 : i32
    %add3A_6 = arith.addi %mul3A_5, %add3A : i32
    "tpu.region"() ({
      %run_scoped3A = tpu.sem_alloc : memref<!tpu.dma_semaphore, #tpu.memory_space<semaphore_mem>>
      %dma_start3A = arith.constant 0 : i32
      %dma_start3A_165 = arith.constant 0 : i32
      %dma_start3A_166 = tpu.memref_slice %arg14[%dma_start3A, %dma_start3A_165] : memref<128x128xf32, #tpu.memory_space<vmem>> -> memref<125x128xf32, #tpu.memory_space<vmem>>
      %dma_start3A_167 = arith.constant 0 : i32
      %dma_start3A_168 = tpu.memref_slice %arg9[%add3A_6, %dma_start3A_167] : memref<10000x128xf32, #tpu.memory_space<vmem_shared>> -> memref<125x128xf32, #tpu.memory_space<vmem_shared>>
      %dma_start3A_169 = arith.constant 0 : i32
      %dma_start3A_170 = tpu.memref_slice %arg9[%add3A_6, %dma_start3A_169] : memref<10000x128xf32, #tpu.memory_space<vmem_shared>> -> memref<125x128xf32, #tpu.memory_space<vmem_shared>>
      %dma_start3A_171 = arith.constant 0 : i32
      %dma_start3A_172 = arith.constant 0 : i32
      %dma_start3A_173 = tpu.memref_slice %arg14[%dma_start3A_171, %dma_start3A_172] : memref<128x128xf32, #tpu.memory_space<vmem>> -> memref<125x128xf32, #tpu.memory_space<vmem>>
      tpu.enqueue_dma source(%dma_start3A_173 : memref<125x128xf32, #tpu.memory_space<vmem>>) target(%dma_start3A_170 : memref<125x128xf32, #tpu.memory_space<vmem_shared>>) target_semaphore(%run_scoped3A : memref<!tpu.dma_semaphore, #tpu.memory_space<semaphore_mem>>)
      %dma_wait3A = arith.constant 0 : i32
      %dma_wait3A_174 = arith.constant 0 : i32
      %dma_wait3A_175 = tpu.memref_slice %arg14[%dma_wait3A, %dma_wait3A_174] : memref<128x128xf32, #tpu.memory_space<vmem>> -> memref<125x128xf32, #tpu.memory_space<vmem>>
      %dma_wait3A_176 = arith.constant 0 : i32
      %dma_wait3A_177 = tpu.memref_slice %arg9[%add3A_6, %dma_wait3A_176] : memref<10000x128xf32, #tpu.memory_space<vmem_shared>> -> memref<125x128xf32, #tpu.memory_space<vmem_shared>>
      %dma_wait3A_178 = arith.constant 0 : i32
      %dma_wait3A_179 = tpu.memref_slice %arg9[%add3A_6, %dma_wait3A_178] : memref<10000x128xf32, #tpu.memory_space<vmem_shared>> -> memref<125x128xf32, #tpu.memory_space<vmem_shared>>
      %dma_wait3A_180 = arith.constant 0 : i32
      %dma_wait3A_181 = arith.constant 0 : i32
      %dma_wait3A_182 = tpu.memref_slice %arg14[%dma_wait3A_180, %dma_wait3A_181] : memref<128x128xf32, #tpu.memory_space<vmem>> -> memref<125x128xf32, #tpu.memory_space<vmem>>
      tpu.wait_dma2 semaphore(%run_scoped3A : memref<!tpu.dma_semaphore, #tpu.memory_space<semaphore_mem>>) src(%dma_wait3A_182 : memref<125x128xf32, #tpu.memory_space<vmem>>) dst(%dma_wait3A_179 : memref<125x128xf32, #tpu.memory_space<vmem_shared>>)
      tpu.yield
    }) : () -> ()
    %add3A_7 = arith.constant 0 : i32
    %add3A_8 = arith.addi %mul3A_5, %add3A_7 : i32
    "tpu.region"() ({
      %run_scoped3A = tpu.sem_alloc : memref<!tpu.dma_semaphore, #tpu.memory_space<semaphore_mem>>
      %dma_start3A = arith.constant 0 : i32
      %dma_start3A_165 = arith.constant 0 : i32
      %dma_start3A_166 = tpu.memref_slice %arg17[%dma_start3A, %dma_start3A_165] : memref<128x16xf32, #tpu.memory_space<vmem>> -> memref<125x16xf32, #tpu.memory_space<vmem>>
      %dma_start3A_167 = arith.constant 0 : i32
      %dma_start3A_168 = tpu.memref_slice %arg10[%add3A_8, %dma_start3A_167] : memref<10000x16xf32, #tpu.memory_space<vmem_shared>> -> memref<125x16xf32, #tpu.memory_space<vmem_shared>>
      %dma_start3A_169 = arith.constant 0 : i32
      %dma_start3A_170 = tpu.memref_slice %arg10[%add3A_8, %dma_start3A_169] : memref<10000x16xf32, #tpu.memory_space<vmem_shared>> -> memref<125x16xf32, #tpu.memory_space<vmem_shared>>
      %dma_start3A_171 = arith.constant 0 : i32
      %dma_start3A_172 = arith.constant 0 : i32
      %dma_start3A_173 = tpu.memref_slice %arg17[%dma_start3A_171, %dma_start3A_172] : memref<128x16xf32, #tpu.memory_space<vmem>> -> memref<125x16xf32, #tpu.memory_space<vmem>>
      tpu.enqueue_dma source(%dma_start3A_173 : memref<125x16xf32, #tpu.memory_space<vmem>>) target(%dma_start3A_170 : memref<125x16xf32, #tpu.memory_space<vmem_shared>>) target_semaphore(%run_scoped3A : memref<!tpu.dma_semaphore, #tpu.memory_space<semaphore_mem>>)
      %dma_wait3A = arith.constant 0 : i32
      %dma_wait3A_174 = arith.constant 0 : i32
      %dma_wait3A_175 = tpu.memref_slice %arg17[%dma_wait3A, %dma_wait3A_174] : memref<128x16xf32, #tpu.memory_space<vmem>> -> memref<125x16xf32, #tpu.memory_space<vmem>>
      %dma_wait3A_176 = arith.constant 0 : i32
      %dma_wait3A_177 = tpu.memref_slice %arg10[%add3A_8, %dma_wait3A_176] : memref<10000x16xf32, #tpu.memory_space<vmem_shared>> -> memref<125x16xf32, #tpu.memory_space<vmem_shared>>
      %dma_wait3A_178 = arith.constant 0 : i32
      %dma_wait3A_179 = tpu.memref_slice %arg10[%add3A_8, %dma_wait3A_178] : memref<10000x16xf32, #tpu.memory_space<vmem_shared>> -> memref<125x16xf32, #tpu.memory_space<vmem_shared>>
      %dma_wait3A_180 = arith.constant 0 : i32
      %dma_wait3A_181 = arith.constant 0 : i32
      %dma_wait3A_182 = tpu.memref_slice %arg17[%dma_wait3A_180, %dma_wait3A_181] : memref<128x16xf32, #tpu.memory_space<vmem>> -> memref<125x16xf32, #tpu.memory_space<vmem>>
      tpu.wait_dma2 semaphore(%run_scoped3A : memref<!tpu.dma_semaphore, #tpu.memory_space<semaphore_mem>>) src(%dma_wait3A_182 : memref<125x16xf32, #tpu.memory_space<vmem>>) dst(%dma_wait3A_179 : memref<125x16xf32, #tpu.memory_space<vmem_shared>>)
      tpu.yield
    }) : () -> ()
    %add3A_9 = arith.constant 125 : i32
    %add3A_10 = arith.addi %mul3A_5, %add3A_9 : i32
    "tpu.region"() ({
      %run_scoped3A = tpu.sem_alloc : memref<!tpu.dma_semaphore, #tpu.memory_space<semaphore_mem>>
      %dma_start3A = arith.constant 0 : i32
      %dma_start3A_165 = arith.constant 0 : i32
      %dma_start3A_166 = tpu.memref_slice %arg14[%dma_start3A, %dma_start3A_165] : memref<128x128xf32, #tpu.memory_space<vmem>> -> memref<125x128xf32, #tpu.memory_space<vmem>>
      %dma_start3A_167 = arith.constant 0 : i32
      %dma_start3A_168 = tpu.memref_slice %arg9[%add3A_10, %dma_start3A_167] : memref<10000x128xf32, #tpu.memory_space<vmem_shared>> -> memref<125x128xf32, #tpu.memory_space<vmem_shared>>
      %dma_start3A_169 = arith.constant 0 : i32
      %dma_start3A_170 = tpu.memref_slice %arg9[%add3A_10, %dma_start3A_169] : memref<10000x128xf32, #tpu.memory_space<vmem_shared>> -> memref<125x128xf32, #tpu.memory_space<vmem_shared>>
      %dma_start3A_171 = arith.constant 0 : i32
      %dma_start3A_172 = arith.constant 0 : i32
      %dma_start3A_173 = tpu.memref_slice %arg14[%dma_start3A_171, %dma_start3A_172] : memref<128x128xf32, #tpu.memory_space<vmem>> -> memref<125x128xf32, #tpu.memory_space<vmem>>
      tpu.enqueue_dma source(%dma_start3A_173 : memref<125x128xf32, #tpu.memory_space<vmem>>) target(%dma_start3A_170 : memref<125x128xf32, #tpu.memory_space<vmem_shared>>) target_semaphore(%run_scoped3A : memref<!tpu.dma_semaphore, #tpu.memory_space<semaphore_mem>>)
      %dma_wait3A = arith.constant 0 : i32
      %dma_wait3A_174 = arith.constant 0 : i32
      %dma_wait3A_175 = tpu.memref_slice %arg14[%dma_wait3A, %dma_wait3A_174] : memref<128x128xf32, #tpu.memory_space<vmem>> -> memref<125x128xf32, #tpu.memory_space<vmem>>
      %dma_wait3A_176 = arith.constant 0 : i32
      %dma_wait3A_177 = tpu.memref_slice %arg9[%add3A_10, %dma_wait3A_176] : memref<10000x128xf32, #tpu.memory_space<vmem_shared>> -> memref<125x128xf32, #tpu.memory_space<vmem_shared>>
      %dma_wait3A_178 = arith.constant 0 : i32
      %dma_wait3A_179 = tpu.memref_slice %arg9[%add3A_10, %dma_wait3A_178] : memref<10000x128xf32, #tpu.memory_space<vmem_shared>> -> memref<125x128xf32, #tpu.memory_space<vmem_shared>>
      %dma_wait3A_180 = arith.constant 0 : i32
      %dma_wait3A_181 = arith.constant 0 : i32
      %dma_wait3A_182 = tpu.memref_slice %arg14[%dma_wait3A_180, %dma_wait3A_181] : memref<128x128xf32, #tpu.memory_space<vmem>> -> memref<125x128xf32, #tpu.memory_space<vmem>>
      tpu.wait_dma2 semaphore(%run_scoped3A : memref<!tpu.dma_semaphore, #tpu.memory_space<semaphore_mem>>) src(%dma_wait3A_182 : memref<125x128xf32, #tpu.memory_space<vmem>>) dst(%dma_wait3A_179 : memref<125x128xf32, #tpu.memory_space<vmem_shared>>)
      tpu.yield
    }) : () -> ()
    %add3A_11 = arith.constant 125 : i32
    %add3A_12 = arith.addi %mul3A_5, %add3A_11 : i32
    "tpu.region"() ({
      %run_scoped3A = tpu.sem_alloc : memref<!tpu.dma_semaphore, #tpu.memory_space<semaphore_mem>>
      %dma_start3A = arith.constant 0 : i32
      %dma_start3A_165 = arith.constant 0 : i32
      %dma_start3A_166 = tpu.memref_slice %arg17[%dma_start3A, %dma_start3A_165] : memref<128x16xf32, #tpu.memory_space<vmem>> -> memref<125x16xf32, #tpu.memory_space<vmem>>
      %dma_start3A_167 = arith.constant 0 : i32
      %dma_start3A_168 = tpu.memref_slice %arg10[%add3A_12, %dma_start3A_167] : memref<10000x16xf32, #tpu.memory_space<vmem_shared>> -> memref<125x16xf32, #tpu.memory_space<vmem_shared>>
      %dma_start3A_169 = arith.constant 0 : i32
      %dma_start3A_170 = tpu.memref_slice %arg10[%add3A_12, %dma_start3A_169] : memref<10000x16xf32, #tpu.memory_space<vmem_shared>> -> memref<125x16xf32, #tpu.memory_space<vmem_shared>>
      %dma_start3A_171 = arith.constant 0 : i32
      %dma_start3A_172 = arith.constant 0 : i32
      %dma_start3A_173 = tpu.memref_slice %arg17[%dma_start3A_171, %dma_start3A_172] : memref<128x16xf32, #tpu.memory_space<vmem>> -> memref<125x16xf32, #tpu.memory_space<vmem>>
      tpu.enqueue_dma source(%dma_start3A_173 : memref<125x16xf32, #tpu.memory_space<vmem>>) target(%dma_start3A_170 : memref<125x16xf32, #tpu.memory_space<vmem_shared>>) target_semaphore(%run_scoped3A : memref<!tpu.dma_semaphore, #tpu.memory_space<semaphore_mem>>)
      %dma_wait3A = arith.constant 0 : i32
      %dma_wait3A_174 = arith.constant 0 : i32
      %dma_wait3A_175 = tpu.memref_slice %arg17[%dma_wait3A, %dma_wait3A_174] : memref<128x16xf32, #tpu.memory_space<vmem>> -> memref<125x16xf32, #tpu.memory_space<vmem>>
      %dma_wait3A_176 = arith.constant 0 : i32
      %dma_wait3A_177 = tpu.memref_slice %arg10[%add3A_12, %dma_wait3A_176] : memref<10000x16xf32, #tpu.memory_space<vmem_shared>> -> memref<125x16xf32, #tpu.memory_space<vmem_shared>>
      %dma_wait3A_178 = arith.constant 0 : i32
      %dma_wait3A_179 = tpu.memref_slice %arg10[%add3A_12, %dma_wait3A_178] : memref<10000x16xf32, #tpu.memory_space<vmem_shared>> -> memref<125x16xf32, #tpu.memory_space<vmem_shared>>
      %dma_wait3A_180 = arith.constant 0 : i32
      %dma_wait3A_181 = arith.constant 0 : i32
      %dma_wait3A_182 = tpu.memref_slice %arg17[%dma_wait3A_180, %dma_wait3A_181] : memref<128x16xf32, #tpu.memory_space<vmem>> -> memref<125x16xf32, #tpu.memory_space<vmem>>
      tpu.wait_dma2 semaphore(%run_scoped3A : memref<!tpu.dma_semaphore, #tpu.memory_space<semaphore_mem>>) src(%dma_wait3A_182 : memref<125x16xf32, #tpu.memory_space<vmem>>) dst(%dma_wait3A_179 : memref<125x16xf32, #tpu.memory_space<vmem_shared>>)
      tpu.yield
    }) : () -> ()
    %add3A_13 = arith.constant 250 : i32
    %add3A_14 = arith.addi %mul3A_5, %add3A_13 : i32
    "tpu.region"() ({
      %run_scoped3A = tpu.sem_alloc : memref<!tpu.dma_semaphore, #tpu.memory_space<semaphore_mem>>
      %dma_start3A = arith.constant 0 : i32
      %dma_start3A_165 = arith.constant 0 : i32
      %dma_start3A_166 = tpu.memref_slice %arg14[%dma_start3A, %dma_start3A_165] : memref<128x128xf32, #tpu.memory_space<vmem>> -> memref<125x128xf32, #tpu.memory_space<vmem>>
      %dma_start3A_167 = arith.constant 0 : i32
      %dma_start3A_168 = tpu.memref_slice %arg9[%add3A_14, %dma_start3A_167] : memref<10000x128xf32, #tpu.memory_space<vmem_shared>> -> memref<125x128xf32, #tpu.memory_space<vmem_shared>>
      %dma_start3A_169 = arith.constant 0 : i32
      %dma_start3A_170 = tpu.memref_slice %arg9[%add3A_14, %dma_start3A_169] : memref<10000x128xf32, #tpu.memory_space<vmem_shared>> -> memref<125x128xf32, #tpu.memory_space<vmem_shared>>
      %dma_start3A_171 = arith.constant 0 : i32
      %dma_start3A_172 = arith.constant 0 : i32
      %dma_start3A_173 = tpu.memref_slice %arg14[%dma_start3A_171, %dma_start3A_172] : memref<128x128xf32, #tpu.memory_space<vmem>> -> memref<125x128xf32, #tpu.memory_space<vmem>>
      tpu.enqueue_dma source(%dma_start3A_173 : memref<125x128xf32, #tpu.memory_space<vmem>>) target(%dma_start3A_170 : memref<125x128xf32, #tpu.memory_space<vmem_shared>>) target_semaphore(%run_scoped3A : memref<!tpu.dma_semaphore, #tpu.memory_space<semaphore_mem>>)
      %dma_wait3A = arith.constant 0 : i32
      %dma_wait3A_174 = arith.constant 0 : i32
      %dma_wait3A_175 = tpu.memref_slice %arg14[%dma_wait3A, %dma_wait3A_174] : memref<128x128xf32, #tpu.memory_space<vmem>> -> memref<125x128xf32, #tpu.memory_space<vmem>>
      %dma_wait3A_176 = arith.constant 0 : i32
      %dma_wait3A_177 = tpu.memref_slice %arg9[%add3A_14, %dma_wait3A_176] : memref<10000x128xf32, #tpu.memory_space<vmem_shared>> -> memref<125x128xf32, #tpu.memory_space<vmem_shared>>
      %dma_wait3A_178 = arith.constant 0 : i32
      %dma_wait3A_179 = tpu.memref_slice %arg9[%add3A_14, %dma_wait3A_178] : memref<10000x128xf32, #tpu.memory_space<vmem_shared>> -> memref<125x128xf32, #tpu.memory_space<vmem_shared>>
      %dma_wait3A_180 = arith.constant 0 : i32
      %dma_wait3A_181 = arith.constant 0 : i32
      %dma_wait3A_182 = tpu.memref_slice %arg14[%dma_wait3A_180, %dma_wait3A_181] : memref<128x128xf32, #tpu.memory_space<vmem>> -> memref<125x128xf32, #tpu.memory_space<vmem>>
      tpu.wait_dma2 semaphore(%run_scoped3A : memref<!tpu.dma_semaphore, #tpu.memory_space<semaphore_mem>>) src(%dma_wait3A_182 : memref<125x128xf32, #tpu.memory_space<vmem>>) dst(%dma_wait3A_179 : memref<125x128xf32, #tpu.memory_space<vmem_shared>>)
      tpu.yield
    }) : () -> ()
    %add3A_15 = arith.constant 250 : i32
    %add3A_16 = arith.addi %mul3A_5, %add3A_15 : i32
    "tpu.region"() ({
      %run_scoped3A = tpu.sem_alloc : memref<!tpu.dma_semaphore, #tpu.memory_space<semaphore_mem>>
      %dma_start3A = arith.constant 0 : i32
      %dma_start3A_165 = arith.constant 0 : i32
      %dma_start3A_166 = tpu.memref_slice %arg17[%dma_start3A, %dma_start3A_165] : memref<128x16xf32, #tpu.memory_space<vmem>> -> memref<125x16xf32, #tpu.memory_space<vmem>>
      %dma_start3A_167 = arith.constant 0 : i32
      %dma_start3A_168 = tpu.memref_slice %arg10[%add3A_16, %dma_start3A_167] : memref<10000x16xf32, #tpu.memory_space<vmem_shared>> -> memref<125x16xf32, #tpu.memory_space<vmem_shared>>
      %dma_start3A_169 = arith.constant 0 : i32
      %dma_start3A_170 = tpu.memref_slice %arg10[%add3A_16, %dma_start3A_169] : memref<10000x16xf32, #tpu.memory_space<vmem_shared>> -> memref<125x16xf32, #tpu.memory_space<vmem_shared>>
      %dma_start3A_171 = arith.constant 0 : i32
      %dma_start3A_172 = arith.constant 0 : i32
      %dma_start3A_173 = tpu.memref_slice %arg17[%dma_start3A_171, %dma_start3A_172] : memref<128x16xf32, #tpu.memory_space<vmem>> -> memref<125x16xf32, #tpu.memory_space<vmem>>
      tpu.enqueue_dma source(%dma_start3A_173 : memref<125x16xf32, #tpu.memory_space<vmem>>) target(%dma_start3A_170 : memref<125x16xf32, #tpu.memory_space<vmem_shared>>) target_semaphore(%run_scoped3A : memref<!tpu.dma_semaphore, #tpu.memory_space<semaphore_mem>>)
      %dma_wait3A = arith.constant 0 : i32
      %dma_wait3A_174 = arith.constant 0 : i32
      %dma_wait3A_175 = tpu.memref_slice %arg17[%dma_wait3A, %dma_wait3A_174] : memref<128x16xf32, #tpu.memory_space<vmem>> -> memref<125x16xf32, #tpu.memory_space<vmem>>
      %dma_wait3A_176 = arith.constant 0 : i32
      %dma_wait3A_177 = tpu.memref_slice %arg10[%add3A_16, %dma_wait3A_176] : memref<10000x16xf32, #tpu.memory_space<vmem_shared>> -> memref<125x16xf32, #tpu.memory_space<vmem_shared>>
      %dma_wait3A_178 = arith.constant 0 : i32
      %dma_wait3A_179 = tpu.memref_slice %arg10[%add3A_16, %dma_wait3A_178] : memref<10000x16xf32, #tpu.memory_space<vmem_shared>> -> memref<125x16xf32, #tpu.memory_space<vmem_shared>>
      %dma_wait3A_180 = arith.constant 0 : i32
      %dma_wait3A_181 = arith.constant 0 : i32
      %dma_wait3A_182 = tpu.memref_slice %arg17[%dma_wait3A_180, %dma_wait3A_181] : memref<128x16xf32, #tpu.memory_space<vmem>> -> memref<125x16xf32, #tpu.memory_space<vmem>>
      tpu.wait_dma2 semaphore(%run_scoped3A : memref<!tpu.dma_semaphore, #tpu.memory_space<semaphore_mem>>) src(%dma_wait3A_182 : memref<125x16xf32, #tpu.memory_space<vmem>>) dst(%dma_wait3A_179 : memref<125x16xf32, #tpu.memory_space<vmem_shared>>)
      tpu.yield
    }) : () -> ()
    %add3A_17 = arith.constant 375 : i32
    %add3A_18 = arith.addi %mul3A_5, %add3A_17 : i32
    "tpu.region"() ({
      %run_scoped3A = tpu.sem_alloc : memref<!tpu.dma_semaphore, #tpu.memory_space<semaphore_mem>>
      %dma_start3A = arith.constant 0 : i32
      %dma_start3A_165 = arith.constant 0 : i32
      %dma_start3A_166 = tpu.memref_slice %arg14[%dma_start3A, %dma_start3A_165] : memref<128x128xf32, #tpu.memory_space<vmem>> -> memref<125x128xf32, #tpu.memory_space<vmem>>
      %dma_start3A_167 = arith.constant 0 : i32
      %dma_start3A_168 = tpu.memref_slice %arg9[%add3A_18, %dma_start3A_167] : memref<10000x128xf32, #tpu.memory_space<vmem_shared>> -> memref<125x128xf32, #tpu.memory_space<vmem_shared>>
      %dma_start3A_169 = arith.constant 0 : i32
      %dma_start3A_170 = tpu.memref_slice %arg9[%add3A_18, %dma_start3A_169] : memref<10000x128xf32, #tpu.memory_space<vmem_shared>> -> memref<125x128xf32, #tpu.memory_space<vmem_shared>>
      %dma_start3A_171 = arith.constant 0 : i32
      %dma_start3A_172 = arith.constant 0 : i32
      %dma_start3A_173 = tpu.memref_slice %arg14[%dma_start3A_171, %dma_start3A_172] : memref<128x128xf32, #tpu.memory_space<vmem>> -> memref<125x128xf32, #tpu.memory_space<vmem>>
      tpu.enqueue_dma source(%dma_start3A_173 : memref<125x128xf32, #tpu.memory_space<vmem>>) target(%dma_start3A_170 : memref<125x128xf32, #tpu.memory_space<vmem_shared>>) target_semaphore(%run_scoped3A : memref<!tpu.dma_semaphore, #tpu.memory_space<semaphore_mem>>)
      %dma_wait3A = arith.constant 0 : i32
      %dma_wait3A_174 = arith.constant 0 : i32
      %dma_wait3A_175 = tpu.memref_slice %arg14[%dma_wait3A, %dma_wait3A_174] : memref<128x128xf32, #tpu.memory_space<vmem>> -> memref<125x128xf32, #tpu.memory_space<vmem>>
      %dma_wait3A_176 = arith.constant 0 : i32
      %dma_wait3A_177 = tpu.memref_slice %arg9[%add3A_18, %dma_wait3A_176] : memref<10000x128xf32, #tpu.memory_space<vmem_shared>> -> memref<125x128xf32, #tpu.memory_space<vmem_shared>>
      %dma_wait3A_178 = arith.constant 0 : i32
      %dma_wait3A_179 = tpu.memref_slice %arg9[%add3A_18, %dma_wait3A_178] : memref<10000x128xf32, #tpu.memory_space<vmem_shared>> -> memref<125x128xf32, #tpu.memory_space<vmem_shared>>
      %dma_wait3A_180 = arith.constant 0 : i32
      %dma_wait3A_181 = arith.constant 0 : i32
      %dma_wait3A_182 = tpu.memref_slice %arg14[%dma_wait3A_180, %dma_wait3A_181] : memref<128x128xf32, #tpu.memory_space<vmem>> -> memref<125x128xf32, #tpu.memory_space<vmem>>
      tpu.wait_dma2 semaphore(%run_scoped3A : memref<!tpu.dma_semaphore, #tpu.memory_space<semaphore_mem>>) src(%dma_wait3A_182 : memref<125x128xf32, #tpu.memory_space<vmem>>) dst(%dma_wait3A_179 : memref<125x128xf32, #tpu.memory_space<vmem_shared>>)
      tpu.yield
    }) : () -> ()
    %add3A_19 = arith.constant 375 : i32
    %add3A_20 = arith.addi %mul3A_5, %add3A_19 : i32
    "tpu.region"() ({
      %run_scoped3A = tpu.sem_alloc : memref<!tpu.dma_semaphore, #tpu.memory_space<semaphore_mem>>
      %dma_start3A = arith.constant 0 : i32
      %dma_start3A_165 = arith.constant 0 : i32
      %dma_start3A_166 = tpu.memref_slice %arg17[%dma_start3A, %dma_start3A_165] : memref<128x16xf32, #tpu.memory_space<vmem>> -> memref<125x16xf32, #tpu.memory_space<vmem>>
      %dma_start3A_167 = arith.constant 0 : i32
      %dma_start3A_168 = tpu.memref_slice %arg10[%add3A_20, %dma_start3A_167] : memref<10000x16xf32, #tpu.memory_space<vmem_shared>> -> memref<125x16xf32, #tpu.memory_space<vmem_shared>>
      %dma_start3A_169 = arith.constant 0 : i32
      %dma_start3A_170 = tpu.memref_slice %arg10[%add3A_20, %dma_start3A_169] : memref<10000x16xf32, #tpu.memory_space<vmem_shared>> -> memref<125x16xf32, #tpu.memory_space<vmem_shared>>
      %dma_start3A_171 = arith.constant 0 : i32
      %dma_start3A_172 = arith.constant 0 : i32
      %dma_start3A_173 = tpu.memref_slice %arg17[%dma_start3A_171, %dma_start3A_172] : memref<128x16xf32, #tpu.memory_space<vmem>> -> memref<125x16xf32, #tpu.memory_space<vmem>>
      tpu.enqueue_dma source(%dma_start3A_173 : memref<125x16xf32, #tpu.memory_space<vmem>>) target(%dma_start3A_170 : memref<125x16xf32, #tpu.memory_space<vmem_shared>>) target_semaphore(%run_scoped3A : memref<!tpu.dma_semaphore, #tpu.memory_space<semaphore_mem>>)
      %dma_wait3A = arith.constant 0 : i32
      %dma_wait3A_174 = arith.constant 0 : i32
      %dma_wait3A_175 = tpu.memref_slice %arg17[%dma_wait3A, %dma_wait3A_174] : memref<128x16xf32, #tpu.memory_space<vmem>> -> memref<125x16xf32, #tpu.memory_space<vmem>>
      %dma_wait3A_176 = arith.constant 0 : i32
      %dma_wait3A_177 = tpu.memref_slice %arg10[%add3A_20, %dma_wait3A_176] : memref<10000x16xf32, #tpu.memory_space<vmem_shared>> -> memref<125x16xf32, #tpu.memory_space<vmem_shared>>
      %dma_wait3A_178 = arith.constant 0 : i32
      %dma_wait3A_179 = tpu.memref_slice %arg10[%add3A_20, %dma_wait3A_178] : memref<10000x16xf32, #tpu.memory_space<vmem_shared>> -> memref<125x16xf32, #tpu.memory_space<vmem_shared>>
      %dma_wait3A_180 = arith.constant 0 : i32
      %dma_wait3A_181 = arith.constant 0 : i32
      %dma_wait3A_182 = tpu.memref_slice %arg17[%dma_wait3A_180, %dma_wait3A_181] : memref<128x16xf32, #tpu.memory_space<vmem>> -> memref<125x16xf32, #tpu.memory_space<vmem>>
      tpu.wait_dma2 semaphore(%run_scoped3A : memref<!tpu.dma_semaphore, #tpu.memory_space<semaphore_mem>>) src(%dma_wait3A_182 : memref<125x16xf32, #tpu.memory_space<vmem>>) dst(%dma_wait3A_179 : memref<125x16xf32, #tpu.memory_space<vmem_shared>>)
      tpu.yield
    }) : () -> ()
    %add3A_21 = arith.constant 500 : i32
    %add3A_22 = arith.addi %mul3A_5, %add3A_21 : i32
    "tpu.region"() ({
      %run_scoped3A = tpu.sem_alloc : memref<!tpu.dma_semaphore, #tpu.memory_space<semaphore_mem>>
      %dma_start3A = arith.constant 0 : i32
      %dma_start3A_165 = arith.constant 0 : i32
      %dma_start3A_166 = tpu.memref_slice %arg14[%dma_start3A, %dma_start3A_165] : memref<128x128xf32, #tpu.memory_space<vmem>> -> memref<125x128xf32, #tpu.memory_space<vmem>>
      %dma_start3A_167 = arith.constant 0 : i32
      %dma_start3A_168 = tpu.memref_slice %arg9[%add3A_22, %dma_start3A_167] : memref<10000x128xf32, #tpu.memory_space<vmem_shared>> -> memref<125x128xf32, #tpu.memory_space<vmem_shared>>
      %dma_start3A_169 = arith.constant 0 : i32
      %dma_start3A_170 = tpu.memref_slice %arg9[%add3A_22, %dma_start3A_169] : memref<10000x128xf32, #tpu.memory_space<vmem_shared>> -> memref<125x128xf32, #tpu.memory_space<vmem_shared>>
      %dma_start3A_171 = arith.constant 0 : i32
      %dma_start3A_172 = arith.constant 0 : i32
      %dma_start3A_173 = tpu.memref_slice %arg14[%dma_start3A_171, %dma_start3A_172] : memref<128x128xf32, #tpu.memory_space<vmem>> -> memref<125x128xf32, #tpu.memory_space<vmem>>
      tpu.enqueue_dma source(%dma_start3A_173 : memref<125x128xf32, #tpu.memory_space<vmem>>) target(%dma_start3A_170 : memref<125x128xf32, #tpu.memory_space<vmem_shared>>) target_semaphore(%run_scoped3A : memref<!tpu.dma_semaphore, #tpu.memory_space<semaphore_mem>>)
      %dma_wait3A = arith.constant 0 : i32
      %dma_wait3A_174 = arith.constant 0 : i32
      %dma_wait3A_175 = tpu.memref_slice %arg14[%dma_wait3A, %dma_wait3A_174] : memref<128x128xf32, #tpu.memory_space<vmem>> -> memref<125x128xf32, #tpu.memory_space<vmem>>
      %dma_wait3A_176 = arith.constant 0 : i32
      %dma_wait3A_177 = tpu.memref_slice %arg9[%add3A_22, %dma_wait3A_176] : memref<10000x128xf32, #tpu.memory_space<vmem_shared>> -> memref<125x128xf32, #tpu.memory_space<vmem_shared>>
      %dma_wait3A_178 = arith.constant 0 : i32
      %dma_wait3A_179 = tpu.memref_slice %arg9[%add3A_22, %dma_wait3A_178] : memref<10000x128xf32, #tpu.memory_space<vmem_shared>> -> memref<125x128xf32, #tpu.memory_space<vmem_shared>>
      %dma_wait3A_180 = arith.constant 0 : i32
      %dma_wait3A_181 = arith.constant 0 : i32
      %dma_wait3A_182 = tpu.memref_slice %arg14[%dma_wait3A_180, %dma_wait3A_181] : memref<128x128xf32, #tpu.memory_space<vmem>> -> memref<125x128xf32, #tpu.memory_space<vmem>>
      tpu.wait_dma2 semaphore(%run_scoped3A : memref<!tpu.dma_semaphore, #tpu.memory_space<semaphore_mem>>) src(%dma_wait3A_182 : memref<125x128xf32, #tpu.memory_space<vmem>>) dst(%dma_wait3A_179 : memref<125x128xf32, #tpu.memory_space<vmem_shared>>)
      tpu.yield
    }) : () -> ()
    %add3A_23 = arith.constant 500 : i32
    %add3A_24 = arith.addi %mul3A_5, %add3A_23 : i32
    "tpu.region"() ({
      %run_scoped3A = tpu.sem_alloc : memref<!tpu.dma_semaphore, #tpu.memory_space<semaphore_mem>>
      %dma_start3A = arith.constant 0 : i32
      %dma_start3A_165 = arith.constant 0 : i32
      %dma_start3A_166 = tpu.memref_slice %arg17[%dma_start3A, %dma_start3A_165] : memref<128x16xf32, #tpu.memory_space<vmem>> -> memref<125x16xf32, #tpu.memory_space<vmem>>
      %dma_start3A_167 = arith.constant 0 : i32
      %dma_start3A_168 = tpu.memref_slice %arg10[%add3A_24, %dma_start3A_167] : memref<10000x16xf32, #tpu.memory_space<vmem_shared>> -> memref<125x16xf32, #tpu.memory_space<vmem_shared>>
      %dma_start3A_169 = arith.constant 0 : i32
      %dma_start3A_170 = tpu.memref_slice %arg10[%add3A_24, %dma_start3A_169] : memref<10000x16xf32, #tpu.memory_space<vmem_shared>> -> memref<125x16xf32, #tpu.memory_space<vmem_shared>>
      %dma_start3A_171 = arith.constant 0 : i32
      %dma_start3A_172 = arith.constant 0 : i32
      %dma_start3A_173 = tpu.memref_slice %arg17[%dma_start3A_171, %dma_start3A_172] : memref<128x16xf32, #tpu.memory_space<vmem>> -> memref<125x16xf32, #tpu.memory_space<vmem>>
      tpu.enqueue_dma source(%dma_start3A_173 : memref<125x16xf32, #tpu.memory_space<vmem>>) target(%dma_start3A_170 : memref<125x16xf32, #tpu.memory_space<vmem_shared>>) target_semaphore(%run_scoped3A : memref<!tpu.dma_semaphore, #tpu.memory_space<semaphore_mem>>)
      %dma_wait3A = arith.constant 0 : i32
      %dma_wait3A_174 = arith.constant 0 : i32
      %dma_wait3A_175 = tpu.memref_slice %arg17[%dma_wait3A, %dma_wait3A_174] : memref<128x16xf32, #tpu.memory_space<vmem>> -> memref<125x16xf32, #tpu.memory_space<vmem>>
      %dma_wait3A_176 = arith.constant 0 : i32
      %dma_wait3A_177 = tpu.memref_slice %arg10[%add3A_24, %dma_wait3A_176] : memref<10000x16xf32, #tpu.memory_space<vmem_shared>> -> memref<125x16xf32, #tpu.memory_space<vmem_shared>>
      %dma_wait3A_178 = arith.constant 0 : i32
      %dma_wait3A_179 = tpu.memref_slice %arg10[%add3A_24, %dma_wait3A_178] : memref<10000x16xf32, #tpu.memory_space<vmem_shared>> -> memref<125x16xf32, #tpu.memory_space<vmem_shared>>
      %dma_wait3A_180 = arith.constant 0 : i32
      %dma_wait3A_181 = arith.constant 0 : i32
      %dma_wait3A_182 = tpu.memref_slice %arg17[%dma_wait3A_180, %dma_wait3A_181] : memref<128x16xf32, #tpu.memory_space<vmem>> -> memref<125x16xf32, #tpu.memory_space<vmem>>
      tpu.wait_dma2 semaphore(%run_scoped3A : memref<!tpu.dma_semaphore, #tpu.memory_space<semaphore_mem>>) src(%dma_wait3A_182 : memref<125x16xf32, #tpu.memory_space<vmem>>) dst(%dma_wait3A_179 : memref<125x16xf32, #tpu.memory_space<vmem_shared>>)
      tpu.yield
    }) : () -> ()
    %mul3A_25 = arith.constant 640 : i32
    %mul3A_26 = arith.muli %arg1, %mul3A_25 : i32
    %add3A_27 = arith.constant 0 : i32
    %add3A_28 = arith.addi %mul3A_26, %add3A_27 : i32
    %mul3A_29 = arith.constant 16 : i32
    %mul3A_30 = arith.muli %add3A_28, %mul3A_29 : i32
    "tpu.region"() ({
      %run_scoped3A = tpu.sem_alloc : memref<!tpu.dma_semaphore, #tpu.memory_space<semaphore_mem>>
      %dma_start3A = tpu.memref_slice %arg3[%mul3A_30] : memref<163840xf32, #tpu.memory_space<hbm>> -> memref<2048xf32, #tpu.memory_space<hbm>>
      %dma_start3A_165 = tpu.memref_slice %arg3[%mul3A_30] : memref<163840xf32, #tpu.memory_space<hbm>> -> memref<2048xf32, #tpu.memory_space<hbm>>
      tpu.enqueue_dma source(%dma_start3A_165 : memref<2048xf32, #tpu.memory_space<hbm>>) target(%arg18 : memref<2048xf32, #tpu.memory_space<vmem>>) target_semaphore(%run_scoped3A : memref<!tpu.dma_semaphore, #tpu.memory_space<semaphore_mem>>)
      %dma_wait3A = tpu.memref_slice %arg3[%mul3A_30] : memref<163840xf32, #tpu.memory_space<hbm>> -> memref<2048xf32, #tpu.memory_space<hbm>>
      %dma_wait3A_166 = tpu.memref_slice %arg3[%mul3A_30] : memref<163840xf32, #tpu.memory_space<hbm>> -> memref<2048xf32, #tpu.memory_space<hbm>>
      tpu.wait_dma2 semaphore(%run_scoped3A : memref<!tpu.dma_semaphore, #tpu.memory_space<semaphore_mem>>) src(%dma_wait3A_166 : memref<2048xf32, #tpu.memory_space<hbm>>) dst(%arg18 : memref<2048xf32, #tpu.memory_space<vmem>>)
      tpu.yield
    }) : () -> ()
    %scan3A_31 = arith.constant 0 : i32
    %scan3A_32 = arith.constant 128 : i32
    %scan3A_33 = arith.addi %scan3A_31, %scan3A_32 : i32
    %scan3A_34 = arith.constant 1 : i32
    scf.for %scan3A_165 = %scan3A_31 to %scan3A_33 step %scan3A_34  : i32 {
      %mul3A_166 = arith.constant 1 : i32
      %mul3A_167 = arith.muli %scan3A_165, %mul3A_166 : i32
      %add3A_168 = arith.constant 0 : i32
      %add3A_169 = arith.addi %add3A_168, %mul3A_167 : i32
      %mul3A_170 = arith.constant 16 : i32
      %mul3A_171 = arith.muli %add3A_169, %mul3A_170 : i32
      %get3A_172 = arith.index_cast %mul3A_171 : i32 to index
      %get3A_173 = tpu.vector_load %arg18[%get3A_172] {strides = array<i32>} : memref<2048xf32, #tpu.memory_space<vmem>>, vector<16xf32>,
      %get3A_174 = vector.shape_cast %get3A_173 : vector<16xf32> to vector<16xf32>
      %swap3A = arith.index_cast %add3A_169 : i32 to index
      %swap3A_175 = arith.constant 0 : index
      %swap3A_176 = tpu.vector_load %arg19[%swap3A, %swap3A_175] {strides = array<i32>} : memref<128x16xf32, #tpu.memory_space<vmem>>, vector<1x16xf32>,
      %swap3A_177 = vector.shape_cast %swap3A_176 : vector<1x16xf32> to vector<16xf32>
      %swap3A_178 = vector.shape_cast %get3A_174 : vector<16xf32> to vector<1x16xf32>
      tpu.vector_store %arg19[%swap3A, %swap3A_175], %swap3A_178 {strides = array<i32>} : memref<128x16xf32, #tpu.memory_space<vmem>>, vector<1x16xf32>,
    }
    %scan3A_35 = arith.constant 128 : i32
    %add3A_36 = arith.constant 0 : i32
    %add3A_37 = arith.addi %mul3A_26, %add3A_36 : i32
    "tpu.region"() ({
      %run_scoped3A = tpu.sem_alloc : memref<!tpu.dma_semaphore, #tpu.memory_space<semaphore_mem>>
      %dma_start3A = arith.constant 0 : i32
      %dma_start3A_165 = tpu.memref_slice %arg11[%add3A_37, %dma_start3A] : memref<10240x16xf32, #tpu.memory_space<vmem_shared>> -> memref<128x16xf32, #tpu.memory_space<vmem_shared>>
      %dma_start3A_166 = arith.constant 0 : i32
      %dma_start3A_167 = tpu.memref_slice %arg11[%add3A_37, %dma_start3A_166] : memref<10240x16xf32, #tpu.memory_space<vmem_shared>> -> memref<128x16xf32, #tpu.memory_space<vmem_shared>>
      tpu.enqueue_dma source(%arg19 : memref<128x16xf32, #tpu.memory_space<vmem>>) target(%dma_start3A_167 : memref<128x16xf32, #tpu.memory_space<vmem_shared>>) target_semaphore(%run_scoped3A : memref<!tpu.dma_semaphore, #tpu.memory_space<semaphore_mem>>)
      %dma_wait3A = arith.constant 0 : i32
      %dma_wait3A_168 = tpu.memref_slice %arg11[%add3A_37, %dma_wait3A] : memref<10240x16xf32, #tpu.memory_space<vmem_shared>> -> memref<128x16xf32, #tpu.memory_space<vmem_shared>>
      %dma_wait3A_169 = arith.constant 0 : i32
      %dma_wait3A_170 = tpu.memref_slice %arg11[%add3A_37, %dma_wait3A_169] : memref<10240x16xf32, #tpu.memory_space<vmem_shared>> -> memref<128x16xf32, #tpu.memory_space<vmem_shared>>
      tpu.wait_dma2 semaphore(%run_scoped3A : memref<!tpu.dma_semaphore, #tpu.memory_space<semaphore_mem>>) src(%arg19 : memref<128x16xf32, #tpu.memory_space<vmem>>) dst(%dma_wait3A_170 : memref<128x16xf32, #tpu.memory_space<vmem_shared>>)
      tpu.yield
    }) : () -> ()
    %add3A_38 = arith.constant 128 : i32
    %add3A_39 = arith.addi %mul3A_26, %add3A_38 : i32
    %mul3A_40 = arith.constant 16 : i32
    %mul3A_41 = arith.muli %add3A_39, %mul3A_40 : i32
    "tpu.region"() ({
      %run_scoped3A = tpu.sem_alloc : memref<!tpu.dma_semaphore, #tpu.memory_space<semaphore_mem>>
      %dma_start3A = tpu.memref_slice %arg3[%mul3A_41] : memref<163840xf32, #tpu.memory_space<hbm>> -> memref<2048xf32, #tpu.memory_space<hbm>>
      %dma_start3A_165 = tpu.memref_slice %arg3[%mul3A_41] : memref<163840xf32, #tpu.memory_space<hbm>> -> memref<2048xf32, #tpu.memory_space<hbm>>
      tpu.enqueue_dma source(%dma_start3A_165 : memref<2048xf32, #tpu.memory_space<hbm>>) target(%arg18 : memref<2048xf32, #tpu.memory_space<vmem>>) target_semaphore(%run_scoped3A : memref<!tpu.dma_semaphore, #tpu.memory_space<semaphore_mem>>)
      %dma_wait3A = tpu.memref_slice %arg3[%mul3A_41] : memref<163840xf32, #tpu.memory_space<hbm>> -> memref<2048xf32, #tpu.memory_space<hbm>>
      %dma_wait3A_166 = tpu.memref_slice %arg3[%mul3A_41] : memref<163840xf32, #tpu.memory_space<hbm>> -> memref<2048xf32, #tpu.memory_space<hbm>>
      tpu.wait_dma2 semaphore(%run_scoped3A : memref<!tpu.dma_semaphore, #tpu.memory_space<semaphore_mem>>) src(%dma_wait3A_166 : memref<2048xf32, #tpu.memory_space<hbm>>) dst(%arg18 : memref<2048xf32, #tpu.memory_space<vmem>>)
      tpu.yield
    }) : () -> ()
    %scan3A_42 = arith.constant 0 : i32
    %scan3A_43 = arith.constant 128 : i32
    %scan3A_44 = arith.addi %scan3A_42, %scan3A_43 : i32
    %scan3A_45 = arith.constant 1 : i32
    scf.for %scan3A_165 = %scan3A_42 to %scan3A_44 step %scan3A_45  : i32 {
      %mul3A_166 = arith.constant 1 : i32
      %mul3A_167 = arith.muli %scan3A_165, %mul3A_166 : i32
      %add3A_168 = arith.constant 0 : i32
      %add3A_169 = arith.addi %add3A_168, %mul3A_167 : i32
      %mul3A_170 = arith.constant 16 : i32
      %mul3A_171 = arith.muli %add3A_169, %mul3A_170 : i32
      %get3A_172 = arith.index_cast %mul3A_171 : i32 to index
      %get3A_173 = tpu.vector_load %arg18[%get3A_172] {strides = array<i32>} : memref<2048xf32, #tpu.memory_space<vmem>>, vector<16xf32>,
      %get3A_174 = vector.shape_cast %get3A_173 : vector<16xf32> to vector<16xf32>
      %swap3A = arith.index_cast %add3A_169 : i32 to index
      %swap3A_175 = arith.constant 0 : index
      %swap3A_176 = tpu.vector_load %arg19[%swap3A, %swap3A_175] {strides = array<i32>} : memref<128x16xf32, #tpu.memory_space<vmem>>, vector<1x16xf32>,
      %swap3A_177 = vector.shape_cast %swap3A_176 : vector<1x16xf32> to vector<16xf32>
      %swap3A_178 = vector.shape_cast %get3A_174 : vector<16xf32> to vector<1x16xf32>
      tpu.vector_store %arg19[%swap3A, %swap3A_175], %swap3A_178 {strides = array<i32>} : memref<128x16xf32, #tpu.memory_space<vmem>>, vector<1x16xf32>,
    }
    %scan3A_46 = arith.constant 128 : i32
    %add3A_47 = arith.constant 128 : i32
    %add3A_48 = arith.addi %mul3A_26, %add3A_47 : i32
    "tpu.region"() ({
      %run_scoped3A = tpu.sem_alloc : memref<!tpu.dma_semaphore, #tpu.memory_space<semaphore_mem>>
      %dma_start3A = arith.constant 0 : i32
      %dma_start3A_165 = tpu.memref_slice %arg11[%add3A_48, %dma_start3A] : memref<10240x16xf32, #tpu.memory_space<vmem_shared>> -> memref<128x16xf32, #tpu.memory_space<vmem_shared>>
      %dma_start3A_166 = arith.constant 0 : i32
      %dma_start3A_167 = tpu.memref_slice %arg11[%add3A_48, %dma_start3A_166] : memref<10240x16xf32, #tpu.memory_space<vmem_shared>> -> memref<128x16xf32, #tpu.memory_space<vmem_shared>>
      tpu.enqueue_dma source(%arg19 : memref<128x16xf32, #tpu.memory_space<vmem>>) target(%dma_start3A_167 : memref<128x16xf32, #tpu.memory_space<vmem_shared>>) target_semaphore(%run_scoped3A : memref<!tpu.dma_semaphore, #tpu.memory_space<semaphore_mem>>)
      %dma_wait3A = arith.constant 0 : i32
      %dma_wait3A_168 = tpu.memref_slice %arg11[%add3A_48, %dma_wait3A] : memref<10240x16xf32, #tpu.memory_space<vmem_shared>> -> memref<128x16xf32, #tpu.memory_space<vmem_shared>>
      %dma_wait3A_169 = arith.constant 0 : i32
      %dma_wait3A_170 = tpu.memref_slice %arg11[%add3A_48, %dma_wait3A_169] : memref<10240x16xf32, #tpu.memory_space<vmem_shared>> -> memref<128x16xf32, #tpu.memory_space<vmem_shared>>
      tpu.wait_dma2 semaphore(%run_scoped3A : memref<!tpu.dma_semaphore, #tpu.memory_space<semaphore_mem>>) src(%arg19 : memref<128x16xf32, #tpu.memory_space<vmem>>) dst(%dma_wait3A_170 : memref<128x16xf32, #tpu.memory_space<vmem_shared>>)
      tpu.yield
    }) : () -> ()
    %add3A_49 = arith.constant 256 : i32
    %add3A_50 = arith.addi %mul3A_26, %add3A_49 : i32
    %mul3A_51 = arith.constant 16 : i32
    %mul3A_52 = arith.muli %add3A_50, %mul3A_51 : i32
    "tpu.region"() ({
      %run_scoped3A = tpu.sem_alloc : memref<!tpu.dma_semaphore, #tpu.memory_space<semaphore_mem>>
      %dma_start3A = tpu.memref_slice %arg3[%mul3A_52] : memref<163840xf32, #tpu.memory_space<hbm>> -> memref<2048xf32, #tpu.memory_space<hbm>>
      %dma_start3A_165 = tpu.memref_slice %arg3[%mul3A_52] : memref<163840xf32, #tpu.memory_space<hbm>> -> memref<2048xf32, #tpu.memory_space<hbm>>
      tpu.enqueue_dma source(%dma_start3A_165 : memref<2048xf32, #tpu.memory_space<hbm>>) target(%arg18 : memref<2048xf32, #tpu.memory_space<vmem>>) target_semaphore(%run_scoped3A : memref<!tpu.dma_semaphore, #tpu.memory_space<semaphore_mem>>)
      %dma_wait3A = tpu.memref_slice %arg3[%mul3A_52] : memref<163840xf32, #tpu.memory_space<hbm>> -> memref<2048xf32, #tpu.memory_space<hbm>>
      %dma_wait3A_166 = tpu.memref_slice %arg3[%mul3A_52] : memref<163840xf32, #tpu.memory_space<hbm>> -> memref<2048xf32, #tpu.memory_space<hbm>>
      tpu.wait_dma2 semaphore(%run_scoped3A : memref<!tpu.dma_semaphore, #tpu.memory_space<semaphore_mem>>) src(%dma_wait3A_166 : memref<2048xf32, #tpu.memory_space<hbm>>) dst(%arg18 : memref<2048xf32, #tpu.memory_space<vmem>>)
      tpu.yield
    }) : () -> ()
    %scan3A_53 = arith.constant 0 : i32
    %scan3A_54 = arith.constant 128 : i32
    %scan3A_55 = arith.addi %scan3A_53, %scan3A_54 : i32
    %scan3A_56 = arith.constant 1 : i32
    scf.for %scan3A_165 = %scan3A_53 to %scan3A_55 step %scan3A_56  : i32 {
      %mul3A_166 = arith.constant 1 : i32
      %mul3A_167 = arith.muli %scan3A_165, %mul3A_166 : i32
      %add3A_168 = arith.constant 0 : i32
      %add3A_169 = arith.addi %add3A_168, %mul3A_167 : i32
      %mul3A_170 = arith.constant 16 : i32
      %mul3A_171 = arith.muli %add3A_169, %mul3A_170 : i32
      %get3A_172 = arith.index_cast %mul3A_171 : i32 to index
      %get3A_173 = tpu.vector_load %arg18[%get3A_172] {strides = array<i32>} : memref<2048xf32, #tpu.memory_space<vmem>>, vector<16xf32>,
      %get3A_174 = vector.shape_cast %get3A_173 : vector<16xf32> to vector<16xf32>
      %swap3A = arith.index_cast %add3A_169 : i32 to index
      %swap3A_175 = arith.constant 0 : index
      %swap3A_176 = tpu.vector_load %arg19[%swap3A, %swap3A_175] {strides = array<i32>} : memref<128x16xf32, #tpu.memory_space<vmem>>, vector<1x16xf32>,
      %swap3A_177 = vector.shape_cast %swap3A_176 : vector<1x16xf32> to vector<16xf32>
      %swap3A_178 = vector.shape_cast %get3A_174 : vector<16xf32> to vector<1x16xf32>
      tpu.vector_store %arg19[%swap3A, %swap3A_175], %swap3A_178 {strides = array<i32>} : memref<128x16xf32, #tpu.memory_space<vmem>>, vector<1x16xf32>,
    }
    %scan3A_57 = arith.constant 128 : i32
    %add3A_58 = arith.constant 256 : i32
    %add3A_59 = arith.addi %mul3A_26, %add3A_58 : i32
    "tpu.region"() ({
      %run_scoped3A = tpu.sem_alloc : memref<!tpu.dma_semaphore, #tpu.memory_space<semaphore_mem>>
      %dma_start3A = arith.constant 0 : i32
      %dma_start3A_165 = tpu.memref_slice %arg11[%add3A_59, %dma_start3A] : memref<10240x16xf32, #tpu.memory_space<vmem_shared>> -> memref<128x16xf32, #tpu.memory_space<vmem_shared>>
      %dma_start3A_166 = arith.constant 0 : i32
      %dma_start3A_167 = tpu.memref_slice %arg11[%add3A_59, %dma_start3A_166] : memref<10240x16xf32, #tpu.memory_space<vmem_shared>> -> memref<128x16xf32, #tpu.memory_space<vmem_shared>>
      tpu.enqueue_dma source(%arg19 : memref<128x16xf32, #tpu.memory_space<vmem>>) target(%dma_start3A_167 : memref<128x16xf32, #tpu.memory_space<vmem_shared>>) target_semaphore(%run_scoped3A : memref<!tpu.dma_semaphore, #tpu.memory_space<semaphore_mem>>)
      %dma_wait3A = arith.constant 0 : i32
      %dma_wait3A_168 = tpu.memref_slice %arg11[%add3A_59, %dma_wait3A] : memref<10240x16xf32, #tpu.memory_space<vmem_shared>> -> memref<128x16xf32, #tpu.memory_space<vmem_shared>>
      %dma_wait3A_169 = arith.constant 0 : i32
      %dma_wait3A_170 = tpu.memref_slice %arg11[%add3A_59, %dma_wait3A_169] : memref<10240x16xf32, #tpu.memory_space<vmem_shared>> -> memref<128x16xf32, #tpu.memory_space<vmem_shared>>
      tpu.wait_dma2 semaphore(%run_scoped3A : memref<!tpu.dma_semaphore, #tpu.memory_space<semaphore_mem>>) src(%arg19 : memref<128x16xf32, #tpu.memory_space<vmem>>) dst(%dma_wait3A_170 : memref<128x16xf32, #tpu.memory_space<vmem_shared>>)
      tpu.yield
    }) : () -> ()
    %add3A_60 = arith.constant 384 : i32
    %add3A_61 = arith.addi %mul3A_26, %add3A_60 : i32
    %mul3A_62 = arith.constant 16 : i32
    %mul3A_63 = arith.muli %add3A_61, %mul3A_62 : i32
    "tpu.region"() ({
      %run_scoped3A = tpu.sem_alloc : memref<!tpu.dma_semaphore, #tpu.memory_space<semaphore_mem>>
      %dma_start3A = tpu.memref_slice %arg3[%mul3A_63] : memref<163840xf32, #tpu.memory_space<hbm>> -> memref<2048xf32, #tpu.memory_space<hbm>>
      %dma_start3A_165 = tpu.memref_slice %arg3[%mul3A_63] : memref<163840xf32, #tpu.memory_space<hbm>> -> memref<2048xf32, #tpu.memory_space<hbm>>
      tpu.enqueue_dma source(%dma_start3A_165 : memref<2048xf32, #tpu.memory_space<hbm>>) target(%arg18 : memref<2048xf32, #tpu.memory_space<vmem>>) target_semaphore(%run_scoped3A : memref<!tpu.dma_semaphore, #tpu.memory_space<semaphore_mem>>)
      %dma_wait3A = tpu.memref_slice %arg3[%mul3A_63] : memref<163840xf32, #tpu.memory_space<hbm>> -> memref<2048xf32, #tpu.memory_space<hbm>>
      %dma_wait3A_166 = tpu.memref_slice %arg3[%mul3A_63] : memref<163840xf32, #tpu.memory_space<hbm>> -> memref<2048xf32, #tpu.memory_space<hbm>>
      tpu.wait_dma2 semaphore(%run_scoped3A : memref<!tpu.dma_semaphore, #tpu.memory_space<semaphore_mem>>) src(%dma_wait3A_166 : memref<2048xf32, #tpu.memory_space<hbm>>) dst(%arg18 : memref<2048xf32, #tpu.memory_space<vmem>>)
      tpu.yield
    }) : () -> ()
    %scan3A_64 = arith.constant 0 : i32
    %scan3A_65 = arith.constant 128 : i32
    %scan3A_66 = arith.addi %scan3A_64, %scan3A_65 : i32
    %scan3A_67 = arith.constant 1 : i32
    scf.for %scan3A_165 = %scan3A_64 to %scan3A_66 step %scan3A_67  : i32 {
      %mul3A_166 = arith.constant 1 : i32
      %mul3A_167 = arith.muli %scan3A_165, %mul3A_166 : i32
      %add3A_168 = arith.constant 0 : i32
      %add3A_169 = arith.addi %add3A_168, %mul3A_167 : i32
      %mul3A_170 = arith.constant 16 : i32
      %mul3A_171 = arith.muli %add3A_169, %mul3A_170 : i32
      %get3A_172 = arith.index_cast %mul3A_171 : i32 to index
      %get3A_173 = tpu.vector_load %arg18[%get3A_172] {strides = array<i32>} : memref<2048xf32, #tpu.memory_space<vmem>>, vector<16xf32>,
      %get3A_174 = vector.shape_cast %get3A_173 : vector<16xf32> to vector<16xf32>
      %swap3A = arith.index_cast %add3A_169 : i32 to index
      %swap3A_175 = arith.constant 0 : index
      %swap3A_176 = tpu.vector_load %arg19[%swap3A, %swap3A_175] {strides = array<i32>} : memref<128x16xf32, #tpu.memory_space<vmem>>, vector<1x16xf32>,
      %swap3A_177 = vector.shape_cast %swap3A_176 : vector<1x16xf32> to vector<16xf32>
      %swap3A_178 = vector.shape_cast %get3A_174 : vector<16xf32> to vector<1x16xf32>
      tpu.vector_store %arg19[%swap3A, %swap3A_175], %swap3A_178 {strides = array<i32>} : memref<128x16xf32, #tpu.memory_space<vmem>>, vector<1x16xf32>,
    }
    %scan3A_68 = arith.constant 128 : i32
    %add3A_69 = arith.constant 384 : i32
    %add3A_70 = arith.addi %mul3A_26, %add3A_69 : i32
    "tpu.region"() ({
      %run_scoped3A = tpu.sem_alloc : memref<!tpu.dma_semaphore, #tpu.memory_space<semaphore_mem>>
      %dma_start3A = arith.constant 0 : i32
      %dma_start3A_165 = tpu.memref_slice %arg11[%add3A_70, %dma_start3A] : memref<10240x16xf32, #tpu.memory_space<vmem_shared>> -> memref<128x16xf32, #tpu.memory_space<vmem_shared>>
      %dma_start3A_166 = arith.constant 0 : i32
      %dma_start3A_167 = tpu.memref_slice %arg11[%add3A_70, %dma_start3A_166] : memref<10240x16xf32, #tpu.memory_space<vmem_shared>> -> memref<128x16xf32, #tpu.memory_space<vmem_shared>>
      tpu.enqueue_dma source(%arg19 : memref<128x16xf32, #tpu.memory_space<vmem>>) target(%dma_start3A_167 : memref<128x16xf32, #tpu.memory_space<vmem_shared>>) target_semaphore(%run_scoped3A : memref<!tpu.dma_semaphore, #tpu.memory_space<semaphore_mem>>)
      %dma_wait3A = arith.constant 0 : i32
      %dma_wait3A_168 = tpu.memref_slice %arg11[%add3A_70, %dma_wait3A] : memref<10240x16xf32, #tpu.memory_space<vmem_shared>> -> memref<128x16xf32, #tpu.memory_space<vmem_shared>>
      %dma_wait3A_169 = arith.constant 0 : i32
      %dma_wait3A_170 = tpu.memref_slice %arg11[%add3A_70, %dma_wait3A_169] : memref<10240x16xf32, #tpu.memory_space<vmem_shared>> -> memref<128x16xf32, #tpu.memory_space<vmem_shared>>
      tpu.wait_dma2 semaphore(%run_scoped3A : memref<!tpu.dma_semaphore, #tpu.memory_space<semaphore_mem>>) src(%arg19 : memref<128x16xf32, #tpu.memory_space<vmem>>) dst(%dma_wait3A_170 : memref<128x16xf32, #tpu.memory_space<vmem_shared>>)
      tpu.yield
    }) : () -> ()
    %add3A_71 = arith.constant 512 : i32
    %add3A_72 = arith.addi %mul3A_26, %add3A_71 : i32
    %mul3A_73 = arith.constant 16 : i32
    %mul3A_74 = arith.muli %add3A_72, %mul3A_73 : i32
    "tpu.region"() ({
      %run_scoped3A = tpu.sem_alloc : memref<!tpu.dma_semaphore, #tpu.memory_space<semaphore_mem>>
      %dma_start3A = tpu.memref_slice %arg3[%mul3A_74] : memref<163840xf32, #tpu.memory_space<hbm>> -> memref<2048xf32, #tpu.memory_space<hbm>>
      %dma_start3A_165 = tpu.memref_slice %arg3[%mul3A_74] : memref<163840xf32, #tpu.memory_space<hbm>> -> memref<2048xf32, #tpu.memory_space<hbm>>
      tpu.enqueue_dma source(%dma_start3A_165 : memref<2048xf32, #tpu.memory_space<hbm>>) target(%arg18 : memref<2048xf32, #tpu.memory_space<vmem>>) target_semaphore(%run_scoped3A : memref<!tpu.dma_semaphore, #tpu.memory_space<semaphore_mem>>)
      %dma_wait3A = tpu.memref_slice %arg3[%mul3A_74] : memref<163840xf32, #tpu.memory_space<hbm>> -> memref<2048xf32, #tpu.memory_space<hbm>>
      %dma_wait3A_166 = tpu.memref_slice %arg3[%mul3A_74] : memref<163840xf32, #tpu.memory_space<hbm>> -> memref<2048xf32, #tpu.memory_space<hbm>>
      tpu.wait_dma2 semaphore(%run_scoped3A : memref<!tpu.dma_semaphore, #tpu.memory_space<semaphore_mem>>) src(%dma_wait3A_166 : memref<2048xf32, #tpu.memory_space<hbm>>) dst(%arg18 : memref<2048xf32, #tpu.memory_space<vmem>>)
      tpu.yield
    }) : () -> ()
    %scan3A_75 = arith.constant 0 : i32
    %scan3A_76 = arith.constant 128 : i32
    %scan3A_77 = arith.addi %scan3A_75, %scan3A_76 : i32
    %scan3A_78 = arith.constant 1 : i32
    scf.for %scan3A_165 = %scan3A_75 to %scan3A_77 step %scan3A_78  : i32 {
      %mul3A_166 = arith.constant 1 : i32
      %mul3A_167 = arith.muli %scan3A_165, %mul3A_166 : i32
      %add3A_168 = arith.constant 0 : i32
      %add3A_169 = arith.addi %add3A_168, %mul3A_167 : i32
      %mul3A_170 = arith.constant 16 : i32
      %mul3A_171 = arith.muli %add3A_169, %mul3A_170 : i32
      %get3A_172 = arith.index_cast %mul3A_171 : i32 to index
      %get3A_173 = tpu.vector_load %arg18[%get3A_172] {strides = array<i32>} : memref<2048xf32, #tpu.memory_space<vmem>>, vector<16xf32>,
      %get3A_174 = vector.shape_cast %get3A_173 : vector<16xf32> to vector<16xf32>
      %swap3A = arith.index_cast %add3A_169 : i32 to index
      %swap3A_175 = arith.constant 0 : index
      %swap3A_176 = tpu.vector_load %arg19[%swap3A, %swap3A_175] {strides = array<i32>} : memref<128x16xf32, #tpu.memory_space<vmem>>, vector<1x16xf32>,
      %swap3A_177 = vector.shape_cast %swap3A_176 : vector<1x16xf32> to vector<16xf32>
      %swap3A_178 = vector.shape_cast %get3A_174 : vector<16xf32> to vector<1x16xf32>
      tpu.vector_store %arg19[%swap3A, %swap3A_175], %swap3A_178 {strides = array<i32>} : memref<128x16xf32, #tpu.memory_space<vmem>>, vector<1x16xf32>,
    }
    %scan3A_79 = arith.constant 128 : i32
    %add3A_80 = arith.constant 512 : i32
    %add3A_81 = arith.addi %mul3A_26, %add3A_80 : i32
    "tpu.region"() ({
      %run_scoped3A = tpu.sem_alloc : memref<!tpu.dma_semaphore, #tpu.memory_space<semaphore_mem>>
      %dma_start3A = arith.constant 0 : i32
      %dma_start3A_165 = tpu.memref_slice %arg11[%add3A_81, %dma_start3A] : memref<10240x16xf32, #tpu.memory_space<vmem_shared>> -> memref<128x16xf32, #tpu.memory_space<vmem_shared>>
      %dma_start3A_166 = arith.constant 0 : i32
      %dma_start3A_167 = tpu.memref_slice %arg11[%add3A_81, %dma_start3A_166] : memref<10240x16xf32, #tpu.memory_space<vmem_shared>> -> memref<128x16xf32, #tpu.memory_space<vmem_shared>>
      tpu.enqueue_dma source(%arg19 : memref<128x16xf32, #tpu.memory_space<vmem>>) target(%dma_start3A_167 : memref<128x16xf32, #tpu.memory_space<vmem_shared>>) target_semaphore(%run_scoped3A : memref<!tpu.dma_semaphore, #tpu.memory_space<semaphore_mem>>)
      %dma_wait3A = arith.constant 0 : i32
      %dma_wait3A_168 = tpu.memref_slice %arg11[%add3A_81, %dma_wait3A] : memref<10240x16xf32, #tpu.memory_space<vmem_shared>> -> memref<128x16xf32, #tpu.memory_space<vmem_shared>>
      %dma_wait3A_169 = arith.constant 0 : i32
      %dma_wait3A_170 = tpu.memref_slice %arg11[%add3A_81, %dma_wait3A_169] : memref<10240x16xf32, #tpu.memory_space<vmem_shared>> -> memref<128x16xf32, #tpu.memory_space<vmem_shared>>
      tpu.wait_dma2 semaphore(%run_scoped3A : memref<!tpu.dma_semaphore, #tpu.memory_space<semaphore_mem>>) src(%arg19 : memref<128x16xf32, #tpu.memory_space<vmem>>) dst(%dma_wait3A_170 : memref<128x16xf32, #tpu.memory_space<vmem_shared>>)
      tpu.yield
    }) : () -> ()
    %barrier3A = arith.constant 0 : index
    tpu.barrier barrier_id(%barrier3A)
    %mul3A_82 = arith.constant 16 : i32
    %mul3A_83 = arith.muli %arg0, %mul3A_82 : i32
    %add3A_84 = arith.addi %mul3A_83, %arg1 : i32
    %mul3A_85 = arith.constant 10368 : i32
    %mul3A_86 = arith.muli %add3A_84, %mul3A_85 : i32
    %get3A = arith.constant 0 : index
    %get3A_87 = tpu.vector_load %arg20[%get3A] {strides = array<i32>} : memref<16xf32, #tpu.memory_space<vmem>>, vector<16xf32>,
    %get3A_88 = vector.shape_cast %get3A_87 : vector<16xf32> to vector<16xf32>
    %scan3A_89 = arith.constant 0 : i32
    %scan3A_90 = arith.constant 81 : i32
    %scan3A_91 = arith.addi %scan3A_89, %scan3A_90 : i32
    %scan3A_92 = arith.constant 1 : i32
    scf.for %scan3A_165 = %scan3A_89 to %scan3A_91 step %scan3A_92  : i32 {
      %mul3A_166 = arith.constant 1 : i32
      %mul3A_167 = arith.muli %scan3A_165, %mul3A_166 : i32
      %add3A_168 = arith.constant 0 : i32
      %add3A_169 = arith.addi %add3A_168, %mul3A_167 : i32
      %mul3A_170 = arith.constant 128 : i32
      %mul3A_171 = arith.muli %add3A_169, %mul3A_170 : i32
      %add3A_172 = arith.addi %mul3A_86, %mul3A_171 : i32
      "tpu.region"() ({
        %run_scoped3A = tpu.sem_alloc : memref<!tpu.dma_semaphore, #tpu.memory_space<semaphore_mem>>
        %dma_start3A_194 = tpu.memref_slice %arg5[%add3A_172] : memref<331776xi32, #tpu.memory_space<hbm>> -> memref<128xi32, #tpu.memory_space<hbm>>
        %dma_start3A_195 = tpu.memref_slice %arg5[%add3A_172] : memref<331776xi32, #tpu.memory_space<hbm>> -> memref<128xi32, #tpu.memory_space<hbm>>
        tpu.enqueue_dma source(%dma_start3A_195 : memref<128xi32, #tpu.memory_space<hbm>>) target(%arg12 : memref<128xi32, #tpu.memory_space<vmem>>) target_semaphore(%run_scoped3A : memref<!tpu.dma_semaphore, #tpu.memory_space<semaphore_mem>>)
        %dma_wait3A_196 = tpu.memref_slice %arg5[%add3A_172] : memref<331776xi32, #tpu.memory_space<hbm>> -> memref<128xi32, #tpu.memory_space<hbm>>
        %dma_wait3A_197 = tpu.memref_slice %arg5[%add3A_172] : memref<331776xi32, #tpu.memory_space<hbm>> -> memref<128xi32, #tpu.memory_space<hbm>>
        tpu.wait_dma2 semaphore(%run_scoped3A : memref<!tpu.dma_semaphore, #tpu.memory_space<semaphore_mem>>) src(%dma_wait3A_197 : memref<128xi32, #tpu.memory_space<hbm>>) dst(%arg12 : memref<128xi32, #tpu.memory_space<vmem>>)
        tpu.yield
      }) : () -> ()
      "tpu.region"() ({
        %run_scoped3A = tpu.sem_alloc : memref<!tpu.dma_semaphore, #tpu.memory_space<semaphore_mem>>
        %dma_start3A_194 = tpu.memref_slice %arg6[%add3A_172] : memref<331776xi32, #tpu.memory_space<hbm>> -> memref<128xi32, #tpu.memory_space<hbm>>
        %dma_start3A_195 = tpu.memref_slice %arg6[%add3A_172] : memref<331776xi32, #tpu.memory_space<hbm>> -> memref<128xi32, #tpu.memory_space<hbm>>
        tpu.enqueue_dma source(%dma_start3A_195 : memref<128xi32, #tpu.memory_space<hbm>>) target(%arg13 : memref<128xi32, #tpu.memory_space<vmem>>) target_semaphore(%run_scoped3A : memref<!tpu.dma_semaphore, #tpu.memory_space<semaphore_mem>>)
        %dma_wait3A_196 = tpu.memref_slice %arg6[%add3A_172] : memref<331776xi32, #tpu.memory_space<hbm>> -> memref<128xi32, #tpu.memory_space<hbm>>
        %dma_wait3A_197 = tpu.memref_slice %arg6[%add3A_172] : memref<331776xi32, #tpu.memory_space<hbm>> -> memref<128xi32, #tpu.memory_space<hbm>>
        tpu.wait_dma2 semaphore(%run_scoped3A : memref<!tpu.dma_semaphore, #tpu.memory_space<semaphore_mem>>) src(%dma_wait3A_197 : memref<128xi32, #tpu.memory_space<hbm>>) dst(%arg13 : memref<128xi32, #tpu.memory_space<vmem>>)
        tpu.yield
      }) : () -> ()
      %dma_start3A = arith.constant 0 : i32
      %dma_start3A_173 = arith.constant 0 : i32
      %dma_start3A_174 = tpu.memref_slice %arg2[%dma_start3A, %dma_start3A_173] : memref<10008x128xf32, #tpu.memory_space<hbm>> -> memref<10008x128xf32, #tpu.memory_space<hbm>>
      tpu.enqueue_indirect_dma source(%dma_start3A_174 : memref<10008x128xf32, #tpu.memory_space<hbm>>) target(%arg14 : memref<128x128xf32, #tpu.memory_space<vmem>>) offsets(%arg12 : memref<128xi32, #tpu.memory_space<vmem>>) semaphore(%arg21 : memref<!tpu.dma_semaphore, #tpu.memory_space<semaphore_mem>>)
      %dma_start3A_175 = arith.constant 0 : i32
      %dma_start3A_176 = arith.constant 0 : i32
      %dma_start3A_177 = tpu.memref_slice %arg11[%dma_start3A_175, %dma_start3A_176] : memref<10240x16xf32, #tpu.memory_space<vmem_shared>> -> memref<10240x16xf32, #tpu.memory_space<vmem_shared>>
      tpu.enqueue_indirect_dma source(%dma_start3A_177 : memref<10240x16xf32, #tpu.memory_space<vmem_shared>>) target(%arg15 : memref<128x16xf32, #tpu.memory_space<vmem>>) offsets(%arg12 : memref<128xi32, #tpu.memory_space<vmem>>) semaphore(%arg22 : memref<!tpu.dma_semaphore, #tpu.memory_space<semaphore_mem>>)
      %dma_start3A_178 = arith.constant 0 : i32
      %dma_start3A_179 = arith.constant 0 : i32
      %dma_start3A_180 = tpu.memref_slice %arg11[%dma_start3A_178, %dma_start3A_179] : memref<10240x16xf32, #tpu.memory_space<vmem_shared>> -> memref<10240x16xf32, #tpu.memory_space<vmem_shared>>
      tpu.enqueue_indirect_dma source(%dma_start3A_180 : memref<10240x16xf32, #tpu.memory_space<vmem_shared>>) target(%arg16 : memref<128x16xf32, #tpu.memory_space<vmem>>) offsets(%arg13 : memref<128xi32, #tpu.memory_space<vmem>>) semaphore(%arg23 : memref<!tpu.dma_semaphore, #tpu.memory_space<semaphore_mem>>)
      %dma_wait3A = arith.constant 0 : i32
      %dma_wait3A_181 = arith.constant 0 : i32
      %dma_wait3A_182 = tpu.memref_slice %arg11[%dma_wait3A, %dma_wait3A_181] : memref<10240x16xf32, #tpu.memory_space<vmem_shared>> -> memref<10240x16xf32, #tpu.memory_space<vmem_shared>>
      tpu.wait_indirect_dma semaphore(%arg22 : memref<!tpu.dma_semaphore, #tpu.memory_space<semaphore_mem>>) src(%dma_wait3A_182 : memref<10240x16xf32, #tpu.memory_space<vmem_shared>>) dst(%arg15 : memref<128x16xf32, #tpu.memory_space<vmem>>)
      %dma_wait3A_183 = arith.constant 0 : i32
      %dma_wait3A_184 = arith.constant 0 : i32
      %dma_wait3A_185 = tpu.memref_slice %arg11[%dma_wait3A_183, %dma_wait3A_184] : memref<10240x16xf32, #tpu.memory_space<vmem_shared>> -> memref<10240x16xf32, #tpu.memory_space<vmem_shared>>
      tpu.wait_indirect_dma semaphore(%arg23 : memref<!tpu.dma_semaphore, #tpu.memory_space<semaphore_mem>>) src(%dma_wait3A_185 : memref<10240x16xf32, #tpu.memory_space<vmem_shared>>) dst(%arg16 : memref<128x16xf32, #tpu.memory_space<vmem>>)
      %dma_wait3A_186 = arith.constant 0 : i32
      %dma_wait3A_187 = arith.constant 0 : i32
      %dma_wait3A_188 = tpu.memref_slice %arg2[%dma_wait3A_186, %dma_wait3A_187] : memref<10008x128xf32, #tpu.memory_space<hbm>> -> memref<10008x128xf32, #tpu.memory_space<hbm>>
      tpu.wait_indirect_dma semaphore(%arg21 : memref<!tpu.dma_semaphore, #tpu.memory_space<semaphore_mem>>) src(%dma_wait3A_188 : memref<10008x128xf32, #tpu.memory_space<hbm>>) dst(%arg14 : memref<128x128xf32, #tpu.memory_space<vmem>>)
      %scan3A_189 = arith.constant 0 : i32
      %scan3A_190 = arith.constant 128 : i32
      %scan3A_191 = arith.addi %scan3A_189, %scan3A_190 : i32
      %scan3A_192 = arith.constant 1 : i32
      scf.for %scan3A_194 = %scan3A_189 to %scan3A_191 step %scan3A_192  : i32 {
        %mul3A_195 = arith.constant 1 : i32
        %mul3A_196 = arith.muli %scan3A_194, %mul3A_195 : i32
        %add3A_197 = arith.constant 0 : i32
        %add3A_198 = arith.addi %add3A_197, %mul3A_196 : i32
        %get3A_199 = arith.index_cast %add3A_198 : i32 to index
        %get3A_200 = arith.constant 0 : index
        %get3A_201 = tpu.vector_load %arg15[%get3A_199, %get3A_200] {strides = array<i32>} : memref<128x16xf32, #tpu.memory_space<vmem>>, vector<1x16xf32>,
        %get3A_202 = vector.shape_cast %get3A_201 : vector<1x16xf32> to vector<16xf32>
        %get3A_203 = arith.index_cast %add3A_198 : i32 to index
        %get3A_204 = arith.constant 0 : index
        %get3A_205 = tpu.vector_load %arg16[%get3A_203, %get3A_204] {strides = array<i32>} : memref<128x16xf32, #tpu.memory_space<vmem>>, vector<1x16xf32>,
        %get3A_206 = vector.shape_cast %get3A_205 : vector<1x16xf32> to vector<16xf32>
        %iota3A = tpu.iota {dimensions = array<i32: 0>} : vector<16xi32>
        %jit3A = arith.constant 8 : i32
        %eq3A = arith.constant 0 : i32
        %eq3A_207 = arith.cmpi eq, %jit3A, %eq3A : i32
        %jit3A_208 = arith.constant 1 : i32
        %select_n3A = arith.select %eq3A_207, %jit3A_208, %jit3A : i32
        %rem3A = vector.broadcast %select_n3A : i32 to vector<16xi32>
        %rem3A_209 = arith.remsi %iota3A, %rem3A : vector<16xi32>
        %ne3A = arith.constant 0 : i32
        %ne3A_210 = vector.broadcast %ne3A : i32 to vector<16xi32>
        %ne3A_211 = arith.cmpi ne, %rem3A_209, %ne3A_210 : vector<16xi32>
        %lt3A = arith.constant 0 : i32
        %lt3A_212 = vector.broadcast %lt3A : i32 to vector<16xi32>
        %lt3A_213 = arith.cmpi slt, %rem3A_209, %lt3A_212 : vector<16xi32>
        %lt3A_214 = arith.constant 0 : i32
        %lt3A_215 = arith.cmpi slt, %select_n3A, %lt3A_214 : i32
        %ne3A_216 = vector.broadcast %lt3A_215 : i1 to vector<16xi1>
        %ne3A_217 = vector.broadcast %ne3A_216 : vector<16xi1> to vector<16xi1>
        %ne3A_218 = arith.xori %lt3A_213, %ne3A_217 : vector<16xi1>
        %and3A = arith.andi %ne3A_218, %ne3A_211 : vector<16xi1>
        %add3A_219 = vector.broadcast %select_n3A : i32 to vector<16xi32>
        %add3A_220 = arith.addi %rem3A_209, %add3A_219 : vector<16xi32>
        %select_n3A_221 = arith.select %and3A, %add3A_220, %rem3A_209 : vector<16xi1>, vector<16xi32>
        %add3A_222 = arith.constant 8 : i32
        %add3A_223 = vector.broadcast %add3A_222 : i32 to vector<16xi32>
        %add3A_224 = arith.addi %select_n3A_221, %add3A_223 : vector<16xi32>
        %reshape3A = vector.shape_cast %add3A_224 : vector<16xi32> to vector<16x1xi32>
        %gather3A = vector.shape_cast %reshape3A : vector<16x1xi32> to vector<16xi32>
        %gather3A_225 = tpu.dynamic_gather %get3A_206[%gather3A] in [0] : vector<16xf32>, vector<16xi32> -> vector<16xf32>
        %add3A_226 = arith.addf %get3A_202, %gather3A_225 : vector<16xf32>
        %gt3A = arith.constant 0.000000e+00 : f32
        %gt3A_227 = vector.broadcast %gt3A : f32 to vector<16xf32>
        %gt3A_228 = arith.cmpf ogt, %add3A_226, %gt3A_227 : vector<16xf32>
        %mul3A_229 = arith.constant 2.000000e-01 : f32
        %mul3A_230 = vector.broadcast %mul3A_229 : f32 to vector<16xf32>
        %mul3A_231 = arith.mulf %mul3A_230, %add3A_226 : vector<16xf32>
        %select_n3A_232 = arith.select %gt3A_228, %add3A_226, %mul3A_231 : vector<16xi1>, vector<16xf32>
        %sub3A = arith.subf %select_n3A_232, %get3A_88 : vector<16xf32>
        %exp3A = math.exp %sub3A : vector<16xf32>
        %swap3A = arith.index_cast %add3A_198 : i32 to index
        %swap3A_233 = arith.constant 0 : index
        %swap3A_234 = tpu.vector_load %arg17[%swap3A, %swap3A_233] {strides = array<i32>} : memref<128x16xf32, #tpu.memory_space<vmem>>, vector<1x16xf32>,
        %swap3A_235 = vector.shape_cast %swap3A_234 : vector<1x16xf32> to vector<16xf32>
        %swap3A_236 = vector.shape_cast %exp3A : vector<16xf32> to vector<1x16xf32>
        tpu.vector_store %arg17[%swap3A, %swap3A_233], %swap3A_236 {strides = array<i32>} : memref<128x16xf32, #tpu.memory_space<vmem>>, vector<1x16xf32>,
        %broadcast_in_dim3A_237 = arith.constant 0 : i32
        %broadcast_in_dim3A_238 = vector.broadcast %broadcast_in_dim3A_237 : i32 to vector<16xi32>
        %reshape3A_239 = vector.shape_cast %broadcast_in_dim3A_238 : vector<16xi32> to vector<16x1xi32>
        %gather3A_240 = vector.shape_cast %reshape3A_239 : vector<16x1xi32> to vector<16xi32>
        %gather3A_241 = tpu.dynamic_gather %exp3A[%gather3A_240] in [0] : vector<16xf32>, vector<16xi32> -> vector<16xf32>
        %get3A_242 = arith.index_cast %add3A_198 : i32 to index
        %get3A_243 = arith.constant 0 : index
        %get3A_244 = tpu.vector_load %arg14[%get3A_242, %get3A_243] {strides = array<i32>} : memref<128x128xf32, #tpu.memory_space<vmem>>, vector<1x16xf32>,
        %get3A_245 = vector.shape_cast %get3A_244 : vector<1x16xf32> to vector<16xf32>
        %mul3A_246 = arith.mulf %get3A_245, %gather3A_241 : vector<16xf32>
        %swap3A_247 = arith.index_cast %add3A_198 : i32 to index
        %swap3A_248 = arith.constant 0 : index
        %swap3A_249 = tpu.vector_load %arg14[%swap3A_247, %swap3A_248] {strides = array<i32>} : memref<128x128xf32, #tpu.memory_space<vmem>>, vector<1x16xf32>,
        %swap3A_250 = vector.shape_cast %swap3A_249 : vector<1x16xf32> to vector<16xf32>
        %swap3A_251 = vector.shape_cast %mul3A_246 : vector<16xf32> to vector<1x16xf32>
        tpu.vector_store %arg14[%swap3A_247, %swap3A_248], %swap3A_251 {strides = array<i32>} : memref<128x128xf32, #tpu.memory_space<vmem>>, vector<1x16xf32>,
        %broadcast_in_dim3A_252 = arith.constant 1 : i32
        %broadcast_in_dim3A_253 = vector.broadcast %broadcast_in_dim3A_252 : i32 to vector<16xi32>
        %reshape3A_254 = vector.shape_cast %broadcast_in_dim3A_253 : vector<16xi32> to vector<16x1xi32>
        %gather3A_255 = vector.shape_cast %reshape3A_254 : vector<16x1xi32> to vector<16xi32>
        %gather3A_256 = tpu.dynamic_gather %exp3A[%gather3A_255] in [0] : vector<16xf32>, vector<16xi32> -> vector<16xf32>
        %get3A_257 = arith.index_cast %add3A_198 : i32 to index
        %get3A_258 = arith.constant 16 : index
        %get3A_259 = tpu.vector_load %arg14[%get3A_257, %get3A_258] {strides = array<i32>} : memref<128x128xf32, #tpu.memory_space<vmem>>, vector<1x16xf32>,
        %get3A_260 = vector.shape_cast %get3A_259 : vector<1x16xf32> to vector<16xf32>
        %mul3A_261 = arith.mulf %get3A_260, %gather3A_256 : vector<16xf32>
        %swap3A_262 = arith.index_cast %add3A_198 : i32 to index
        %swap3A_263 = arith.constant 16 : index
        %swap3A_264 = tpu.vector_load %arg14[%swap3A_262, %swap3A_263] {strides = array<i32>} : memref<128x128xf32, #tpu.memory_space<vmem>>, vector<1x16xf32>,
        %swap3A_265 = vector.shape_cast %swap3A_264 : vector<1x16xf32> to vector<16xf32>
        %swap3A_266 = vector.shape_cast %mul3A_261 : vector<16xf32> to vector<1x16xf32>
        tpu.vector_store %arg14[%swap3A_262, %swap3A_263], %swap3A_266 {strides = array<i32>} : memref<128x128xf32, #tpu.memory_space<vmem>>, vector<1x16xf32>,
        %broadcast_in_dim3A_267 = arith.constant 2 : i32
        %broadcast_in_dim3A_268 = vector.broadcast %broadcast_in_dim3A_267 : i32 to vector<16xi32>
        %reshape3A_269 = vector.shape_cast %broadcast_in_dim3A_268 : vector<16xi32> to vector<16x1xi32>
        %gather3A_270 = vector.shape_cast %reshape3A_269 : vector<16x1xi32> to vector<16xi32>
        %gather3A_271 = tpu.dynamic_gather %exp3A[%gather3A_270] in [0] : vector<16xf32>, vector<16xi32> -> vector<16xf32>
        %get3A_272 = arith.index_cast %add3A_198 : i32 to index
        %get3A_273 = arith.constant 32 : index
        %get3A_274 = tpu.vector_load %arg14[%get3A_272, %get3A_273] {strides = array<i32>} : memref<128x128xf32, #tpu.memory_space<vmem>>, vector<1x16xf32>,
        %get3A_275 = vector.shape_cast %get3A_274 : vector<1x16xf32> to vector<16xf32>
        %mul3A_276 = arith.mulf %get3A_275, %gather3A_271 : vector<16xf32>
        %swap3A_277 = arith.index_cast %add3A_198 : i32 to index
        %swap3A_278 = arith.constant 32 : index
        %swap3A_279 = tpu.vector_load %arg14[%swap3A_277, %swap3A_278] {strides = array<i32>} : memref<128x128xf32, #tpu.memory_space<vmem>>, vector<1x16xf32>,
        %swap3A_280 = vector.shape_cast %swap3A_279 : vector<1x16xf32> to vector<16xf32>
        %swap3A_281 = vector.shape_cast %mul3A_276 : vector<16xf32> to vector<1x16xf32>
        tpu.vector_store %arg14[%swap3A_277, %swap3A_278], %swap3A_281 {strides = array<i32>} : memref<128x128xf32, #tpu.memory_space<vmem>>, vector<1x16xf32>,
        %broadcast_in_dim3A_282 = arith.constant 3 : i32
        %broadcast_in_dim3A_283 = vector.broadcast %broadcast_in_dim3A_282 : i32 to vector<16xi32>
        %reshape3A_284 = vector.shape_cast %broadcast_in_dim3A_283 : vector<16xi32> to vector<16x1xi32>
        %gather3A_285 = vector.shape_cast %reshape3A_284 : vector<16x1xi32> to vector<16xi32>
        %gather3A_286 = tpu.dynamic_gather %exp3A[%gather3A_285] in [0] : vector<16xf32>, vector<16xi32> -> vector<16xf32>
        %get3A_287 = arith.index_cast %add3A_198 : i32 to index
        %get3A_288 = arith.constant 48 : index
        %get3A_289 = tpu.vector_load %arg14[%get3A_287, %get3A_288] {strides = array<i32>} : memref<128x128xf32, #tpu.memory_space<vmem>>, vector<1x16xf32>,
        %get3A_290 = vector.shape_cast %get3A_289 : vector<1x16xf32> to vector<16xf32>
        %mul3A_291 = arith.mulf %get3A_290, %gather3A_286 : vector<16xf32>
        %swap3A_292 = arith.index_cast %add3A_198 : i32 to index
        %swap3A_293 = arith.constant 48 : index
        %swap3A_294 = tpu.vector_load %arg14[%swap3A_292, %swap3A_293] {strides = array<i32>} : memref<128x128xf32, #tpu.memory_space<vmem>>, vector<1x16xf32>,
        %swap3A_295 = vector.shape_cast %swap3A_294 : vector<1x16xf32> to vector<16xf32>
        %swap3A_296 = vector.shape_cast %mul3A_291 : vector<16xf32> to vector<1x16xf32>
        tpu.vector_store %arg14[%swap3A_292, %swap3A_293], %swap3A_296 {strides = array<i32>} : memref<128x128xf32, #tpu.memory_space<vmem>>, vector<1x16xf32>,
        %broadcast_in_dim3A_297 = arith.constant 4 : i32
        %broadcast_in_dim3A_298 = vector.broadcast %broadcast_in_dim3A_297 : i32 to vector<16xi32>
        %reshape3A_299 = vector.shape_cast %broadcast_in_dim3A_298 : vector<16xi32> to vector<16x1xi32>
        %gather3A_300 = vector.shape_cast %reshape3A_299 : vector<16x1xi32> to vector<16xi32>
        %gather3A_301 = tpu.dynamic_gather %exp3A[%gather3A_300] in [0] : vector<16xf32>, vector<16xi32> -> vector<16xf32>
        %get3A_302 = arith.index_cast %add3A_198 : i32 to index
        %get3A_303 = arith.constant 64 : index
        %get3A_304 = tpu.vector_load %arg14[%get3A_302, %get3A_303] {strides = array<i32>} : memref<128x128xf32, #tpu.memory_space<vmem>>, vector<1x16xf32>,
        %get3A_305 = vector.shape_cast %get3A_304 : vector<1x16xf32> to vector<16xf32>
        %mul3A_306 = arith.mulf %get3A_305, %gather3A_301 : vector<16xf32>
        %swap3A_307 = arith.index_cast %add3A_198 : i32 to index
        %swap3A_308 = arith.constant 64 : index
        %swap3A_309 = tpu.vector_load %arg14[%swap3A_307, %swap3A_308] {strides = array<i32>} : memref<128x128xf32, #tpu.memory_space<vmem>>, vector<1x16xf32>,
        %swap3A_310 = vector.shape_cast %swap3A_309 : vector<1x16xf32> to vector<16xf32>
        %swap3A_311 = vector.shape_cast %mul3A_306 : vector<16xf32> to vector<1x16xf32>
        tpu.vector_store %arg14[%swap3A_307, %swap3A_308], %swap3A_311 {strides = array<i32>} : memref<128x128xf32, #tpu.memory_space<vmem>>, vector<1x16xf32>,
        %broadcast_in_dim3A_312 = arith.constant 5 : i32
        %broadcast_in_dim3A_313 = vector.broadcast %broadcast_in_dim3A_312 : i32 to vector<16xi32>
        %reshape3A_314 = vector.shape_cast %broadcast_in_dim3A_313 : vector<16xi32> to vector<16x1xi32>
        %gather3A_315 = vector.shape_cast %reshape3A_314 : vector<16x1xi32> to vector<16xi32>
        %gather3A_316 = tpu.dynamic_gather %exp3A[%gather3A_315] in [0] : vector<16xf32>, vector<16xi32> -> vector<16xf32>
        %get3A_317 = arith.index_cast %add3A_198 : i32 to index
        %get3A_318 = arith.constant 80 : index
        %get3A_319 = tpu.vector_load %arg14[%get3A_317, %get3A_318] {strides = array<i32>} : memref<128x128xf32, #tpu.memory_space<vmem>>, vector<1x16xf32>,
        %get3A_320 = vector.shape_cast %get3A_319 : vector<1x16xf32> to vector<16xf32>
        %mul3A_321 = arith.mulf %get3A_320, %gather3A_316 : vector<16xf32>
        %swap3A_322 = arith.index_cast %add3A_198 : i32 to index
        %swap3A_323 = arith.constant 80 : index
        %swap3A_324 = tpu.vector_load %arg14[%swap3A_322, %swap3A_323] {strides = array<i32>} : memref<128x128xf32, #tpu.memory_space<vmem>>, vector<1x16xf32>,
        %swap3A_325 = vector.shape_cast %swap3A_324 : vector<1x16xf32> to vector<16xf32>
        %swap3A_326 = vector.shape_cast %mul3A_321 : vector<16xf32> to vector<1x16xf32>
        tpu.vector_store %arg14[%swap3A_322, %swap3A_323], %swap3A_326 {strides = array<i32>} : memref<128x128xf32, #tpu.memory_space<vmem>>, vector<1x16xf32>,
        %broadcast_in_dim3A_327 = arith.constant 6 : i32
        %broadcast_in_dim3A_328 = vector.broadcast %broadcast_in_dim3A_327 : i32 to vector<16xi32>
        %reshape3A_329 = vector.shape_cast %broadcast_in_dim3A_328 : vector<16xi32> to vector<16x1xi32>
        %gather3A_330 = vector.shape_cast %reshape3A_329 : vector<16x1xi32> to vector<16xi32>
        %gather3A_331 = tpu.dynamic_gather %exp3A[%gather3A_330] in [0] : vector<16xf32>, vector<16xi32> -> vector<16xf32>
        %get3A_332 = arith.index_cast %add3A_198 : i32 to index
        %get3A_333 = arith.constant 96 : index
        %get3A_334 = tpu.vector_load %arg14[%get3A_332, %get3A_333] {strides = array<i32>} : memref<128x128xf32, #tpu.memory_space<vmem>>, vector<1x16xf32>,
        %get3A_335 = vector.shape_cast %get3A_334 : vector<1x16xf32> to vector<16xf32>
        %mul3A_336 = arith.mulf %get3A_335, %gather3A_331 : vector<16xf32>
        %swap3A_337 = arith.index_cast %add3A_198 : i32 to index
        %swap3A_338 = arith.constant 96 : index
        %swap3A_339 = tpu.vector_load %arg14[%swap3A_337, %swap3A_338] {strides = array<i32>} : memref<128x128xf32, #tpu.memory_space<vmem>>, vector<1x16xf32>,
        %swap3A_340 = vector.shape_cast %swap3A_339 : vector<1x16xf32> to vector<16xf32>
        %swap3A_341 = vector.shape_cast %mul3A_336 : vector<16xf32> to vector<1x16xf32>
        tpu.vector_store %arg14[%swap3A_337, %swap3A_338], %swap3A_341 {strides = array<i32>} : memref<128x128xf32, #tpu.memory_space<vmem>>, vector<1x16xf32>,
        %broadcast_in_dim3A_342 = arith.constant 7 : i32
        %broadcast_in_dim3A_343 = vector.broadcast %broadcast_in_dim3A_342 : i32 to vector<16xi32>
        %reshape3A_344 = vector.shape_cast %broadcast_in_dim3A_343 : vector<16xi32> to vector<16x1xi32>
        %gather3A_345 = vector.shape_cast %reshape3A_344 : vector<16x1xi32> to vector<16xi32>
        %gather3A_346 = tpu.dynamic_gather %exp3A[%gather3A_345] in [0] : vector<16xf32>, vector<16xi32> -> vector<16xf32>
        %get3A_347 = arith.index_cast %add3A_198 : i32 to index
        %get3A_348 = arith.constant 112 : index
        %get3A_349 = tpu.vector_load %arg14[%get3A_347, %get3A_348] {strides = array<i32>} : memref<128x128xf32, #tpu.memory_space<vmem>>, vector<1x16xf32>,
        %get3A_350 = vector.shape_cast %get3A_349 : vector<1x16xf32> to vector<16xf32>
        %mul3A_351 = arith.mulf %get3A_350, %gather3A_346 : vector<16xf32>
        %swap3A_352 = arith.index_cast %add3A_198 : i32 to index
        %swap3A_353 = arith.constant 112 : index
        %swap3A_354 = tpu.vector_load %arg14[%swap3A_352, %swap3A_353] {strides = array<i32>} : memref<128x128xf32, #tpu.memory_space<vmem>>, vector<1x16xf32>,
        %swap3A_355 = vector.shape_cast %swap3A_354 : vector<1x16xf32> to vector<16xf32>
        %swap3A_356 = vector.shape_cast %mul3A_351 : vector<16xf32> to vector<1x16xf32>
        tpu.vector_store %arg14[%swap3A_352, %swap3A_353], %swap3A_356 {strides = array<i32>} : memref<128x128xf32, #tpu.memory_space<vmem>>, vector<1x16xf32>,
      }
      %scan3A_193 = arith.constant 128 : i32
      "tpu.region"() ({
        %run_scoped3A = tpu.sem_alloc : memref<!tpu.dma_semaphore, #tpu.memory_space<semaphore_mem>>
        %dma_start3A_194 = arith.constant 0 : i32
        %dma_start3A_195 = arith.constant 0 : i32
        %dma_start3A_196 = tpu.memref_slice %arg9[%dma_start3A_194, %dma_start3A_195] : memref<10000x128xf32, #tpu.memory_space<vmem_shared>> -> memref<10000x128xf32, #tpu.memory_space<vmem_shared>>
        tpu.enqueue_indirect_dma source(%arg14 : memref<128x128xf32, #tpu.memory_space<vmem>>) target(%dma_start3A_196 : memref<10000x128xf32, #tpu.memory_space<vmem_shared>>) offsets(%arg13 : memref<128xi32, #tpu.memory_space<vmem>>) semaphore(%run_scoped3A : memref<!tpu.dma_semaphore, #tpu.memory_space<semaphore_mem>>) {add = true}
        %dma_wait3A_197 = arith.constant 0 : i32
        %dma_wait3A_198 = arith.constant 0 : i32
        %dma_wait3A_199 = tpu.memref_slice %arg9[%dma_wait3A_197, %dma_wait3A_198] : memref<10000x128xf32, #tpu.memory_space<vmem_shared>> -> memref<10000x128xf32, #tpu.memory_space<vmem_shared>>
        tpu.wait_indirect_dma semaphore(%run_scoped3A : memref<!tpu.dma_semaphore, #tpu.memory_space<semaphore_mem>>) src(%arg14 : memref<128x128xf32, #tpu.memory_space<vmem>>) dst(%dma_wait3A_199 : memref<10000x128xf32, #tpu.memory_space<vmem_shared>>)
        tpu.yield
      }) : () -> ()
      "tpu.region"() ({
        %run_scoped3A = tpu.sem_alloc : memref<!tpu.dma_semaphore, #tpu.memory_space<semaphore_mem>>
        %dma_start3A_194 = arith.constant 0 : i32
        %dma_start3A_195 = arith.constant 0 : i32
        %dma_start3A_196 = tpu.memref_slice %arg10[%dma_start3A_194, %dma_start3A_195] : memref<10000x16xf32, #tpu.memory_space<vmem_shared>> -> memref<10000x16xf32, #tpu.memory_space<vmem_shared>>
        tpu.enqueue_indirect_dma source(%arg17 : memref<128x16xf32, #tpu.memory_space<vmem>>) target(%dma_start3A_196 : memref<10000x16xf32, #tpu.memory_space<vmem_shared>>) offsets(%arg13 : memref<128xi32, #tpu.memory_space<vmem>>) semaphore(%run_scoped3A : memref<!tpu.dma_semaphore, #tpu.memory_space<semaphore_mem>>) {add = true}
        %dma_wait3A_197 = arith.constant 0 : i32
        %dma_wait3A_198 = arith.constant 0 : i32
        %dma_wait3A_199 = tpu.memref_slice %arg10[%dma_wait3A_197, %dma_wait3A_198] : memref<10000x16xf32, #tpu.memory_space<vmem_shared>> -> memref<10000x16xf32, #tpu.memory_space<vmem_shared>>
        tpu.wait_indirect_dma semaphore(%run_scoped3A : memref<!tpu.dma_semaphore, #tpu.memory_space<semaphore_mem>>) src(%arg17 : memref<128x16xf32, #tpu.memory_space<vmem>>) dst(%dma_wait3A_199 : memref<10000x16xf32, #tpu.memory_space<vmem_shared>>)
        tpu.yield
      }) : () -> ()
    }
    %scan3A_93 = arith.constant 81 : i32
    %barrier3A_94 = arith.constant 0 : index
    tpu.barrier barrier_id(%barrier3A_94)
    "tpu.region"() ({
      %run_scoped3A = tpu.sem_alloc : memref<!tpu.dma_semaphore, #tpu.memory_space<semaphore_mem>>
      %dma_start3A = arith.constant 0 : i32
      %dma_start3A_165 = tpu.memref_slice %arg7[%arg0, %mul3A_5, %dma_start3A] : memref<2x10000x128xf32, #tpu.memory_space<hbm>> -> memref<1x625x128xf32, #tpu.memory_space<hbm>>
      %dma_start3A_166 = tpu.memref_squeeze %dma_start3A_165 : memref<1x625x128xf32, #tpu.memory_space<hbm>> -> memref<625x128xf32, #tpu.memory_space<hbm>>
      %dma_start3A_167 = arith.constant 0 : i32
      %dma_start3A_168 = tpu.memref_slice %arg9[%mul3A_5, %dma_start3A_167] : memref<10000x128xf32, #tpu.memory_space<vmem_shared>> -> memref<625x128xf32, #tpu.memory_space<vmem_shared>>
      tpu.enqueue_dma source(%dma_start3A_168 : memref<625x128xf32, #tpu.memory_space<vmem_shared>>) target(%dma_start3A_166 : memref<625x128xf32, #tpu.memory_space<hbm>>) target_semaphore(%run_scoped3A : memref<!tpu.dma_semaphore, #tpu.memory_space<semaphore_mem>>)
      %dma_wait3A = arith.constant 0 : i32
      %dma_wait3A_169 = tpu.memref_slice %arg7[%arg0, %mul3A_5, %dma_wait3A] : memref<2x10000x128xf32, #tpu.memory_space<hbm>> -> memref<1x625x128xf32, #tpu.memory_space<hbm>>
      %dma_wait3A_170 = tpu.memref_squeeze %dma_wait3A_169 : memref<1x625x128xf32, #tpu.memory_space<hbm>> -> memref<625x128xf32, #tpu.memory_space<hbm>>
      %dma_wait3A_171 = arith.constant 0 : i32
      %dma_wait3A_172 = tpu.memref_slice %arg9[%mul3A_5, %dma_wait3A_171] : memref<10000x128xf32, #tpu.memory_space<vmem_shared>> -> memref<625x128xf32, #tpu.memory_space<vmem_shared>>
      tpu.wait_dma2 semaphore(%run_scoped3A : memref<!tpu.dma_semaphore, #tpu.memory_space<semaphore_mem>>) src(%dma_wait3A_172 : memref<625x128xf32, #tpu.memory_space<vmem_shared>>) dst(%dma_wait3A_170 : memref<625x128xf32, #tpu.memory_space<hbm>>)
      tpu.yield
    }) : () -> ()
    %add3A_95 = arith.constant 0 : i32
    %add3A_96 = arith.addi %mul3A_5, %add3A_95 : i32
    "tpu.region"() ({
      %run_scoped3A = tpu.sem_alloc : memref<!tpu.dma_semaphore, #tpu.memory_space<semaphore_mem>>
      %dma_start3A = arith.constant 0 : i32
      %dma_start3A_165 = arith.constant 0 : i32
      %dma_start3A_166 = tpu.memref_slice %arg19[%dma_start3A, %dma_start3A_165] : memref<128x16xf32, #tpu.memory_space<vmem>> -> memref<125x16xf32, #tpu.memory_space<vmem>>
      %dma_start3A_167 = arith.constant 0 : i32
      %dma_start3A_168 = tpu.memref_slice %arg10[%add3A_96, %dma_start3A_167] : memref<10000x16xf32, #tpu.memory_space<vmem_shared>> -> memref<125x16xf32, #tpu.memory_space<vmem_shared>>
      %dma_start3A_169 = arith.constant 0 : i32
      %dma_start3A_170 = arith.constant 0 : i32
      %dma_start3A_171 = tpu.memref_slice %arg19[%dma_start3A_169, %dma_start3A_170] : memref<128x16xf32, #tpu.memory_space<vmem>> -> memref<125x16xf32, #tpu.memory_space<vmem>>
      %dma_start3A_172 = arith.constant 0 : i32
      %dma_start3A_173 = tpu.memref_slice %arg10[%add3A_96, %dma_start3A_172] : memref<10000x16xf32, #tpu.memory_space<vmem_shared>> -> memref<125x16xf32, #tpu.memory_space<vmem_shared>>
      tpu.enqueue_dma source(%dma_start3A_173 : memref<125x16xf32, #tpu.memory_space<vmem_shared>>) target(%dma_start3A_171 : memref<125x16xf32, #tpu.memory_space<vmem>>) target_semaphore(%run_scoped3A : memref<!tpu.dma_semaphore, #tpu.memory_space<semaphore_mem>>)
      %dma_wait3A = arith.constant 0 : i32
      %dma_wait3A_174 = arith.constant 0 : i32
      %dma_wait3A_175 = tpu.memref_slice %arg19[%dma_wait3A, %dma_wait3A_174] : memref<128x16xf32, #tpu.memory_space<vmem>> -> memref<125x16xf32, #tpu.memory_space<vmem>>
      %dma_wait3A_176 = arith.constant 0 : i32
      %dma_wait3A_177 = tpu.memref_slice %arg10[%add3A_96, %dma_wait3A_176] : memref<10000x16xf32, #tpu.memory_space<vmem_shared>> -> memref<125x16xf32, #tpu.memory_space<vmem_shared>>
      %dma_wait3A_178 = arith.constant 0 : i32
      %dma_wait3A_179 = arith.constant 0 : i32
      %dma_wait3A_180 = tpu.memref_slice %arg19[%dma_wait3A_178, %dma_wait3A_179] : memref<128x16xf32, #tpu.memory_space<vmem>> -> memref<125x16xf32, #tpu.memory_space<vmem>>
      %dma_wait3A_181 = arith.constant 0 : i32
      %dma_wait3A_182 = tpu.memref_slice %arg10[%add3A_96, %dma_wait3A_181] : memref<10000x16xf32, #tpu.memory_space<vmem_shared>> -> memref<125x16xf32, #tpu.memory_space<vmem_shared>>
      tpu.wait_dma2 semaphore(%run_scoped3A : memref<!tpu.dma_semaphore, #tpu.memory_space<semaphore_mem>>) src(%dma_wait3A_182 : memref<125x16xf32, #tpu.memory_space<vmem_shared>>) dst(%dma_wait3A_180 : memref<125x16xf32, #tpu.memory_space<vmem>>)
      tpu.yield
    }) : () -> ()
    %scan3A_97 = arith.constant 0 : i32
    %scan3A_98 = arith.constant 125 : i32
    %scan3A_99 = arith.addi %scan3A_97, %scan3A_98 : i32
    %scan3A_100 = arith.constant 1 : i32
    scf.for %scan3A_165 = %scan3A_97 to %scan3A_99 step %scan3A_100  : i32 {
      %mul3A_166 = arith.constant 1 : i32
      %mul3A_167 = arith.muli %scan3A_165, %mul3A_166 : i32
      %add3A_168 = arith.constant 0 : i32
      %add3A_169 = arith.addi %add3A_168, %mul3A_167 : i32
      %get3A_170 = arith.index_cast %add3A_169 : i32 to index
      %get3A_171 = arith.constant 0 : index
      %get3A_172 = tpu.vector_load %arg19[%get3A_170, %get3A_171] {strides = array<i32>} : memref<128x16xf32, #tpu.memory_space<vmem>>, vector<1x16xf32>,
      %get3A_173 = vector.shape_cast %get3A_172 : vector<1x16xf32> to vector<16xf32>
      %mul3A_174 = arith.constant 16 : i32
      %mul3A_175 = arith.muli %add3A_169, %mul3A_174 : i32
      %swap3A = arith.index_cast %mul3A_175 : i32 to index
      %swap3A_176 = tpu.vector_load %arg18[%swap3A] {strides = array<i32>} : memref<2048xf32, #tpu.memory_space<vmem>>, vector<16xf32>,
      %swap3A_177 = vector.shape_cast %swap3A_176 : vector<16xf32> to vector<16xf32>
      %swap3A_178 = vector.shape_cast %get3A_173 : vector<16xf32> to vector<16xf32>
      tpu.vector_store %arg18[%swap3A], %swap3A_178 {strides = array<i32>} : memref<2048xf32, #tpu.memory_space<vmem>>, vector<16xf32>,
    }
    %scan3A_101 = arith.constant 125 : i32
    %mul3A_102 = arith.constant 10000 : i32
    %mul3A_103 = arith.muli %arg0, %mul3A_102 : i32
    %add3A_104 = arith.addi %mul3A_103, %mul3A_5 : i32
    %add3A_105 = arith.constant 0 : i32
    %add3A_106 = arith.addi %add3A_104, %add3A_105 : i32
    %mul3A_107 = arith.constant 16 : i32
    %mul3A_108 = arith.muli %add3A_106, %mul3A_107 : i32
    "tpu.region"() ({
      %run_scoped3A = tpu.sem_alloc : memref<!tpu.dma_semaphore, #tpu.memory_space<semaphore_mem>>
      %dma_start3A = arith.constant 0 : i32
      %dma_start3A_165 = tpu.memref_slice %arg18[%dma_start3A] : memref<2048xf32, #tpu.memory_space<vmem>> -> memref<2000xf32, #tpu.memory_space<vmem>>
      %dma_start3A_166 = tpu.memref_slice %arg8[%mul3A_108] : memref<320000xf32, #tpu.memory_space<hbm>> -> memref<2000xf32, #tpu.memory_space<hbm>>
      %dma_start3A_167 = tpu.memref_slice %arg8[%mul3A_108] : memref<320000xf32, #tpu.memory_space<hbm>> -> memref<2000xf32, #tpu.memory_space<hbm>>
      %dma_start3A_168 = arith.constant 0 : i32
      %dma_start3A_169 = tpu.memref_slice %arg18[%dma_start3A_168] : memref<2048xf32, #tpu.memory_space<vmem>> -> memref<2000xf32, #tpu.memory_space<vmem>>
      tpu.enqueue_dma source(%dma_start3A_169 : memref<2000xf32, #tpu.memory_space<vmem>>) target(%dma_start3A_167 : memref<2000xf32, #tpu.memory_space<hbm>>) target_semaphore(%run_scoped3A : memref<!tpu.dma_semaphore, #tpu.memory_space<semaphore_mem>>)
      %dma_wait3A = arith.constant 0 : i32
      %dma_wait3A_170 = tpu.memref_slice %arg18[%dma_wait3A] : memref<2048xf32, #tpu.memory_space<vmem>> -> memref<2000xf32, #tpu.memory_space<vmem>>
      %dma_wait3A_171 = tpu.memref_slice %arg8[%mul3A_108] : memref<320000xf32, #tpu.memory_space<hbm>> -> memref<2000xf32, #tpu.memory_space<hbm>>
      %dma_wait3A_172 = tpu.memref_slice %arg8[%mul3A_108] : memref<320000xf32, #tpu.memory_space<hbm>> -> memref<2000xf32, #tpu.memory_space<hbm>>
      %dma_wait3A_173 = arith.constant 0 : i32
      %dma_wait3A_174 = tpu.memref_slice %arg18[%dma_wait3A_173] : memref<2048xf32, #tpu.memory_space<vmem>> -> memref<2000xf32, #tpu.memory_space<vmem>>
      tpu.wait_dma2 semaphore(%run_scoped3A : memref<!tpu.dma_semaphore, #tpu.memory_space<semaphore_mem>>) src(%dma_wait3A_174 : memref<2000xf32, #tpu.memory_space<vmem>>) dst(%dma_wait3A_172 : memref<2000xf32, #tpu.memory_space<hbm>>)
      tpu.yield
    }) : () -> ()
    %add3A_109 = arith.constant 125 : i32
    %add3A_110 = arith.addi %mul3A_5, %add3A_109 : i32
    "tpu.region"() ({
      %run_scoped3A = tpu.sem_alloc : memref<!tpu.dma_semaphore, #tpu.memory_space<semaphore_mem>>
      %dma_start3A = arith.constant 0 : i32
      %dma_start3A_165 = arith.constant 0 : i32
      %dma_start3A_166 = tpu.memref_slice %arg19[%dma_start3A, %dma_start3A_165] : memref<128x16xf32, #tpu.memory_space<vmem>> -> memref<125x16xf32, #tpu.memory_space<vmem>>
      %dma_start3A_167 = arith.constant 0 : i32
      %dma_start3A_168 = tpu.memref_slice %arg10[%add3A_110, %dma_start3A_167] : memref<10000x16xf32, #tpu.memory_space<vmem_shared>> -> memref<125x16xf32, #tpu.memory_space<vmem_shared>>
      %dma_start3A_169 = arith.constant 0 : i32
      %dma_start3A_170 = arith.constant 0 : i32
      %dma_start3A_171 = tpu.memref_slice %arg19[%dma_start3A_169, %dma_start3A_170] : memref<128x16xf32, #tpu.memory_space<vmem>> -> memref<125x16xf32, #tpu.memory_space<vmem>>
      %dma_start3A_172 = arith.constant 0 : i32
      %dma_start3A_173 = tpu.memref_slice %arg10[%add3A_110, %dma_start3A_172] : memref<10000x16xf32, #tpu.memory_space<vmem_shared>> -> memref<125x16xf32, #tpu.memory_space<vmem_shared>>
      tpu.enqueue_dma source(%dma_start3A_173 : memref<125x16xf32, #tpu.memory_space<vmem_shared>>) target(%dma_start3A_171 : memref<125x16xf32, #tpu.memory_space<vmem>>) target_semaphore(%run_scoped3A : memref<!tpu.dma_semaphore, #tpu.memory_space<semaphore_mem>>)
      %dma_wait3A = arith.constant 0 : i32
      %dma_wait3A_174 = arith.constant 0 : i32
      %dma_wait3A_175 = tpu.memref_slice %arg19[%dma_wait3A, %dma_wait3A_174] : memref<128x16xf32, #tpu.memory_space<vmem>> -> memref<125x16xf32, #tpu.memory_space<vmem>>
      %dma_wait3A_176 = arith.constant 0 : i32
      %dma_wait3A_177 = tpu.memref_slice %arg10[%add3A_110, %dma_wait3A_176] : memref<10000x16xf32, #tpu.memory_space<vmem_shared>> -> memref<125x16xf32, #tpu.memory_space<vmem_shared>>
      %dma_wait3A_178 = arith.constant 0 : i32
      %dma_wait3A_179 = arith.constant 0 : i32
      %dma_wait3A_180 = tpu.memref_slice %arg19[%dma_wait3A_178, %dma_wait3A_179] : memref<128x16xf32, #tpu.memory_space<vmem>> -> memref<125x16xf32, #tpu.memory_space<vmem>>
      %dma_wait3A_181 = arith.constant 0 : i32
      %dma_wait3A_182 = tpu.memref_slice %arg10[%add3A_110, %dma_wait3A_181] : memref<10000x16xf32, #tpu.memory_space<vmem_shared>> -> memref<125x16xf32, #tpu.memory_space<vmem_shared>>
      tpu.wait_dma2 semaphore(%run_scoped3A : memref<!tpu.dma_semaphore, #tpu.memory_space<semaphore_mem>>) src(%dma_wait3A_182 : memref<125x16xf32, #tpu.memory_space<vmem_shared>>) dst(%dma_wait3A_180 : memref<125x16xf32, #tpu.memory_space<vmem>>)
      tpu.yield
    }) : () -> ()
    %scan3A_111 = arith.constant 0 : i32
    %scan3A_112 = arith.constant 125 : i32
    %scan3A_113 = arith.addi %scan3A_111, %scan3A_112 : i32
    %scan3A_114 = arith.constant 1 : i32
    scf.for %scan3A_165 = %scan3A_111 to %scan3A_113 step %scan3A_114  : i32 {
      %mul3A_166 = arith.constant 1 : i32
      %mul3A_167 = arith.muli %scan3A_165, %mul3A_166 : i32
      %add3A_168 = arith.constant 0 : i32
      %add3A_169 = arith.addi %add3A_168, %mul3A_167 : i32
      %get3A_170 = arith.index_cast %add3A_169 : i32 to index
      %get3A_171 = arith.constant 0 : index
      %get3A_172 = tpu.vector_load %arg19[%get3A_170, %get3A_171] {strides = array<i32>} : memref<128x16xf32, #tpu.memory_space<vmem>>, vector<1x16xf32>,
      %get3A_173 = vector.shape_cast %get3A_172 : vector<1x16xf32> to vector<16xf32>
      %mul3A_174 = arith.constant 16 : i32
      %mul3A_175 = arith.muli %add3A_169, %mul3A_174 : i32
      %swap3A = arith.index_cast %mul3A_175 : i32 to index
      %swap3A_176 = tpu.vector_load %arg18[%swap3A] {strides = array<i32>} : memref<2048xf32, #tpu.memory_space<vmem>>, vector<16xf32>,
      %swap3A_177 = vector.shape_cast %swap3A_176 : vector<16xf32> to vector<16xf32>
      %swap3A_178 = vector.shape_cast %get3A_173 : vector<16xf32> to vector<16xf32>
      tpu.vector_store %arg18[%swap3A], %swap3A_178 {strides = array<i32>} : memref<2048xf32, #tpu.memory_space<vmem>>, vector<16xf32>,
    }
    %scan3A_115 = arith.constant 125 : i32
    %mul3A_116 = arith.constant 10000 : i32
    %mul3A_117 = arith.muli %arg0, %mul3A_116 : i32
    %add3A_118 = arith.addi %mul3A_117, %mul3A_5 : i32
    %add3A_119 = arith.constant 125 : i32
    %add3A_120 = arith.addi %add3A_118, %add3A_119 : i32
    %mul3A_121 = arith.constant 16 : i32
    %mul3A_122 = arith.muli %add3A_120, %mul3A_121 : i32
    "tpu.region"() ({
      %run_scoped3A = tpu.sem_alloc : memref<!tpu.dma_semaphore, #tpu.memory_space<semaphore_mem>>
      %dma_start3A = arith.constant 0 : i32
      %dma_start3A_165 = tpu.memref_slice %arg18[%dma_start3A] : memref<2048xf32, #tpu.memory_space<vmem>> -> memref<2000xf32, #tpu.memory_space<vmem>>
      %dma_start3A_166 = tpu.memref_slice %arg8[%mul3A_122] : memref<320000xf32, #tpu.memory_space<hbm>> -> memref<2000xf32, #tpu.memory_space<hbm>>
      %dma_start3A_167 = tpu.memref_slice %arg8[%mul3A_122] : memref<320000xf32, #tpu.memory_space<hbm>> -> memref<2000xf32, #tpu.memory_space<hbm>>
      %dma_start3A_168 = arith.constant 0 : i32
      %dma_start3A_169 = tpu.memref_slice %arg18[%dma_start3A_168] : memref<2048xf32, #tpu.memory_space<vmem>> -> memref<2000xf32, #tpu.memory_space<vmem>>
      tpu.enqueue_dma source(%dma_start3A_169 : memref<2000xf32, #tpu.memory_space<vmem>>) target(%dma_start3A_167 : memref<2000xf32, #tpu.memory_space<hbm>>) target_semaphore(%run_scoped3A : memref<!tpu.dma_semaphore, #tpu.memory_space<semaphore_mem>>)
      %dma_wait3A = arith.constant 0 : i32
      %dma_wait3A_170 = tpu.memref_slice %arg18[%dma_wait3A] : memref<2048xf32, #tpu.memory_space<vmem>> -> memref<2000xf32, #tpu.memory_space<vmem>>
      %dma_wait3A_171 = tpu.memref_slice %arg8[%mul3A_122] : memref<320000xf32, #tpu.memory_space<hbm>> -> memref<2000xf32, #tpu.memory_space<hbm>>
      %dma_wait3A_172 = tpu.memref_slice %arg8[%mul3A_122] : memref<320000xf32, #tpu.memory_space<hbm>> -> memref<2000xf32, #tpu.memory_space<hbm>>
      %dma_wait3A_173 = arith.constant 0 : i32
      %dma_wait3A_174 = tpu.memref_slice %arg18[%dma_wait3A_173] : memref<2048xf32, #tpu.memory_space<vmem>> -> memref<2000xf32, #tpu.memory_space<vmem>>
      tpu.wait_dma2 semaphore(%run_scoped3A : memref<!tpu.dma_semaphore, #tpu.memory_space<semaphore_mem>>) src(%dma_wait3A_174 : memref<2000xf32, #tpu.memory_space<vmem>>) dst(%dma_wait3A_172 : memref<2000xf32, #tpu.memory_space<hbm>>)
      tpu.yield
    }) : () -> ()
    %add3A_123 = arith.constant 250 : i32
    %add3A_124 = arith.addi %mul3A_5, %add3A_123 : i32
    "tpu.region"() ({
      %run_scoped3A = tpu.sem_alloc : memref<!tpu.dma_semaphore, #tpu.memory_space<semaphore_mem>>
      %dma_start3A = arith.constant 0 : i32
      %dma_start3A_165 = arith.constant 0 : i32
      %dma_start3A_166 = tpu.memref_slice %arg19[%dma_start3A, %dma_start3A_165] : memref<128x16xf32, #tpu.memory_space<vmem>> -> memref<125x16xf32, #tpu.memory_space<vmem>>
      %dma_start3A_167 = arith.constant 0 : i32
      %dma_start3A_168 = tpu.memref_slice %arg10[%add3A_124, %dma_start3A_167] : memref<10000x16xf32, #tpu.memory_space<vmem_shared>> -> memref<125x16xf32, #tpu.memory_space<vmem_shared>>
      %dma_start3A_169 = arith.constant 0 : i32
      %dma_start3A_170 = arith.constant 0 : i32
      %dma_start3A_171 = tpu.memref_slice %arg19[%dma_start3A_169, %dma_start3A_170] : memref<128x16xf32, #tpu.memory_space<vmem>> -> memref<125x16xf32, #tpu.memory_space<vmem>>
      %dma_start3A_172 = arith.constant 0 : i32
      %dma_start3A_173 = tpu.memref_slice %arg10[%add3A_124, %dma_start3A_172] : memref<10000x16xf32, #tpu.memory_space<vmem_shared>> -> memref<125x16xf32, #tpu.memory_space<vmem_shared>>
      tpu.enqueue_dma source(%dma_start3A_173 : memref<125x16xf32, #tpu.memory_space<vmem_shared>>) target(%dma_start3A_171 : memref<125x16xf32, #tpu.memory_space<vmem>>) target_semaphore(%run_scoped3A : memref<!tpu.dma_semaphore, #tpu.memory_space<semaphore_mem>>)
      %dma_wait3A = arith.constant 0 : i32
      %dma_wait3A_174 = arith.constant 0 : i32
      %dma_wait3A_175 = tpu.memref_slice %arg19[%dma_wait3A, %dma_wait3A_174] : memref<128x16xf32, #tpu.memory_space<vmem>> -> memref<125x16xf32, #tpu.memory_space<vmem>>
      %dma_wait3A_176 = arith.constant 0 : i32
      %dma_wait3A_177 = tpu.memref_slice %arg10[%add3A_124, %dma_wait3A_176] : memref<10000x16xf32, #tpu.memory_space<vmem_shared>> -> memref<125x16xf32, #tpu.memory_space<vmem_shared>>
      %dma_wait3A_178 = arith.constant 0 : i32
      %dma_wait3A_179 = arith.constant 0 : i32
      %dma_wait3A_180 = tpu.memref_slice %arg19[%dma_wait3A_178, %dma_wait3A_179] : memref<128x16xf32, #tpu.memory_space<vmem>> -> memref<125x16xf32, #tpu.memory_space<vmem>>
      %dma_wait3A_181 = arith.constant 0 : i32
      %dma_wait3A_182 = tpu.memref_slice %arg10[%add3A_124, %dma_wait3A_181] : memref<10000x16xf32, #tpu.memory_space<vmem_shared>> -> memref<125x16xf32, #tpu.memory_space<vmem_shared>>
      tpu.wait_dma2 semaphore(%run_scoped3A : memref<!tpu.dma_semaphore, #tpu.memory_space<semaphore_mem>>) src(%dma_wait3A_182 : memref<125x16xf32, #tpu.memory_space<vmem_shared>>) dst(%dma_wait3A_180 : memref<125x16xf32, #tpu.memory_space<vmem>>)
      tpu.yield
    }) : () -> ()
    %scan3A_125 = arith.constant 0 : i32
    %scan3A_126 = arith.constant 125 : i32
    %scan3A_127 = arith.addi %scan3A_125, %scan3A_126 : i32
    %scan3A_128 = arith.constant 1 : i32
    scf.for %scan3A_165 = %scan3A_125 to %scan3A_127 step %scan3A_128  : i32 {
      %mul3A_166 = arith.constant 1 : i32
      %mul3A_167 = arith.muli %scan3A_165, %mul3A_166 : i32
      %add3A_168 = arith.constant 0 : i32
      %add3A_169 = arith.addi %add3A_168, %mul3A_167 : i32
      %get3A_170 = arith.index_cast %add3A_169 : i32 to index
      %get3A_171 = arith.constant 0 : index
      %get3A_172 = tpu.vector_load %arg19[%get3A_170, %get3A_171] {strides = array<i32>} : memref<128x16xf32, #tpu.memory_space<vmem>>, vector<1x16xf32>,
      %get3A_173 = vector.shape_cast %get3A_172 : vector<1x16xf32> to vector<16xf32>
      %mul3A_174 = arith.constant 16 : i32
      %mul3A_175 = arith.muli %add3A_169, %mul3A_174 : i32
      %swap3A = arith.index_cast %mul3A_175 : i32 to index
      %swap3A_176 = tpu.vector_load %arg18[%swap3A] {strides = array<i32>} : memref<2048xf32, #tpu.memory_space<vmem>>, vector<16xf32>,
      %swap3A_177 = vector.shape_cast %swap3A_176 : vector<16xf32> to vector<16xf32>
      %swap3A_178 = vector.shape_cast %get3A_173 : vector<16xf32> to vector<16xf32>
      tpu.vector_store %arg18[%swap3A], %swap3A_178 {strides = array<i32>} : memref<2048xf32, #tpu.memory_space<vmem>>, vector<16xf32>,
    }
    %scan3A_129 = arith.constant 125 : i32
    %mul3A_130 = arith.constant 10000 : i32
    %mul3A_131 = arith.muli %arg0, %mul3A_130 : i32
    %add3A_132 = arith.addi %mul3A_131, %mul3A_5 : i32
    %add3A_133 = arith.constant 250 : i32
    %add3A_134 = arith.addi %add3A_132, %add3A_133 : i32
    %mul3A_135 = arith.constant 16 : i32
    %mul3A_136 = arith.muli %add3A_134, %mul3A_135 : i32
    "tpu.region"() ({
      %run_scoped3A = tpu.sem_alloc : memref<!tpu.dma_semaphore, #tpu.memory_space<semaphore_mem>>
      %dma_start3A = arith.constant 0 : i32
      %dma_start3A_165 = tpu.memref_slice %arg18[%dma_start3A] : memref<2048xf32, #tpu.memory_space<vmem>> -> memref<2000xf32, #tpu.memory_space<vmem>>
      %dma_start3A_166 = tpu.memref_slice %arg8[%mul3A_136] : memref<320000xf32, #tpu.memory_space<hbm>> -> memref<2000xf32, #tpu.memory_space<hbm>>
      %dma_start3A_167 = tpu.memref_slice %arg8[%mul3A_136] : memref<320000xf32, #tpu.memory_space<hbm>> -> memref<2000xf32, #tpu.memory_space<hbm>>
      %dma_start3A_168 = arith.constant 0 : i32
      %dma_start3A_169 = tpu.memref_slice %arg18[%dma_start3A_168] : memref<2048xf32, #tpu.memory_space<vmem>> -> memref<2000xf32, #tpu.memory_space<vmem>>
      tpu.enqueue_dma source(%dma_start3A_169 : memref<2000xf32, #tpu.memory_space<vmem>>) target(%dma_start3A_167 : memref<2000xf32, #tpu.memory_space<hbm>>) target_semaphore(%run_scoped3A : memref<!tpu.dma_semaphore, #tpu.memory_space<semaphore_mem>>)
      %dma_wait3A = arith.constant 0 : i32
      %dma_wait3A_170 = tpu.memref_slice %arg18[%dma_wait3A] : memref<2048xf32, #tpu.memory_space<vmem>> -> memref<2000xf32, #tpu.memory_space<vmem>>
      %dma_wait3A_171 = tpu.memref_slice %arg8[%mul3A_136] : memref<320000xf32, #tpu.memory_space<hbm>> -> memref<2000xf32, #tpu.memory_space<hbm>>
      %dma_wait3A_172 = tpu.memref_slice %arg8[%mul3A_136] : memref<320000xf32, #tpu.memory_space<hbm>> -> memref<2000xf32, #tpu.memory_space<hbm>>
      %dma_wait3A_173 = arith.constant 0 : i32
      %dma_wait3A_174 = tpu.memref_slice %arg18[%dma_wait3A_173] : memref<2048xf32, #tpu.memory_space<vmem>> -> memref<2000xf32, #tpu.memory_space<vmem>>
      tpu.wait_dma2 semaphore(%run_scoped3A : memref<!tpu.dma_semaphore, #tpu.memory_space<semaphore_mem>>) src(%dma_wait3A_174 : memref<2000xf32, #tpu.memory_space<vmem>>) dst(%dma_wait3A_172 : memref<2000xf32, #tpu.memory_space<hbm>>)
      tpu.yield
    }) : () -> ()
    %add3A_137 = arith.constant 375 : i32
    %add3A_138 = arith.addi %mul3A_5, %add3A_137 : i32
    "tpu.region"() ({
      %run_scoped3A = tpu.sem_alloc : memref<!tpu.dma_semaphore, #tpu.memory_space<semaphore_mem>>
      %dma_start3A = arith.constant 0 : i32
      %dma_start3A_165 = arith.constant 0 : i32
      %dma_start3A_166 = tpu.memref_slice %arg19[%dma_start3A, %dma_start3A_165] : memref<128x16xf32, #tpu.memory_space<vmem>> -> memref<125x16xf32, #tpu.memory_space<vmem>>
      %dma_start3A_167 = arith.constant 0 : i32
      %dma_start3A_168 = tpu.memref_slice %arg10[%add3A_138, %dma_start3A_167] : memref<10000x16xf32, #tpu.memory_space<vmem_shared>> -> memref<125x16xf32, #tpu.memory_space<vmem_shared>>
      %dma_start3A_169 = arith.constant 0 : i32
      %dma_start3A_170 = arith.constant 0 : i32
      %dma_start3A_171 = tpu.memref_slice %arg19[%dma_start3A_169, %dma_start3A_170] : memref<128x16xf32, #tpu.memory_space<vmem>> -> memref<125x16xf32, #tpu.memory_space<vmem>>
      %dma_start3A_172 = arith.constant 0 : i32
      %dma_start3A_173 = tpu.memref_slice %arg10[%add3A_138, %dma_start3A_172] : memref<10000x16xf32, #tpu.memory_space<vmem_shared>> -> memref<125x16xf32, #tpu.memory_space<vmem_shared>>
      tpu.enqueue_dma source(%dma_start3A_173 : memref<125x16xf32, #tpu.memory_space<vmem_shared>>) target(%dma_start3A_171 : memref<125x16xf32, #tpu.memory_space<vmem>>) target_semaphore(%run_scoped3A : memref<!tpu.dma_semaphore, #tpu.memory_space<semaphore_mem>>)
      %dma_wait3A = arith.constant 0 : i32
      %dma_wait3A_174 = arith.constant 0 : i32
      %dma_wait3A_175 = tpu.memref_slice %arg19[%dma_wait3A, %dma_wait3A_174] : memref<128x16xf32, #tpu.memory_space<vmem>> -> memref<125x16xf32, #tpu.memory_space<vmem>>
      %dma_wait3A_176 = arith.constant 0 : i32
      %dma_wait3A_177 = tpu.memref_slice %arg10[%add3A_138, %dma_wait3A_176] : memref<10000x16xf32, #tpu.memory_space<vmem_shared>> -> memref<125x16xf32, #tpu.memory_space<vmem_shared>>
      %dma_wait3A_178 = arith.constant 0 : i32
      %dma_wait3A_179 = arith.constant 0 : i32
      %dma_wait3A_180 = tpu.memref_slice %arg19[%dma_wait3A_178, %dma_wait3A_179] : memref<128x16xf32, #tpu.memory_space<vmem>> -> memref<125x16xf32, #tpu.memory_space<vmem>>
      %dma_wait3A_181 = arith.constant 0 : i32
      %dma_wait3A_182 = tpu.memref_slice %arg10[%add3A_138, %dma_wait3A_181] : memref<10000x16xf32, #tpu.memory_space<vmem_shared>> -> memref<125x16xf32, #tpu.memory_space<vmem_shared>>
      tpu.wait_dma2 semaphore(%run_scoped3A : memref<!tpu.dma_semaphore, #tpu.memory_space<semaphore_mem>>) src(%dma_wait3A_182 : memref<125x16xf32, #tpu.memory_space<vmem_shared>>) dst(%dma_wait3A_180 : memref<125x16xf32, #tpu.memory_space<vmem>>)
      tpu.yield
    }) : () -> ()
    %scan3A_139 = arith.constant 0 : i32
    %scan3A_140 = arith.constant 125 : i32
    %scan3A_141 = arith.addi %scan3A_139, %scan3A_140 : i32
    %scan3A_142 = arith.constant 1 : i32
    scf.for %scan3A_165 = %scan3A_139 to %scan3A_141 step %scan3A_142  : i32 {
      %mul3A_166 = arith.constant 1 : i32
      %mul3A_167 = arith.muli %scan3A_165, %mul3A_166 : i32
      %add3A_168 = arith.constant 0 : i32
      %add3A_169 = arith.addi %add3A_168, %mul3A_167 : i32
      %get3A_170 = arith.index_cast %add3A_169 : i32 to index
      %get3A_171 = arith.constant 0 : index
      %get3A_172 = tpu.vector_load %arg19[%get3A_170, %get3A_171] {strides = array<i32>} : memref<128x16xf32, #tpu.memory_space<vmem>>, vector<1x16xf32>,
      %get3A_173 = vector.shape_cast %get3A_172 : vector<1x16xf32> to vector<16xf32>
      %mul3A_174 = arith.constant 16 : i32
      %mul3A_175 = arith.muli %add3A_169, %mul3A_174 : i32
      %swap3A = arith.index_cast %mul3A_175 : i32 to index
      %swap3A_176 = tpu.vector_load %arg18[%swap3A] {strides = array<i32>} : memref<2048xf32, #tpu.memory_space<vmem>>, vector<16xf32>,
      %swap3A_177 = vector.shape_cast %swap3A_176 : vector<16xf32> to vector<16xf32>
      %swap3A_178 = vector.shape_cast %get3A_173 : vector<16xf32> to vector<16xf32>
      tpu.vector_store %arg18[%swap3A], %swap3A_178 {strides = array<i32>} : memref<2048xf32, #tpu.memory_space<vmem>>, vector<16xf32>,
    }
    %scan3A_143 = arith.constant 125 : i32
    %mul3A_144 = arith.constant 10000 : i32
    %mul3A_145 = arith.muli %arg0, %mul3A_144 : i32
    %add3A_146 = arith.addi %mul3A_145, %mul3A_5 : i32
    %add3A_147 = arith.constant 375 : i32
    %add3A_148 = arith.addi %add3A_146, %add3A_147 : i32
    %mul3A_149 = arith.constant 16 : i32
    %mul3A_150 = arith.muli %add3A_148, %mul3A_149 : i32
    "tpu.region"() ({
      %run_scoped3A = tpu.sem_alloc : memref<!tpu.dma_semaphore, #tpu.memory_space<semaphore_mem>>
      %dma_start3A = arith.constant 0 : i32
      %dma_start3A_165 = tpu.memref_slice %arg18[%dma_start3A] : memref<2048xf32, #tpu.memory_space<vmem>> -> memref<2000xf32, #tpu.memory_space<vmem>>
      %dma_start3A_166 = tpu.memref_slice %arg8[%mul3A_150] : memref<320000xf32, #tpu.memory_space<hbm>> -> memref<2000xf32, #tpu.memory_space<hbm>>
      %dma_start3A_167 = tpu.memref_slice %arg8[%mul3A_150] : memref<320000xf32, #tpu.memory_space<hbm>> -> memref<2000xf32, #tpu.memory_space<hbm>>
      %dma_start3A_168 = arith.constant 0 : i32
      %dma_start3A_169 = tpu.memref_slice %arg18[%dma_start3A_168] : memref<2048xf32, #tpu.memory_space<vmem>> -> memref<2000xf32, #tpu.memory_space<vmem>>
      tpu.enqueue_dma source(%dma_start3A_169 : memref<2000xf32, #tpu.memory_space<vmem>>) target(%dma_start3A_167 : memref<2000xf32, #tpu.memory_space<hbm>>) target_semaphore(%run_scoped3A : memref<!tpu.dma_semaphore, #tpu.memory_space<semaphore_mem>>)
      %dma_wait3A = arith.constant 0 : i32
      %dma_wait3A_170 = tpu.memref_slice %arg18[%dma_wait3A] : memref<2048xf32, #tpu.memory_space<vmem>> -> memref<2000xf32, #tpu.memory_space<vmem>>
      %dma_wait3A_171 = tpu.memref_slice %arg8[%mul3A_150] : memref<320000xf32, #tpu.memory_space<hbm>> -> memref<2000xf32, #tpu.memory_space<hbm>>
      %dma_wait3A_172 = tpu.memref_slice %arg8[%mul3A_150] : memref<320000xf32, #tpu.memory_space<hbm>> -> memref<2000xf32, #tpu.memory_space<hbm>>
      %dma_wait3A_173 = arith.constant 0 : i32
      %dma_wait3A_174 = tpu.memref_slice %arg18[%dma_wait3A_173] : memref<2048xf32, #tpu.memory_space<vmem>> -> memref<2000xf32, #tpu.memory_space<vmem>>
      tpu.wait_dma2 semaphore(%run_scoped3A : memref<!tpu.dma_semaphore, #tpu.memory_space<semaphore_mem>>) src(%dma_wait3A_174 : memref<2000xf32, #tpu.memory_space<vmem>>) dst(%dma_wait3A_172 : memref<2000xf32, #tpu.memory_space<hbm>>)
      tpu.yield
    }) : () -> ()
    %add3A_151 = arith.constant 500 : i32
    %add3A_152 = arith.addi %mul3A_5, %add3A_151 : i32
    "tpu.region"() ({
      %run_scoped3A = tpu.sem_alloc : memref<!tpu.dma_semaphore, #tpu.memory_space<semaphore_mem>>
      %dma_start3A = arith.constant 0 : i32
      %dma_start3A_165 = arith.constant 0 : i32
      %dma_start3A_166 = tpu.memref_slice %arg19[%dma_start3A, %dma_start3A_165] : memref<128x16xf32, #tpu.memory_space<vmem>> -> memref<125x16xf32, #tpu.memory_space<vmem>>
      %dma_start3A_167 = arith.constant 0 : i32
      %dma_start3A_168 = tpu.memref_slice %arg10[%add3A_152, %dma_start3A_167] : memref<10000x16xf32, #tpu.memory_space<vmem_shared>> -> memref<125x16xf32, #tpu.memory_space<vmem_shared>>
      %dma_start3A_169 = arith.constant 0 : i32
      %dma_start3A_170 = arith.constant 0 : i32
      %dma_start3A_171 = tpu.memref_slice %arg19[%dma_start3A_169, %dma_start3A_170] : memref<128x16xf32, #tpu.memory_space<vmem>> -> memref<125x16xf32, #tpu.memory_space<vmem>>
      %dma_start3A_172 = arith.constant 0 : i32
      %dma_start3A_173 = tpu.memref_slice %arg10[%add3A_152, %dma_start3A_172] : memref<10000x16xf32, #tpu.memory_space<vmem_shared>> -> memref<125x16xf32, #tpu.memory_space<vmem_shared>>
      tpu.enqueue_dma source(%dma_start3A_173 : memref<125x16xf32, #tpu.memory_space<vmem_shared>>) target(%dma_start3A_171 : memref<125x16xf32, #tpu.memory_space<vmem>>) target_semaphore(%run_scoped3A : memref<!tpu.dma_semaphore, #tpu.memory_space<semaphore_mem>>)
      %dma_wait3A = arith.constant 0 : i32
      %dma_wait3A_174 = arith.constant 0 : i32
      %dma_wait3A_175 = tpu.memref_slice %arg19[%dma_wait3A, %dma_wait3A_174] : memref<128x16xf32, #tpu.memory_space<vmem>> -> memref<125x16xf32, #tpu.memory_space<vmem>>
      %dma_wait3A_176 = arith.constant 0 : i32
      %dma_wait3A_177 = tpu.memref_slice %arg10[%add3A_152, %dma_wait3A_176] : memref<10000x16xf32, #tpu.memory_space<vmem_shared>> -> memref<125x16xf32, #tpu.memory_space<vmem_shared>>
      %dma_wait3A_178 = arith.constant 0 : i32
      %dma_wait3A_179 = arith.constant 0 : i32
      %dma_wait3A_180 = tpu.memref_slice %arg19[%dma_wait3A_178, %dma_wait3A_179] : memref<128x16xf32, #tpu.memory_space<vmem>> -> memref<125x16xf32, #tpu.memory_space<vmem>>
      %dma_wait3A_181 = arith.constant 0 : i32
      %dma_wait3A_182 = tpu.memref_slice %arg10[%add3A_152, %dma_wait3A_181] : memref<10000x16xf32, #tpu.memory_space<vmem_shared>> -> memref<125x16xf32, #tpu.memory_space<vmem_shared>>
      tpu.wait_dma2 semaphore(%run_scoped3A : memref<!tpu.dma_semaphore, #tpu.memory_space<semaphore_mem>>) src(%dma_wait3A_182 : memref<125x16xf32, #tpu.memory_space<vmem_shared>>) dst(%dma_wait3A_180 : memref<125x16xf32, #tpu.memory_space<vmem>>)
      tpu.yield
    }) : () -> ()
    %scan3A_153 = arith.constant 0 : i32
    %scan3A_154 = arith.constant 125 : i32
    %scan3A_155 = arith.addi %scan3A_153, %scan3A_154 : i32
    %scan3A_156 = arith.constant 1 : i32
    scf.for %scan3A_165 = %scan3A_153 to %scan3A_155 step %scan3A_156  : i32 {
      %mul3A_166 = arith.constant 1 : i32
      %mul3A_167 = arith.muli %scan3A_165, %mul3A_166 : i32
      %add3A_168 = arith.constant 0 : i32
      %add3A_169 = arith.addi %add3A_168, %mul3A_167 : i32
      %get3A_170 = arith.index_cast %add3A_169 : i32 to index
      %get3A_171 = arith.constant 0 : index
      %get3A_172 = tpu.vector_load %arg19[%get3A_170, %get3A_171] {strides = array<i32>} : memref<128x16xf32, #tpu.memory_space<vmem>>, vector<1x16xf32>,
      %get3A_173 = vector.shape_cast %get3A_172 : vector<1x16xf32> to vector<16xf32>
      %mul3A_174 = arith.constant 16 : i32
      %mul3A_175 = arith.muli %add3A_169, %mul3A_174 : i32
      %swap3A = arith.index_cast %mul3A_175 : i32 to index
      %swap3A_176 = tpu.vector_load %arg18[%swap3A] {strides = array<i32>} : memref<2048xf32, #tpu.memory_space<vmem>>, vector<16xf32>,
      %swap3A_177 = vector.shape_cast %swap3A_176 : vector<16xf32> to vector<16xf32>
      %swap3A_178 = vector.shape_cast %get3A_173 : vector<16xf32> to vector<16xf32>
      tpu.vector_store %arg18[%swap3A], %swap3A_178 {strides = array<i32>} : memref<2048xf32, #tpu.memory_space<vmem>>, vector<16xf32>,
    }
    %scan3A_157 = arith.constant 125 : i32
    %mul3A_158 = arith.constant 10000 : i32
    %mul3A_159 = arith.muli %arg0, %mul3A_158 : i32
    %add3A_160 = arith.addi %mul3A_159, %mul3A_5 : i32
    %add3A_161 = arith.constant 500 : i32
    %add3A_162 = arith.addi %add3A_160, %add3A_161 : i32
    %mul3A_163 = arith.constant 16 : i32
    %mul3A_164 = arith.muli %add3A_162, %mul3A_163 : i32
    "tpu.region"() ({
      %run_scoped3A = tpu.sem_alloc : memref<!tpu.dma_semaphore, #tpu.memory_space<semaphore_mem>>
      %dma_start3A = arith.constant 0 : i32
      %dma_start3A_165 = tpu.memref_slice %arg18[%dma_start3A] : memref<2048xf32, #tpu.memory_space<vmem>> -> memref<2000xf32, #tpu.memory_space<vmem>>
      %dma_start3A_166 = tpu.memref_slice %arg8[%mul3A_164] : memref<320000xf32, #tpu.memory_space<hbm>> -> memref<2000xf32, #tpu.memory_space<hbm>>
      %dma_start3A_167 = tpu.memref_slice %arg8[%mul3A_164] : memref<320000xf32, #tpu.memory_space<hbm>> -> memref<2000xf32, #tpu.memory_space<hbm>>
      %dma_start3A_168 = arith.constant 0 : i32
      %dma_start3A_169 = tpu.memref_slice %arg18[%dma_start3A_168] : memref<2048xf32, #tpu.memory_space<vmem>> -> memref<2000xf32, #tpu.memory_space<vmem>>
      tpu.enqueue_dma source(%dma_start3A_169 : memref<2000xf32, #tpu.memory_space<vmem>>) target(%dma_start3A_167 : memref<2000xf32, #tpu.memory_space<hbm>>) target_semaphore(%run_scoped3A : memref<!tpu.dma_semaphore, #tpu.memory_space<semaphore_mem>>)
      %dma_wait3A = arith.constant 0 : i32
      %dma_wait3A_170 = tpu.memref_slice %arg18[%dma_wait3A] : memref<2048xf32, #tpu.memory_space<vmem>> -> memref<2000xf32, #tpu.memory_space<vmem>>
      %dma_wait3A_171 = tpu.memref_slice %arg8[%mul3A_164] : memref<320000xf32, #tpu.memory_space<hbm>> -> memref<2000xf32, #tpu.memory_space<hbm>>
      %dma_wait3A_172 = tpu.memref_slice %arg8[%mul3A_164] : memref<320000xf32, #tpu.memory_space<hbm>> -> memref<2000xf32, #tpu.memory_space<hbm>>
      %dma_wait3A_173 = arith.constant 0 : i32
      %dma_wait3A_174 = tpu.memref_slice %arg18[%dma_wait3A_173] : memref<2048xf32, #tpu.memory_space<vmem>> -> memref<2000xf32, #tpu.memory_space<vmem>>
      tpu.wait_dma2 semaphore(%run_scoped3A : memref<!tpu.dma_semaphore, #tpu.memory_space<semaphore_mem>>) src(%dma_wait3A_174 : memref<2000xf32, #tpu.memory_space<vmem>>) dst(%dma_wait3A_172 : memref<2000xf32, #tpu.memory_space<hbm>>)
      tpu.yield
    }) : () -> ()
    return
  }
}

#map = affine_map<(d0, d1) -> (0, 0)>
#map1 = affine_map<(d0, d1) -> (0)>
#map2 = affine_map<(d0, d1) -> (0, 0, 0)>
module attributes {stable_mosaic.version = 14 : i64} {
  func.func @body(%arg0: i32, %arg1: i32, %arg2: memref<10008x128xf32, #tpu.memory_space<hbm>>, %arg3: memref<163840xf32, #tpu.memory_space<hbm>>, %arg4: memref<16xf32, #tpu.memory_space<hbm>>, %arg5: memref<331776xi32, #tpu.memory_space<hbm>>, %arg6: memref<331776xi32, #tpu.memory_space<hbm>>, %arg7: memref<2x10000x128xf32, #tpu.memory_space<hbm>>, %arg8: memref<320000xf32, #tpu.memory_space<hbm>>, %arg9: memref<10000x128xf32, #tpu.memory_space<vmem_shared>>, %arg10: memref<10000x16xf32, #tpu.memory_space<vmem_shared>>, %arg11: memref<10240x16xf32, #tpu.memory_space<vmem_shared>>, %arg12: memref<128xi32, #tpu.memory_space<vmem>>, %arg13: memref<128xi32, #tpu.memory_space<vmem>>, %arg14: memref<128x128xf32, #tpu.memory_space<vmem>>, %arg15: memref<128x16xf32, #tpu.memory_space<vmem>>, %arg16: memref<128x16xf32, #tpu.memory_space<vmem>>, %arg17: memref<128x16xf32, #tpu.memory_space<vmem>>, %arg18: memref<2048xf32, #tpu.memory_space<vmem>>, %arg19: memref<128x16xf32, #tpu.memory_space<vmem>>, %arg20: memref<16xf32, #tpu.memory_space<vmem>>, %arg21: memref<!tpu.dma_semaphore, #tpu.memory_space<semaphore_mem>>, %arg22: memref<!tpu.dma_semaphore, #tpu.memory_space<semaphore_mem>>, %arg23: memref<!tpu.dma_semaphore, #tpu.memory_space<semaphore_mem>>) attributes {dimension_semantics = [#tpu.dimension_semantics<core_parallel>, #tpu.dimension_semantics<subcore_parallel>], iteration_bounds = array<i64: 2, 16>, scalar_prefetch = 0 : i64, scratch_operands = 15 : i64, tpu.core_type = #tpu.core_type<sc_vector_subcore>, window_params = [{transform_indices = #map}, {transform_indices = #map1}, {transform_indices = #map1}, {transform_indices = #map1}, {transform_indices = #map1}, {transform_indices = #map2}, {transform_indices = #map1}]} {
    %broadcast_in_dim3A = arith.constant 0.000000e+00 : f32
    %broadcast_in_dim3A_0 = vector.broadcast %broadcast_in_dim3A : f32 to vector<16xf32>
    "tpu.region"() ({
      %run_scoped3A = tpu.sem_alloc : memref<!tpu.dma_semaphore, #tpu.memory_space<semaphore_mem>>
      tpu.enqueue_dma source(%arg4 : memref<16xf32, #tpu.memory_space<hbm>>) target(%arg20 : memref<16xf32, #tpu.memory_space<vmem>>) target_semaphore(%run_scoped3A : memref<!tpu.dma_semaphore, #tpu.memory_space<semaphore_mem>>)
      tpu.wait_dma2 semaphore(%run_scoped3A : memref<!tpu.dma_semaphore, #tpu.memory_space<semaphore_mem>>) src(%arg4 : memref<16xf32, #tpu.memory_space<hbm>>) dst(%arg20 : memref<16xf32, #tpu.memory_space<vmem>>)
      tpu.yield
    }) : () -> ()
    %scan3A = arith.constant 0 : i32
    %scan3A_1 = arith.constant 128 : i32
    %scan3A_2 = arith.addi %scan3A, %scan3A_1 : i32
    %scan3A_3 = arith.constant 1 : i32
    scf.for %scan3A_165 = %scan3A to %scan3A_2 step %scan3A_3  : i32 {
      %mul3A_166 = arith.constant 1 : i32
      %mul3A_167 = arith.muli %scan3A_165, %mul3A_166 : i32
      %add3A_168 = arith.constant 0 : i32
      %add3A_169 = arith.addi %add3A_168, %mul3A_167 : i32
      %swap3A = arith.index_cast %add3A_169 : i32 to index
      %swap3A_170 = arith.constant 0 : index
      %swap3A_171 = tpu.vector_load %arg14[%swap3A, %swap3A_170] {strides = array<i32>} : memref<128x128xf32, #tpu.memory_space<vmem>>, vector<1x16xf32>,
      %swap3A_172 = vector.shape_cast %swap3A_171 : vector<1x16xf32> to vector<16xf32>
      %swap3A_173 = vector.shape_cast %broadcast_in_dim3A_0 : vector<16xf32> to vector<1x16xf32>
      tpu.vector_store %arg14[%swap3A, %swap3A_170], %swap3A_173 {strides = array<i32>} : memref<128x128xf32, #tpu.memory_space<vmem>>, vector<1x16xf32>,
      %swap3A_174 = arith.index_cast %add3A_169 : i32 to index
      %swap3A_175 = arith.constant 16 : index
      %swap3A_176 = tpu.vector_load %arg14[%swap3A_174, %swap3A_175] {strides = array<i32>} : memref<128x128xf32, #tpu.memory_space<vmem>>, vector<1x16xf32>,
      %swap3A_177 = vector.shape_cast %swap3A_176 : vector<1x16xf32> to vector<16xf32>
      %swap3A_178 = vector.shape_cast %broadcast_in_dim3A_0 : vector<16xf32> to vector<1x16xf32>
      tpu.vector_store %arg14[%swap3A_174, %swap3A_175], %swap3A_178 {strides = array<i32>} : memref<128x128xf32, #tpu.memory_space<vmem>>, vector<1x16xf32>,
      %swap3A_179 = arith.index_cast %add3A_169 : i32 to index
      %swap3A_180 = arith.constant 32 : index
      %swap3A_181 = tpu.vector_load %arg14[%swap3A_179, %swap3A_180] {strides = array<i32>} : memref<128x128xf32, #tpu.memory_space<vmem>>, vector<1x16xf32>,
      %swap3A_182 = vector.shape_cast %swap3A_181 : vector<1x16xf32> to vector<16xf32>
      %swap3A_183 = vector.shape_cast %broadcast_in_dim3A_0 : vector<16xf32> to vector<1x16xf32>
      tpu.vector_store %arg14[%swap3A_179, %swap3A_180], %swap3A_183 {strides = array<i32>} : memref<128x128xf32, #tpu.memory_space<vmem>>, vector<1x16xf32>,
      %swap3A_184 = arith.index_cast %add3A_169 : i32 to index
      %swap3A_185 = arith.constant 48 : index
      %swap3A_186 = tpu.vector_load %arg14[%swap3A_184, %swap3A_185] {strides = array<i32>} : memref<128x128xf32, #tpu.memory_space<vmem>>, vector<1x16xf32>,
      %swap3A_187 = vector.shape_cast %swap3A_186 : vector<1x16xf32> to vector<16xf32>
      %swap3A_188 = vector.shape_cast %broadcast_in_dim3A_0 : vector<16xf32> to vector<1x16xf32>
      tpu.vector_store %arg14[%swap3A_184, %swap3A_185], %swap3A_188 {strides = array<i32>} : memref<128x128xf32, #tpu.memory_space<vmem>>, vector<1x16xf32>,
      %swap3A_189 = arith.index_cast %add3A_169 : i32 to index
      %swap3A_190 = arith.constant 64 : index
      %swap3A_191 = tpu.vector_load %arg14[%swap3A_189, %swap3A_190] {strides = array<i32>} : memref<128x128xf32, #tpu.memory_space<vmem>>, vector<1x16xf32>,
      %swap3A_192 = vector.shape_cast %swap3A_191 : vector<1x16xf32> to vector<16xf32>
      %swap3A_193 = vector.shape_cast %broadcast_in_dim3A_0 : vector<16xf32> to vector<1x16xf32>
      tpu.vector_store %arg14[%swap3A_189, %swap3A_190], %swap3A_193 {strides = array<i32>} : memref<128x128xf32, #tpu.memory_space<vmem>>, vector<1x16xf32>,
      %swap3A_194 = arith.index_cast %add3A_169 : i32 to index
      %swap3A_195 = arith.constant 80 : index
      %swap3A_196 = tpu.vector_load %arg14[%swap3A_194, %swap3A_195] {strides = array<i32>} : memref<128x128xf32, #tpu.memory_space<vmem>>, vector<1x16xf32>,
      %swap3A_197 = vector.shape_cast %swap3A_196 : vector<1x16xf32> to vector<16xf32>
      %swap3A_198 = vector.shape_cast %broadcast_in_dim3A_0 : vector<16xf32> to vector<1x16xf32>
      tpu.vector_store %arg14[%swap3A_194, %swap3A_195], %swap3A_198 {strides = array<i32>} : memref<128x128xf32, #tpu.memory_space<vmem>>, vector<1x16xf32>,
      %swap3A_199 = arith.index_cast %add3A_169 : i32 to index
      %swap3A_200 = arith.constant 96 : index
      %swap3A_201 = tpu.vector_load %arg14[%swap3A_199, %swap3A_200] {strides = array<i32>} : memref<128x128xf32, #tpu.memory_space<vmem>>, vector<1x16xf32>,
      %swap3A_202 = vector.shape_cast %swap3A_201 : vector<1x16xf32> to vector<16xf32>
      %swap3A_203 = vector.shape_cast %broadcast_in_dim3A_0 : vector<16xf32> to vector<1x16xf32>
      tpu.vector_store %arg14[%swap3A_199, %swap3A_200], %swap3A_203 {strides = array<i32>} : memref<128x128xf32, #tpu.memory_space<vmem>>, vector<1x16xf32>,
      %swap3A_204 = arith.index_cast %add3A_169 : i32 to index
      %swap3A_205 = arith.constant 112 : index
      %swap3A_206 = tpu.vector_load %arg14[%swap3A_204, %swap3A_205] {strides = array<i32>} : memref<128x128xf32, #tpu.memory_space<vmem>>, vector<1x16xf32>,
      %swap3A_207 = vector.shape_cast %swap3A_206 : vector<1x16xf32> to vector<16xf32>
      %swap3A_208 = vector.shape_cast %broadcast_in_dim3A_0 : vector<16xf32> to vector<1x16xf32>
      tpu.vector_store %arg14[%swap3A_204, %swap3A_205], %swap3A_208 {strides = array<i32>} : memref<128x128xf32, #tpu.memory_space<vmem>>, vector<1x16xf32>,
      %swap3A_209 = arith.index_cast %add3A_169 : i32 to index
      %swap3A_210 = arith.constant 0 : index
      %swap3A_211 = tpu.vector_load %arg17[%swap3A_209, %swap3A_210] {strides = array<i32>} : memref<128x16xf32, #tpu.memory_space<vmem>>, vector<1x16xf32>,
      %swap3A_212 = vector.shape_cast %swap3A_211 : vector<1x16xf32> to vector<16xf32>
      %swap3A_213 = vector.shape_cast %broadcast_in_dim3A_0 : vector<16xf32> to vector<1x16xf32>
      tpu.vector_store %arg17[%swap3A_209, %swap3A_210], %swap3A_213 {strides = array<i32>} : memref<128x16xf32, #tpu.memory_space<vmem>>, vector<1x16xf32>,
    }
    %scan3A_4 = arith.constant 128 : i32
    %mul3A = arith.constant 625 : i32
    %mul3A_5 = arith.muli %arg1, %mul3A : i32
    %add3A = arith.constant 0 : i32
    %add3A_6 = arith.addi %mul3A_5, %add3A : i32
    "tpu.region"() ({
      %run_scoped3A = tpu.sem_alloc : memref<!tpu.dma_semaphore, #tpu.memory_space<semaphore_mem>>
      %dma_start3A = arith.constant 0 : i32
      %dma_start3A_165 = arith.constant 0 : i32
      %dma_start3A_166 = tpu.memref_slice %arg14[%dma_start3A, %dma_start3A_165] : memref<128x128xf32, #tpu.memory_space<vmem>> -> memref<125x128xf32, #tpu.memory_space<vmem>>
      %dma_start3A_167 = arith.constant 0 : i32
      %dma_start3A_168 = tpu.memref_slice %arg9[%add3A_6, %dma_start3A_167] : memref<10000x128xf32, #tpu.memory_space<vmem_shared>> -> memref<125x128xf32, #tpu.memory_space<vmem_shared>>
      %dma_start3A_169 = arith.constant 0 : i32
      %dma_start3A_170 = tpu.memref_slice %arg9[%add3A_6, %dma_start3A_169] : memref<10000x128xf32, #tpu.memory_space<vmem_shared>> -> memref<125x128xf32, #tpu.memory_space<vmem_shared>>
      %dma_start3A_171 = arith.constant 0 : i32
      %dma_start3A_172 = arith.constant 0 : i32
      %dma_start3A_173 = tpu.memref_slice %arg14[%dma_start3A_171, %dma_start3A_172] : memref<128x128xf32, #tpu.memory_space<vmem>> -> memref<125x128xf32, #tpu.memory_space<vmem>>
      tpu.enqueue_dma source(%dma_start3A_173 : memref<125x128xf32, #tpu.memory_space<vmem>>) target(%dma_start3A_170 : memref<125x128xf32, #tpu.memory_space<vmem_shared>>) target_semaphore(%run_scoped3A : memref<!tpu.dma_semaphore, #tpu.memory_space<semaphore_mem>>)
      %dma_wait3A = arith.constant 0 : i32
      %dma_wait3A_174 = arith.constant 0 : i32
      %dma_wait3A_175 = tpu.memref_slice %arg14[%dma_wait3A, %dma_wait3A_174] : memref<128x128xf32, #tpu.memory_space<vmem>> -> memref<125x128xf32, #tpu.memory_space<vmem>>
      %dma_wait3A_176 = arith.constant 0 : i32
      %dma_wait3A_177 = tpu.memref_slice %arg9[%add3A_6, %dma_wait3A_176] : memref<10000x128xf32, #tpu.memory_space<vmem_shared>> -> memref<125x128xf32, #tpu.memory_space<vmem_shared>>
      %dma_wait3A_178 = arith.constant 0 : i32
      %dma_wait3A_179 = tpu.memref_slice %arg9[%add3A_6, %dma_wait3A_178] : memref<10000x128xf32, #tpu.memory_space<vmem_shared>> -> memref<125x128xf32, #tpu.memory_space<vmem_shared>>
      %dma_wait3A_180 = arith.constant 0 : i32
      %dma_wait3A_181 = arith.constant 0 : i32
      %dma_wait3A_182 = tpu.memref_slice %arg14[%dma_wait3A_180, %dma_wait3A_181] : memref<128x128xf32, #tpu.memory_space<vmem>> -> memref<125x128xf32, #tpu.memory_space<vmem>>
      tpu.wait_dma2 semaphore(%run_scoped3A : memref<!tpu.dma_semaphore, #tpu.memory_space<semaphore_mem>>) src(%dma_wait3A_182 : memref<125x128xf32, #tpu.memory_space<vmem>>) dst(%dma_wait3A_179 : memref<125x128xf32, #tpu.memory_space<vmem_shared>>)
      tpu.yield
    }) : () -> ()
    %add3A_7 = arith.constant 0 : i32
    %add3A_8 = arith.addi %mul3A_5, %add3A_7 : i32
    "tpu.region"() ({
      %run_scoped3A = tpu.sem_alloc : memref<!tpu.dma_semaphore, #tpu.memory_space<semaphore_mem>>
      %dma_start3A = arith.constant 0 : i32
      %dma_start3A_165 = arith.constant 0 : i32
      %dma_start3A_166 = tpu.memref_slice %arg17[%dma_start3A, %dma_start3A_165] : memref<128x16xf32, #tpu.memory_space<vmem>> -> memref<125x16xf32, #tpu.memory_space<vmem>>
      %dma_start3A_167 = arith.constant 0 : i32
      %dma_start3A_168 = tpu.memref_slice %arg10[%add3A_8, %dma_start3A_167] : memref<10000x16xf32, #tpu.memory_space<vmem_shared>> -> memref<125x16xf32, #tpu.memory_space<vmem_shared>>
      %dma_start3A_169 = arith.constant 0 : i32
      %dma_start3A_170 = tpu.memref_slice %arg10[%add3A_8, %dma_start3A_169] : memref<10000x16xf32, #tpu.memory_space<vmem_shared>> -> memref<125x16xf32, #tpu.memory_space<vmem_shared>>
      %dma_start3A_171 = arith.constant 0 : i32
      %dma_start3A_172 = arith.constant 0 : i32
      %dma_start3A_173 = tpu.memref_slice %arg17[%dma_start3A_171, %dma_start3A_172] : memref<128x16xf32, #tpu.memory_space<vmem>> -> memref<125x16xf32, #tpu.memory_space<vmem>>
      tpu.enqueue_dma source(%dma_start3A_173 : memref<125x16xf32, #tpu.memory_space<vmem>>) target(%dma_start3A_170 : memref<125x16xf32, #tpu.memory_space<vmem_shared>>) target_semaphore(%run_scoped3A : memref<!tpu.dma_semaphore, #tpu.memory_space<semaphore_mem>>)
      %dma_wait3A = arith.constant 0 : i32
      %dma_wait3A_174 = arith.constant 0 : i32
      %dma_wait3A_175 = tpu.memref_slice %arg17[%dma_wait3A, %dma_wait3A_174] : memref<128x16xf32, #tpu.memory_space<vmem>> -> memref<125x16xf32, #tpu.memory_space<vmem>>
      %dma_wait3A_176 = arith.constant 0 : i32
      %dma_wait3A_177 = tpu.memref_slice %arg10[%add3A_8, %dma_wait3A_176] : memref<10000x16xf32, #tpu.memory_space<vmem_shared>> -> memref<125x16xf32, #tpu.memory_space<vmem_shared>>
      %dma_wait3A_178 = arith.constant 0 : i32
      %dma_wait3A_179 = tpu.memref_slice %arg10[%add3A_8, %dma_wait3A_178] : memref<10000x16xf32, #tpu.memory_space<vmem_shared>> -> memref<125x16xf32, #tpu.memory_space<vmem_shared>>
      %dma_wait3A_180 = arith.constant 0 : i32
      %dma_wait3A_181 = arith.constant 0 : i32
      %dma_wait3A_182 = tpu.memref_slice %arg17[%dma_wait3A_180, %dma_wait3A_181] : memref<128x16xf32, #tpu.memory_space<vmem>> -> memref<125x16xf32, #tpu.memory_space<vmem>>
      tpu.wait_dma2 semaphore(%run_scoped3A : memref<!tpu.dma_semaphore, #tpu.memory_space<semaphore_mem>>) src(%dma_wait3A_182 : memref<125x16xf32, #tpu.memory_space<vmem>>) dst(%dma_wait3A_179 : memref<125x16xf32, #tpu.memory_space<vmem_shared>>)
      tpu.yield
    }) : () -> ()
    %add3A_9 = arith.constant 125 : i32
    %add3A_10 = arith.addi %mul3A_5, %add3A_9 : i32
    "tpu.region"() ({
      %run_scoped3A = tpu.sem_alloc : memref<!tpu.dma_semaphore, #tpu.memory_space<semaphore_mem>>
      %dma_start3A = arith.constant 0 : i32
      %dma_start3A_165 = arith.constant 0 : i32
      %dma_start3A_166 = tpu.memref_slice %arg14[%dma_start3A, %dma_start3A_165] : memref<128x128xf32, #tpu.memory_space<vmem>> -> memref<125x128xf32, #tpu.memory_space<vmem>>
      %dma_start3A_167 = arith.constant 0 : i32
      %dma_start3A_168 = tpu.memref_slice %arg9[%add3A_10, %dma_start3A_167] : memref<10000x128xf32, #tpu.memory_space<vmem_shared>> -> memref<125x128xf32, #tpu.memory_space<vmem_shared>>
      %dma_start3A_169 = arith.constant 0 : i32
      %dma_start3A_170 = tpu.memref_slice %arg9[%add3A_10, %dma_start3A_169] : memref<10000x128xf32, #tpu.memory_space<vmem_shared>> -> memref<125x128xf32, #tpu.memory_space<vmem_shared>>
      %dma_start3A_171 = arith.constant 0 : i32
      %dma_start3A_172 = arith.constant 0 : i32
      %dma_start3A_173 = tpu.memref_slice %arg14[%dma_start3A_171, %dma_start3A_172] : memref<128x128xf32, #tpu.memory_space<vmem>> -> memref<125x128xf32, #tpu.memory_space<vmem>>
      tpu.enqueue_dma source(%dma_start3A_173 : memref<125x128xf32, #tpu.memory_space<vmem>>) target(%dma_start3A_170 : memref<125x128xf32, #tpu.memory_space<vmem_shared>>) target_semaphore(%run_scoped3A : memref<!tpu.dma_semaphore, #tpu.memory_space<semaphore_mem>>)
      %dma_wait3A = arith.constant 0 : i32
      %dma_wait3A_174 = arith.constant 0 : i32
      %dma_wait3A_175 = tpu.memref_slice %arg14[%dma_wait3A, %dma_wait3A_174] : memref<128x128xf32, #tpu.memory_space<vmem>> -> memref<125x128xf32, #tpu.memory_space<vmem>>
      %dma_wait3A_176 = arith.constant 0 : i32
      %dma_wait3A_177 = tpu.memref_slice %arg9[%add3A_10, %dma_wait3A_176] : memref<10000x128xf32, #tpu.memory_space<vmem_shared>> -> memref<125x128xf32, #tpu.memory_space<vmem_shared>>
      %dma_wait3A_178 = arith.constant 0 : i32
      %dma_wait3A_179 = tpu.memref_slice %arg9[%add3A_10, %dma_wait3A_178] : memref<10000x128xf32, #tpu.memory_space<vmem_shared>> -> memref<125x128xf32, #tpu.memory_space<vmem_shared>>
      %dma_wait3A_180 = arith.constant 0 : i32
      %dma_wait3A_181 = arith.constant 0 : i32
      %dma_wait3A_182 = tpu.memref_slice %arg14[%dma_wait3A_180, %dma_wait3A_181] : memref<128x128xf32, #tpu.memory_space<vmem>> -> memref<125x128xf32, #tpu.memory_space<vmem>>
      tpu.wait_dma2 semaphore(%run_scoped3A : memref<!tpu.dma_semaphore, #tpu.memory_space<semaphore_mem>>) src(%dma_wait3A_182 : memref<125x128xf32, #tpu.memory_space<vmem>>) dst(%dma_wait3A_179 : memref<125x128xf32, #tpu.memory_space<vmem_shared>>)
      tpu.yield
    }) : () -> ()
    %add3A_11 = arith.constant 125 : i32
    %add3A_12 = arith.addi %mul3A_5, %add3A_11 : i32
    "tpu.region"() ({
      %run_scoped3A = tpu.sem_alloc : memref<!tpu.dma_semaphore, #tpu.memory_space<semaphore_mem>>
      %dma_start3A = arith.constant 0 : i32
      %dma_start3A_165 = arith.constant 0 : i32
      %dma_start3A_166 = tpu.memref_slice %arg17[%dma_start3A, %dma_start3A_165] : memref<128x16xf32, #tpu.memory_space<vmem>> -> memref<125x16xf32, #tpu.memory_space<vmem>>
      %dma_start3A_167 = arith.constant 0 : i32
      %dma_start3A_168 = tpu.memref_slice %arg10[%add3A_12, %dma_start3A_167] : memref<10000x16xf32, #tpu.memory_space<vmem_shared>> -> memref<125x16xf32, #tpu.memory_space<vmem_shared>>
      %dma_start3A_169 = arith.constant 0 : i32
      %dma_start3A_170 = tpu.memref_slice %arg10[%add3A_12, %dma_start3A_169] : memref<10000x16xf32, #tpu.memory_space<vmem_shared>> -> memref<125x16xf32, #tpu.memory_space<vmem_shared>>
      %dma_start3A_171 = arith.constant 0 : i32
      %dma_start3A_172 = arith.constant 0 : i32
      %dma_start3A_173 = tpu.memref_slice %arg17[%dma_start3A_171, %dma_start3A_172] : memref<128x16xf32, #tpu.memory_space<vmem>> -> memref<125x16xf32, #tpu.memory_space<vmem>>
      tpu.enqueue_dma source(%dma_start3A_173 : memref<125x16xf32, #tpu.memory_space<vmem>>) target(%dma_start3A_170 : memref<125x16xf32, #tpu.memory_space<vmem_shared>>) target_semaphore(%run_scoped3A : memref<!tpu.dma_semaphore, #tpu.memory_space<semaphore_mem>>)
      %dma_wait3A = arith.constant 0 : i32
      %dma_wait3A_174 = arith.constant 0 : i32
      %dma_wait3A_175 = tpu.memref_slice %arg17[%dma_wait3A, %dma_wait3A_174] : memref<128x16xf32, #tpu.memory_space<vmem>> -> memref<125x16xf32, #tpu.memory_space<vmem>>
      %dma_wait3A_176 = arith.constant 0 : i32
      %dma_wait3A_177 = tpu.memref_slice %arg10[%add3A_12, %dma_wait3A_176] : memref<10000x16xf32, #tpu.memory_space<vmem_shared>> -> memref<125x16xf32, #tpu.memory_space<vmem_shared>>
      %dma_wait3A_178 = arith.constant 0 : i32
      %dma_wait3A_179 = tpu.memref_slice %arg10[%add3A_12, %dma_wait3A_178] : memref<10000x16xf32, #tpu.memory_space<vmem_shared>> -> memref<125x16xf32, #tpu.memory_space<vmem_shared>>
      %dma_wait3A_180 = arith.constant 0 : i32
      %dma_wait3A_181 = arith.constant 0 : i32
      %dma_wait3A_182 = tpu.memref_slice %arg17[%dma_wait3A_180, %dma_wait3A_181] : memref<128x16xf32, #tpu.memory_space<vmem>> -> memref<125x16xf32, #tpu.memory_space<vmem>>
      tpu.wait_dma2 semaphore(%run_scoped3A : memref<!tpu.dma_semaphore, #tpu.memory_space<semaphore_mem>>) src(%dma_wait3A_182 : memref<125x16xf32, #tpu.memory_space<vmem>>) dst(%dma_wait3A_179 : memref<125x16xf32, #tpu.memory_space<vmem_shared>>)
      tpu.yield
    }) : () -> ()
    %add3A_13 = arith.constant 250 : i32
    %add3A_14 = arith.addi %mul3A_5, %add3A_13 : i32
    "tpu.region"() ({
      %run_scoped3A = tpu.sem_alloc : memref<!tpu.dma_semaphore, #tpu.memory_space<semaphore_mem>>
      %dma_start3A = arith.constant 0 : i32
      %dma_start3A_165 = arith.constant 0 : i32
      %dma_start3A_166 = tpu.memref_slice %arg14[%dma_start3A, %dma_start3A_165] : memref<128x128xf32, #tpu.memory_space<vmem>> -> memref<125x128xf32, #tpu.memory_space<vmem>>
      %dma_start3A_167 = arith.constant 0 : i32
      %dma_start3A_168 = tpu.memref_slice %arg9[%add3A_14, %dma_start3A_167] : memref<10000x128xf32, #tpu.memory_space<vmem_shared>> -> memref<125x128xf32, #tpu.memory_space<vmem_shared>>
      %dma_start3A_169 = arith.constant 0 : i32
      %dma_start3A_170 = tpu.memref_slice %arg9[%add3A_14, %dma_start3A_169] : memref<10000x128xf32, #tpu.memory_space<vmem_shared>> -> memref<125x128xf32, #tpu.memory_space<vmem_shared>>
      %dma_start3A_171 = arith.constant 0 : i32
      %dma_start3A_172 = arith.constant 0 : i32
      %dma_start3A_173 = tpu.memref_slice %arg14[%dma_start3A_171, %dma_start3A_172] : memref<128x128xf32, #tpu.memory_space<vmem>> -> memref<125x128xf32, #tpu.memory_space<vmem>>
      tpu.enqueue_dma source(%dma_start3A_173 : memref<125x128xf32, #tpu.memory_space<vmem>>) target(%dma_start3A_170 : memref<125x128xf32, #tpu.memory_space<vmem_shared>>) target_semaphore(%run_scoped3A : memref<!tpu.dma_semaphore, #tpu.memory_space<semaphore_mem>>)
      %dma_wait3A = arith.constant 0 : i32
      %dma_wait3A_174 = arith.constant 0 : i32
      %dma_wait3A_175 = tpu.memref_slice %arg14[%dma_wait3A, %dma_wait3A_174] : memref<128x128xf32, #tpu.memory_space<vmem>> -> memref<125x128xf32, #tpu.memory_space<vmem>>
      %dma_wait3A_176 = arith.constant 0 : i32
      %dma_wait3A_177 = tpu.memref_slice %arg9[%add3A_14, %dma_wait3A_176] : memref<10000x128xf32, #tpu.memory_space<vmem_shared>> -> memref<125x128xf32, #tpu.memory_space<vmem_shared>>
      %dma_wait3A_178 = arith.constant 0 : i32
      %dma_wait3A_179 = tpu.memref_slice %arg9[%add3A_14, %dma_wait3A_178] : memref<10000x128xf32, #tpu.memory_space<vmem_shared>> -> memref<125x128xf32, #tpu.memory_space<vmem_shared>>
      %dma_wait3A_180 = arith.constant 0 : i32
      %dma_wait3A_181 = arith.constant 0 : i32
      %dma_wait3A_182 = tpu.memref_slice %arg14[%dma_wait3A_180, %dma_wait3A_181] : memref<128x128xf32, #tpu.memory_space<vmem>> -> memref<125x128xf32, #tpu.memory_space<vmem>>
      tpu.wait_dma2 semaphore(%run_scoped3A : memref<!tpu.dma_semaphore, #tpu.memory_space<semaphore_mem>>) src(%dma_wait3A_182 : memref<125x128xf32, #tpu.memory_space<vmem>>) dst(%dma_wait3A_179 : memref<125x128xf32, #tpu.memory_space<vmem_shared>>)
      tpu.yield
    }) : () -> ()
    %add3A_15 = arith.constant 250 : i32
    %add3A_16 = arith.addi %mul3A_5, %add3A_15 : i32
    "tpu.region"() ({
      %run_scoped3A = tpu.sem_alloc : memref<!tpu.dma_semaphore, #tpu.memory_space<semaphore_mem>>
      %dma_start3A = arith.constant 0 : i32
      %dma_start3A_165 = arith.constant 0 : i32
      %dma_start3A_166 = tpu.memref_slice %arg17[%dma_start3A, %dma_start3A_165] : memref<128x16xf32, #tpu.memory_space<vmem>> -> memref<125x16xf32, #tpu.memory_space<vmem>>
      %dma_start3A_167 = arith.constant 0 : i32
      %dma_start3A_168 = tpu.memref_slice %arg10[%add3A_16, %dma_start3A_167] : memref<10000x16xf32, #tpu.memory_space<vmem_shared>> -> memref<125x16xf32, #tpu.memory_space<vmem_shared>>
      %dma_start3A_169 = arith.constant 0 : i32
      %dma_start3A_170 = tpu.memref_slice %arg10[%add3A_16, %dma_start3A_169] : memref<10000x16xf32, #tpu.memory_space<vmem_shared>> -> memref<125x16xf32, #tpu.memory_space<vmem_shared>>
      %dma_start3A_171 = arith.constant 0 : i32
      %dma_start3A_172 = arith.constant 0 : i32
      %dma_start3A_173 = tpu.memref_slice %arg17[%dma_start3A_171, %dma_start3A_172] : memref<128x16xf32, #tpu.memory_space<vmem>> -> memref<125x16xf32, #tpu.memory_space<vmem>>
      tpu.enqueue_dma source(%dma_start3A_173 : memref<125x16xf32, #tpu.memory_space<vmem>>) target(%dma_start3A_170 : memref<125x16xf32, #tpu.memory_space<vmem_shared>>) target_semaphore(%run_scoped3A : memref<!tpu.dma_semaphore, #tpu.memory_space<semaphore_mem>>)
      %dma_wait3A = arith.constant 0 : i32
      %dma_wait3A_174 = arith.constant 0 : i32
      %dma_wait3A_175 = tpu.memref_slice %arg17[%dma_wait3A, %dma_wait3A_174] : memref<128x16xf32, #tpu.memory_space<vmem>> -> memref<125x16xf32, #tpu.memory_space<vmem>>
      %dma_wait3A_176 = arith.constant 0 : i32
      %dma_wait3A_177 = tpu.memref_slice %arg10[%add3A_16, %dma_wait3A_176] : memref<10000x16xf32, #tpu.memory_space<vmem_shared>> -> memref<125x16xf32, #tpu.memory_space<vmem_shared>>
      %dma_wait3A_178 = arith.constant 0 : i32
      %dma_wait3A_179 = tpu.memref_slice %arg10[%add3A_16, %dma_wait3A_178] : memref<10000x16xf32, #tpu.memory_space<vmem_shared>> -> memref<125x16xf32, #tpu.memory_space<vmem_shared>>
      %dma_wait3A_180 = arith.constant 0 : i32
      %dma_wait3A_181 = arith.constant 0 : i32
      %dma_wait3A_182 = tpu.memref_slice %arg17[%dma_wait3A_180, %dma_wait3A_181] : memref<128x16xf32, #tpu.memory_space<vmem>> -> memref<125x16xf32, #tpu.memory_space<vmem>>
      tpu.wait_dma2 semaphore(%run_scoped3A : memref<!tpu.dma_semaphore, #tpu.memory_space<semaphore_mem>>) src(%dma_wait3A_182 : memref<125x16xf32, #tpu.memory_space<vmem>>) dst(%dma_wait3A_179 : memref<125x16xf32, #tpu.memory_space<vmem_shared>>)
      tpu.yield
    }) : () -> ()
    %add3A_17 = arith.constant 375 : i32
    %add3A_18 = arith.addi %mul3A_5, %add3A_17 : i32
    "tpu.region"() ({
      %run_scoped3A = tpu.sem_alloc : memref<!tpu.dma_semaphore, #tpu.memory_space<semaphore_mem>>
      %dma_start3A = arith.constant 0 : i32
      %dma_start3A_165 = arith.constant 0 : i32
      %dma_start3A_166 = tpu.memref_slice %arg14[%dma_start3A, %dma_start3A_165] : memref<128x128xf32, #tpu.memory_space<vmem>> -> memref<125x128xf32, #tpu.memory_space<vmem>>
      %dma_start3A_167 = arith.constant 0 : i32
      %dma_start3A_168 = tpu.memref_slice %arg9[%add3A_18, %dma_start3A_167] : memref<10000x128xf32, #tpu.memory_space<vmem_shared>> -> memref<125x128xf32, #tpu.memory_space<vmem_shared>>
      %dma_start3A_169 = arith.constant 0 : i32
      %dma_start3A_170 = tpu.memref_slice %arg9[%add3A_18, %dma_start3A_169] : memref<10000x128xf32, #tpu.memory_space<vmem_shared>> -> memref<125x128xf32, #tpu.memory_space<vmem_shared>>
      %dma_start3A_171 = arith.constant 0 : i32
      %dma_start3A_172 = arith.constant 0 : i32
      %dma_start3A_173 = tpu.memref_slice %arg14[%dma_start3A_171, %dma_start3A_172] : memref<128x128xf32, #tpu.memory_space<vmem>> -> memref<125x128xf32, #tpu.memory_space<vmem>>
      tpu.enqueue_dma source(%dma_start3A_173 : memref<125x128xf32, #tpu.memory_space<vmem>>) target(%dma_start3A_170 : memref<125x128xf32, #tpu.memory_space<vmem_shared>>) target_semaphore(%run_scoped3A : memref<!tpu.dma_semaphore, #tpu.memory_space<semaphore_mem>>)
      %dma_wait3A = arith.constant 0 : i32
      %dma_wait3A_174 = arith.constant 0 : i32
      %dma_wait3A_175 = tpu.memref_slice %arg14[%dma_wait3A, %dma_wait3A_174] : memref<128x128xf32, #tpu.memory_space<vmem>> -> memref<125x128xf32, #tpu.memory_space<vmem>>
      %dma_wait3A_176 = arith.constant 0 : i32
      %dma_wait3A_177 = tpu.memref_slice %arg9[%add3A_18, %dma_wait3A_176] : memref<10000x128xf32, #tpu.memory_space<vmem_shared>> -> memref<125x128xf32, #tpu.memory_space<vmem_shared>>
      %dma_wait3A_178 = arith.constant 0 : i32
      %dma_wait3A_179 = tpu.memref_slice %arg9[%add3A_18, %dma_wait3A_178] : memref<10000x128xf32, #tpu.memory_space<vmem_shared>> -> memref<125x128xf32, #tpu.memory_space<vmem_shared>>
      %dma_wait3A_180 = arith.constant 0 : i32
      %dma_wait3A_181 = arith.constant 0 : i32
      %dma_wait3A_182 = tpu.memref_slice %arg14[%dma_wait3A_180, %dma_wait3A_181] : memref<128x128xf32, #tpu.memory_space<vmem>> -> memref<125x128xf32, #tpu.memory_space<vmem>>
      tpu.wait_dma2 semaphore(%run_scoped3A : memref<!tpu.dma_semaphore, #tpu.memory_space<semaphore_mem>>) src(%dma_wait3A_182 : memref<125x128xf32, #tpu.memory_space<vmem>>) dst(%dma_wait3A_179 : memref<125x128xf32, #tpu.memory_space<vmem_shared>>)
      tpu.yield
    }) : () -> ()
    %add3A_19 = arith.constant 375 : i32
    %add3A_20 = arith.addi %mul3A_5, %add3A_19 : i32
    "tpu.region"() ({
      %run_scoped3A = tpu.sem_alloc : memref<!tpu.dma_semaphore, #tpu.memory_space<semaphore_mem>>
      %dma_start3A = arith.constant 0 : i32
      %dma_start3A_165 = arith.constant 0 : i32
      %dma_start3A_166 = tpu.memref_slice %arg17[%dma_start3A, %dma_start3A_165] : memref<128x16xf32, #tpu.memory_space<vmem>> -> memref<125x16xf32, #tpu.memory_space<vmem>>
      %dma_start3A_167 = arith.constant 0 : i32
      %dma_start3A_168 = tpu.memref_slice %arg10[%add3A_20, %dma_start3A_167] : memref<10000x16xf32, #tpu.memory_space<vmem_shared>> -> memref<125x16xf32, #tpu.memory_space<vmem_shared>>
      %dma_start3A_169 = arith.constant 0 : i32
      %dma_start3A_170 = tpu.memref_slice %arg10[%add3A_20, %dma_start3A_169] : memref<10000x16xf32, #tpu.memory_space<vmem_shared>> -> memref<125x16xf32, #tpu.memory_space<vmem_shared>>
      %dma_start3A_171 = arith.constant 0 : i32
      %dma_start3A_172 = arith.constant 0 : i32
      %dma_start3A_173 = tpu.memref_slice %arg17[%dma_start3A_171, %dma_start3A_172] : memref<128x16xf32, #tpu.memory_space<vmem>> -> memref<125x16xf32, #tpu.memory_space<vmem>>
      tpu.enqueue_dma source(%dma_start3A_173 : memref<125x16xf32, #tpu.memory_space<vmem>>) target(%dma_start3A_170 : memref<125x16xf32, #tpu.memory_space<vmem_shared>>) target_semaphore(%run_scoped3A : memref<!tpu.dma_semaphore, #tpu.memory_space<semaphore_mem>>)
      %dma_wait3A = arith.constant 0 : i32
      %dma_wait3A_174 = arith.constant 0 : i32
      %dma_wait3A_175 = tpu.memref_slice %arg17[%dma_wait3A, %dma_wait3A_174] : memref<128x16xf32, #tpu.memory_space<vmem>> -> memref<125x16xf32, #tpu.memory_space<vmem>>
      %dma_wait3A_176 = arith.constant 0 : i32
      %dma_wait3A_177 = tpu.memref_slice %arg10[%add3A_20, %dma_wait3A_176] : memref<10000x16xf32, #tpu.memory_space<vmem_shared>> -> memref<125x16xf32, #tpu.memory_space<vmem_shared>>
      %dma_wait3A_178 = arith.constant 0 : i32
      %dma_wait3A_179 = tpu.memref_slice %arg10[%add3A_20, %dma_wait3A_178] : memref<10000x16xf32, #tpu.memory_space<vmem_shared>> -> memref<125x16xf32, #tpu.memory_space<vmem_shared>>
      %dma_wait3A_180 = arith.constant 0 : i32
      %dma_wait3A_181 = arith.constant 0 : i32
      %dma_wait3A_182 = tpu.memref_slice %arg17[%dma_wait3A_180, %dma_wait3A_181] : memref<128x16xf32, #tpu.memory_space<vmem>> -> memref<125x16xf32, #tpu.memory_space<vmem>>
      tpu.wait_dma2 semaphore(%run_scoped3A : memref<!tpu.dma_semaphore, #tpu.memory_space<semaphore_mem>>) src(%dma_wait3A_182 : memref<125x16xf32, #tpu.memory_space<vmem>>) dst(%dma_wait3A_179 : memref<125x16xf32, #tpu.memory_space<vmem_shared>>)
      tpu.yield
    }) : () -> ()
    %add3A_21 = arith.constant 500 : i32
    %add3A_22 = arith.addi %mul3A_5, %add3A_21 : i32
    "tpu.region"() ({
      %run_scoped3A = tpu.sem_alloc : memref<!tpu.dma_semaphore, #tpu.memory_space<semaphore_mem>>
      %dma_start3A = arith.constant 0 : i32
      %dma_start3A_165 = arith.constant 0 : i32
      %dma_start3A_166 = tpu.memref_slice %arg14[%dma_start3A, %dma_start3A_165] : memref<128x128xf32, #tpu.memory_space<vmem>> -> memref<125x128xf32, #tpu.memory_space<vmem>>
      %dma_start3A_167 = arith.constant 0 : i32
      %dma_start3A_168 = tpu.memref_slice %arg9[%add3A_22, %dma_start3A_167] : memref<10000x128xf32, #tpu.memory_space<vmem_shared>> -> memref<125x128xf32, #tpu.memory_space<vmem_shared>>
      %dma_start3A_169 = arith.constant 0 : i32
      %dma_start3A_170 = tpu.memref_slice %arg9[%add3A_22, %dma_start3A_169] : memref<10000x128xf32, #tpu.memory_space<vmem_shared>> -> memref<125x128xf32, #tpu.memory_space<vmem_shared>>
      %dma_start3A_171 = arith.constant 0 : i32
      %dma_start3A_172 = arith.constant 0 : i32
      %dma_start3A_173 = tpu.memref_slice %arg14[%dma_start3A_171, %dma_start3A_172] : memref<128x128xf32, #tpu.memory_space<vmem>> -> memref<125x128xf32, #tpu.memory_space<vmem>>
      tpu.enqueue_dma source(%dma_start3A_173 : memref<125x128xf32, #tpu.memory_space<vmem>>) target(%dma_start3A_170 : memref<125x128xf32, #tpu.memory_space<vmem_shared>>) target_semaphore(%run_scoped3A : memref<!tpu.dma_semaphore, #tpu.memory_space<semaphore_mem>>)
      %dma_wait3A = arith.constant 0 : i32
      %dma_wait3A_174 = arith.constant 0 : i32
      %dma_wait3A_175 = tpu.memref_slice %arg14[%dma_wait3A, %dma_wait3A_174] : memref<128x128xf32, #tpu.memory_space<vmem>> -> memref<125x128xf32, #tpu.memory_space<vmem>>
      %dma_wait3A_176 = arith.constant 0 : i32
      %dma_wait3A_177 = tpu.memref_slice %arg9[%add3A_22, %dma_wait3A_176] : memref<10000x128xf32, #tpu.memory_space<vmem_shared>> -> memref<125x128xf32, #tpu.memory_space<vmem_shared>>
      %dma_wait3A_178 = arith.constant 0 : i32
      %dma_wait3A_179 = tpu.memref_slice %arg9[%add3A_22, %dma_wait3A_178] : memref<10000x128xf32, #tpu.memory_space<vmem_shared>> -> memref<125x128xf32, #tpu.memory_space<vmem_shared>>
      %dma_wait3A_180 = arith.constant 0 : i32
      %dma_wait3A_181 = arith.constant 0 : i32
      %dma_wait3A_182 = tpu.memref_slice %arg14[%dma_wait3A_180, %dma_wait3A_181] : memref<128x128xf32, #tpu.memory_space<vmem>> -> memref<125x128xf32, #tpu.memory_space<vmem>>
      tpu.wait_dma2 semaphore(%run_scoped3A : memref<!tpu.dma_semaphore, #tpu.memory_space<semaphore_mem>>) src(%dma_wait3A_182 : memref<125x128xf32, #tpu.memory_space<vmem>>) dst(%dma_wait3A_179 : memref<125x128xf32, #tpu.memory_space<vmem_shared>>)
      tpu.yield
    }) : () -> ()
    %add3A_23 = arith.constant 500 : i32
    %add3A_24 = arith.addi %mul3A_5, %add3A_23 : i32
    "tpu.region"() ({
      %run_scoped3A = tpu.sem_alloc : memref<!tpu.dma_semaphore, #tpu.memory_space<semaphore_mem>>
      %dma_start3A = arith.constant 0 : i32
      %dma_start3A_165 = arith.constant 0 : i32
      %dma_start3A_166 = tpu.memref_slice %arg17[%dma_start3A, %dma_start3A_165] : memref<128x16xf32, #tpu.memory_space<vmem>> -> memref<125x16xf32, #tpu.memory_space<vmem>>
      %dma_start3A_167 = arith.constant 0 : i32
      %dma_start3A_168 = tpu.memref_slice %arg10[%add3A_24, %dma_start3A_167] : memref<10000x16xf32, #tpu.memory_space<vmem_shared>> -> memref<125x16xf32, #tpu.memory_space<vmem_shared>>
      %dma_start3A_169 = arith.constant 0 : i32
      %dma_start3A_170 = tpu.memref_slice %arg10[%add3A_24, %dma_start3A_169] : memref<10000x16xf32, #tpu.memory_space<vmem_shared>> -> memref<125x16xf32, #tpu.memory_space<vmem_shared>>
      %dma_start3A_171 = arith.constant 0 : i32
      %dma_start3A_172 = arith.constant 0 : i32
      %dma_start3A_173 = tpu.memref_slice %arg17[%dma_start3A_171, %dma_start3A_172] : memref<128x16xf32, #tpu.memory_space<vmem>> -> memref<125x16xf32, #tpu.memory_space<vmem>>
      tpu.enqueue_dma source(%dma_start3A_173 : memref<125x16xf32, #tpu.memory_space<vmem>>) target(%dma_start3A_170 : memref<125x16xf32, #tpu.memory_space<vmem_shared>>) target_semaphore(%run_scoped3A : memref<!tpu.dma_semaphore, #tpu.memory_space<semaphore_mem>>)
      %dma_wait3A = arith.constant 0 : i32
      %dma_wait3A_174 = arith.constant 0 : i32
      %dma_wait3A_175 = tpu.memref_slice %arg17[%dma_wait3A, %dma_wait3A_174] : memref<128x16xf32, #tpu.memory_space<vmem>> -> memref<125x16xf32, #tpu.memory_space<vmem>>
      %dma_wait3A_176 = arith.constant 0 : i32
      %dma_wait3A_177 = tpu.memref_slice %arg10[%add3A_24, %dma_wait3A_176] : memref<10000x16xf32, #tpu.memory_space<vmem_shared>> -> memref<125x16xf32, #tpu.memory_space<vmem_shared>>
      %dma_wait3A_178 = arith.constant 0 : i32
      %dma_wait3A_179 = tpu.memref_slice %arg10[%add3A_24, %dma_wait3A_178] : memref<10000x16xf32, #tpu.memory_space<vmem_shared>> -> memref<125x16xf32, #tpu.memory_space<vmem_shared>>
      %dma_wait3A_180 = arith.constant 0 : i32
      %dma_wait3A_181 = arith.constant 0 : i32
      %dma_wait3A_182 = tpu.memref_slice %arg17[%dma_wait3A_180, %dma_wait3A_181] : memref<128x16xf32, #tpu.memory_space<vmem>> -> memref<125x16xf32, #tpu.memory_space<vmem>>
      tpu.wait_dma2 semaphore(%run_scoped3A : memref<!tpu.dma_semaphore, #tpu.memory_space<semaphore_mem>>) src(%dma_wait3A_182 : memref<125x16xf32, #tpu.memory_space<vmem>>) dst(%dma_wait3A_179 : memref<125x16xf32, #tpu.memory_space<vmem_shared>>)
      tpu.yield
    }) : () -> ()
    %mul3A_25 = arith.constant 640 : i32
    %mul3A_26 = arith.muli %arg1, %mul3A_25 : i32
    %add3A_27 = arith.constant 0 : i32
    %add3A_28 = arith.addi %mul3A_26, %add3A_27 : i32
    %mul3A_29 = arith.constant 16 : i32
    %mul3A_30 = arith.muli %add3A_28, %mul3A_29 : i32
    "tpu.region"() ({
      %run_scoped3A = tpu.sem_alloc : memref<!tpu.dma_semaphore, #tpu.memory_space<semaphore_mem>>
      %dma_start3A = tpu.memref_slice %arg3[%mul3A_30] : memref<163840xf32, #tpu.memory_space<hbm>> -> memref<2048xf32, #tpu.memory_space<hbm>>
      %dma_start3A_165 = tpu.memref_slice %arg3[%mul3A_30] : memref<163840xf32, #tpu.memory_space<hbm>> -> memref<2048xf32, #tpu.memory_space<hbm>>
      tpu.enqueue_dma source(%dma_start3A_165 : memref<2048xf32, #tpu.memory_space<hbm>>) target(%arg18 : memref<2048xf32, #tpu.memory_space<vmem>>) target_semaphore(%run_scoped3A : memref<!tpu.dma_semaphore, #tpu.memory_space<semaphore_mem>>)
      %dma_wait3A = tpu.memref_slice %arg3[%mul3A_30] : memref<163840xf32, #tpu.memory_space<hbm>> -> memref<2048xf32, #tpu.memory_space<hbm>>
      %dma_wait3A_166 = tpu.memref_slice %arg3[%mul3A_30] : memref<163840xf32, #tpu.memory_space<hbm>> -> memref<2048xf32, #tpu.memory_space<hbm>>
      tpu.wait_dma2 semaphore(%run_scoped3A : memref<!tpu.dma_semaphore, #tpu.memory_space<semaphore_mem>>) src(%dma_wait3A_166 : memref<2048xf32, #tpu.memory_space<hbm>>) dst(%arg18 : memref<2048xf32, #tpu.memory_space<vmem>>)
      tpu.yield
    }) : () -> ()
    %scan3A_31 = arith.constant 0 : i32
    %scan3A_32 = arith.constant 128 : i32
    %scan3A_33 = arith.addi %scan3A_31, %scan3A_32 : i32
    %scan3A_34 = arith.constant 1 : i32
    scf.for %scan3A_165 = %scan3A_31 to %scan3A_33 step %scan3A_34  : i32 {
      %mul3A_166 = arith.constant 1 : i32
      %mul3A_167 = arith.muli %scan3A_165, %mul3A_166 : i32
      %add3A_168 = arith.constant 0 : i32
      %add3A_169 = arith.addi %add3A_168, %mul3A_167 : i32
      %mul3A_170 = arith.constant 16 : i32
      %mul3A_171 = arith.muli %add3A_169, %mul3A_170 : i32
      %get3A_172 = arith.index_cast %mul3A_171 : i32 to index
      %get3A_173 = tpu.vector_load %arg18[%get3A_172] {strides = array<i32>} : memref<2048xf32, #tpu.memory_space<vmem>>, vector<16xf32>,
      %get3A_174 = vector.shape_cast %get3A_173 : vector<16xf32> to vector<16xf32>
      %swap3A = arith.index_cast %add3A_169 : i32 to index
      %swap3A_175 = arith.constant 0 : index
      %swap3A_176 = tpu.vector_load %arg19[%swap3A, %swap3A_175] {strides = array<i32>} : memref<128x16xf32, #tpu.memory_space<vmem>>, vector<1x16xf32>,
      %swap3A_177 = vector.shape_cast %swap3A_176 : vector<1x16xf32> to vector<16xf32>
      %swap3A_178 = vector.shape_cast %get3A_174 : vector<16xf32> to vector<1x16xf32>
      tpu.vector_store %arg19[%swap3A, %swap3A_175], %swap3A_178 {strides = array<i32>} : memref<128x16xf32, #tpu.memory_space<vmem>>, vector<1x16xf32>,
    }
    %scan3A_35 = arith.constant 128 : i32
    %add3A_36 = arith.constant 0 : i32
    %add3A_37 = arith.addi %mul3A_26, %add3A_36 : i32
    "tpu.region"() ({
      %run_scoped3A = tpu.sem_alloc : memref<!tpu.dma_semaphore, #tpu.memory_space<semaphore_mem>>
      %dma_start3A = arith.constant 0 : i32
      %dma_start3A_165 = tpu.memref_slice %arg11[%add3A_37, %dma_start3A] : memref<10240x16xf32, #tpu.memory_space<vmem_shared>> -> memref<128x16xf32, #tpu.memory_space<vmem_shared>>
      %dma_start3A_166 = arith.constant 0 : i32
      %dma_start3A_167 = tpu.memref_slice %arg11[%add3A_37, %dma_start3A_166] : memref<10240x16xf32, #tpu.memory_space<vmem_shared>> -> memref<128x16xf32, #tpu.memory_space<vmem_shared>>
      tpu.enqueue_dma source(%arg19 : memref<128x16xf32, #tpu.memory_space<vmem>>) target(%dma_start3A_167 : memref<128x16xf32, #tpu.memory_space<vmem_shared>>) target_semaphore(%run_scoped3A : memref<!tpu.dma_semaphore, #tpu.memory_space<semaphore_mem>>)
      %dma_wait3A = arith.constant 0 : i32
      %dma_wait3A_168 = tpu.memref_slice %arg11[%add3A_37, %dma_wait3A] : memref<10240x16xf32, #tpu.memory_space<vmem_shared>> -> memref<128x16xf32, #tpu.memory_space<vmem_shared>>
      %dma_wait3A_169 = arith.constant 0 : i32
      %dma_wait3A_170 = tpu.memref_slice %arg11[%add3A_37, %dma_wait3A_169] : memref<10240x16xf32, #tpu.memory_space<vmem_shared>> -> memref<128x16xf32, #tpu.memory_space<vmem_shared>>
      tpu.wait_dma2 semaphore(%run_scoped3A : memref<!tpu.dma_semaphore, #tpu.memory_space<semaphore_mem>>) src(%arg19 : memref<128x16xf32, #tpu.memory_space<vmem>>) dst(%dma_wait3A_170 : memref<128x16xf32, #tpu.memory_space<vmem_shared>>)
      tpu.yield
    }) : () -> ()
    %add3A_38 = arith.constant 128 : i32
    %add3A_39 = arith.addi %mul3A_26, %add3A_38 : i32
    %mul3A_40 = arith.constant 16 : i32
    %mul3A_41 = arith.muli %add3A_39, %mul3A_40 : i32
    "tpu.region"() ({
      %run_scoped3A = tpu.sem_alloc : memref<!tpu.dma_semaphore, #tpu.memory_space<semaphore_mem>>
      %dma_start3A = tpu.memref_slice %arg3[%mul3A_41] : memref<163840xf32, #tpu.memory_space<hbm>> -> memref<2048xf32, #tpu.memory_space<hbm>>
      %dma_start3A_165 = tpu.memref_slice %arg3[%mul3A_41] : memref<163840xf32, #tpu.memory_space<hbm>> -> memref<2048xf32, #tpu.memory_space<hbm>>
      tpu.enqueue_dma source(%dma_start3A_165 : memref<2048xf32, #tpu.memory_space<hbm>>) target(%arg18 : memref<2048xf32, #tpu.memory_space<vmem>>) target_semaphore(%run_scoped3A : memref<!tpu.dma_semaphore, #tpu.memory_space<semaphore_mem>>)
      %dma_wait3A = tpu.memref_slice %arg3[%mul3A_41] : memref<163840xf32, #tpu.memory_space<hbm>> -> memref<2048xf32, #tpu.memory_space<hbm>>
      %dma_wait3A_166 = tpu.memref_slice %arg3[%mul3A_41] : memref<163840xf32, #tpu.memory_space<hbm>> -> memref<2048xf32, #tpu.memory_space<hbm>>
      tpu.wait_dma2 semaphore(%run_scoped3A : memref<!tpu.dma_semaphore, #tpu.memory_space<semaphore_mem>>) src(%dma_wait3A_166 : memref<2048xf32, #tpu.memory_space<hbm>>) dst(%arg18 : memref<2048xf32, #tpu.memory_space<vmem>>)
      tpu.yield
    }) : () -> ()
    %scan3A_42 = arith.constant 0 : i32
    %scan3A_43 = arith.constant 128 : i32
    %scan3A_44 = arith.addi %scan3A_42, %scan3A_43 : i32
    %scan3A_45 = arith.constant 1 : i32
    scf.for %scan3A_165 = %scan3A_42 to %scan3A_44 step %scan3A_45  : i32 {
      %mul3A_166 = arith.constant 1 : i32
      %mul3A_167 = arith.muli %scan3A_165, %mul3A_166 : i32
      %add3A_168 = arith.constant 0 : i32
      %add3A_169 = arith.addi %add3A_168, %mul3A_167 : i32
      %mul3A_170 = arith.constant 16 : i32
      %mul3A_171 = arith.muli %add3A_169, %mul3A_170 : i32
      %get3A_172 = arith.index_cast %mul3A_171 : i32 to index
      %get3A_173 = tpu.vector_load %arg18[%get3A_172] {strides = array<i32>} : memref<2048xf32, #tpu.memory_space<vmem>>, vector<16xf32>,
      %get3A_174 = vector.shape_cast %get3A_173 : vector<16xf32> to vector<16xf32>
      %swap3A = arith.index_cast %add3A_169 : i32 to index
      %swap3A_175 = arith.constant 0 : index
      %swap3A_176 = tpu.vector_load %arg19[%swap3A, %swap3A_175] {strides = array<i32>} : memref<128x16xf32, #tpu.memory_space<vmem>>, vector<1x16xf32>,
      %swap3A_177 = vector.shape_cast %swap3A_176 : vector<1x16xf32> to vector<16xf32>
      %swap3A_178 = vector.shape_cast %get3A_174 : vector<16xf32> to vector<1x16xf32>
      tpu.vector_store %arg19[%swap3A, %swap3A_175], %swap3A_178 {strides = array<i32>} : memref<128x16xf32, #tpu.memory_space<vmem>>, vector<1x16xf32>,
    }
    %scan3A_46 = arith.constant 128 : i32
    %add3A_47 = arith.constant 128 : i32
    %add3A_48 = arith.addi %mul3A_26, %add3A_47 : i32
    "tpu.region"() ({
      %run_scoped3A = tpu.sem_alloc : memref<!tpu.dma_semaphore, #tpu.memory_space<semaphore_mem>>
      %dma_start3A = arith.constant 0 : i32
      %dma_start3A_165 = tpu.memref_slice %arg11[%add3A_48, %dma_start3A] : memref<10240x16xf32, #tpu.memory_space<vmem_shared>> -> memref<128x16xf32, #tpu.memory_space<vmem_shared>>
      %dma_start3A_166 = arith.constant 0 : i32
      %dma_start3A_167 = tpu.memref_slice %arg11[%add3A_48, %dma_start3A_166] : memref<10240x16xf32, #tpu.memory_space<vmem_shared>> -> memref<128x16xf32, #tpu.memory_space<vmem_shared>>
      tpu.enqueue_dma source(%arg19 : memref<128x16xf32, #tpu.memory_space<vmem>>) target(%dma_start3A_167 : memref<128x16xf32, #tpu.memory_space<vmem_shared>>) target_semaphore(%run_scoped3A : memref<!tpu.dma_semaphore, #tpu.memory_space<semaphore_mem>>)
      %dma_wait3A = arith.constant 0 : i32
      %dma_wait3A_168 = tpu.memref_slice %arg11[%add3A_48, %dma_wait3A] : memref<10240x16xf32, #tpu.memory_space<vmem_shared>> -> memref<128x16xf32, #tpu.memory_space<vmem_shared>>
      %dma_wait3A_169 = arith.constant 0 : i32
      %dma_wait3A_170 = tpu.memref_slice %arg11[%add3A_48, %dma_wait3A_169] : memref<10240x16xf32, #tpu.memory_space<vmem_shared>> -> memref<128x16xf32, #tpu.memory_space<vmem_shared>>
      tpu.wait_dma2 semaphore(%run_scoped3A : memref<!tpu.dma_semaphore, #tpu.memory_space<semaphore_mem>>) src(%arg19 : memref<128x16xf32, #tpu.memory_space<vmem>>) dst(%dma_wait3A_170 : memref<128x16xf32, #tpu.memory_space<vmem_shared>>)
      tpu.yield
    }) : () -> ()
    %add3A_49 = arith.constant 256 : i32
    %add3A_50 = arith.addi %mul3A_26, %add3A_49 : i32
    %mul3A_51 = arith.constant 16 : i32
    %mul3A_52 = arith.muli %add3A_50, %mul3A_51 : i32
    "tpu.region"() ({
      %run_scoped3A = tpu.sem_alloc : memref<!tpu.dma_semaphore, #tpu.memory_space<semaphore_mem>>
      %dma_start3A = tpu.memref_slice %arg3[%mul3A_52] : memref<163840xf32, #tpu.memory_space<hbm>> -> memref<2048xf32, #tpu.memory_space<hbm>>
      %dma_start3A_165 = tpu.memref_slice %arg3[%mul3A_52] : memref<163840xf32, #tpu.memory_space<hbm>> -> memref<2048xf32, #tpu.memory_space<hbm>>
      tpu.enqueue_dma source(%dma_start3A_165 : memref<2048xf32, #tpu.memory_space<hbm>>) target(%arg18 : memref<2048xf32, #tpu.memory_space<vmem>>) target_semaphore(%run_scoped3A : memref<!tpu.dma_semaphore, #tpu.memory_space<semaphore_mem>>)
      %dma_wait3A = tpu.memref_slice %arg3[%mul3A_52] : memref<163840xf32, #tpu.memory_space<hbm>> -> memref<2048xf32, #tpu.memory_space<hbm>>
      %dma_wait3A_166 = tpu.memref_slice %arg3[%mul3A_52] : memref<163840xf32, #tpu.memory_space<hbm>> -> memref<2048xf32, #tpu.memory_space<hbm>>
      tpu.wait_dma2 semaphore(%run_scoped3A : memref<!tpu.dma_semaphore, #tpu.memory_space<semaphore_mem>>) src(%dma_wait3A_166 : memref<2048xf32, #tpu.memory_space<hbm>>) dst(%arg18 : memref<2048xf32, #tpu.memory_space<vmem>>)
      tpu.yield
    }) : () -> ()
    %scan3A_53 = arith.constant 0 : i32
    %scan3A_54 = arith.constant 128 : i32
    %scan3A_55 = arith.addi %scan3A_53, %scan3A_54 : i32
    %scan3A_56 = arith.constant 1 : i32
    scf.for %scan3A_165 = %scan3A_53 to %scan3A_55 step %scan3A_56  : i32 {
      %mul3A_166 = arith.constant 1 : i32
      %mul3A_167 = arith.muli %scan3A_165, %mul3A_166 : i32
      %add3A_168 = arith.constant 0 : i32
      %add3A_169 = arith.addi %add3A_168, %mul3A_167 : i32
      %mul3A_170 = arith.constant 16 : i32
      %mul3A_171 = arith.muli %add3A_169, %mul3A_170 : i32
      %get3A_172 = arith.index_cast %mul3A_171 : i32 to index
      %get3A_173 = tpu.vector_load %arg18[%get3A_172] {strides = array<i32>} : memref<2048xf32, #tpu.memory_space<vmem>>, vector<16xf32>,
      %get3A_174 = vector.shape_cast %get3A_173 : vector<16xf32> to vector<16xf32>
      %swap3A = arith.index_cast %add3A_169 : i32 to index
      %swap3A_175 = arith.constant 0 : index
      %swap3A_176 = tpu.vector_load %arg19[%swap3A, %swap3A_175] {strides = array<i32>} : memref<128x16xf32, #tpu.memory_space<vmem>>, vector<1x16xf32>,
      %swap3A_177 = vector.shape_cast %swap3A_176 : vector<1x16xf32> to vector<16xf32>
      %swap3A_178 = vector.shape_cast %get3A_174 : vector<16xf32> to vector<1x16xf32>
      tpu.vector_store %arg19[%swap3A, %swap3A_175], %swap3A_178 {strides = array<i32>} : memref<128x16xf32, #tpu.memory_space<vmem>>, vector<1x16xf32>,
    }
    %scan3A_57 = arith.constant 128 : i32
    %add3A_58 = arith.constant 256 : i32
    %add3A_59 = arith.addi %mul3A_26, %add3A_58 : i32
    "tpu.region"() ({
      %run_scoped3A = tpu.sem_alloc : memref<!tpu.dma_semaphore, #tpu.memory_space<semaphore_mem>>
      %dma_start3A = arith.constant 0 : i32
      %dma_start3A_165 = tpu.memref_slice %arg11[%add3A_59, %dma_start3A] : memref<10240x16xf32, #tpu.memory_space<vmem_shared>> -> memref<128x16xf32, #tpu.memory_space<vmem_shared>>
      %dma_start3A_166 = arith.constant 0 : i32
      %dma_start3A_167 = tpu.memref_slice %arg11[%add3A_59, %dma_start3A_166] : memref<10240x16xf32, #tpu.memory_space<vmem_shared>> -> memref<128x16xf32, #tpu.memory_space<vmem_shared>>
      tpu.enqueue_dma source(%arg19 : memref<128x16xf32, #tpu.memory_space<vmem>>) target(%dma_start3A_167 : memref<128x16xf32, #tpu.memory_space<vmem_shared>>) target_semaphore(%run_scoped3A : memref<!tpu.dma_semaphore, #tpu.memory_space<semaphore_mem>>)
      %dma_wait3A = arith.constant 0 : i32
      %dma_wait3A_168 = tpu.memref_slice %arg11[%add3A_59, %dma_wait3A] : memref<10240x16xf32, #tpu.memory_space<vmem_shared>> -> memref<128x16xf32, #tpu.memory_space<vmem_shared>>
      %dma_wait3A_169 = arith.constant 0 : i32
      %dma_wait3A_170 = tpu.memref_slice %arg11[%add3A_59, %dma_wait3A_169] : memref<10240x16xf32, #tpu.memory_space<vmem_shared>> -> memref<128x16xf32, #tpu.memory_space<vmem_shared>>
      tpu.wait_dma2 semaphore(%run_scoped3A : memref<!tpu.dma_semaphore, #tpu.memory_space<semaphore_mem>>) src(%arg19 : memref<128x16xf32, #tpu.memory_space<vmem>>) dst(%dma_wait3A_170 : memref<128x16xf32, #tpu.memory_space<vmem_shared>>)
      tpu.yield
    }) : () -> ()
    %add3A_60 = arith.constant 384 : i32
    %add3A_61 = arith.addi %mul3A_26, %add3A_60 : i32
    %mul3A_62 = arith.constant 16 : i32
    %mul3A_63 = arith.muli %add3A_61, %mul3A_62 : i32
    "tpu.region"() ({
      %run_scoped3A = tpu.sem_alloc : memref<!tpu.dma_semaphore, #tpu.memory_space<semaphore_mem>>
      %dma_start3A = tpu.memref_slice %arg3[%mul3A_63] : memref<163840xf32, #tpu.memory_space<hbm>> -> memref<2048xf32, #tpu.memory_space<hbm>>
      %dma_start3A_165 = tpu.memref_slice %arg3[%mul3A_63] : memref<163840xf32, #tpu.memory_space<hbm>> -> memref<2048xf32, #tpu.memory_space<hbm>>
      tpu.enqueue_dma source(%dma_start3A_165 : memref<2048xf32, #tpu.memory_space<hbm>>) target(%arg18 : memref<2048xf32, #tpu.memory_space<vmem>>) target_semaphore(%run_scoped3A : memref<!tpu.dma_semaphore, #tpu.memory_space<semaphore_mem>>)
      %dma_wait3A = tpu.memref_slice %arg3[%mul3A_63] : memref<163840xf32, #tpu.memory_space<hbm>> -> memref<2048xf32, #tpu.memory_space<hbm>>
      %dma_wait3A_166 = tpu.memref_slice %arg3[%mul3A_63] : memref<163840xf32, #tpu.memory_space<hbm>> -> memref<2048xf32, #tpu.memory_space<hbm>>
      tpu.wait_dma2 semaphore(%run_scoped3A : memref<!tpu.dma_semaphore, #tpu.memory_space<semaphore_mem>>) src(%dma_wait3A_166 : memref<2048xf32, #tpu.memory_space<hbm>>) dst(%arg18 : memref<2048xf32, #tpu.memory_space<vmem>>)
      tpu.yield
    }) : () -> ()
    %scan3A_64 = arith.constant 0 : i32
    %scan3A_65 = arith.constant 128 : i32
    %scan3A_66 = arith.addi %scan3A_64, %scan3A_65 : i32
    %scan3A_67 = arith.constant 1 : i32
    scf.for %scan3A_165 = %scan3A_64 to %scan3A_66 step %scan3A_67  : i32 {
      %mul3A_166 = arith.constant 1 : i32
      %mul3A_167 = arith.muli %scan3A_165, %mul3A_166 : i32
      %add3A_168 = arith.constant 0 : i32
      %add3A_169 = arith.addi %add3A_168, %mul3A_167 : i32
      %mul3A_170 = arith.constant 16 : i32
      %mul3A_171 = arith.muli %add3A_169, %mul3A_170 : i32
      %get3A_172 = arith.index_cast %mul3A_171 : i32 to index
      %get3A_173 = tpu.vector_load %arg18[%get3A_172] {strides = array<i32>} : memref<2048xf32, #tpu.memory_space<vmem>>, vector<16xf32>,
      %get3A_174 = vector.shape_cast %get3A_173 : vector<16xf32> to vector<16xf32>
      %swap3A = arith.index_cast %add3A_169 : i32 to index
      %swap3A_175 = arith.constant 0 : index
      %swap3A_176 = tpu.vector_load %arg19[%swap3A, %swap3A_175] {strides = array<i32>} : memref<128x16xf32, #tpu.memory_space<vmem>>, vector<1x16xf32>,
      %swap3A_177 = vector.shape_cast %swap3A_176 : vector<1x16xf32> to vector<16xf32>
      %swap3A_178 = vector.shape_cast %get3A_174 : vector<16xf32> to vector<1x16xf32>
      tpu.vector_store %arg19[%swap3A, %swap3A_175], %swap3A_178 {strides = array<i32>} : memref<128x16xf32, #tpu.memory_space<vmem>>, vector<1x16xf32>,
    }
    %scan3A_68 = arith.constant 128 : i32
    %add3A_69 = arith.constant 384 : i32
    %add3A_70 = arith.addi %mul3A_26, %add3A_69 : i32
    "tpu.region"() ({
      %run_scoped3A = tpu.sem_alloc : memref<!tpu.dma_semaphore, #tpu.memory_space<semaphore_mem>>
      %dma_start3A = arith.constant 0 : i32
      %dma_start3A_165 = tpu.memref_slice %arg11[%add3A_70, %dma_start3A] : memref<10240x16xf32, #tpu.memory_space<vmem_shared>> -> memref<128x16xf32, #tpu.memory_space<vmem_shared>>
      %dma_start3A_166 = arith.constant 0 : i32
      %dma_start3A_167 = tpu.memref_slice %arg11[%add3A_70, %dma_start3A_166] : memref<10240x16xf32, #tpu.memory_space<vmem_shared>> -> memref<128x16xf32, #tpu.memory_space<vmem_shared>>
      tpu.enqueue_dma source(%arg19 : memref<128x16xf32, #tpu.memory_space<vmem>>) target(%dma_start3A_167 : memref<128x16xf32, #tpu.memory_space<vmem_shared>>) target_semaphore(%run_scoped3A : memref<!tpu.dma_semaphore, #tpu.memory_space<semaphore_mem>>)
      %dma_wait3A = arith.constant 0 : i32
      %dma_wait3A_168 = tpu.memref_slice %arg11[%add3A_70, %dma_wait3A] : memref<10240x16xf32, #tpu.memory_space<vmem_shared>> -> memref<128x16xf32, #tpu.memory_space<vmem_shared>>
      %dma_wait3A_169 = arith.constant 0 : i32
      %dma_wait3A_170 = tpu.memref_slice %arg11[%add3A_70, %dma_wait3A_169] : memref<10240x16xf32, #tpu.memory_space<vmem_shared>> -> memref<128x16xf32, #tpu.memory_space<vmem_shared>>
      tpu.wait_dma2 semaphore(%run_scoped3A : memref<!tpu.dma_semaphore, #tpu.memory_space<semaphore_mem>>) src(%arg19 : memref<128x16xf32, #tpu.memory_space<vmem>>) dst(%dma_wait3A_170 : memref<128x16xf32, #tpu.memory_space<vmem_shared>>)
      tpu.yield
    }) : () -> ()
    %add3A_71 = arith.constant 512 : i32
    %add3A_72 = arith.addi %mul3A_26, %add3A_71 : i32
    %mul3A_73 = arith.constant 16 : i32
    %mul3A_74 = arith.muli %add3A_72, %mul3A_73 : i32
    "tpu.region"() ({
      %run_scoped3A = tpu.sem_alloc : memref<!tpu.dma_semaphore, #tpu.memory_space<semaphore_mem>>
      %dma_start3A = tpu.memref_slice %arg3[%mul3A_74] : memref<163840xf32, #tpu.memory_space<hbm>> -> memref<2048xf32, #tpu.memory_space<hbm>>
      %dma_start3A_165 = tpu.memref_slice %arg3[%mul3A_74] : memref<163840xf32, #tpu.memory_space<hbm>> -> memref<2048xf32, #tpu.memory_space<hbm>>
      tpu.enqueue_dma source(%dma_start3A_165 : memref<2048xf32, #tpu.memory_space<hbm>>) target(%arg18 : memref<2048xf32, #tpu.memory_space<vmem>>) target_semaphore(%run_scoped3A : memref<!tpu.dma_semaphore, #tpu.memory_space<semaphore_mem>>)
      %dma_wait3A = tpu.memref_slice %arg3[%mul3A_74] : memref<163840xf32, #tpu.memory_space<hbm>> -> memref<2048xf32, #tpu.memory_space<hbm>>
      %dma_wait3A_166 = tpu.memref_slice %arg3[%mul3A_74] : memref<163840xf32, #tpu.memory_space<hbm>> -> memref<2048xf32, #tpu.memory_space<hbm>>
      tpu.wait_dma2 semaphore(%run_scoped3A : memref<!tpu.dma_semaphore, #tpu.memory_space<semaphore_mem>>) src(%dma_wait3A_166 : memref<2048xf32, #tpu.memory_space<hbm>>) dst(%arg18 : memref<2048xf32, #tpu.memory_space<vmem>>)
      tpu.yield
    }) : () -> ()
    %scan3A_75 = arith.constant 0 : i32
    %scan3A_76 = arith.constant 128 : i32
    %scan3A_77 = arith.addi %scan3A_75, %scan3A_76 : i32
    %scan3A_78 = arith.constant 1 : i32
    scf.for %scan3A_165 = %scan3A_75 to %scan3A_77 step %scan3A_78  : i32 {
      %mul3A_166 = arith.constant 1 : i32
      %mul3A_167 = arith.muli %scan3A_165, %mul3A_166 : i32
      %add3A_168 = arith.constant 0 : i32
      %add3A_169 = arith.addi %add3A_168, %mul3A_167 : i32
      %mul3A_170 = arith.constant 16 : i32
      %mul3A_171 = arith.muli %add3A_169, %mul3A_170 : i32
      %get3A_172 = arith.index_cast %mul3A_171 : i32 to index
      %get3A_173 = tpu.vector_load %arg18[%get3A_172] {strides = array<i32>} : memref<2048xf32, #tpu.memory_space<vmem>>, vector<16xf32>,
      %get3A_174 = vector.shape_cast %get3A_173 : vector<16xf32> to vector<16xf32>
      %swap3A = arith.index_cast %add3A_169 : i32 to index
      %swap3A_175 = arith.constant 0 : index
      %swap3A_176 = tpu.vector_load %arg19[%swap3A, %swap3A_175] {strides = array<i32>} : memref<128x16xf32, #tpu.memory_space<vmem>>, vector<1x16xf32>,
      %swap3A_177 = vector.shape_cast %swap3A_176 : vector<1x16xf32> to vector<16xf32>
      %swap3A_178 = vector.shape_cast %get3A_174 : vector<16xf32> to vector<1x16xf32>
      tpu.vector_store %arg19[%swap3A, %swap3A_175], %swap3A_178 {strides = array<i32>} : memref<128x16xf32, #tpu.memory_space<vmem>>, vector<1x16xf32>,
    }
    %scan3A_79 = arith.constant 128 : i32
    %add3A_80 = arith.constant 512 : i32
    %add3A_81 = arith.addi %mul3A_26, %add3A_80 : i32
    "tpu.region"() ({
      %run_scoped3A = tpu.sem_alloc : memref<!tpu.dma_semaphore, #tpu.memory_space<semaphore_mem>>
      %dma_start3A = arith.constant 0 : i32
      %dma_start3A_165 = tpu.memref_slice %arg11[%add3A_81, %dma_start3A] : memref<10240x16xf32, #tpu.memory_space<vmem_shared>> -> memref<128x16xf32, #tpu.memory_space<vmem_shared>>
      %dma_start3A_166 = arith.constant 0 : i32
      %dma_start3A_167 = tpu.memref_slice %arg11[%add3A_81, %dma_start3A_166] : memref<10240x16xf32, #tpu.memory_space<vmem_shared>> -> memref<128x16xf32, #tpu.memory_space<vmem_shared>>
      tpu.enqueue_dma source(%arg19 : memref<128x16xf32, #tpu.memory_space<vmem>>) target(%dma_start3A_167 : memref<128x16xf32, #tpu.memory_space<vmem_shared>>) target_semaphore(%run_scoped3A : memref<!tpu.dma_semaphore, #tpu.memory_space<semaphore_mem>>)
      %dma_wait3A = arith.constant 0 : i32
      %dma_wait3A_168 = tpu.memref_slice %arg11[%add3A_81, %dma_wait3A] : memref<10240x16xf32, #tpu.memory_space<vmem_shared>> -> memref<128x16xf32, #tpu.memory_space<vmem_shared>>
      %dma_wait3A_169 = arith.constant 0 : i32
      %dma_wait3A_170 = tpu.memref_slice %arg11[%add3A_81, %dma_wait3A_169] : memref<10240x16xf32, #tpu.memory_space<vmem_shared>> -> memref<128x16xf32, #tpu.memory_space<vmem_shared>>
      tpu.wait_dma2 semaphore(%run_scoped3A : memref<!tpu.dma_semaphore, #tpu.memory_space<semaphore_mem>>) src(%arg19 : memref<128x16xf32, #tpu.memory_space<vmem>>) dst(%dma_wait3A_170 : memref<128x16xf32, #tpu.memory_space<vmem_shared>>)
      tpu.yield
    }) : () -> ()
    %barrier3A = arith.constant 0 : index
    tpu.barrier barrier_id(%barrier3A)
    %mul3A_82 = arith.constant 16 : i32
    %mul3A_83 = arith.muli %arg0, %mul3A_82 : i32
    %add3A_84 = arith.addi %mul3A_83, %arg1 : i32
    %mul3A_85 = arith.constant 10368 : i32
    %mul3A_86 = arith.muli %add3A_84, %mul3A_85 : i32
    %get3A = arith.constant 0 : index
    %get3A_87 = tpu.vector_load %arg20[%get3A] {strides = array<i32>} : memref<16xf32, #tpu.memory_space<vmem>>, vector<16xf32>,
    %get3A_88 = vector.shape_cast %get3A_87 : vector<16xf32> to vector<16xf32>
    %scan3A_89 = arith.constant 0 : i32
    %scan3A_90 = arith.constant 81 : i32
    %scan3A_91 = arith.addi %scan3A_89, %scan3A_90 : i32
    %scan3A_92 = arith.constant 1 : i32
    scf.for %scan3A_165 = %scan3A_89 to %scan3A_91 step %scan3A_92  : i32 {
      %mul3A_166 = arith.constant 1 : i32
      %mul3A_167 = arith.muli %scan3A_165, %mul3A_166 : i32
      %add3A_168 = arith.constant 0 : i32
      %add3A_169 = arith.addi %add3A_168, %mul3A_167 : i32
      %mul3A_170 = arith.constant 128 : i32
      %mul3A_171 = arith.muli %add3A_169, %mul3A_170 : i32
      %add3A_172 = arith.addi %mul3A_86, %mul3A_171 : i32
      "tpu.region"() ({
        %run_scoped3A = tpu.sem_alloc : memref<!tpu.dma_semaphore, #tpu.memory_space<semaphore_mem>>
        %dma_start3A_194 = tpu.memref_slice %arg5[%add3A_172] : memref<331776xi32, #tpu.memory_space<hbm>> -> memref<128xi32, #tpu.memory_space<hbm>>
        %dma_start3A_195 = tpu.memref_slice %arg5[%add3A_172] : memref<331776xi32, #tpu.memory_space<hbm>> -> memref<128xi32, #tpu.memory_space<hbm>>
        tpu.enqueue_dma source(%dma_start3A_195 : memref<128xi32, #tpu.memory_space<hbm>>) target(%arg12 : memref<128xi32, #tpu.memory_space<vmem>>) target_semaphore(%run_scoped3A : memref<!tpu.dma_semaphore, #tpu.memory_space<semaphore_mem>>)
        %dma_wait3A_196 = tpu.memref_slice %arg5[%add3A_172] : memref<331776xi32, #tpu.memory_space<hbm>> -> memref<128xi32, #tpu.memory_space<hbm>>
        %dma_wait3A_197 = tpu.memref_slice %arg5[%add3A_172] : memref<331776xi32, #tpu.memory_space<hbm>> -> memref<128xi32, #tpu.memory_space<hbm>>
        tpu.wait_dma2 semaphore(%run_scoped3A : memref<!tpu.dma_semaphore, #tpu.memory_space<semaphore_mem>>) src(%dma_wait3A_197 : memref<128xi32, #tpu.memory_space<hbm>>) dst(%arg12 : memref<128xi32, #tpu.memory_space<vmem>>)
        tpu.yield
      }) : () -> ()
      "tpu.region"() ({
        %run_scoped3A = tpu.sem_alloc : memref<!tpu.dma_semaphore, #tpu.memory_space<semaphore_mem>>
        %dma_start3A_194 = tpu.memref_slice %arg6[%add3A_172] : memref<331776xi32, #tpu.memory_space<hbm>> -> memref<128xi32, #tpu.memory_space<hbm>>
        %dma_start3A_195 = tpu.memref_slice %arg6[%add3A_172] : memref<331776xi32, #tpu.memory_space<hbm>> -> memref<128xi32, #tpu.memory_space<hbm>>
        tpu.enqueue_dma source(%dma_start3A_195 : memref<128xi32, #tpu.memory_space<hbm>>) target(%arg13 : memref<128xi32, #tpu.memory_space<vmem>>) target_semaphore(%run_scoped3A : memref<!tpu.dma_semaphore, #tpu.memory_space<semaphore_mem>>)
        %dma_wait3A_196 = tpu.memref_slice %arg6[%add3A_172] : memref<331776xi32, #tpu.memory_space<hbm>> -> memref<128xi32, #tpu.memory_space<hbm>>
        %dma_wait3A_197 = tpu.memref_slice %arg6[%add3A_172] : memref<331776xi32, #tpu.memory_space<hbm>> -> memref<128xi32, #tpu.memory_space<hbm>>
        tpu.wait_dma2 semaphore(%run_scoped3A : memref<!tpu.dma_semaphore, #tpu.memory_space<semaphore_mem>>) src(%dma_wait3A_197 : memref<128xi32, #tpu.memory_space<hbm>>) dst(%arg13 : memref<128xi32, #tpu.memory_space<vmem>>)
        tpu.yield
      }) : () -> ()
      %dma_start3A = arith.constant 0 : i32
      %dma_start3A_173 = arith.constant 0 : i32
      %dma_start3A_174 = tpu.memref_slice %arg2[%dma_start3A, %dma_start3A_173] : memref<10008x128xf32, #tpu.memory_space<hbm>> -> memref<10008x128xf32, #tpu.memory_space<hbm>>
      tpu.enqueue_indirect_dma source(%dma_start3A_174 : memref<10008x128xf32, #tpu.memory_space<hbm>>) target(%arg14 : memref<128x128xf32, #tpu.memory_space<vmem>>) offsets(%arg12 : memref<128xi32, #tpu.memory_space<vmem>>) semaphore(%arg21 : memref<!tpu.dma_semaphore, #tpu.memory_space<semaphore_mem>>)
      %dma_start3A_175 = arith.constant 0 : i32
      %dma_start3A_176 = arith.constant 0 : i32
      %dma_start3A_177 = tpu.memref_slice %arg11[%dma_start3A_175, %dma_start3A_176] : memref<10240x16xf32, #tpu.memory_space<vmem_shared>> -> memref<10240x16xf32, #tpu.memory_space<vmem_shared>>
      tpu.enqueue_indirect_dma source(%dma_start3A_177 : memref<10240x16xf32, #tpu.memory_space<vmem_shared>>) target(%arg15 : memref<128x16xf32, #tpu.memory_space<vmem>>) offsets(%arg12 : memref<128xi32, #tpu.memory_space<vmem>>) semaphore(%arg22 : memref<!tpu.dma_semaphore, #tpu.memory_space<semaphore_mem>>)
      %dma_start3A_178 = arith.constant 0 : i32
      %dma_start3A_179 = arith.constant 0 : i32
      %dma_start3A_180 = tpu.memref_slice %arg11[%dma_start3A_178, %dma_start3A_179] : memref<10240x16xf32, #tpu.memory_space<vmem_shared>> -> memref<10240x16xf32, #tpu.memory_space<vmem_shared>>
      tpu.enqueue_indirect_dma source(%dma_start3A_180 : memref<10240x16xf32, #tpu.memory_space<vmem_shared>>) target(%arg16 : memref<128x16xf32, #tpu.memory_space<vmem>>) offsets(%arg13 : memref<128xi32, #tpu.memory_space<vmem>>) semaphore(%arg23 : memref<!tpu.dma_semaphore, #tpu.memory_space<semaphore_mem>>)
      %dma_wait3A = arith.constant 0 : i32
      %dma_wait3A_181 = arith.constant 0 : i32
      %dma_wait3A_182 = tpu.memref_slice %arg11[%dma_wait3A, %dma_wait3A_181] : memref<10240x16xf32, #tpu.memory_space<vmem_shared>> -> memref<10240x16xf32, #tpu.memory_space<vmem_shared>>
      tpu.wait_indirect_dma semaphore(%arg22 : memref<!tpu.dma_semaphore, #tpu.memory_space<semaphore_mem>>) src(%dma_wait3A_182 : memref<10240x16xf32, #tpu.memory_space<vmem_shared>>) dst(%arg15 : memref<128x16xf32, #tpu.memory_space<vmem>>)
      %dma_wait3A_183 = arith.constant 0 : i32
      %dma_wait3A_184 = arith.constant 0 : i32
      %dma_wait3A_185 = tpu.memref_slice %arg11[%dma_wait3A_183, %dma_wait3A_184] : memref<10240x16xf32, #tpu.memory_space<vmem_shared>> -> memref<10240x16xf32, #tpu.memory_space<vmem_shared>>
      tpu.wait_indirect_dma semaphore(%arg23 : memref<!tpu.dma_semaphore, #tpu.memory_space<semaphore_mem>>) src(%dma_wait3A_185 : memref<10240x16xf32, #tpu.memory_space<vmem_shared>>) dst(%arg16 : memref<128x16xf32, #tpu.memory_space<vmem>>)
      %dma_wait3A_186 = arith.constant 0 : i32
      %dma_wait3A_187 = arith.constant 0 : i32
      %dma_wait3A_188 = tpu.memref_slice %arg2[%dma_wait3A_186, %dma_wait3A_187] : memref<10008x128xf32, #tpu.memory_space<hbm>> -> memref<10008x128xf32, #tpu.memory_space<hbm>>
      tpu.wait_indirect_dma semaphore(%arg21 : memref<!tpu.dma_semaphore, #tpu.memory_space<semaphore_mem>>) src(%dma_wait3A_188 : memref<10008x128xf32, #tpu.memory_space<hbm>>) dst(%arg14 : memref<128x128xf32, #tpu.memory_space<vmem>>)
      %scan3A_189 = arith.constant 0 : i32
      %scan3A_190 = arith.constant 128 : i32
      %scan3A_191 = arith.addi %scan3A_189, %scan3A_190 : i32
      %scan3A_192 = arith.constant 1 : i32
      scf.for %scan3A_194 = %scan3A_189 to %scan3A_191 step %scan3A_192  : i32 {
        %mul3A_195 = arith.constant 1 : i32
        %mul3A_196 = arith.muli %scan3A_194, %mul3A_195 : i32
        %add3A_197 = arith.constant 0 : i32
        %add3A_198 = arith.addi %add3A_197, %mul3A_196 : i32
        %get3A_199 = arith.index_cast %add3A_198 : i32 to index
        %get3A_200 = arith.constant 0 : index
        %get3A_201 = tpu.vector_load %arg15[%get3A_199, %get3A_200] {strides = array<i32>} : memref<128x16xf32, #tpu.memory_space<vmem>>, vector<1x16xf32>,
        %get3A_202 = vector.shape_cast %get3A_201 : vector<1x16xf32> to vector<16xf32>
        %get3A_203 = arith.index_cast %add3A_198 : i32 to index
        %get3A_204 = arith.constant 0 : index
        %get3A_205 = tpu.vector_load %arg16[%get3A_203, %get3A_204] {strides = array<i32>} : memref<128x16xf32, #tpu.memory_space<vmem>>, vector<1x16xf32>,
        %get3A_206 = vector.shape_cast %get3A_205 : vector<1x16xf32> to vector<16xf32>
        %iota3A = tpu.iota {dimensions = array<i32: 0>} : vector<16xi32>
        %jit3A = arith.constant 8 : i32
        %eq3A = arith.constant 0 : i32
        %eq3A_207 = arith.cmpi eq, %jit3A, %eq3A : i32
        %jit3A_208 = arith.constant 1 : i32
        %select_n3A = arith.select %eq3A_207, %jit3A_208, %jit3A : i32
        %rem3A = vector.broadcast %select_n3A : i32 to vector<16xi32>
        %rem3A_209 = arith.remsi %iota3A, %rem3A : vector<16xi32>
        %ne3A = arith.constant 0 : i32
        %ne3A_210 = vector.broadcast %ne3A : i32 to vector<16xi32>
        %ne3A_211 = arith.cmpi ne, %rem3A_209, %ne3A_210 : vector<16xi32>
        %lt3A = arith.constant 0 : i32
        %lt3A_212 = vector.broadcast %lt3A : i32 to vector<16xi32>
        %lt3A_213 = arith.cmpi slt, %rem3A_209, %lt3A_212 : vector<16xi32>
        %lt3A_214 = arith.constant 0 : i32
        %lt3A_215 = arith.cmpi slt, %select_n3A, %lt3A_214 : i32
        %ne3A_216 = vector.broadcast %lt3A_215 : i1 to vector<16xi1>
        %ne3A_217 = vector.broadcast %ne3A_216 : vector<16xi1> to vector<16xi1>
        %ne3A_218 = arith.xori %lt3A_213, %ne3A_217 : vector<16xi1>
        %and3A = arith.andi %ne3A_218, %ne3A_211 : vector<16xi1>
        %add3A_219 = vector.broadcast %select_n3A : i32 to vector<16xi32>
        %add3A_220 = arith.addi %rem3A_209, %add3A_219 : vector<16xi32>
        %select_n3A_221 = arith.select %and3A, %add3A_220, %rem3A_209 : vector<16xi1>, vector<16xi32>
        %add3A_222 = arith.constant 8 : i32
        %add3A_223 = vector.broadcast %add3A_222 : i32 to vector<16xi32>
        %add3A_224 = arith.addi %select_n3A_221, %add3A_223 : vector<16xi32>
        %reshape3A = vector.shape_cast %add3A_224 : vector<16xi32> to vector<16x1xi32>
        %gather3A = vector.shape_cast %reshape3A : vector<16x1xi32> to vector<16xi32>
        %gather3A_225 = tpu.dynamic_gather %get3A_206[%gather3A] in [0] : vector<16xf32>, vector<16xi32> -> vector<16xf32>
        %add3A_226 = arith.addf %get3A_202, %gather3A_225 : vector<16xf32>
        %gt3A = arith.constant 0.000000e+00 : f32
        %gt3A_227 = vector.broadcast %gt3A : f32 to vector<16xf32>
        %gt3A_228 = arith.cmpf ogt, %add3A_226, %gt3A_227 : vector<16xf32>
        %mul3A_229 = arith.constant 2.000000e-01 : f32
        %mul3A_230 = vector.broadcast %mul3A_229 : f32 to vector<16xf32>
        %mul3A_231 = arith.mulf %mul3A_230, %add3A_226 : vector<16xf32>
        %select_n3A_232 = arith.select %gt3A_228, %add3A_226, %mul3A_231 : vector<16xi1>, vector<16xf32>
        %sub3A = arith.subf %select_n3A_232, %get3A_88 : vector<16xf32>
        %exp3A = math.exp %sub3A : vector<16xf32>
        %swap3A = arith.index_cast %add3A_198 : i32 to index
        %swap3A_233 = arith.constant 0 : index
        %swap3A_234 = tpu.vector_load %arg17[%swap3A, %swap3A_233] {strides = array<i32>} : memref<128x16xf32, #tpu.memory_space<vmem>>, vector<1x16xf32>,
        %swap3A_235 = vector.shape_cast %swap3A_234 : vector<1x16xf32> to vector<16xf32>
        %swap3A_236 = vector.shape_cast %exp3A : vector<16xf32> to vector<1x16xf32>
        tpu.vector_store %arg17[%swap3A, %swap3A_233], %swap3A_236 {strides = array<i32>} : memref<128x16xf32, #tpu.memory_space<vmem>>, vector<1x16xf32>,
        %broadcast_in_dim3A_237 = arith.constant 0 : i32
        %broadcast_in_dim3A_238 = vector.broadcast %broadcast_in_dim3A_237 : i32 to vector<16xi32>
        %reshape3A_239 = vector.shape_cast %broadcast_in_dim3A_238 : vector<16xi32> to vector<16x1xi32>
        %gather3A_240 = vector.shape_cast %reshape3A_239 : vector<16x1xi32> to vector<16xi32>
        %gather3A_241 = tpu.dynamic_gather %exp3A[%gather3A_240] in [0] : vector<16xf32>, vector<16xi32> -> vector<16xf32>
        %get3A_242 = arith.index_cast %add3A_198 : i32 to index
        %get3A_243 = arith.constant 0 : index
        %get3A_244 = tpu.vector_load %arg14[%get3A_242, %get3A_243] {strides = array<i32>} : memref<128x128xf32, #tpu.memory_space<vmem>>, vector<1x16xf32>,
        %get3A_245 = vector.shape_cast %get3A_244 : vector<1x16xf32> to vector<16xf32>
        %mul3A_246 = arith.mulf %get3A_245, %gather3A_241 : vector<16xf32>
        %swap3A_247 = arith.index_cast %add3A_198 : i32 to index
        %swap3A_248 = arith.constant 0 : index
        %swap3A_249 = tpu.vector_load %arg14[%swap3A_247, %swap3A_248] {strides = array<i32>} : memref<128x128xf32, #tpu.memory_space<vmem>>, vector<1x16xf32>,
        %swap3A_250 = vector.shape_cast %swap3A_249 : vector<1x16xf32> to vector<16xf32>
        %swap3A_251 = vector.shape_cast %mul3A_246 : vector<16xf32> to vector<1x16xf32>
        tpu.vector_store %arg14[%swap3A_247, %swap3A_248], %swap3A_251 {strides = array<i32>} : memref<128x128xf32, #tpu.memory_space<vmem>>, vector<1x16xf32>,
        %get3A_252 = arith.index_cast %add3A_198 : i32 to index
        %get3A_253 = arith.constant 16 : index
        %get3A_254 = tpu.vector_load %arg14[%get3A_252, %get3A_253] {strides = array<i32>} : memref<128x128xf32, #tpu.memory_space<vmem>>, vector<1x16xf32>,
        %get3A_255 = vector.shape_cast %get3A_254 : vector<1x16xf32> to vector<16xf32>
        %mul3A_256 = arith.mulf %get3A_255, %gather3A_241 : vector<16xf32>
        %swap3A_257 = arith.index_cast %add3A_198 : i32 to index
        %swap3A_258 = arith.constant 16 : index
        %swap3A_259 = tpu.vector_load %arg14[%swap3A_257, %swap3A_258] {strides = array<i32>} : memref<128x128xf32, #tpu.memory_space<vmem>>, vector<1x16xf32>,
        %swap3A_260 = vector.shape_cast %swap3A_259 : vector<1x16xf32> to vector<16xf32>
        %swap3A_261 = vector.shape_cast %mul3A_256 : vector<16xf32> to vector<1x16xf32>
        tpu.vector_store %arg14[%swap3A_257, %swap3A_258], %swap3A_261 {strides = array<i32>} : memref<128x128xf32, #tpu.memory_space<vmem>>, vector<1x16xf32>,
        %get3A_262 = arith.index_cast %add3A_198 : i32 to index
        %get3A_263 = arith.constant 32 : index
        %get3A_264 = tpu.vector_load %arg14[%get3A_262, %get3A_263] {strides = array<i32>} : memref<128x128xf32, #tpu.memory_space<vmem>>, vector<1x16xf32>,
        %get3A_265 = vector.shape_cast %get3A_264 : vector<1x16xf32> to vector<16xf32>
        %mul3A_266 = arith.mulf %get3A_265, %gather3A_241 : vector<16xf32>
        %swap3A_267 = arith.index_cast %add3A_198 : i32 to index
        %swap3A_268 = arith.constant 32 : index
        %swap3A_269 = tpu.vector_load %arg14[%swap3A_267, %swap3A_268] {strides = array<i32>} : memref<128x128xf32, #tpu.memory_space<vmem>>, vector<1x16xf32>,
        %swap3A_270 = vector.shape_cast %swap3A_269 : vector<1x16xf32> to vector<16xf32>
        %swap3A_271 = vector.shape_cast %mul3A_266 : vector<16xf32> to vector<1x16xf32>
        tpu.vector_store %arg14[%swap3A_267, %swap3A_268], %swap3A_271 {strides = array<i32>} : memref<128x128xf32, #tpu.memory_space<vmem>>, vector<1x16xf32>,
        %get3A_272 = arith.index_cast %add3A_198 : i32 to index
        %get3A_273 = arith.constant 48 : index
        %get3A_274 = tpu.vector_load %arg14[%get3A_272, %get3A_273] {strides = array<i32>} : memref<128x128xf32, #tpu.memory_space<vmem>>, vector<1x16xf32>,
        %get3A_275 = vector.shape_cast %get3A_274 : vector<1x16xf32> to vector<16xf32>
        %mul3A_276 = arith.mulf %get3A_275, %gather3A_241 : vector<16xf32>
        %swap3A_277 = arith.index_cast %add3A_198 : i32 to index
        %swap3A_278 = arith.constant 48 : index
        %swap3A_279 = tpu.vector_load %arg14[%swap3A_277, %swap3A_278] {strides = array<i32>} : memref<128x128xf32, #tpu.memory_space<vmem>>, vector<1x16xf32>,
        %swap3A_280 = vector.shape_cast %swap3A_279 : vector<1x16xf32> to vector<16xf32>
        %swap3A_281 = vector.shape_cast %mul3A_276 : vector<16xf32> to vector<1x16xf32>
        tpu.vector_store %arg14[%swap3A_277, %swap3A_278], %swap3A_281 {strides = array<i32>} : memref<128x128xf32, #tpu.memory_space<vmem>>, vector<1x16xf32>,
        %get3A_282 = arith.index_cast %add3A_198 : i32 to index
        %get3A_283 = arith.constant 64 : index
        %get3A_284 = tpu.vector_load %arg14[%get3A_282, %get3A_283] {strides = array<i32>} : memref<128x128xf32, #tpu.memory_space<vmem>>, vector<1x16xf32>,
        %get3A_285 = vector.shape_cast %get3A_284 : vector<1x16xf32> to vector<16xf32>
        %mul3A_286 = arith.mulf %get3A_285, %gather3A_241 : vector<16xf32>
        %swap3A_287 = arith.index_cast %add3A_198 : i32 to index
        %swap3A_288 = arith.constant 64 : index
        %swap3A_289 = tpu.vector_load %arg14[%swap3A_287, %swap3A_288] {strides = array<i32>} : memref<128x128xf32, #tpu.memory_space<vmem>>, vector<1x16xf32>,
        %swap3A_290 = vector.shape_cast %swap3A_289 : vector<1x16xf32> to vector<16xf32>
        %swap3A_291 = vector.shape_cast %mul3A_286 : vector<16xf32> to vector<1x16xf32>
        tpu.vector_store %arg14[%swap3A_287, %swap3A_288], %swap3A_291 {strides = array<i32>} : memref<128x128xf32, #tpu.memory_space<vmem>>, vector<1x16xf32>,
        %get3A_292 = arith.index_cast %add3A_198 : i32 to index
        %get3A_293 = arith.constant 80 : index
        %get3A_294 = tpu.vector_load %arg14[%get3A_292, %get3A_293] {strides = array<i32>} : memref<128x128xf32, #tpu.memory_space<vmem>>, vector<1x16xf32>,
        %get3A_295 = vector.shape_cast %get3A_294 : vector<1x16xf32> to vector<16xf32>
        %mul3A_296 = arith.mulf %get3A_295, %gather3A_241 : vector<16xf32>
        %swap3A_297 = arith.index_cast %add3A_198 : i32 to index
        %swap3A_298 = arith.constant 80 : index
        %swap3A_299 = tpu.vector_load %arg14[%swap3A_297, %swap3A_298] {strides = array<i32>} : memref<128x128xf32, #tpu.memory_space<vmem>>, vector<1x16xf32>,
        %swap3A_300 = vector.shape_cast %swap3A_299 : vector<1x16xf32> to vector<16xf32>
        %swap3A_301 = vector.shape_cast %mul3A_296 : vector<16xf32> to vector<1x16xf32>
        tpu.vector_store %arg14[%swap3A_297, %swap3A_298], %swap3A_301 {strides = array<i32>} : memref<128x128xf32, #tpu.memory_space<vmem>>, vector<1x16xf32>,
        %get3A_302 = arith.index_cast %add3A_198 : i32 to index
        %get3A_303 = arith.constant 96 : index
        %get3A_304 = tpu.vector_load %arg14[%get3A_302, %get3A_303] {strides = array<i32>} : memref<128x128xf32, #tpu.memory_space<vmem>>, vector<1x16xf32>,
        %get3A_305 = vector.shape_cast %get3A_304 : vector<1x16xf32> to vector<16xf32>
        %mul3A_306 = arith.mulf %get3A_305, %gather3A_241 : vector<16xf32>
        %swap3A_307 = arith.index_cast %add3A_198 : i32 to index
        %swap3A_308 = arith.constant 96 : index
        %swap3A_309 = tpu.vector_load %arg14[%swap3A_307, %swap3A_308] {strides = array<i32>} : memref<128x128xf32, #tpu.memory_space<vmem>>, vector<1x16xf32>,
        %swap3A_310 = vector.shape_cast %swap3A_309 : vector<1x16xf32> to vector<16xf32>
        %swap3A_311 = vector.shape_cast %mul3A_306 : vector<16xf32> to vector<1x16xf32>
        tpu.vector_store %arg14[%swap3A_307, %swap3A_308], %swap3A_311 {strides = array<i32>} : memref<128x128xf32, #tpu.memory_space<vmem>>, vector<1x16xf32>,
        %get3A_312 = arith.index_cast %add3A_198 : i32 to index
        %get3A_313 = arith.constant 112 : index
        %get3A_314 = tpu.vector_load %arg14[%get3A_312, %get3A_313] {strides = array<i32>} : memref<128x128xf32, #tpu.memory_space<vmem>>, vector<1x16xf32>,
        %get3A_315 = vector.shape_cast %get3A_314 : vector<1x16xf32> to vector<16xf32>
        %mul3A_316 = arith.mulf %get3A_315, %gather3A_241 : vector<16xf32>
        %swap3A_317 = arith.index_cast %add3A_198 : i32 to index
        %swap3A_318 = arith.constant 112 : index
        %swap3A_319 = tpu.vector_load %arg14[%swap3A_317, %swap3A_318] {strides = array<i32>} : memref<128x128xf32, #tpu.memory_space<vmem>>, vector<1x16xf32>,
        %swap3A_320 = vector.shape_cast %swap3A_319 : vector<1x16xf32> to vector<16xf32>
        %swap3A_321 = vector.shape_cast %mul3A_316 : vector<16xf32> to vector<1x16xf32>
        tpu.vector_store %arg14[%swap3A_317, %swap3A_318], %swap3A_321 {strides = array<i32>} : memref<128x128xf32, #tpu.memory_space<vmem>>, vector<1x16xf32>,
      }
      %scan3A_193 = arith.constant 128 : i32
      "tpu.region"() ({
        %run_scoped3A = tpu.sem_alloc : memref<!tpu.dma_semaphore, #tpu.memory_space<semaphore_mem>>
        %dma_start3A_194 = arith.constant 0 : i32
        %dma_start3A_195 = arith.constant 0 : i32
        %dma_start3A_196 = tpu.memref_slice %arg9[%dma_start3A_194, %dma_start3A_195] : memref<10000x128xf32, #tpu.memory_space<vmem_shared>> -> memref<10000x128xf32, #tpu.memory_space<vmem_shared>>
        tpu.enqueue_indirect_dma source(%arg14 : memref<128x128xf32, #tpu.memory_space<vmem>>) target(%dma_start3A_196 : memref<10000x128xf32, #tpu.memory_space<vmem_shared>>) offsets(%arg13 : memref<128xi32, #tpu.memory_space<vmem>>) semaphore(%run_scoped3A : memref<!tpu.dma_semaphore, #tpu.memory_space<semaphore_mem>>) {add = true}
        %dma_wait3A_197 = arith.constant 0 : i32
        %dma_wait3A_198 = arith.constant 0 : i32
        %dma_wait3A_199 = tpu.memref_slice %arg9[%dma_wait3A_197, %dma_wait3A_198] : memref<10000x128xf32, #tpu.memory_space<vmem_shared>> -> memref<10000x128xf32, #tpu.memory_space<vmem_shared>>
        tpu.wait_indirect_dma semaphore(%run_scoped3A : memref<!tpu.dma_semaphore, #tpu.memory_space<semaphore_mem>>) src(%arg14 : memref<128x128xf32, #tpu.memory_space<vmem>>) dst(%dma_wait3A_199 : memref<10000x128xf32, #tpu.memory_space<vmem_shared>>)
        tpu.yield
      }) : () -> ()
      "tpu.region"() ({
        %run_scoped3A = tpu.sem_alloc : memref<!tpu.dma_semaphore, #tpu.memory_space<semaphore_mem>>
        %dma_start3A_194 = arith.constant 0 : i32
        %dma_start3A_195 = arith.constant 0 : i32
        %dma_start3A_196 = tpu.memref_slice %arg10[%dma_start3A_194, %dma_start3A_195] : memref<10000x16xf32, #tpu.memory_space<vmem_shared>> -> memref<10000x16xf32, #tpu.memory_space<vmem_shared>>
        tpu.enqueue_indirect_dma source(%arg17 : memref<128x16xf32, #tpu.memory_space<vmem>>) target(%dma_start3A_196 : memref<10000x16xf32, #tpu.memory_space<vmem_shared>>) offsets(%arg13 : memref<128xi32, #tpu.memory_space<vmem>>) semaphore(%run_scoped3A : memref<!tpu.dma_semaphore, #tpu.memory_space<semaphore_mem>>) {add = true}
        %dma_wait3A_197 = arith.constant 0 : i32
        %dma_wait3A_198 = arith.constant 0 : i32
        %dma_wait3A_199 = tpu.memref_slice %arg10[%dma_wait3A_197, %dma_wait3A_198] : memref<10000x16xf32, #tpu.memory_space<vmem_shared>> -> memref<10000x16xf32, #tpu.memory_space<vmem_shared>>
        tpu.wait_indirect_dma semaphore(%run_scoped3A : memref<!tpu.dma_semaphore, #tpu.memory_space<semaphore_mem>>) src(%arg17 : memref<128x16xf32, #tpu.memory_space<vmem>>) dst(%dma_wait3A_199 : memref<10000x16xf32, #tpu.memory_space<vmem_shared>>)
        tpu.yield
      }) : () -> ()
    }
    %scan3A_93 = arith.constant 81 : i32
    %barrier3A_94 = arith.constant 0 : index
    tpu.barrier barrier_id(%barrier3A_94)
    "tpu.region"() ({
      %run_scoped3A = tpu.sem_alloc : memref<!tpu.dma_semaphore, #tpu.memory_space<semaphore_mem>>
      %dma_start3A = arith.constant 0 : i32
      %dma_start3A_165 = tpu.memref_slice %arg7[%arg0, %mul3A_5, %dma_start3A] : memref<2x10000x128xf32, #tpu.memory_space<hbm>> -> memref<1x625x128xf32, #tpu.memory_space<hbm>>
      %dma_start3A_166 = tpu.memref_squeeze %dma_start3A_165 : memref<1x625x128xf32, #tpu.memory_space<hbm>> -> memref<625x128xf32, #tpu.memory_space<hbm>>
      %dma_start3A_167 = arith.constant 0 : i32
      %dma_start3A_168 = tpu.memref_slice %arg9[%mul3A_5, %dma_start3A_167] : memref<10000x128xf32, #tpu.memory_space<vmem_shared>> -> memref<625x128xf32, #tpu.memory_space<vmem_shared>>
      tpu.enqueue_dma source(%dma_start3A_168 : memref<625x128xf32, #tpu.memory_space<vmem_shared>>) target(%dma_start3A_166 : memref<625x128xf32, #tpu.memory_space<hbm>>) target_semaphore(%run_scoped3A : memref<!tpu.dma_semaphore, #tpu.memory_space<semaphore_mem>>)
      %dma_wait3A = arith.constant 0 : i32
      %dma_wait3A_169 = tpu.memref_slice %arg7[%arg0, %mul3A_5, %dma_wait3A] : memref<2x10000x128xf32, #tpu.memory_space<hbm>> -> memref<1x625x128xf32, #tpu.memory_space<hbm>>
      %dma_wait3A_170 = tpu.memref_squeeze %dma_wait3A_169 : memref<1x625x128xf32, #tpu.memory_space<hbm>> -> memref<625x128xf32, #tpu.memory_space<hbm>>
      %dma_wait3A_171 = arith.constant 0 : i32
      %dma_wait3A_172 = tpu.memref_slice %arg9[%mul3A_5, %dma_wait3A_171] : memref<10000x128xf32, #tpu.memory_space<vmem_shared>> -> memref<625x128xf32, #tpu.memory_space<vmem_shared>>
      tpu.wait_dma2 semaphore(%run_scoped3A : memref<!tpu.dma_semaphore, #tpu.memory_space<semaphore_mem>>) src(%dma_wait3A_172 : memref<625x128xf32, #tpu.memory_space<vmem_shared>>) dst(%dma_wait3A_170 : memref<625x128xf32, #tpu.memory_space<hbm>>)
      tpu.yield
    }) : () -> ()
    %add3A_95 = arith.constant 0 : i32
    %add3A_96 = arith.addi %mul3A_5, %add3A_95 : i32
    "tpu.region"() ({
      %run_scoped3A = tpu.sem_alloc : memref<!tpu.dma_semaphore, #tpu.memory_space<semaphore_mem>>
      %dma_start3A = arith.constant 0 : i32
      %dma_start3A_165 = arith.constant 0 : i32
      %dma_start3A_166 = tpu.memref_slice %arg19[%dma_start3A, %dma_start3A_165] : memref<128x16xf32, #tpu.memory_space<vmem>> -> memref<125x16xf32, #tpu.memory_space<vmem>>
      %dma_start3A_167 = arith.constant 0 : i32
      %dma_start3A_168 = tpu.memref_slice %arg10[%add3A_96, %dma_start3A_167] : memref<10000x16xf32, #tpu.memory_space<vmem_shared>> -> memref<125x16xf32, #tpu.memory_space<vmem_shared>>
      %dma_start3A_169 = arith.constant 0 : i32
      %dma_start3A_170 = arith.constant 0 : i32
      %dma_start3A_171 = tpu.memref_slice %arg19[%dma_start3A_169, %dma_start3A_170] : memref<128x16xf32, #tpu.memory_space<vmem>> -> memref<125x16xf32, #tpu.memory_space<vmem>>
      %dma_start3A_172 = arith.constant 0 : i32
      %dma_start3A_173 = tpu.memref_slice %arg10[%add3A_96, %dma_start3A_172] : memref<10000x16xf32, #tpu.memory_space<vmem_shared>> -> memref<125x16xf32, #tpu.memory_space<vmem_shared>>
      tpu.enqueue_dma source(%dma_start3A_173 : memref<125x16xf32, #tpu.memory_space<vmem_shared>>) target(%dma_start3A_171 : memref<125x16xf32, #tpu.memory_space<vmem>>) target_semaphore(%run_scoped3A : memref<!tpu.dma_semaphore, #tpu.memory_space<semaphore_mem>>)
      %dma_wait3A = arith.constant 0 : i32
      %dma_wait3A_174 = arith.constant 0 : i32
      %dma_wait3A_175 = tpu.memref_slice %arg19[%dma_wait3A, %dma_wait3A_174] : memref<128x16xf32, #tpu.memory_space<vmem>> -> memref<125x16xf32, #tpu.memory_space<vmem>>
      %dma_wait3A_176 = arith.constant 0 : i32
      %dma_wait3A_177 = tpu.memref_slice %arg10[%add3A_96, %dma_wait3A_176] : memref<10000x16xf32, #tpu.memory_space<vmem_shared>> -> memref<125x16xf32, #tpu.memory_space<vmem_shared>>
      %dma_wait3A_178 = arith.constant 0 : i32
      %dma_wait3A_179 = arith.constant 0 : i32
      %dma_wait3A_180 = tpu.memref_slice %arg19[%dma_wait3A_178, %dma_wait3A_179] : memref<128x16xf32, #tpu.memory_space<vmem>> -> memref<125x16xf32, #tpu.memory_space<vmem>>
      %dma_wait3A_181 = arith.constant 0 : i32
      %dma_wait3A_182 = tpu.memref_slice %arg10[%add3A_96, %dma_wait3A_181] : memref<10000x16xf32, #tpu.memory_space<vmem_shared>> -> memref<125x16xf32, #tpu.memory_space<vmem_shared>>
      tpu.wait_dma2 semaphore(%run_scoped3A : memref<!tpu.dma_semaphore, #tpu.memory_space<semaphore_mem>>) src(%dma_wait3A_182 : memref<125x16xf32, #tpu.memory_space<vmem_shared>>) dst(%dma_wait3A_180 : memref<125x16xf32, #tpu.memory_space<vmem>>)
      tpu.yield
    }) : () -> ()
    %scan3A_97 = arith.constant 0 : i32
    %scan3A_98 = arith.constant 125 : i32
    %scan3A_99 = arith.addi %scan3A_97, %scan3A_98 : i32
    %scan3A_100 = arith.constant 1 : i32
    scf.for %scan3A_165 = %scan3A_97 to %scan3A_99 step %scan3A_100  : i32 {
      %mul3A_166 = arith.constant 1 : i32
      %mul3A_167 = arith.muli %scan3A_165, %mul3A_166 : i32
      %add3A_168 = arith.constant 0 : i32
      %add3A_169 = arith.addi %add3A_168, %mul3A_167 : i32
      %get3A_170 = arith.index_cast %add3A_169 : i32 to index
      %get3A_171 = arith.constant 0 : index
      %get3A_172 = tpu.vector_load %arg19[%get3A_170, %get3A_171] {strides = array<i32>} : memref<128x16xf32, #tpu.memory_space<vmem>>, vector<1x16xf32>,
      %get3A_173 = vector.shape_cast %get3A_172 : vector<1x16xf32> to vector<16xf32>
      %mul3A_174 = arith.constant 16 : i32
      %mul3A_175 = arith.muli %add3A_169, %mul3A_174 : i32
      %swap3A = arith.index_cast %mul3A_175 : i32 to index
      %swap3A_176 = tpu.vector_load %arg18[%swap3A] {strides = array<i32>} : memref<2048xf32, #tpu.memory_space<vmem>>, vector<16xf32>,
      %swap3A_177 = vector.shape_cast %swap3A_176 : vector<16xf32> to vector<16xf32>
      %swap3A_178 = vector.shape_cast %get3A_173 : vector<16xf32> to vector<16xf32>
      tpu.vector_store %arg18[%swap3A], %swap3A_178 {strides = array<i32>} : memref<2048xf32, #tpu.memory_space<vmem>>, vector<16xf32>,
    }
    %scan3A_101 = arith.constant 125 : i32
    %mul3A_102 = arith.constant 10000 : i32
    %mul3A_103 = arith.muli %arg0, %mul3A_102 : i32
    %add3A_104 = arith.addi %mul3A_103, %mul3A_5 : i32
    %add3A_105 = arith.constant 0 : i32
    %add3A_106 = arith.addi %add3A_104, %add3A_105 : i32
    %mul3A_107 = arith.constant 16 : i32
    %mul3A_108 = arith.muli %add3A_106, %mul3A_107 : i32
    "tpu.region"() ({
      %run_scoped3A = tpu.sem_alloc : memref<!tpu.dma_semaphore, #tpu.memory_space<semaphore_mem>>
      %dma_start3A = arith.constant 0 : i32
      %dma_start3A_165 = tpu.memref_slice %arg18[%dma_start3A] : memref<2048xf32, #tpu.memory_space<vmem>> -> memref<2000xf32, #tpu.memory_space<vmem>>
      %dma_start3A_166 = tpu.memref_slice %arg8[%mul3A_108] : memref<320000xf32, #tpu.memory_space<hbm>> -> memref<2000xf32, #tpu.memory_space<hbm>>
      %dma_start3A_167 = tpu.memref_slice %arg8[%mul3A_108] : memref<320000xf32, #tpu.memory_space<hbm>> -> memref<2000xf32, #tpu.memory_space<hbm>>
      %dma_start3A_168 = arith.constant 0 : i32
      %dma_start3A_169 = tpu.memref_slice %arg18[%dma_start3A_168] : memref<2048xf32, #tpu.memory_space<vmem>> -> memref<2000xf32, #tpu.memory_space<vmem>>
      tpu.enqueue_dma source(%dma_start3A_169 : memref<2000xf32, #tpu.memory_space<vmem>>) target(%dma_start3A_167 : memref<2000xf32, #tpu.memory_space<hbm>>) target_semaphore(%run_scoped3A : memref<!tpu.dma_semaphore, #tpu.memory_space<semaphore_mem>>)
      %dma_wait3A = arith.constant 0 : i32
      %dma_wait3A_170 = tpu.memref_slice %arg18[%dma_wait3A] : memref<2048xf32, #tpu.memory_space<vmem>> -> memref<2000xf32, #tpu.memory_space<vmem>>
      %dma_wait3A_171 = tpu.memref_slice %arg8[%mul3A_108] : memref<320000xf32, #tpu.memory_space<hbm>> -> memref<2000xf32, #tpu.memory_space<hbm>>
      %dma_wait3A_172 = tpu.memref_slice %arg8[%mul3A_108] : memref<320000xf32, #tpu.memory_space<hbm>> -> memref<2000xf32, #tpu.memory_space<hbm>>
      %dma_wait3A_173 = arith.constant 0 : i32
      %dma_wait3A_174 = tpu.memref_slice %arg18[%dma_wait3A_173] : memref<2048xf32, #tpu.memory_space<vmem>> -> memref<2000xf32, #tpu.memory_space<vmem>>
      tpu.wait_dma2 semaphore(%run_scoped3A : memref<!tpu.dma_semaphore, #tpu.memory_space<semaphore_mem>>) src(%dma_wait3A_174 : memref<2000xf32, #tpu.memory_space<vmem>>) dst(%dma_wait3A_172 : memref<2000xf32, #tpu.memory_space<hbm>>)
      tpu.yield
    }) : () -> ()
    %add3A_109 = arith.constant 125 : i32
    %add3A_110 = arith.addi %mul3A_5, %add3A_109 : i32
    "tpu.region"() ({
      %run_scoped3A = tpu.sem_alloc : memref<!tpu.dma_semaphore, #tpu.memory_space<semaphore_mem>>
      %dma_start3A = arith.constant 0 : i32
      %dma_start3A_165 = arith.constant 0 : i32
      %dma_start3A_166 = tpu.memref_slice %arg19[%dma_start3A, %dma_start3A_165] : memref<128x16xf32, #tpu.memory_space<vmem>> -> memref<125x16xf32, #tpu.memory_space<vmem>>
      %dma_start3A_167 = arith.constant 0 : i32
      %dma_start3A_168 = tpu.memref_slice %arg10[%add3A_110, %dma_start3A_167] : memref<10000x16xf32, #tpu.memory_space<vmem_shared>> -> memref<125x16xf32, #tpu.memory_space<vmem_shared>>
      %dma_start3A_169 = arith.constant 0 : i32
      %dma_start3A_170 = arith.constant 0 : i32
      %dma_start3A_171 = tpu.memref_slice %arg19[%dma_start3A_169, %dma_start3A_170] : memref<128x16xf32, #tpu.memory_space<vmem>> -> memref<125x16xf32, #tpu.memory_space<vmem>>
      %dma_start3A_172 = arith.constant 0 : i32
      %dma_start3A_173 = tpu.memref_slice %arg10[%add3A_110, %dma_start3A_172] : memref<10000x16xf32, #tpu.memory_space<vmem_shared>> -> memref<125x16xf32, #tpu.memory_space<vmem_shared>>
      tpu.enqueue_dma source(%dma_start3A_173 : memref<125x16xf32, #tpu.memory_space<vmem_shared>>) target(%dma_start3A_171 : memref<125x16xf32, #tpu.memory_space<vmem>>) target_semaphore(%run_scoped3A : memref<!tpu.dma_semaphore, #tpu.memory_space<semaphore_mem>>)
      %dma_wait3A = arith.constant 0 : i32
      %dma_wait3A_174 = arith.constant 0 : i32
      %dma_wait3A_175 = tpu.memref_slice %arg19[%dma_wait3A, %dma_wait3A_174] : memref<128x16xf32, #tpu.memory_space<vmem>> -> memref<125x16xf32, #tpu.memory_space<vmem>>
      %dma_wait3A_176 = arith.constant 0 : i32
      %dma_wait3A_177 = tpu.memref_slice %arg10[%add3A_110, %dma_wait3A_176] : memref<10000x16xf32, #tpu.memory_space<vmem_shared>> -> memref<125x16xf32, #tpu.memory_space<vmem_shared>>
      %dma_wait3A_178 = arith.constant 0 : i32
      %dma_wait3A_179 = arith.constant 0 : i32
      %dma_wait3A_180 = tpu.memref_slice %arg19[%dma_wait3A_178, %dma_wait3A_179] : memref<128x16xf32, #tpu.memory_space<vmem>> -> memref<125x16xf32, #tpu.memory_space<vmem>>
      %dma_wait3A_181 = arith.constant 0 : i32
      %dma_wait3A_182 = tpu.memref_slice %arg10[%add3A_110, %dma_wait3A_181] : memref<10000x16xf32, #tpu.memory_space<vmem_shared>> -> memref<125x16xf32, #tpu.memory_space<vmem_shared>>
      tpu.wait_dma2 semaphore(%run_scoped3A : memref<!tpu.dma_semaphore, #tpu.memory_space<semaphore_mem>>) src(%dma_wait3A_182 : memref<125x16xf32, #tpu.memory_space<vmem_shared>>) dst(%dma_wait3A_180 : memref<125x16xf32, #tpu.memory_space<vmem>>)
      tpu.yield
    }) : () -> ()
    %scan3A_111 = arith.constant 0 : i32
    %scan3A_112 = arith.constant 125 : i32
    %scan3A_113 = arith.addi %scan3A_111, %scan3A_112 : i32
    %scan3A_114 = arith.constant 1 : i32
    scf.for %scan3A_165 = %scan3A_111 to %scan3A_113 step %scan3A_114  : i32 {
      %mul3A_166 = arith.constant 1 : i32
      %mul3A_167 = arith.muli %scan3A_165, %mul3A_166 : i32
      %add3A_168 = arith.constant 0 : i32
      %add3A_169 = arith.addi %add3A_168, %mul3A_167 : i32
      %get3A_170 = arith.index_cast %add3A_169 : i32 to index
      %get3A_171 = arith.constant 0 : index
      %get3A_172 = tpu.vector_load %arg19[%get3A_170, %get3A_171] {strides = array<i32>} : memref<128x16xf32, #tpu.memory_space<vmem>>, vector<1x16xf32>,
      %get3A_173 = vector.shape_cast %get3A_172 : vector<1x16xf32> to vector<16xf32>
      %mul3A_174 = arith.constant 16 : i32
      %mul3A_175 = arith.muli %add3A_169, %mul3A_174 : i32
      %swap3A = arith.index_cast %mul3A_175 : i32 to index
      %swap3A_176 = tpu.vector_load %arg18[%swap3A] {strides = array<i32>} : memref<2048xf32, #tpu.memory_space<vmem>>, vector<16xf32>,
      %swap3A_177 = vector.shape_cast %swap3A_176 : vector<16xf32> to vector<16xf32>
      %swap3A_178 = vector.shape_cast %get3A_173 : vector<16xf32> to vector<16xf32>
      tpu.vector_store %arg18[%swap3A], %swap3A_178 {strides = array<i32>} : memref<2048xf32, #tpu.memory_space<vmem>>, vector<16xf32>,
    }
    %scan3A_115 = arith.constant 125 : i32
    %mul3A_116 = arith.constant 10000 : i32
    %mul3A_117 = arith.muli %arg0, %mul3A_116 : i32
    %add3A_118 = arith.addi %mul3A_117, %mul3A_5 : i32
    %add3A_119 = arith.constant 125 : i32
    %add3A_120 = arith.addi %add3A_118, %add3A_119 : i32
    %mul3A_121 = arith.constant 16 : i32
    %mul3A_122 = arith.muli %add3A_120, %mul3A_121 : i32
    "tpu.region"() ({
      %run_scoped3A = tpu.sem_alloc : memref<!tpu.dma_semaphore, #tpu.memory_space<semaphore_mem>>
      %dma_start3A = arith.constant 0 : i32
      %dma_start3A_165 = tpu.memref_slice %arg18[%dma_start3A] : memref<2048xf32, #tpu.memory_space<vmem>> -> memref<2000xf32, #tpu.memory_space<vmem>>
      %dma_start3A_166 = tpu.memref_slice %arg8[%mul3A_122] : memref<320000xf32, #tpu.memory_space<hbm>> -> memref<2000xf32, #tpu.memory_space<hbm>>
      %dma_start3A_167 = tpu.memref_slice %arg8[%mul3A_122] : memref<320000xf32, #tpu.memory_space<hbm>> -> memref<2000xf32, #tpu.memory_space<hbm>>
      %dma_start3A_168 = arith.constant 0 : i32
      %dma_start3A_169 = tpu.memref_slice %arg18[%dma_start3A_168] : memref<2048xf32, #tpu.memory_space<vmem>> -> memref<2000xf32, #tpu.memory_space<vmem>>
      tpu.enqueue_dma source(%dma_start3A_169 : memref<2000xf32, #tpu.memory_space<vmem>>) target(%dma_start3A_167 : memref<2000xf32, #tpu.memory_space<hbm>>) target_semaphore(%run_scoped3A : memref<!tpu.dma_semaphore, #tpu.memory_space<semaphore_mem>>)
      %dma_wait3A = arith.constant 0 : i32
      %dma_wait3A_170 = tpu.memref_slice %arg18[%dma_wait3A] : memref<2048xf32, #tpu.memory_space<vmem>> -> memref<2000xf32, #tpu.memory_space<vmem>>
      %dma_wait3A_171 = tpu.memref_slice %arg8[%mul3A_122] : memref<320000xf32, #tpu.memory_space<hbm>> -> memref<2000xf32, #tpu.memory_space<hbm>>
      %dma_wait3A_172 = tpu.memref_slice %arg8[%mul3A_122] : memref<320000xf32, #tpu.memory_space<hbm>> -> memref<2000xf32, #tpu.memory_space<hbm>>
      %dma_wait3A_173 = arith.constant 0 : i32
      %dma_wait3A_174 = tpu.memref_slice %arg18[%dma_wait3A_173] : memref<2048xf32, #tpu.memory_space<vmem>> -> memref<2000xf32, #tpu.memory_space<vmem>>
      tpu.wait_dma2 semaphore(%run_scoped3A : memref<!tpu.dma_semaphore, #tpu.memory_space<semaphore_mem>>) src(%dma_wait3A_174 : memref<2000xf32, #tpu.memory_space<vmem>>) dst(%dma_wait3A_172 : memref<2000xf32, #tpu.memory_space<hbm>>)
      tpu.yield
    }) : () -> ()
    %add3A_123 = arith.constant 250 : i32
    %add3A_124 = arith.addi %mul3A_5, %add3A_123 : i32
    "tpu.region"() ({
      %run_scoped3A = tpu.sem_alloc : memref<!tpu.dma_semaphore, #tpu.memory_space<semaphore_mem>>
      %dma_start3A = arith.constant 0 : i32
      %dma_start3A_165 = arith.constant 0 : i32
      %dma_start3A_166 = tpu.memref_slice %arg19[%dma_start3A, %dma_start3A_165] : memref<128x16xf32, #tpu.memory_space<vmem>> -> memref<125x16xf32, #tpu.memory_space<vmem>>
      %dma_start3A_167 = arith.constant 0 : i32
      %dma_start3A_168 = tpu.memref_slice %arg10[%add3A_124, %dma_start3A_167] : memref<10000x16xf32, #tpu.memory_space<vmem_shared>> -> memref<125x16xf32, #tpu.memory_space<vmem_shared>>
      %dma_start3A_169 = arith.constant 0 : i32
      %dma_start3A_170 = arith.constant 0 : i32
      %dma_start3A_171 = tpu.memref_slice %arg19[%dma_start3A_169, %dma_start3A_170] : memref<128x16xf32, #tpu.memory_space<vmem>> -> memref<125x16xf32, #tpu.memory_space<vmem>>
      %dma_start3A_172 = arith.constant 0 : i32
      %dma_start3A_173 = tpu.memref_slice %arg10[%add3A_124, %dma_start3A_172] : memref<10000x16xf32, #tpu.memory_space<vmem_shared>> -> memref<125x16xf32, #tpu.memory_space<vmem_shared>>
      tpu.enqueue_dma source(%dma_start3A_173 : memref<125x16xf32, #tpu.memory_space<vmem_shared>>) target(%dma_start3A_171 : memref<125x16xf32, #tpu.memory_space<vmem>>) target_semaphore(%run_scoped3A : memref<!tpu.dma_semaphore, #tpu.memory_space<semaphore_mem>>)
      %dma_wait3A = arith.constant 0 : i32
      %dma_wait3A_174 = arith.constant 0 : i32
      %dma_wait3A_175 = tpu.memref_slice %arg19[%dma_wait3A, %dma_wait3A_174] : memref<128x16xf32, #tpu.memory_space<vmem>> -> memref<125x16xf32, #tpu.memory_space<vmem>>
      %dma_wait3A_176 = arith.constant 0 : i32
      %dma_wait3A_177 = tpu.memref_slice %arg10[%add3A_124, %dma_wait3A_176] : memref<10000x16xf32, #tpu.memory_space<vmem_shared>> -> memref<125x16xf32, #tpu.memory_space<vmem_shared>>
      %dma_wait3A_178 = arith.constant 0 : i32
      %dma_wait3A_179 = arith.constant 0 : i32
      %dma_wait3A_180 = tpu.memref_slice %arg19[%dma_wait3A_178, %dma_wait3A_179] : memref<128x16xf32, #tpu.memory_space<vmem>> -> memref<125x16xf32, #tpu.memory_space<vmem>>
      %dma_wait3A_181 = arith.constant 0 : i32
      %dma_wait3A_182 = tpu.memref_slice %arg10[%add3A_124, %dma_wait3A_181] : memref<10000x16xf32, #tpu.memory_space<vmem_shared>> -> memref<125x16xf32, #tpu.memory_space<vmem_shared>>
      tpu.wait_dma2 semaphore(%run_scoped3A : memref<!tpu.dma_semaphore, #tpu.memory_space<semaphore_mem>>) src(%dma_wait3A_182 : memref<125x16xf32, #tpu.memory_space<vmem_shared>>) dst(%dma_wait3A_180 : memref<125x16xf32, #tpu.memory_space<vmem>>)
      tpu.yield
    }) : () -> ()
    %scan3A_125 = arith.constant 0 : i32
    %scan3A_126 = arith.constant 125 : i32
    %scan3A_127 = arith.addi %scan3A_125, %scan3A_126 : i32
    %scan3A_128 = arith.constant 1 : i32
    scf.for %scan3A_165 = %scan3A_125 to %scan3A_127 step %scan3A_128  : i32 {
      %mul3A_166 = arith.constant 1 : i32
      %mul3A_167 = arith.muli %scan3A_165, %mul3A_166 : i32
      %add3A_168 = arith.constant 0 : i32
      %add3A_169 = arith.addi %add3A_168, %mul3A_167 : i32
      %get3A_170 = arith.index_cast %add3A_169 : i32 to index
      %get3A_171 = arith.constant 0 : index
      %get3A_172 = tpu.vector_load %arg19[%get3A_170, %get3A_171] {strides = array<i32>} : memref<128x16xf32, #tpu.memory_space<vmem>>, vector<1x16xf32>,
      %get3A_173 = vector.shape_cast %get3A_172 : vector<1x16xf32> to vector<16xf32>
      %mul3A_174 = arith.constant 16 : i32
      %mul3A_175 = arith.muli %add3A_169, %mul3A_174 : i32
      %swap3A = arith.index_cast %mul3A_175 : i32 to index
      %swap3A_176 = tpu.vector_load %arg18[%swap3A] {strides = array<i32>} : memref<2048xf32, #tpu.memory_space<vmem>>, vector<16xf32>,
      %swap3A_177 = vector.shape_cast %swap3A_176 : vector<16xf32> to vector<16xf32>
      %swap3A_178 = vector.shape_cast %get3A_173 : vector<16xf32> to vector<16xf32>
      tpu.vector_store %arg18[%swap3A], %swap3A_178 {strides = array<i32>} : memref<2048xf32, #tpu.memory_space<vmem>>, vector<16xf32>,
    }
    %scan3A_129 = arith.constant 125 : i32
    %mul3A_130 = arith.constant 10000 : i32
    %mul3A_131 = arith.muli %arg0, %mul3A_130 : i32
    %add3A_132 = arith.addi %mul3A_131, %mul3A_5 : i32
    %add3A_133 = arith.constant 250 : i32
    %add3A_134 = arith.addi %add3A_132, %add3A_133 : i32
    %mul3A_135 = arith.constant 16 : i32
    %mul3A_136 = arith.muli %add3A_134, %mul3A_135 : i32
    "tpu.region"() ({
      %run_scoped3A = tpu.sem_alloc : memref<!tpu.dma_semaphore, #tpu.memory_space<semaphore_mem>>
      %dma_start3A = arith.constant 0 : i32
      %dma_start3A_165 = tpu.memref_slice %arg18[%dma_start3A] : memref<2048xf32, #tpu.memory_space<vmem>> -> memref<2000xf32, #tpu.memory_space<vmem>>
      %dma_start3A_166 = tpu.memref_slice %arg8[%mul3A_136] : memref<320000xf32, #tpu.memory_space<hbm>> -> memref<2000xf32, #tpu.memory_space<hbm>>
      %dma_start3A_167 = tpu.memref_slice %arg8[%mul3A_136] : memref<320000xf32, #tpu.memory_space<hbm>> -> memref<2000xf32, #tpu.memory_space<hbm>>
      %dma_start3A_168 = arith.constant 0 : i32
      %dma_start3A_169 = tpu.memref_slice %arg18[%dma_start3A_168] : memref<2048xf32, #tpu.memory_space<vmem>> -> memref<2000xf32, #tpu.memory_space<vmem>>
      tpu.enqueue_dma source(%dma_start3A_169 : memref<2000xf32, #tpu.memory_space<vmem>>) target(%dma_start3A_167 : memref<2000xf32, #tpu.memory_space<hbm>>) target_semaphore(%run_scoped3A : memref<!tpu.dma_semaphore, #tpu.memory_space<semaphore_mem>>)
      %dma_wait3A = arith.constant 0 : i32
      %dma_wait3A_170 = tpu.memref_slice %arg18[%dma_wait3A] : memref<2048xf32, #tpu.memory_space<vmem>> -> memref<2000xf32, #tpu.memory_space<vmem>>
      %dma_wait3A_171 = tpu.memref_slice %arg8[%mul3A_136] : memref<320000xf32, #tpu.memory_space<hbm>> -> memref<2000xf32, #tpu.memory_space<hbm>>
      %dma_wait3A_172 = tpu.memref_slice %arg8[%mul3A_136] : memref<320000xf32, #tpu.memory_space<hbm>> -> memref<2000xf32, #tpu.memory_space<hbm>>
      %dma_wait3A_173 = arith.constant 0 : i32
      %dma_wait3A_174 = tpu.memref_slice %arg18[%dma_wait3A_173] : memref<2048xf32, #tpu.memory_space<vmem>> -> memref<2000xf32, #tpu.memory_space<vmem>>
      tpu.wait_dma2 semaphore(%run_scoped3A : memref<!tpu.dma_semaphore, #tpu.memory_space<semaphore_mem>>) src(%dma_wait3A_174 : memref<2000xf32, #tpu.memory_space<vmem>>) dst(%dma_wait3A_172 : memref<2000xf32, #tpu.memory_space<hbm>>)
      tpu.yield
    }) : () -> ()
    %add3A_137 = arith.constant 375 : i32
    %add3A_138 = arith.addi %mul3A_5, %add3A_137 : i32
    "tpu.region"() ({
      %run_scoped3A = tpu.sem_alloc : memref<!tpu.dma_semaphore, #tpu.memory_space<semaphore_mem>>
      %dma_start3A = arith.constant 0 : i32
      %dma_start3A_165 = arith.constant 0 : i32
      %dma_start3A_166 = tpu.memref_slice %arg19[%dma_start3A, %dma_start3A_165] : memref<128x16xf32, #tpu.memory_space<vmem>> -> memref<125x16xf32, #tpu.memory_space<vmem>>
      %dma_start3A_167 = arith.constant 0 : i32
      %dma_start3A_168 = tpu.memref_slice %arg10[%add3A_138, %dma_start3A_167] : memref<10000x16xf32, #tpu.memory_space<vmem_shared>> -> memref<125x16xf32, #tpu.memory_space<vmem_shared>>
      %dma_start3A_169 = arith.constant 0 : i32
      %dma_start3A_170 = arith.constant 0 : i32
      %dma_start3A_171 = tpu.memref_slice %arg19[%dma_start3A_169, %dma_start3A_170] : memref<128x16xf32, #tpu.memory_space<vmem>> -> memref<125x16xf32, #tpu.memory_space<vmem>>
      %dma_start3A_172 = arith.constant 0 : i32
      %dma_start3A_173 = tpu.memref_slice %arg10[%add3A_138, %dma_start3A_172] : memref<10000x16xf32, #tpu.memory_space<vmem_shared>> -> memref<125x16xf32, #tpu.memory_space<vmem_shared>>
      tpu.enqueue_dma source(%dma_start3A_173 : memref<125x16xf32, #tpu.memory_space<vmem_shared>>) target(%dma_start3A_171 : memref<125x16xf32, #tpu.memory_space<vmem>>) target_semaphore(%run_scoped3A : memref<!tpu.dma_semaphore, #tpu.memory_space<semaphore_mem>>)
      %dma_wait3A = arith.constant 0 : i32
      %dma_wait3A_174 = arith.constant 0 : i32
      %dma_wait3A_175 = tpu.memref_slice %arg19[%dma_wait3A, %dma_wait3A_174] : memref<128x16xf32, #tpu.memory_space<vmem>> -> memref<125x16xf32, #tpu.memory_space<vmem>>
      %dma_wait3A_176 = arith.constant 0 : i32
      %dma_wait3A_177 = tpu.memref_slice %arg10[%add3A_138, %dma_wait3A_176] : memref<10000x16xf32, #tpu.memory_space<vmem_shared>> -> memref<125x16xf32, #tpu.memory_space<vmem_shared>>
      %dma_wait3A_178 = arith.constant 0 : i32
      %dma_wait3A_179 = arith.constant 0 : i32
      %dma_wait3A_180 = tpu.memref_slice %arg19[%dma_wait3A_178, %dma_wait3A_179] : memref<128x16xf32, #tpu.memory_space<vmem>> -> memref<125x16xf32, #tpu.memory_space<vmem>>
      %dma_wait3A_181 = arith.constant 0 : i32
      %dma_wait3A_182 = tpu.memref_slice %arg10[%add3A_138, %dma_wait3A_181] : memref<10000x16xf32, #tpu.memory_space<vmem_shared>> -> memref<125x16xf32, #tpu.memory_space<vmem_shared>>
      tpu.wait_dma2 semaphore(%run_scoped3A : memref<!tpu.dma_semaphore, #tpu.memory_space<semaphore_mem>>) src(%dma_wait3A_182 : memref<125x16xf32, #tpu.memory_space<vmem_shared>>) dst(%dma_wait3A_180 : memref<125x16xf32, #tpu.memory_space<vmem>>)
      tpu.yield
    }) : () -> ()
    %scan3A_139 = arith.constant 0 : i32
    %scan3A_140 = arith.constant 125 : i32
    %scan3A_141 = arith.addi %scan3A_139, %scan3A_140 : i32
    %scan3A_142 = arith.constant 1 : i32
    scf.for %scan3A_165 = %scan3A_139 to %scan3A_141 step %scan3A_142  : i32 {
      %mul3A_166 = arith.constant 1 : i32
      %mul3A_167 = arith.muli %scan3A_165, %mul3A_166 : i32
      %add3A_168 = arith.constant 0 : i32
      %add3A_169 = arith.addi %add3A_168, %mul3A_167 : i32
      %get3A_170 = arith.index_cast %add3A_169 : i32 to index
      %get3A_171 = arith.constant 0 : index
      %get3A_172 = tpu.vector_load %arg19[%get3A_170, %get3A_171] {strides = array<i32>} : memref<128x16xf32, #tpu.memory_space<vmem>>, vector<1x16xf32>,
      %get3A_173 = vector.shape_cast %get3A_172 : vector<1x16xf32> to vector<16xf32>
      %mul3A_174 = arith.constant 16 : i32
      %mul3A_175 = arith.muli %add3A_169, %mul3A_174 : i32
      %swap3A = arith.index_cast %mul3A_175 : i32 to index
      %swap3A_176 = tpu.vector_load %arg18[%swap3A] {strides = array<i32>} : memref<2048xf32, #tpu.memory_space<vmem>>, vector<16xf32>,
      %swap3A_177 = vector.shape_cast %swap3A_176 : vector<16xf32> to vector<16xf32>
      %swap3A_178 = vector.shape_cast %get3A_173 : vector<16xf32> to vector<16xf32>
      tpu.vector_store %arg18[%swap3A], %swap3A_178 {strides = array<i32>} : memref<2048xf32, #tpu.memory_space<vmem>>, vector<16xf32>,
    }
    %scan3A_143 = arith.constant 125 : i32
    %mul3A_144 = arith.constant 10000 : i32
    %mul3A_145 = arith.muli %arg0, %mul3A_144 : i32
    %add3A_146 = arith.addi %mul3A_145, %mul3A_5 : i32
    %add3A_147 = arith.constant 375 : i32
    %add3A_148 = arith.addi %add3A_146, %add3A_147 : i32
    %mul3A_149 = arith.constant 16 : i32
    %mul3A_150 = arith.muli %add3A_148, %mul3A_149 : i32
    "tpu.region"() ({
      %run_scoped3A = tpu.sem_alloc : memref<!tpu.dma_semaphore, #tpu.memory_space<semaphore_mem>>
      %dma_start3A = arith.constant 0 : i32
      %dma_start3A_165 = tpu.memref_slice %arg18[%dma_start3A] : memref<2048xf32, #tpu.memory_space<vmem>> -> memref<2000xf32, #tpu.memory_space<vmem>>
      %dma_start3A_166 = tpu.memref_slice %arg8[%mul3A_150] : memref<320000xf32, #tpu.memory_space<hbm>> -> memref<2000xf32, #tpu.memory_space<hbm>>
      %dma_start3A_167 = tpu.memref_slice %arg8[%mul3A_150] : memref<320000xf32, #tpu.memory_space<hbm>> -> memref<2000xf32, #tpu.memory_space<hbm>>
      %dma_start3A_168 = arith.constant 0 : i32
      %dma_start3A_169 = tpu.memref_slice %arg18[%dma_start3A_168] : memref<2048xf32, #tpu.memory_space<vmem>> -> memref<2000xf32, #tpu.memory_space<vmem>>
      tpu.enqueue_dma source(%dma_start3A_169 : memref<2000xf32, #tpu.memory_space<vmem>>) target(%dma_start3A_167 : memref<2000xf32, #tpu.memory_space<hbm>>) target_semaphore(%run_scoped3A : memref<!tpu.dma_semaphore, #tpu.memory_space<semaphore_mem>>)
      %dma_wait3A = arith.constant 0 : i32
      %dma_wait3A_170 = tpu.memref_slice %arg18[%dma_wait3A] : memref<2048xf32, #tpu.memory_space<vmem>> -> memref<2000xf32, #tpu.memory_space<vmem>>
      %dma_wait3A_171 = tpu.memref_slice %arg8[%mul3A_150] : memref<320000xf32, #tpu.memory_space<hbm>> -> memref<2000xf32, #tpu.memory_space<hbm>>
      %dma_wait3A_172 = tpu.memref_slice %arg8[%mul3A_150] : memref<320000xf32, #tpu.memory_space<hbm>> -> memref<2000xf32, #tpu.memory_space<hbm>>
      %dma_wait3A_173 = arith.constant 0 : i32
      %dma_wait3A_174 = tpu.memref_slice %arg18[%dma_wait3A_173] : memref<2048xf32, #tpu.memory_space<vmem>> -> memref<2000xf32, #tpu.memory_space<vmem>>
      tpu.wait_dma2 semaphore(%run_scoped3A : memref<!tpu.dma_semaphore, #tpu.memory_space<semaphore_mem>>) src(%dma_wait3A_174 : memref<2000xf32, #tpu.memory_space<vmem>>) dst(%dma_wait3A_172 : memref<2000xf32, #tpu.memory_space<hbm>>)
      tpu.yield
    }) : () -> ()
    %add3A_151 = arith.constant 500 : i32
    %add3A_152 = arith.addi %mul3A_5, %add3A_151 : i32
    "tpu.region"() ({
      %run_scoped3A = tpu.sem_alloc : memref<!tpu.dma_semaphore, #tpu.memory_space<semaphore_mem>>
      %dma_start3A = arith.constant 0 : i32
      %dma_start3A_165 = arith.constant 0 : i32
      %dma_start3A_166 = tpu.memref_slice %arg19[%dma_start3A, %dma_start3A_165] : memref<128x16xf32, #tpu.memory_space<vmem>> -> memref<125x16xf32, #tpu.memory_space<vmem>>
      %dma_start3A_167 = arith.constant 0 : i32
      %dma_start3A_168 = tpu.memref_slice %arg10[%add3A_152, %dma_start3A_167] : memref<10000x16xf32, #tpu.memory_space<vmem_shared>> -> memref<125x16xf32, #tpu.memory_space<vmem_shared>>
      %dma_start3A_169 = arith.constant 0 : i32
      %dma_start3A_170 = arith.constant 0 : i32
      %dma_start3A_171 = tpu.memref_slice %arg19[%dma_start3A_169, %dma_start3A_170] : memref<128x16xf32, #tpu.memory_space<vmem>> -> memref<125x16xf32, #tpu.memory_space<vmem>>
      %dma_start3A_172 = arith.constant 0 : i32
      %dma_start3A_173 = tpu.memref_slice %arg10[%add3A_152, %dma_start3A_172] : memref<10000x16xf32, #tpu.memory_space<vmem_shared>> -> memref<125x16xf32, #tpu.memory_space<vmem_shared>>
      tpu.enqueue_dma source(%dma_start3A_173 : memref<125x16xf32, #tpu.memory_space<vmem_shared>>) target(%dma_start3A_171 : memref<125x16xf32, #tpu.memory_space<vmem>>) target_semaphore(%run_scoped3A : memref<!tpu.dma_semaphore, #tpu.memory_space<semaphore_mem>>)
      %dma_wait3A = arith.constant 0 : i32
      %dma_wait3A_174 = arith.constant 0 : i32
      %dma_wait3A_175 = tpu.memref_slice %arg19[%dma_wait3A, %dma_wait3A_174] : memref<128x16xf32, #tpu.memory_space<vmem>> -> memref<125x16xf32, #tpu.memory_space<vmem>>
      %dma_wait3A_176 = arith.constant 0 : i32
      %dma_wait3A_177 = tpu.memref_slice %arg10[%add3A_152, %dma_wait3A_176] : memref<10000x16xf32, #tpu.memory_space<vmem_shared>> -> memref<125x16xf32, #tpu.memory_space<vmem_shared>>
      %dma_wait3A_178 = arith.constant 0 : i32
      %dma_wait3A_179 = arith.constant 0 : i32
      %dma_wait3A_180 = tpu.memref_slice %arg19[%dma_wait3A_178, %dma_wait3A_179] : memref<128x16xf32, #tpu.memory_space<vmem>> -> memref<125x16xf32, #tpu.memory_space<vmem>>
      %dma_wait3A_181 = arith.constant 0 : i32
      %dma_wait3A_182 = tpu.memref_slice %arg10[%add3A_152, %dma_wait3A_181] : memref<10000x16xf32, #tpu.memory_space<vmem_shared>> -> memref<125x16xf32, #tpu.memory_space<vmem_shared>>
      tpu.wait_dma2 semaphore(%run_scoped3A : memref<!tpu.dma_semaphore, #tpu.memory_space<semaphore_mem>>) src(%dma_wait3A_182 : memref<125x16xf32, #tpu.memory_space<vmem_shared>>) dst(%dma_wait3A_180 : memref<125x16xf32, #tpu.memory_space<vmem>>)
      tpu.yield
    }) : () -> ()
    %scan3A_153 = arith.constant 0 : i32
    %scan3A_154 = arith.constant 125 : i32
    %scan3A_155 = arith.addi %scan3A_153, %scan3A_154 : i32
    %scan3A_156 = arith.constant 1 : i32
    scf.for %scan3A_165 = %scan3A_153 to %scan3A_155 step %scan3A_156  : i32 {
      %mul3A_166 = arith.constant 1 : i32
      %mul3A_167 = arith.muli %scan3A_165, %mul3A_166 : i32
      %add3A_168 = arith.constant 0 : i32
      %add3A_169 = arith.addi %add3A_168, %mul3A_167 : i32
      %get3A_170 = arith.index_cast %add3A_169 : i32 to index
      %get3A_171 = arith.constant 0 : index
      %get3A_172 = tpu.vector_load %arg19[%get3A_170, %get3A_171] {strides = array<i32>} : memref<128x16xf32, #tpu.memory_space<vmem>>, vector<1x16xf32>,
      %get3A_173 = vector.shape_cast %get3A_172 : vector<1x16xf32> to vector<16xf32>
      %mul3A_174 = arith.constant 16 : i32
      %mul3A_175 = arith.muli %add3A_169, %mul3A_174 : i32
      %swap3A = arith.index_cast %mul3A_175 : i32 to index
      %swap3A_176 = tpu.vector_load %arg18[%swap3A] {strides = array<i32>} : memref<2048xf32, #tpu.memory_space<vmem>>, vector<16xf32>,
      %swap3A_177 = vector.shape_cast %swap3A_176 : vector<16xf32> to vector<16xf32>
      %swap3A_178 = vector.shape_cast %get3A_173 : vector<16xf32> to vector<16xf32>
      tpu.vector_store %arg18[%swap3A], %swap3A_178 {strides = array<i32>} : memref<2048xf32, #tpu.memory_space<vmem>>, vector<16xf32>,
    }
    %scan3A_157 = arith.constant 125 : i32
    %mul3A_158 = arith.constant 10000 : i32
    %mul3A_159 = arith.muli %arg0, %mul3A_158 : i32
    %add3A_160 = arith.addi %mul3A_159, %mul3A_5 : i32
    %add3A_161 = arith.constant 500 : i32
    %add3A_162 = arith.addi %add3A_160, %add3A_161 : i32
    %mul3A_163 = arith.constant 16 : i32
    %mul3A_164 = arith.muli %add3A_162, %mul3A_163 : i32
    "tpu.region"() ({
      %run_scoped3A = tpu.sem_alloc : memref<!tpu.dma_semaphore, #tpu.memory_space<semaphore_mem>>
      %dma_start3A = arith.constant 0 : i32
      %dma_start3A_165 = tpu.memref_slice %arg18[%dma_start3A] : memref<2048xf32, #tpu.memory_space<vmem>> -> memref<2000xf32, #tpu.memory_space<vmem>>
      %dma_start3A_166 = tpu.memref_slice %arg8[%mul3A_164] : memref<320000xf32, #tpu.memory_space<hbm>> -> memref<2000xf32, #tpu.memory_space<hbm>>
      %dma_start3A_167 = tpu.memref_slice %arg8[%mul3A_164] : memref<320000xf32, #tpu.memory_space<hbm>> -> memref<2000xf32, #tpu.memory_space<hbm>>
      %dma_start3A_168 = arith.constant 0 : i32
      %dma_start3A_169 = tpu.memref_slice %arg18[%dma_start3A_168] : memref<2048xf32, #tpu.memory_space<vmem>> -> memref<2000xf32, #tpu.memory_space<vmem>>
      tpu.enqueue_dma source(%dma_start3A_169 : memref<2000xf32, #tpu.memory_space<vmem>>) target(%dma_start3A_167 : memref<2000xf32, #tpu.memory_space<hbm>>) target_semaphore(%run_scoped3A : memref<!tpu.dma_semaphore, #tpu.memory_space<semaphore_mem>>)
      %dma_wait3A = arith.constant 0 : i32
      %dma_wait3A_170 = tpu.memref_slice %arg18[%dma_wait3A] : memref<2048xf32, #tpu.memory_space<vmem>> -> memref<2000xf32, #tpu.memory_space<vmem>>
      %dma_wait3A_171 = tpu.memref_slice %arg8[%mul3A_164] : memref<320000xf32, #tpu.memory_space<hbm>> -> memref<2000xf32, #tpu.memory_space<hbm>>
      %dma_wait3A_172 = tpu.memref_slice %arg8[%mul3A_164] : memref<320000xf32, #tpu.memory_space<hbm>> -> memref<2000xf32, #tpu.memory_space<hbm>>
      %dma_wait3A_173 = arith.constant 0 : i32
      %dma_wait3A_174 = tpu.memref_slice %arg18[%dma_wait3A_173] : memref<2048xf32, #tpu.memory_space<vmem>> -> memref<2000xf32, #tpu.memory_space<vmem>>
      tpu.wait_dma2 semaphore(%run_scoped3A : memref<!tpu.dma_semaphore, #tpu.memory_space<semaphore_mem>>) src(%dma_wait3A_174 : memref<2000xf32, #tpu.memory_space<vmem>>) dst(%dma_wait3A_172 : memref<2000xf32, #tpu.memory_space<hbm>>)
      tpu.yield
    }) : () -> ()
    return
  }
}

module attributes {stable_mosaic.version = 14 : i64} {
  func.func @_embed_body(%arg0: memref<10000x128xf32, #tpu.memory_space<vmem>>, %arg1: memref<128x128xf32, #tpu.memory_space<vmem>>, %arg2: memref<1x128xf32, #tpu.memory_space<vmem>>, %arg3: memref<128x128xf32, #tpu.memory_space<vmem>>, %arg4: memref<128x8xf32, #tpu.memory_space<vmem>>, %arg5: memref<128x8xf32, #tpu.memory_space<vmem>>, %arg6: memref<10000x128xf32, #tpu.memory_space<vmem>>, %arg7: memref<10008x128xf32, #tpu.memory_space<vmem>>, %arg8: memref<10240x16xf32, #tpu.memory_space<vmem>>, %arg9: memref<1x16xf32, #tpu.memory_space<vmem>>) attributes {dimension_semantics = [], scalar_prefetch = 0 : i64, scratch_operands = 0 : i64, tpu.core_type = #tpu.core_type<tc>} {
    %get3A = arith.constant 0 : index
    %get3A_0 = arith.constant 0 : index
    %get3A_1 = vector.load %arg0[%get3A, %get3A_0] : memref<10000x128xf32, #tpu.memory_space<vmem>>, vector<10000x128xf32>
    %get3A_2 = arith.constant 0 : index
    %get3A_3 = arith.constant 0 : index
    %get3A_4 = vector.load %arg1[%get3A_2, %get3A_3] : memref<128x128xf32, #tpu.memory_space<vmem>>, vector<128x128xf32>
    %dot_general3A = arith.constant dense<0.000000e+00> : vector<10000x128xf32>
    %dot_general3A_5 = tpu.matmul %get3A_1, %get3A_4, %dot_general3A {dimension_numbers = #tpu.dot_dimension_numbers<[1], [0], [0], [1], [0, 0, 1, 1], [], []>, precision = #tpu.contract_precision<fp32>, transpose_lhs_hint = false} : vector<10000x128xf32>, vector<128x128xf32>, vector<10000x128xf32> -> vector<10000x128xf32>
    %get3A_6 = arith.constant 0 : index
    %get3A_7 = arith.constant 0 : index
    %get3A_8 = vector.load %arg2[%get3A_6, %get3A_7] : memref<1x128xf32, #tpu.memory_space<vmem>>, vector<1x128xf32>
    %add3A = vector.broadcast %get3A_8 : vector<1x128xf32> to vector<10000x128xf32>
    %add3A_9 = arith.addf %dot_general3A_5, %add3A : vector<10000x128xf32>
    %swap3A = arith.constant 0 : index
    %swap3A_10 = arith.constant 0 : index
    %swap3A_11 = vector.load %arg6[%swap3A, %swap3A_10] : memref<10000x128xf32, #tpu.memory_space<vmem>>, vector<10000x128xf32>
    tpu.vector_store %arg6[%swap3A, %swap3A_10], %add3A_9 {strides = array<i32>} : memref<10000x128xf32, #tpu.memory_space<vmem>>, vector<10000x128xf32>,
    %get3A_12 = arith.constant 0 : index
    %get3A_13 = arith.constant 0 : index
    %get3A_14 = vector.load %arg3[%get3A_12, %get3A_13] : memref<128x128xf32, #tpu.memory_space<vmem>>, vector<128x128xf32>
    %dot_general3A_15 = arith.constant dense<0.000000e+00> : vector<10000x128xf32>
    %dot_general3A_16 = tpu.matmul %add3A_9, %get3A_14, %dot_general3A_15 {dimension_numbers = #tpu.dot_dimension_numbers<[1], [0], [0], [1], [0, 0, 1, 1], [], []>, precision = #tpu.contract_precision<fp32>, transpose_lhs_hint = false} : vector<10000x128xf32>, vector<128x128xf32>, vector<10000x128xf32> -> vector<10000x128xf32>
    %get3A_17 = arith.constant 0 : index
    %get3A_18 = arith.constant 0 : index
    %get3A_19 = vector.load %arg4[%get3A_17, %get3A_18] : memref<128x8xf32, #tpu.memory_space<vmem>>, vector<128x8xf32>
    %dot_general3A_20 = arith.constant dense<0.000000e+00> : vector<10000x8xf32>
    %dot_general3A_21 = tpu.matmul %dot_general3A_16, %get3A_19, %dot_general3A_20 {dimension_numbers = #tpu.dot_dimension_numbers<[1], [0], [0], [1], [0, 0, 1, 1], [], []>, precision = #tpu.contract_precision<fp32>, transpose_lhs_hint = false} : vector<10000x128xf32>, vector<128x8xf32>, vector<10000x8xf32> -> vector<10000x8xf32>
    %get3A_22 = arith.constant 0 : index
    %get3A_23 = arith.constant 0 : index
    %get3A_24 = vector.load %arg5[%get3A_22, %get3A_23] : memref<128x8xf32, #tpu.memory_space<vmem>>, vector<128x8xf32>
    %dot_general3A_25 = arith.constant dense<0.000000e+00> : vector<10000x8xf32>
    %dot_general3A_26 = tpu.matmul %dot_general3A_16, %get3A_24, %dot_general3A_25 {dimension_numbers = #tpu.dot_dimension_numbers<[1], [0], [0], [1], [0, 0, 1, 1], [], []>, precision = #tpu.contract_precision<fp32>, transpose_lhs_hint = false} : vector<10000x128xf32>, vector<128x8xf32>, vector<10000x8xf32> -> vector<10000x8xf32>
    %reduce_max3A = arith.constant dense<0xFF800000> : vector<8xf32>
    %reduce_max3A_27 = vector.multi_reduction <maximumf>, %dot_general3A_21, %reduce_max3A [0] : vector<10000x8xf32> to vector<8xf32>
    %broadcast_in_dim3A = vector.shape_cast %reduce_max3A_27 : vector<8xf32> to vector<1x8xf32>
    %reduce_max3A_28 = arith.constant dense<0xFF800000> : vector<8xf32>
    %reduce_max3A_29 = vector.multi_reduction <maximumf>, %dot_general3A_26, %reduce_max3A_28 [0] : vector<10000x8xf32> to vector<8xf32>
    %broadcast_in_dim3A_30 = vector.shape_cast %reduce_max3A_29 : vector<8xf32> to vector<1x8xf32>
    %add3A_31 = arith.addf %broadcast_in_dim3A, %broadcast_in_dim3A_30 : vector<1x8xf32>
    %gt3A = arith.constant 0.000000e+00 : f32
    %gt3A_32 = vector.broadcast %gt3A : f32 to vector<1x8xf32>
    %gt3A_33 = arith.cmpf ogt, %add3A_31, %gt3A_32 : vector<1x8xf32>
    %mul3A = arith.constant 2.000000e-01 : f32
    %mul3A_34 = vector.broadcast %mul3A : f32 to vector<1x8xf32>
    %mul3A_35 = arith.mulf %mul3A_34, %add3A_31 : vector<1x8xf32>
    %select_n3A = arith.select %gt3A_33, %add3A_31, %mul3A_35 : vector<1x8xi1>, vector<1x8xf32>
    %concatenate3A = tpu.concatenate %select_n3A, %select_n3A in 1 : vector<1x8xf32>, vector<1x8xf32> -> vector<1x16xf32>
    %swap3A_36 = arith.constant 0 : index
    %swap3A_37 = arith.constant 0 : index
    %swap3A_38 = vector.load %arg9[%swap3A_36, %swap3A_37] : memref<1x16xf32, #tpu.memory_space<vmem>>, vector<1x16xf32>
    tpu.vector_store %arg9[%swap3A_36, %swap3A_37], %concatenate3A {strides = array<i32>} : memref<1x16xf32, #tpu.memory_space<vmem>>, vector<1x16xf32>,
    %swap3A_39 = arith.constant 0 : index
    %swap3A_40 = arith.constant 0 : index
    %swap3A_41 = vector.load %arg7[%swap3A_39, %swap3A_40] : memref<10008x128xf32, #tpu.memory_space<vmem>>, vector<10000x128xf32>
    tpu.vector_store %arg7[%swap3A_39, %swap3A_40], %dot_general3A_16 {strides = array<i32>} : memref<10008x128xf32, #tpu.memory_space<vmem>>, vector<10000x128xf32>,
    %broadcast_in_dim3A_42 = arith.constant 0.000000e+00 : f32
    %broadcast_in_dim3A_43 = vector.broadcast %broadcast_in_dim3A_42 : f32 to vector<8x128xf32>
    %swap3A_44 = arith.constant 10000 : index
    %swap3A_45 = arith.constant 0 : index
    %swap3A_46 = vector.load %arg7[%swap3A_44, %swap3A_45] : memref<10008x128xf32, #tpu.memory_space<vmem>>, vector<8x128xf32>
    tpu.vector_store %arg7[%swap3A_44, %swap3A_45], %broadcast_in_dim3A_43 {strides = array<i32>} : memref<10008x128xf32, #tpu.memory_space<vmem>>, vector<8x128xf32>,
    %concatenate3A_47 = tpu.concatenate %dot_general3A_21, %dot_general3A_26 in 1 : vector<10000x8xf32>, vector<10000x8xf32> -> vector<10000x16xf32>
    %swap3A_48 = arith.constant 0 : index
    %swap3A_49 = arith.constant 0 : index
    %swap3A_50 = vector.load %arg8[%swap3A_48, %swap3A_49] : memref<10240x16xf32, #tpu.memory_space<vmem>>, vector<10000x16xf32>
    tpu.vector_store %arg8[%swap3A_48, %swap3A_49], %concatenate3A_47 {strides = array<i32>} : memref<10240x16xf32, #tpu.memory_space<vmem>>, vector<10000x16xf32>,
    %broadcast_in_dim3A_51 = arith.constant -1.000000e+30 : f32
    %broadcast_in_dim3A_52 = vector.broadcast %broadcast_in_dim3A_51 : f32 to vector<240x8xf32>
    %broadcast_in_dim3A_53 = arith.constant 0.000000e+00 : f32
    %broadcast_in_dim3A_54 = vector.broadcast %broadcast_in_dim3A_53 : f32 to vector<240x8xf32>
    %concatenate3A_55 = tpu.concatenate %broadcast_in_dim3A_52, %broadcast_in_dim3A_54 in 1 : vector<240x8xf32>, vector<240x8xf32> -> vector<240x16xf32>
    %swap3A_56 = arith.constant 10000 : index
    %swap3A_57 = arith.constant 0 : index
    %swap3A_58 = vector.load %arg8[%swap3A_56, %swap3A_57] : memref<10240x16xf32, #tpu.memory_space<vmem>>, vector<240x16xf32>
    tpu.vector_store %arg8[%swap3A_56, %swap3A_57], %concatenate3A_55 {strides = array<i32>} : memref<10240x16xf32, #tpu.memory_space<vmem>>, vector<240x16xf32>,
    return
  }
}

module attributes {stable_mosaic.version = 14 : i64} {
  func.func @_merge_body(%arg0: memref<2x10000x128xf32, #tpu.memory_space<vmem>>, %arg1: memref<2x10000x16xf32, #tpu.memory_space<vmem>>, %arg2: memref<1x128xf32, #tpu.memory_space<vmem>>, %arg3: memref<1x128xf32, #tpu.memory_space<vmem>>, %arg4: memref<1x128xf32, #tpu.memory_space<vmem>>, %arg5: memref<10000x128xf32, #tpu.memory_space<vmem>>, %arg6: memref<128x128xf32, #tpu.memory_space<vmem>>, %arg7: memref<128x8xf32, #tpu.memory_space<vmem>>, %arg8: memref<128x8xf32, #tpu.memory_space<vmem>>, %arg9: memref<10000x128xf32, #tpu.memory_space<vmem>>, %arg10: memref<10008x128xf32, #tpu.memory_space<vmem>>, %arg11: memref<10240x16xf32, #tpu.memory_space<vmem>>, %arg12: memref<1x16xf32, #tpu.memory_space<vmem>>) attributes {dimension_semantics = [], scalar_prefetch = 0 : i64, scratch_operands = 0 : i64, tpu.core_type = #tpu.core_type<tc>} {
    %get3A = arith.constant 0 : index
    %get3A_0 = arith.constant 0 : index
    %get3A_1 = arith.constant 0 : index
    %get3A_2 = vector.load %arg0[%get3A, %get3A_0, %get3A_1] : memref<2x10000x128xf32, #tpu.memory_space<vmem>>, vector<1x10000x128xf32>
    %get3A_3 = vector.shape_cast %get3A_2 : vector<1x10000x128xf32> to vector<10000x128xf32>
    %get3A_4 = arith.constant 1 : index
    %get3A_5 = arith.constant 0 : index
    %get3A_6 = arith.constant 0 : index
    %get3A_7 = vector.load %arg0[%get3A_4, %get3A_5, %get3A_6] : memref<2x10000x128xf32, #tpu.memory_space<vmem>>, vector<1x10000x128xf32>
    %get3A_8 = vector.shape_cast %get3A_7 : vector<1x10000x128xf32> to vector<10000x128xf32>
    %add3A = arith.addf %get3A_3, %get3A_8 : vector<10000x128xf32>
    %get3A_9 = arith.constant 0 : index
    %get3A_10 = arith.constant 0 : index
    %get3A_11 = arith.constant 0 : index
    %get3A_12 = vector.load %arg1[%get3A_9, %get3A_10, %get3A_11] : memref<2x10000x16xf32, #tpu.memory_space<vmem>>, vector<1x10000x16xf32>
    %get3A_13 = vector.shape_cast %get3A_12 : vector<1x10000x16xf32> to vector<10000x16xf32>
    %get3A_14 = arith.constant 1 : index
    %get3A_15 = arith.constant 0 : index
    %get3A_16 = arith.constant 0 : index
    %get3A_17 = vector.load %arg1[%get3A_14, %get3A_15, %get3A_16] : memref<2x10000x16xf32, #tpu.memory_space<vmem>>, vector<1x10000x16xf32>
    %get3A_18 = vector.shape_cast %get3A_17 : vector<1x10000x16xf32> to vector<10000x16xf32>
    %add3A_19 = arith.addf %get3A_13, %get3A_18 : vector<10000x16xf32>
    %iota3A = tpu.iota {dimensions = array<i32: 0>} : vector<16x128xi32>
    %iota3A_20 = tpu.iota {dimensions = array<i32: 1>} : vector<16x128xi32>
    %jit3A = arith.constant 16 : i32
    %div3A = vector.broadcast %jit3A : i32 to vector<16x128xi32>
    %div3A_21 = arith.divsi %iota3A_20, %div3A : vector<16x128xi32>
    %sign3A = arith.constant 0 : i32
    %sign3A_22 = vector.broadcast %sign3A : i32 to vector<16x128xi32>
    %sign3A_23 = arith.cmpi sgt, %iota3A_20, %sign3A_22 : vector<16x128xi32>
    %sign3A_24 = arith.extui %sign3A_23 : vector<16x128xi1> to vector<16x128xi32>
    %sign3A_25 = arith.constant 0 : i32
    %sign3A_26 = vector.broadcast %sign3A_25 : i32 to vector<16x128xi32>
    %sign3A_27 = arith.cmpi slt, %iota3A_20, %sign3A_26 : vector<16x128xi32>
    %sign3A_28 = arith.extui %sign3A_27 : vector<16x128xi1> to vector<16x128xi32>
    %sign3A_29 = arith.subi %sign3A_24, %sign3A_28 : vector<16x128xi32>
    %sign3A_30 = arith.constant 0 : i32
    %sign3A_31 = arith.cmpi sgt, %jit3A, %sign3A_30 : i32
    %sign3A_32 = arith.extui %sign3A_31 : i1 to i32
    %sign3A_33 = arith.constant 0 : i32
    %sign3A_34 = arith.cmpi slt, %jit3A, %sign3A_33 : i32
    %sign3A_35 = arith.extui %sign3A_34 : i1 to i32
    %sign3A_36 = arith.subi %sign3A_32, %sign3A_35 : i32
    %ne3A = vector.broadcast %sign3A_36 : i32 to vector<16x128xi32>
    %ne3A_37 = arith.cmpi ne, %sign3A_29, %ne3A : vector<16x128xi32>
    %rem3A = vector.broadcast %jit3A : i32 to vector<16x128xi32>
    %rem3A_38 = arith.remsi %iota3A_20, %rem3A : vector<16x128xi32>
    %ne3A_39 = arith.constant 0 : i32
    %ne3A_40 = vector.broadcast %ne3A_39 : i32 to vector<16x128xi32>
    %ne3A_41 = arith.cmpi ne, %rem3A_38, %ne3A_40 : vector<16x128xi32>
    %and3A = arith.andi %ne3A_37, %ne3A_41 : vector<16x128xi1>
    %sub3A = arith.constant 1 : i32
    %sub3A_42 = vector.broadcast %sub3A : i32 to vector<16x128xi32>
    %sub3A_43 = arith.subi %div3A_21, %sub3A_42 : vector<16x128xi32>
    %select_n3A = arith.select %and3A, %sub3A_43, %div3A_21 : vector<16x128xi1>, vector<16x128xi32>
    %eq3A = arith.cmpi eq, %select_n3A, %iota3A : vector<16x128xi32>
    %convert_element_type3A = arith.extui %eq3A : vector<16x128xi1> to vector<16x128xi32>
    %convert_element_type3A_44 = arith.sitofp %convert_element_type3A : vector<16x128xi32> to vector<16x128xf32>
    %dot_general3A = arith.constant dense<0.000000e+00> : vector<10000x128xf32>
    %dot_general3A_45 = tpu.matmul %add3A_19, %convert_element_type3A_44, %dot_general3A {dimension_numbers = #tpu.dot_dimension_numbers<[1], [0], [0], [1], [0, 0, 1, 1], [], []>, precision = #tpu.contract_precision<fp32>, transpose_lhs_hint = false} : vector<10000x16xf32>, vector<16x128xf32>, vector<10000x128xf32> -> vector<10000x128xf32>
    %add3A_46 = arith.constant 1.000000e-16 : f32
    %add3A_47 = vector.broadcast %add3A_46 : f32 to vector<10000x128xf32>
    %add3A_48 = arith.addf %dot_general3A_45, %add3A_47 : vector<10000x128xf32>
    %div3A_49 = arith.divf %add3A, %add3A_48 : vector<10000x128xf32>
    %get3A_50 = arith.constant 0 : index
    %get3A_51 = arith.constant 0 : index
    %get3A_52 = vector.load %arg2[%get3A_50, %get3A_51] : memref<1x128xf32, #tpu.memory_space<vmem>>, vector<1x128xf32>
    %add3A_53 = vector.broadcast %get3A_52 : vector<1x128xf32> to vector<10000x128xf32>
    %add3A_54 = arith.addf %div3A_49, %add3A_53 : vector<10000x128xf32>
    %reduce_sum3A = arith.constant dense<0.000000e+00> : vector<128xf32>
    %reduce_sum3A_55 = vector.multi_reduction <add>, %add3A_54, %reduce_sum3A [0] : vector<10000x128xf32> to vector<128xf32>
    %broadcast_in_dim3A = vector.shape_cast %reduce_sum3A_55 : vector<128xf32> to vector<1x128xf32>
    %div3A_56 = arith.constant 1.000000e+04 : f32
    %div3A_57 = vector.broadcast %div3A_56 : f32 to vector<1x128xf32>
    %div3A_58 = arith.divf %broadcast_in_dim3A, %div3A_57 : vector<1x128xf32>
    %sub3A_59 = vector.broadcast %div3A_58 : vector<1x128xf32> to vector<10000x128xf32>
    %sub3A_60 = arith.subf %add3A_54, %sub3A_59 : vector<10000x128xf32>
    %integer_pow3A = arith.mulf %sub3A_60, %sub3A_60 : vector<10000x128xf32>
    %reduce_sum3A_61 = arith.constant dense<0.000000e+00> : vector<128xf32>
    %reduce_sum3A_62 = vector.multi_reduction <add>, %integer_pow3A, %reduce_sum3A_61 [0] : vector<10000x128xf32> to vector<128xf32>
    %broadcast_in_dim3A_63 = vector.shape_cast %reduce_sum3A_62 : vector<128xf32> to vector<1x128xf32>
    %div3A_64 = arith.constant 1.000000e+04 : f32
    %div3A_65 = vector.broadcast %div3A_64 : f32 to vector<1x128xf32>
    %div3A_66 = arith.divf %broadcast_in_dim3A_63, %div3A_65 : vector<1x128xf32>
    %sub3A_67 = vector.broadcast %div3A_58 : vector<1x128xf32> to vector<10000x128xf32>
    %sub3A_68 = arith.subf %add3A_54, %sub3A_67 : vector<10000x128xf32>
    %add3A_69 = arith.constant 9.99999974E-6 : f32
    %add3A_70 = vector.broadcast %add3A_69 : f32 to vector<1x128xf32>
    %add3A_71 = arith.addf %div3A_66, %add3A_70 : vector<1x128xf32>
    %sqrt3A = math.sqrt %add3A_71 : vector<1x128xf32>
    %div3A_72 = vector.broadcast %sqrt3A : vector<1x128xf32> to vector<10000x128xf32>
    %div3A_73 = arith.divf %sub3A_68, %div3A_72 : vector<10000x128xf32>
    %get3A_74 = arith.constant 0 : index
    %get3A_75 = arith.constant 0 : index
    %get3A_76 = vector.load %arg3[%get3A_74, %get3A_75] : memref<1x128xf32, #tpu.memory_space<vmem>>, vector<1x128xf32>
    %mul3A = vector.broadcast %get3A_76 : vector<1x128xf32> to vector<10000x128xf32>
    %mul3A_77 = arith.mulf %div3A_73, %mul3A : vector<10000x128xf32>
    %get3A_78 = arith.constant 0 : index
    %get3A_79 = arith.constant 0 : index
    %get3A_80 = vector.load %arg4[%get3A_78, %get3A_79] : memref<1x128xf32, #tpu.memory_space<vmem>>, vector<1x128xf32>
    %add3A_81 = vector.broadcast %get3A_80 : vector<1x128xf32> to vector<10000x128xf32>
    %add3A_82 = arith.addf %mul3A_77, %add3A_81 : vector<10000x128xf32>
    %max3A = arith.constant 0.000000e+00 : f32
    %max3A_83 = vector.broadcast %max3A : f32 to vector<10000x128xf32>
    %max3A_84 = arith.maximumf %add3A_82, %max3A_83 : vector<10000x128xf32>
    %get3A_85 = arith.constant 0 : index
    %get3A_86 = arith.constant 0 : index
    %get3A_87 = vector.load %arg5[%get3A_85, %get3A_86] : memref<10000x128xf32, #tpu.memory_space<vmem>>, vector<10000x128xf32>
    %add3A_88 = arith.addf %max3A_84, %get3A_87 : vector<10000x128xf32>
    %swap3A = arith.constant 0 : index
    %swap3A_89 = arith.constant 0 : index
    %swap3A_90 = vector.load %arg9[%swap3A, %swap3A_89] : memref<10000x128xf32, #tpu.memory_space<vmem>>, vector<10000x128xf32>
    tpu.vector_store %arg9[%swap3A, %swap3A_89], %add3A_88 {strides = array<i32>} : memref<10000x128xf32, #tpu.memory_space<vmem>>, vector<10000x128xf32>,
    %get3A_91 = arith.constant 0 : index
    %get3A_92 = arith.constant 0 : index
    %get3A_93 = vector.load %arg6[%get3A_91, %get3A_92] : memref<128x128xf32, #tpu.memory_space<vmem>>, vector<128x128xf32>
    %dot_general3A_94 = arith.constant dense<0.000000e+00> : vector<10000x128xf32>
    %dot_general3A_95 = tpu.matmul %add3A_88, %get3A_93, %dot_general3A_94 {dimension_numbers = #tpu.dot_dimension_numbers<[1], [0], [0], [1], [0, 0, 1, 1], [], []>, precision = #tpu.contract_precision<fp32>, transpose_lhs_hint = false} : vector<10000x128xf32>, vector<128x128xf32>, vector<10000x128xf32> -> vector<10000x128xf32>
    %get3A_96 = arith.constant 0 : index
    %get3A_97 = arith.constant 0 : index
    %get3A_98 = vector.load %arg7[%get3A_96, %get3A_97] : memref<128x8xf32, #tpu.memory_space<vmem>>, vector<128x8xf32>
    %dot_general3A_99 = arith.constant dense<0.000000e+00> : vector<10000x8xf32>
    %dot_general3A_100 = tpu.matmul %dot_general3A_95, %get3A_98, %dot_general3A_99 {dimension_numbers = #tpu.dot_dimension_numbers<[1], [0], [0], [1], [0, 0, 1, 1], [], []>, precision = #tpu.contract_precision<fp32>, transpose_lhs_hint = false} : vector<10000x128xf32>, vector<128x8xf32>, vector<10000x8xf32> -> vector<10000x8xf32>
    %get3A_101 = arith.constant 0 : index
    %get3A_102 = arith.constant 0 : index
    %get3A_103 = vector.load %arg8[%get3A_101, %get3A_102] : memref<128x8xf32, #tpu.memory_space<vmem>>, vector<128x8xf32>
    %dot_general3A_104 = arith.constant dense<0.000000e+00> : vector<10000x8xf32>
    %dot_general3A_105 = tpu.matmul %dot_general3A_95, %get3A_103, %dot_general3A_104 {dimension_numbers = #tpu.dot_dimension_numbers<[1], [0], [0], [1], [0, 0, 1, 1], [], []>, precision = #tpu.contract_precision<fp32>, transpose_lhs_hint = false} : vector<10000x128xf32>, vector<128x8xf32>, vector<10000x8xf32> -> vector<10000x8xf32>
    %reduce_max3A = arith.constant dense<0xFF800000> : vector<8xf32>
    %reduce_max3A_106 = vector.multi_reduction <maximumf>, %dot_general3A_100, %reduce_max3A [0] : vector<10000x8xf32> to vector<8xf32>
    %broadcast_in_dim3A_107 = vector.shape_cast %reduce_max3A_106 : vector<8xf32> to vector<1x8xf32>
    %reduce_max3A_108 = arith.constant dense<0xFF800000> : vector<8xf32>
    %reduce_max3A_109 = vector.multi_reduction <maximumf>, %dot_general3A_105, %reduce_max3A_108 [0] : vector<10000x8xf32> to vector<8xf32>
    %broadcast_in_dim3A_110 = vector.shape_cast %reduce_max3A_109 : vector<8xf32> to vector<1x8xf32>
    %add3A_111 = arith.addf %broadcast_in_dim3A_107, %broadcast_in_dim3A_110 : vector<1x8xf32>
    %gt3A = arith.constant 0.000000e+00 : f32
    %gt3A_112 = vector.broadcast %gt3A : f32 to vector<1x8xf32>
    %gt3A_113 = arith.cmpf ogt, %add3A_111, %gt3A_112 : vector<1x8xf32>
    %mul3A_114 = arith.constant 2.000000e-01 : f32
    %mul3A_115 = vector.broadcast %mul3A_114 : f32 to vector<1x8xf32>
    %mul3A_116 = arith.mulf %mul3A_115, %add3A_111 : vector<1x8xf32>
    %select_n3A_117 = arith.select %gt3A_113, %add3A_111, %mul3A_116 : vector<1x8xi1>, vector<1x8xf32>
    %concatenate3A = tpu.concatenate %select_n3A_117, %select_n3A_117 in 1 : vector<1x8xf32>, vector<1x8xf32> -> vector<1x16xf32>
    %swap3A_118 = arith.constant 0 : index
    %swap3A_119 = arith.constant 0 : index
    %swap3A_120 = vector.load %arg12[%swap3A_118, %swap3A_119] : memref<1x16xf32, #tpu.memory_space<vmem>>, vector<1x16xf32>
    tpu.vector_store %arg12[%swap3A_118, %swap3A_119], %concatenate3A {strides = array<i32>} : memref<1x16xf32, #tpu.memory_space<vmem>>, vector<1x16xf32>,
    %swap3A_121 = arith.constant 0 : index
    %swap3A_122 = arith.constant 0 : index
    %swap3A_123 = vector.load %arg10[%swap3A_121, %swap3A_122] : memref<10008x128xf32, #tpu.memory_space<vmem>>, vector<10000x128xf32>
    tpu.vector_store %arg10[%swap3A_121, %swap3A_122], %dot_general3A_95 {strides = array<i32>} : memref<10008x128xf32, #tpu.memory_space<vmem>>, vector<10000x128xf32>,
    %broadcast_in_dim3A_124 = arith.constant 0.000000e+00 : f32
    %broadcast_in_dim3A_125 = vector.broadcast %broadcast_in_dim3A_124 : f32 to vector<8x128xf32>
    %swap3A_126 = arith.constant 10000 : index
    %swap3A_127 = arith.constant 0 : index
    %swap3A_128 = vector.load %arg10[%swap3A_126, %swap3A_127] : memref<10008x128xf32, #tpu.memory_space<vmem>>, vector<8x128xf32>
    tpu.vector_store %arg10[%swap3A_126, %swap3A_127], %broadcast_in_dim3A_125 {strides = array<i32>} : memref<10008x128xf32, #tpu.memory_space<vmem>>, vector<8x128xf32>,
    %concatenate3A_129 = tpu.concatenate %dot_general3A_100, %dot_general3A_105 in 1 : vector<10000x8xf32>, vector<10000x8xf32> -> vector<10000x16xf32>
    %swap3A_130 = arith.constant 0 : index
    %swap3A_131 = arith.constant 0 : index
    %swap3A_132 = vector.load %arg11[%swap3A_130, %swap3A_131] : memref<10240x16xf32, #tpu.memory_space<vmem>>, vector<10000x16xf32>
    tpu.vector_store %arg11[%swap3A_130, %swap3A_131], %concatenate3A_129 {strides = array<i32>} : memref<10240x16xf32, #tpu.memory_space<vmem>>, vector<10000x16xf32>,
    %broadcast_in_dim3A_133 = arith.constant -1.000000e+30 : f32
    %broadcast_in_dim3A_134 = vector.broadcast %broadcast_in_dim3A_133 : f32 to vector<240x8xf32>
    %broadcast_in_dim3A_135 = arith.constant 0.000000e+00 : f32
    %broadcast_in_dim3A_136 = vector.broadcast %broadcast_in_dim3A_135 : f32 to vector<240x8xf32>
    %concatenate3A_137 = tpu.concatenate %broadcast_in_dim3A_134, %broadcast_in_dim3A_136 in 1 : vector<240x8xf32>, vector<240x8xf32> -> vector<240x16xf32>
    %swap3A_138 = arith.constant 10000 : index
    %swap3A_139 = arith.constant 0 : index
    %swap3A_140 = vector.load %arg11[%swap3A_138, %swap3A_139] : memref<10240x16xf32, #tpu.memory_space<vmem>>, vector<240x16xf32>
    tpu.vector_store %arg11[%swap3A_138, %swap3A_139], %concatenate3A_137 {strides = array<i32>} : memref<10240x16xf32, #tpu.memory_space<vmem>>, vector<240x16xf32>,
    return
  }
}

module attributes {stable_mosaic.version = 14 : i64} {
  func.func @_final_body(%arg0: memref<2x10000x128xf32, #tpu.memory_space<vmem>>, %arg1: memref<2x10000x16xf32, #tpu.memory_space<vmem>>, %arg2: memref<1x128xf32, #tpu.memory_space<vmem>>, %arg3: memref<1x128xf32, #tpu.memory_space<vmem>>, %arg4: memref<1x128xf32, #tpu.memory_space<vmem>>, %arg5: memref<10000x128xf32, #tpu.memory_space<vmem>>, %arg6: memref<1x10000xi32, #tpu.memory_space<vmem>>, %arg7: memref<128x128xf32, #tpu.memory_space<vmem>>, %arg8: memref<1x128xf32, #tpu.memory_space<vmem>>, %arg9: memref<128x128xf32, #tpu.memory_space<vmem>>, %arg10: memref<1x128xf32, #tpu.memory_space<vmem>>, %arg11: memref<128x128xf32, #tpu.memory_space<vmem>>, %arg12: memref<1x128xf32, #tpu.memory_space<vmem>>, %arg13: memref<64x128xf32, #tpu.memory_space<vmem>>) attributes {dimension_semantics = [], scalar_prefetch = 0 : i64, scratch_operands = 0 : i64, tpu.core_type = #tpu.core_type<tc>} {
    %get3A = arith.constant 0 : index
    %get3A_0 = arith.constant 0 : index
    %get3A_1 = arith.constant 0 : index
    %get3A_2 = vector.load %arg0[%get3A, %get3A_0, %get3A_1] : memref<2x10000x128xf32, #tpu.memory_space<vmem>>, vector<1x10000x128xf32>
    %get3A_3 = vector.shape_cast %get3A_2 : vector<1x10000x128xf32> to vector<10000x128xf32>
    %get3A_4 = arith.constant 1 : index
    %get3A_5 = arith.constant 0 : index
    %get3A_6 = arith.constant 0 : index
    %get3A_7 = vector.load %arg0[%get3A_4, %get3A_5, %get3A_6] : memref<2x10000x128xf32, #tpu.memory_space<vmem>>, vector<1x10000x128xf32>
    %get3A_8 = vector.shape_cast %get3A_7 : vector<1x10000x128xf32> to vector<10000x128xf32>
    %add3A = arith.addf %get3A_3, %get3A_8 : vector<10000x128xf32>
    %get3A_9 = arith.constant 0 : index
    %get3A_10 = arith.constant 0 : index
    %get3A_11 = arith.constant 0 : index
    %get3A_12 = vector.load %arg1[%get3A_9, %get3A_10, %get3A_11] : memref<2x10000x16xf32, #tpu.memory_space<vmem>>, vector<1x10000x16xf32>
    %get3A_13 = vector.shape_cast %get3A_12 : vector<1x10000x16xf32> to vector<10000x16xf32>
    %get3A_14 = arith.constant 1 : index
    %get3A_15 = arith.constant 0 : index
    %get3A_16 = arith.constant 0 : index
    %get3A_17 = vector.load %arg1[%get3A_14, %get3A_15, %get3A_16] : memref<2x10000x16xf32, #tpu.memory_space<vmem>>, vector<1x10000x16xf32>
    %get3A_18 = vector.shape_cast %get3A_17 : vector<1x10000x16xf32> to vector<10000x16xf32>
    %add3A_19 = arith.addf %get3A_13, %get3A_18 : vector<10000x16xf32>
    %iota3A = tpu.iota {dimensions = array<i32: 0>} : vector<16x128xi32>
    %eq3A = arith.constant 0 : i32
    %eq3A_20 = vector.broadcast %eq3A : i32 to vector<16x128xi32>
    %eq3A_21 = arith.cmpi eq, %iota3A, %eq3A_20 : vector<16x128xi32>
    %convert_element_type3A = arith.extui %eq3A_21 : vector<16x128xi1> to vector<16x128xi32>
    %convert_element_type3A_22 = arith.sitofp %convert_element_type3A : vector<16x128xi32> to vector<16x128xf32>
    %dot_general3A = arith.constant dense<0.000000e+00> : vector<10000x128xf32>
    %dot_general3A_23 = tpu.matmul %add3A_19, %convert_element_type3A_22, %dot_general3A {dimension_numbers = #tpu.dot_dimension_numbers<[1], [0], [0], [1], [0, 0, 1, 1], [], []>, precision = #tpu.contract_precision<fp32>, transpose_lhs_hint = false} : vector<10000x16xf32>, vector<16x128xf32>, vector<10000x128xf32> -> vector<10000x128xf32>
    %add3A_24 = arith.constant 1.000000e-16 : f32
    %add3A_25 = vector.broadcast %add3A_24 : f32 to vector<10000x128xf32>
    %add3A_26 = arith.addf %dot_general3A_23, %add3A_25 : vector<10000x128xf32>
    %div3A = arith.divf %add3A, %add3A_26 : vector<10000x128xf32>
    %get3A_27 = arith.constant 0 : index
    %get3A_28 = arith.constant 0 : index
    %get3A_29 = vector.load %arg2[%get3A_27, %get3A_28] : memref<1x128xf32, #tpu.memory_space<vmem>>, vector<1x128xf32>
    %add3A_30 = vector.broadcast %get3A_29 : vector<1x128xf32> to vector<10000x128xf32>
    %add3A_31 = arith.addf %div3A, %add3A_30 : vector<10000x128xf32>
    %reduce_sum3A = arith.constant dense<0.000000e+00> : vector<128xf32>
    %reduce_sum3A_32 = vector.multi_reduction <add>, %add3A_31, %reduce_sum3A [0] : vector<10000x128xf32> to vector<128xf32>
    %broadcast_in_dim3A = vector.shape_cast %reduce_sum3A_32 : vector<128xf32> to vector<1x128xf32>
    %div3A_33 = arith.constant 1.000000e+04 : f32
    %div3A_34 = vector.broadcast %div3A_33 : f32 to vector<1x128xf32>
    %div3A_35 = arith.divf %broadcast_in_dim3A, %div3A_34 : vector<1x128xf32>
    %sub3A = vector.broadcast %div3A_35 : vector<1x128xf32> to vector<10000x128xf32>
    %sub3A_36 = arith.subf %add3A_31, %sub3A : vector<10000x128xf32>
    %integer_pow3A = arith.mulf %sub3A_36, %sub3A_36 : vector<10000x128xf32>
    %reduce_sum3A_37 = arith.constant dense<0.000000e+00> : vector<128xf32>
    %reduce_sum3A_38 = vector.multi_reduction <add>, %integer_pow3A, %reduce_sum3A_37 [0] : vector<10000x128xf32> to vector<128xf32>
    %broadcast_in_dim3A_39 = vector.shape_cast %reduce_sum3A_38 : vector<128xf32> to vector<1x128xf32>
    %div3A_40 = arith.constant 1.000000e+04 : f32
    %div3A_41 = vector.broadcast %div3A_40 : f32 to vector<1x128xf32>
    %div3A_42 = arith.divf %broadcast_in_dim3A_39, %div3A_41 : vector<1x128xf32>
    %sub3A_43 = vector.broadcast %div3A_35 : vector<1x128xf32> to vector<10000x128xf32>
    %sub3A_44 = arith.subf %add3A_31, %sub3A_43 : vector<10000x128xf32>
    %add3A_45 = arith.constant 9.99999974E-6 : f32
    %add3A_46 = vector.broadcast %add3A_45 : f32 to vector<1x128xf32>
    %add3A_47 = arith.addf %div3A_42, %add3A_46 : vector<1x128xf32>
    %sqrt3A = math.sqrt %add3A_47 : vector<1x128xf32>
    %div3A_48 = vector.broadcast %sqrt3A : vector<1x128xf32> to vector<10000x128xf32>
    %div3A_49 = arith.divf %sub3A_44, %div3A_48 : vector<10000x128xf32>
    %get3A_50 = arith.constant 0 : index
    %get3A_51 = arith.constant 0 : index
    %get3A_52 = vector.load %arg3[%get3A_50, %get3A_51] : memref<1x128xf32, #tpu.memory_space<vmem>>, vector<1x128xf32>
    %mul3A = vector.broadcast %get3A_52 : vector<1x128xf32> to vector<10000x128xf32>
    %mul3A_53 = arith.mulf %div3A_49, %mul3A : vector<10000x128xf32>
    %get3A_54 = arith.constant 0 : index
    %get3A_55 = arith.constant 0 : index
    %get3A_56 = vector.load %arg4[%get3A_54, %get3A_55] : memref<1x128xf32, #tpu.memory_space<vmem>>, vector<1x128xf32>
    %add3A_57 = vector.broadcast %get3A_56 : vector<1x128xf32> to vector<10000x128xf32>
    %add3A_58 = arith.addf %mul3A_53, %add3A_57 : vector<10000x128xf32>
    %max3A = arith.constant 0.000000e+00 : f32
    %max3A_59 = vector.broadcast %max3A : f32 to vector<10000x128xf32>
    %max3A_60 = arith.maximumf %add3A_58, %max3A_59 : vector<10000x128xf32>
    %get3A_61 = arith.constant 0 : index
    %get3A_62 = arith.constant 0 : index
    %get3A_63 = vector.load %arg5[%get3A_61, %get3A_62] : memref<10000x128xf32, #tpu.memory_space<vmem>>, vector<10000x128xf32>
    %add3A_64 = arith.addf %max3A_60, %get3A_63 : vector<10000x128xf32>
    %get3A_65 = arith.constant 0 : index
    %get3A_66 = arith.constant 0 : index
    %get3A_67 = vector.load %arg6[%get3A_65, %get3A_66] : memref<1x10000xi32, #tpu.memory_space<vmem>>, vector<1x10000xi32>
    %iota3A_68 = tpu.iota {dimensions = array<i32: 0>} : vector<64x10000xi32>
    %eq3A_69 = vector.broadcast %get3A_67 : vector<1x10000xi32> to vector<64x10000xi32>
    %eq3A_70 = arith.cmpi eq, %iota3A_68, %eq3A_69 : vector<64x10000xi32>
    %convert_element_type3A_71 = arith.extui %eq3A_70 : vector<64x10000xi1> to vector<64x10000xi32>
    %convert_element_type3A_72 = arith.sitofp %convert_element_type3A_71 : vector<64x10000xi32> to vector<64x10000xf32>
    %dot_general3A_73 = arith.constant dense<0.000000e+00> : vector<64x128xf32>
    %dot_general3A_74 = tpu.matmul %convert_element_type3A_72, %add3A_64, %dot_general3A_73 {dimension_numbers = #tpu.dot_dimension_numbers<[1], [0], [0], [1], [0, 0, 1, 1], [], []>, precision = #tpu.contract_precision<fp32>, transpose_lhs_hint = false} : vector<64x10000xf32>, vector<10000x128xf32>, vector<64x128xf32> -> vector<64x128xf32>
    %reduce_sum3A_75 = arith.constant dense<0.000000e+00> : vector<64xf32>
    %reduce_sum3A_76 = vector.multi_reduction <add>, %convert_element_type3A_72, %reduce_sum3A_75 [1] : vector<64x10000xf32> to vector<64xf32>
    %broadcast_in_dim3A_77 = vector.shape_cast %reduce_sum3A_76 : vector<64xf32> to vector<64x1xf32>
    %max3A_78 = arith.constant 1.000000e+00 : f32
    %max3A_79 = vector.broadcast %max3A_78 : f32 to vector<64x1xf32>
    %max3A_80 = arith.maximumf %broadcast_in_dim3A_77, %max3A_79 : vector<64x1xf32>
    %div3A_81 = vector.broadcast %max3A_80 : vector<64x1xf32> to vector<64x128xf32>
    %div3A_82 = arith.divf %dot_general3A_74, %div3A_81 : vector<64x128xf32>
    %get3A_83 = arith.constant 0 : index
    %get3A_84 = arith.constant 0 : index
    %get3A_85 = vector.load %arg7[%get3A_83, %get3A_84] : memref<128x128xf32, #tpu.memory_space<vmem>>, vector<128x128xf32>
    %dot_general3A_86 = arith.constant dense<0.000000e+00> : vector<64x128xf32>
    %dot_general3A_87 = tpu.matmul %div3A_82, %get3A_85, %dot_general3A_86 {dimension_numbers = #tpu.dot_dimension_numbers<[1], [0], [0], [1], [0, 0, 1, 1], [], []>, precision = #tpu.contract_precision<fp32>, transpose_lhs_hint = false} : vector<64x128xf32>, vector<128x128xf32>, vector<64x128xf32> -> vector<64x128xf32>
    %get3A_88 = arith.constant 0 : index
    %get3A_89 = arith.constant 0 : index
    %get3A_90 = vector.load %arg8[%get3A_88, %get3A_89] : memref<1x128xf32, #tpu.memory_space<vmem>>, vector<1x128xf32>
    %add3A_91 = vector.broadcast %get3A_90 : vector<1x128xf32> to vector<64x128xf32>
    %add3A_92 = arith.addf %dot_general3A_87, %add3A_91 : vector<64x128xf32>
    %max3A_93 = arith.constant 0.000000e+00 : f32
    %max3A_94 = vector.broadcast %max3A_93 : f32 to vector<64x128xf32>
    %max3A_95 = arith.maximumf %add3A_92, %max3A_94 : vector<64x128xf32>
    %get3A_96 = arith.constant 0 : index
    %get3A_97 = arith.constant 0 : index
    %get3A_98 = vector.load %arg9[%get3A_96, %get3A_97] : memref<128x128xf32, #tpu.memory_space<vmem>>, vector<128x128xf32>
    %dot_general3A_99 = arith.constant dense<0.000000e+00> : vector<64x128xf32>
    %dot_general3A_100 = tpu.matmul %max3A_95, %get3A_98, %dot_general3A_99 {dimension_numbers = #tpu.dot_dimension_numbers<[1], [0], [0], [1], [0, 0, 1, 1], [], []>, precision = #tpu.contract_precision<fp32>, transpose_lhs_hint = false} : vector<64x128xf32>, vector<128x128xf32>, vector<64x128xf32> -> vector<64x128xf32>
    %get3A_101 = arith.constant 0 : index
    %get3A_102 = arith.constant 0 : index
    %get3A_103 = vector.load %arg10[%get3A_101, %get3A_102] : memref<1x128xf32, #tpu.memory_space<vmem>>, vector<1x128xf32>
    %add3A_104 = vector.broadcast %get3A_103 : vector<1x128xf32> to vector<64x128xf32>
    %add3A_105 = arith.addf %dot_general3A_100, %add3A_104 : vector<64x128xf32>
    %max3A_106 = arith.constant 0.000000e+00 : f32
    %max3A_107 = vector.broadcast %max3A_106 : f32 to vector<64x128xf32>
    %max3A_108 = arith.maximumf %add3A_105, %max3A_107 : vector<64x128xf32>
    %get3A_109 = arith.constant 0 : index
    %get3A_110 = arith.constant 0 : index
    %get3A_111 = vector.load %arg11[%get3A_109, %get3A_110] : memref<128x128xf32, #tpu.memory_space<vmem>>, vector<128x128xf32>
    %dot_general3A_112 = arith.constant dense<0.000000e+00> : vector<64x128xf32>
    %dot_general3A_113 = tpu.matmul %max3A_108, %get3A_111, %dot_general3A_112 {dimension_numbers = #tpu.dot_dimension_numbers<[1], [0], [0], [1], [0, 0, 1, 1], [], []>, precision = #tpu.contract_precision<fp32>, transpose_lhs_hint = false} : vector<64x128xf32>, vector<128x128xf32>, vector<64x128xf32> -> vector<64x128xf32>
    %get3A_114 = arith.constant 0 : index
    %get3A_115 = arith.constant 0 : index
    %get3A_116 = vector.load %arg12[%get3A_114, %get3A_115] : memref<1x128xf32, #tpu.memory_space<vmem>>, vector<1x128xf32>
    %add3A_117 = vector.broadcast %get3A_116 : vector<1x128xf32> to vector<64x128xf32>
    %add3A_118 = arith.addf %dot_general3A_113, %add3A_117 : vector<64x128xf32>
    %swap3A = arith.constant 0 : index
    %swap3A_119 = arith.constant 0 : index
    %swap3A_120 = vector.load %arg13[%swap3A, %swap3A_119] : memref<64x128xf32, #tpu.memory_space<vmem>>, vector<64x128xf32>
    tpu.vector_store %arg13[%swap3A, %swap3A_119], %add3A_118 {strides = array<i32>} : memref<64x128xf32, #tpu.memory_space<vmem>>, vector<64x128xf32>,
    return
  }
}

</mosaic_0001>

<sc_bundles>
// kernel: kernel.12.cloned.1.call-start
scs
__scs_entry_jumppad:
0x0: {  	(pc) =	sbr.rel $0x88, $3  }
0x1: {  	(tag) =	ssettag $0x0;
	lr =	simm.s32 $0x1  }
0x2: {  	[smem:$0x3F84] =	sst lr;
	_ =	strace $0xD0000000  }
0x3: {  	_ = 	snop  }
0x4: {  	_ = 	snop  }
0x5: {  	_ = 	snop  }
0x6: {  	_ = 	snop  }
0x7: {  	_ = 	snop  }
__scs_overlays_trampoline_lowered:
0x8: {  	[smem:$0x3F93] =	sst s0  }
0x9: {  	[smem:$0x3F94] =	sst s1  }
0xa: {  	[smem:$0x3F95] =	sst s2  }
0xb: {  	[smem:$0x3F96] =	sst s3  }
0xc: {  	[smem:$0x3F97] =	sst s4  }
0xd: {  	[smem:$0x3F98] =	sst s5  }
0xe: {  	[smem:$0x3F99] =	sst s6  }
0xf: {  	[smem:$0x3F9A] =	sst s7  }
0x10: {  	[smem:$0x3F9B] =	sst s8  }
0x11: {  	[smem:$0x3F9C] =	sst s9;
	s0 =	simm.s32 @!p0 $0x0  }
0x12: {  	s1 =	sld [smem:$0x3F82];
	s0 =	simm.s32 @p0 $0x1  }
0x13: {  	[smem:$0x3F9D] =	sst s0;
	s0 =	simm.s32 @!p1 $0x0  }
0x14: {  	s2 =	sld [smem:$0x3F81];
	s0 =	simm.s32 @p1 $0x1  }
0x15: {  	[smem:$0x3F9E] =	sst s0;
	s0 =	simm.s32 @!p2 $0x0  }
0x16: {  	s3 =	sld [smem:$0x3FDB];
	s0 =	simm.s32 @p2 $0x1  }
0x17: {  	s4 =	simm.s32 $0x1BF5;
	[smem:$0x3FA0] =	sst s0  }
0x18: {  	s0 =	sld [smem:$0x3F83];
	_ =	swait.ge [sflag:s4], $0x0  }
0x19: {  	s7 =	sld [smem:$0x3F84]  }
0x1a: {  	s8 =	sadd.s32 $0xFFFFE003, lr  }
0x1b: {  	s9 =	sadd.s32 $0xFFFFFEF7, lr;
	s5 =	simm.s32 $0xFFFFFFFF;
	p2 =	slt.u32 s8, $0xFFFFF086  }
0x1c: {  	p1 =	slt.u32 s9, $0xF7A;
	s5 =	simm.s32 @!p2 $0x0  }
0x1d: {  	s5 =	simm.s32 @p1 $0x1;
	p0 =	seq.s32 s7, s2  }
0x1e: {  	s7 =	smul.u32 @!p0 $0xF7A, s2;
	p2 =	seq.s32 @!p0 s5, $0x0  }
0x1f: {  	s9 =	smul.u32 $0xF7A, s1;
	s8 =	simm.s32 @!p0 $0x1BF5;
	p2 =	por !p2, p0  }
0x20: {  	[sflag:s8] =	ssyncset.s32 @!p0 $0xFFFFF086;
	s6 =	sadd.s32 @!p0 s3, s7;
	s7 =	simm.s32 @!p0 $0x108  }
0x21: {  	s3 =	sadd.s32 s3, s9;
	s6 =	sadd.s32 @!p0 $0x88, s6;
	s7 =	simm.s32 @p2 $0x1082  }
0x22: {  	[simem:s7], [sflag:s8] =	dma.local @!p0 [hbm:s6], $0xF7A  }
0x23: {  	s9 =	sor.u32 $0xD0000000, s2;
	s6 =	simm.s32 $0x108;
	_ =	swait.ge @!p0 [sflag:s8], $0x0  }
0x24: {  	s3 =	sadd.s32 $0x88, s3;
	s6 =	simm.s32 @!p1 $0x1082;
	[sflag:s4] =	ssyncset.s32 $0xFFFFF086  }
0x25: {  	[simem:s6], [sflag:s4] =	dma.local [hbm:s3], $0xF7A  }
0x26: {  	[smem:$0x3F84] =	sst s1;
	(tag) =	ssettag s2;
	_ =	strace s9  }
0x27: {  	s1 =	sld [smem:$0x3F94]  }
0x28: {  	s2 =	sld [smem:$0x3F95]  }
0x29: {  	s4 =	sld [smem:$0x3F97]  }
0x2a: {  	p0 =	seq.s32 s5, $0x0;
	s5 =	sld [smem:$0x3F98]  }
0x2b: {  	s6 =	sld [smem:$0x3F99]  }
0x2c: {  	s7 =	sld [smem:$0x3F9A]  }
0x2d: {  	s3 =	simm.s32 $0x108;
	s8 =	sld [smem:$0x3F9B]  }
0x2e: {  	s3 =	simm.s32 @!p0 $0x1082;
	s9 =	sld [smem:$0x3F9C]  }
0x2f: {  	lr =	sadd.s32 s0, s3;
	s0 =	sld [smem:$0x3F93]  }
0x30: {  	s3 =	sld [smem:$0x3F96]  }
0x31: {  	[smem:$0x3F9F] =	sst s10  }
0x32: {  	s10 =	sld [smem:$0x3F9D];
	_ =	sdelay $0x3  }
0x33: {  	p0 =	seq.s32 s10, $0x1;
	s10 =	sld [smem:$0x3F9F];
	_ =	sdelay $0x3  }
0x34: {  	[smem:$0x3F9F] =	sst s10  }
0x35: {  	s10 =	sld [smem:$0x3F9E];
	_ =	sdelay $0x3  }
0x36: {  	p1 =	seq.s32 s10, $0x1;
	s10 =	sld [smem:$0x3F9F];
	_ =	sdelay $0x3  }
0x37: {  	[smem:$0x3F9F] =	sst s10  }
0x38: {  	s10 =	sld [smem:$0x3FA0]  }
0x39: {  	_ = 	snop;
	(pc) =	sbr.ind lr, $3  }
0x3a: {  	_ = 	snop  }
0x3b: {  	_ = 	snop  }
0x3c: {  	p2 =	seq.s32 s10, $0x1;
	s10 =	sld [smem:$0x3F9F]  }
0x3d: {  	_ =	shalt  }
0x3e: {  	_ =	shalt  }
0x3f: {  	_ =	shalt  }
0x40: {  	_ =	shalt  }
0x41: {  	_ =	shalt  }
0x42: {  	_ =	shalt  }
0x43: {  	_ =	shalt  }
0x44: {  	_ =	shalt  }
0x45: {  	_ =	shalt  }
0x46: {  	_ =	shalt  }
0x47: {  	_ =	shalt  }
0x48: {  	_ =	shalt  }
0x49: {  	_ =	shalt  }
0x4a: {  	_ =	shalt  }
0x4b: {  	_ =	shalt  }
0x4c: {  	_ =	shalt  }
0x4d: {  	_ =	shalt  }
0x4e: {  	_ =	shalt  }
0x4f: {  	_ =	shalt  }
0x50: {  	_ =	shalt  }
0x51: {  	_ =	shalt  }
0x52: {  	_ =	shalt  }
0x53: {  	_ =	shalt  }
0x54: {  	_ =	shalt  }
0x55: {  	_ =	shalt  }
0x56: {  	_ =	shalt  }
0x57: {  	_ =	shalt  }
0x58: {  	_ =	shalt  }
0x59: {  	_ =	shalt  }
0x5a: {  	_ =	shalt  }
0x5b: {  	_ =	shalt  }
0x5c: {  	_ =	shalt  }
0x5d: {  	_ =	shalt  }
0x5e: {  	_ =	shalt  }
0x5f: {  	_ =	shalt  }
0x60: {  	_ =	shalt  }
0x61: {  	_ =	shalt  }
0x62: {  	_ =	shalt  }
0x63: {  	_ =	shalt  }
0x64: {  	_ =	shalt  }
0x65: {  	_ =	shalt  }
0x66: {  	_ =	shalt  }
0x67: {  	_ =	shalt  }
0x68: {  	_ =	shalt  }
0x69: {  	_ =	shalt  }
0x6a: {  	_ =	shalt  }
0x6b: {  	_ =	shalt  }
0x6c: {  	_ =	shalt  }
0x6d: {  	_ =	shalt  }
0x6e: {  	_ =	shalt  }
0x6f: {  	_ =	shalt  }
0x70: {  	_ =	shalt  }
0x71: {  	_ =	shalt  }
0x72: {  	_ =	shalt  }
0x73: {  	_ =	shalt  }
0x74: {  	_ =	shalt  }
0x75: {  	_ =	shalt  }
0x76: {  	_ =	shalt  }
0x77: {  	_ =	shalt  }
0x78: {  	_ =	shalt  }
0x79: {  	_ =	shalt  }
0x7a: {  	_ =	shalt  }
0x7b: {  	_ =	shalt  }
0x7c: {  	_ =	shalt  }
0x7d: {  	_ =	shalt  }
0x7e: {  	_ =	shalt  }
0x7f: {  	_ =	shalt  }
0x80: {  	_ =	shalt  }
0x81: {  	_ =	shalt  }
0x82: {  	_ =	shalt  }
0x83: {  	_ =	shalt  }
0x84: {  	_ =	shalt  }
0x85: {  	_ =	shalt  }
0x86: {  	_ =	shalt  }
0x87: {  	_ =	shalt  }
.Lfunc_end0:
.L_simem_size_0:
called_computation.1_lowered:
.L_overlay_start_0:
0x88: {  	s2 =	sld [smem:$0x3FD9]  }
0x89: {  	s3 =	sld [smem:$0x3FFE];
	_ =	sdelay $0x1  }
0x8a: {  	s1 =	srdreg.scid  }
0x8b: {  	s0 =	sand.u32 $0x1, s1  }
0x8c: {  	s17 =	sshll.u32 s0, $0xA;
	s2 =	sadd.s32 s3, s2  }
0x8d: {  	s2 =	sadd.s32 s2, s17  }
0x8e: {  	[smem:$0x3FAB] =	sst s2  }
0x8f: {  	_ = 	snop  }
0x90: {  	s2 =	sld [smem:$0x3FD0];
	(tm) =	ssettm $0x1  }
0x91: {  	s18 =	sld [smem:$0x3FFB];
	_ =	sdelay $0x3  }
0x92: {  	_ =	strace s18  }
0x93: {  	s3 =	sld [smem:$0x3FFC];
	_ =	sdelay $0x3  }
0x94: {  	_ =	strace s3  }
0x95: {  	s3 =	sld [smem:$0x3FFD];
	_ =	sdelay $0x3  }
0x96: {  	_ =	strace s3  }
0x97: {  	_ =	strace $0x8FFFFFFF  }
0x98: {  	s19 =	sld [smem:$0x3FDB];
	_ =	sdelay $0x1  }
0x99: {  	s4 =	simm.s32 $_scs_section_size  }
0x9a: {  	s5 =	simm.s32 $_size__tile_overlayer_lowered;
	s6 =	simm.s32 $_tile_overlayer_lowered  }
0x9b: {  	s22 =	simm.s32 $0x1BFF;
	s21 =	sshll.u32 s6, $0x1;
	s3 =	sadd.s32 s4, s19  }
0x9c: {  	s7 =	simm.s32 $0x0;
	s20 =	sshll.u32 s5, $0x1;
	s5 =	sadd.s32 s21, s3  }
0x9d: {  	[timem:s7], [sflag:s22] =	dma.local [hbm:s5], s20  }
0x9e: {  	_ =	swait.ge [sflag:s22], s20  }
0x9f: {  	s4 =	ssub.s32 $0x0, s20;
	[sflag:s22] =	ssyncset.done $0x0  }
0xa0: {  	[sflag:s22] =	ssyncadd.s32 s4;
	_ =	sdelay $0x1  }
0xa1: {  	s23 =	simm.s32 $0x1B8B  }
0xa2: {  	_ =	swait.ge [sflag:s23], $0x1  }
0xa3: {  	[sflag:s23] =	ssyncset.done $0x0  }
0xa4: {  	s25 =	simm.s32 $0x1B8E;
	s24 =	sld [smem:$0x3FFE];
	[sflag:s23] =	ssyncadd.s32 $0xFFFFFFFF  }
0xa5: {  	s26 =	simm.s32 $execute0_lowered;
	[smem:$0x3FD2] =	sst s25  }
0xa6: {  	s5 =	sshll.u32 s26, $0x1;
	_ =	strace $0x80000049;
	[dreg:$0x1] =	wrdreg $0xFFFFFFFF  }
0xa7: {  	s28 =	simm.s32 $_size_execute0_lowered;
	s3 =	sadd.s32 s3, s5;
	[dreg:$0x0] =	wrdreg $0x0  }
0xa8: {  	s5 =	sshll.u32 s28, $0x1;
	[dreg:$0x2] =	wrdreg s3  }
0xa9: {  	[dreg:$0x3] =	wrdreg s5  }
0xaa: {  	[dreg:$0x4] =	wrdreg $0xC0  }
0xab: {  	_ =	task [dreg:s7], $0x5FFFF  }
0xac: {  	[dreg:$0x1] =	wrdreg $0xFFFFFFFF  }
0xad: {  	[dreg:$0x0] =	wrdreg $0x60  }
0xae: {  	[dreg:$0x2] =	wrdreg s24  }
0xaf: {  	[dreg:$0x3] =	wrdreg s2  }
0xb0: {  	[dreg:$0x4] =	wrdreg $0x0  }
0xb1: {  	[dreg:$0x5] =	wrdreg $0x138800  }
0xb2: {  	[dreg:$0x6] =	wrdreg $0x15F900  }
0xb3: {  	[dreg:$0x7] =	wrdreg $0x9  }
0xb4: {  	_ =	task.clear_ibuf [dreg:s7], $0x8FFFF;
	_ =	strace $0x90000049  }
0xb5: {  	s29 =	simm.s32 $0x9;
	_ =	strace $0x8000004B  }
0xb6: {  	_ =	swait.ge [sflag:s29], $0x1  }
0xb7: {  	[sflag:s29] =	ssyncadd.s32 $0xFFFFFFFF  }
0xb8: {  	_ =	strace $0x9000004B  }
0xb9: {  	_ =	sfence  }
0xba: {  	s30 =	sld [smem:$0x0];
	_ =	sdelay $0x2  }
0xbb: {  	s31 =	sshll.u32 s1, $0xD;
	s1 =	sshrl.u32 s1, $0x2  }
0xbc: {  	s3 =	sand.u32 $0x4000, s31;
	s1 =	sadd.s32 s1, s30  }
0xbd: {  	s0 =	sor.u32 s3, s0;
	s1 =	sshll.u32 s1, $0x11  }
0xbe: {  	s0 =	sor.u32 s1, s0  }
0xbf: {  	s0 =	sadd.s32 $0x8F2B, s0  }
0xc0: {  	[sflag:s0] =	ssyncadd.remote.s32 $0x1  }
0xc1: {  	_ =	sfence.sel $0xFFFF  }
0xc2: {  	[dreg:$0x0] =	wrdreg $0xFFFFFFFF;
	(pc) =	sbr.abs _section_cstart, $3  }
0xc3: {  	[dreg:$0x1] =	wrdreg $0xFFFFFFFF  }
0xc4: {  	_ =	task.clear_ibuf [dreg:s7], $0x2FFFF;
	_ =	strace $0x9FFFFFFF  }
0xc5: {  	(tm) =	ssettm $0x7FFFFFFF  }
tec
execute0_lowered:
.L_overlay_start_1:
0x0: {  	(tag) =	ssettag $0x1  }
0x1: {  	s1 =	rddreg [dreg:$0x0]  }
0x2: {  	s2 =	rddreg [dreg:$0x2]  }
0x3: {  	s4 =	rddreg [dreg:$0x3]  }
0x4: {  	s5 =	rddreg [dreg:$0x4];
	s23 =	stileid.u32  }
0x5: {  	s0 =	srdreg.scid;
	s3 =	smul.u32 $0x13880, s23  }
0x6: {  	s6 =	simm.s32 $0x0;
	s28 =	simm.s32 $0x1C890;
	s9 =	smul.u32 $0x271, s23  }
0x7: {  	s29 =	simm.s32 $0x1D090;
	s0 =	sand.u32 $0x1, s0;
	s12 =	smul.u32 $0x2800, s23  }
0x8: {  	[smem:$0x7FF] =	sst s6;
	s7 =	sadd.s32 $0x11C000, s1;
	s15 =	smul.u32 $0x500, s23  }
0x9: {  	s10 =	sadd.s32 $0x40C00, s1;
	s8 =	sadd.s32 $0xEA00, s1;
	s25 =	smul.u32 $0x9C40, s23  }
0xa: {  	s30 =	simm.s32 $0x2;
	s20 =	smul.u32 $0x138800, s0;
	_ =	strace $0x8000004A  }
0xb: {  	s11 =	smul.u32 $0x2710, s0;
	s13 =	ssub.s32 $0x2, s0;
	s0 =	sshll.u32 s0, $0x4  }
0xc: {  	s14 =	sshrl.u32 s13, $0x1;
	s17 =	sadd.s32 $0x800, s12;
	s15 =	sadd.s32 s10, s15  }
0xd: {  	s19 =	sadd.s32 $0x1800, s12;
	s26 =	sadd.s32 $0x7D, s9;
	s0 =	sor.u32 s23, s0  }
0xe: {  	s6 =	sadd.s32 s3, s20;
	s11 =	sadd.s32 s9, s11;
	s13 =	ssub.s32 s13, s14  }
0xf: {  	s21 =	sshrl.u32 s17, $0x3;
	[dreg:$0x6] =	wrdreg s15;
	s15 =	sadd.s32 $0x1000, s12  }
0x10: {  	s12 =	sadd.s32 $0x2000, s12;
	s24 =	sshrl.u32 s19, $0x3;
	s20 =	sshrl.u32 s25, $0x2  }
0x11: {  	s25 =	sadd.s32 $0x177, s9;
	s31 =	smul.u32 $0x2880, s0;
	s6 =	sshrl.u32 s6, $0x3  }
0x12: {  	s11 =	sshll.u32 s11, $0x1;
	s14 =	sadd.s32 s10, s21;
	s22 =	sshrl.u32 s15, $0x3  }
0x13: {  	s16 =	sshrl.u32 s12, $0x3;
	s21 =	sshll.u32 s26, $0x7;
	s18 =	sadd.s32 s20, s4  }
0x14: {  	s12 =	sadd.s32 s12, s5;
	s6 =	sadd.s32 s6, s1;
	[dreg:$0x7] =	wrdreg s14  }
0x15: {  	s14 =	sadd.s32 s10, s22;
	s11 =	sadd.s32 s11, s1;
	[dreg:$0x15] =	wrdreg s12  }
0x16: {  	s22 =	sadd.s32 s21, s2;
	s21 =	sshll.u32 s25, $0x7;
	[dreg:$0x8] =	wrdreg s14  }
0x17: {  	s14 =	sadd.s32 s10, s24;
	s10 =	sadd.s32 s10, s16;
	s16 =	sadd.s32 s3, s2  }
0x18: {  	[dreg:$0xb] =	wrdreg s22;
	s24 =	sadd.s32 $0xFA, s9;
	s20 =	sadd.s32 s21, s2  }
0x19: {  	s21 =	sshll.u32 s25, $0x4;
	s25 =	sadd.s32 $0x1F4, s9;
	[dreg:$0x9] =	wrdreg s14  }
0x1a: {  	[dreg:$0xa] =	wrdreg s10;
	s14 =	sadd.s32 $0x4800, s1;
	s1 =	sshll.u32 s26, $0x4  }
0x1b: {  	s26 =	sshll.u32 s24, $0x7;
	[dreg:$0xd] =	wrdreg s20;
	s20 =	sadd.s32 s21, s4  }
0x1c: {  	s3 =	sshll.u32 s25, $0x4;
	s10 =	sadd.s32 s26, s2;
	[dreg:$0xe] =	wrdreg s20  }
0x1d: {  	s0 =	simm.s32 $0x3;
	s21 =	sadd.s32 s3, s4;
	[dreg:$0xc] =	wrdreg s10  }
0x1e: {  	s22 =	sadd.s32 s1, s4;
	s3 =	sadd.s32 s15, s5;
	[dreg:$0x10] =	wrdreg s21  }
0x1f: {  	s1 =	sshll.u32 s24, $0x4;
	s15 =	sadd.s32 $0x45C00, s6;
	[dreg:$0x13] =	wrdreg s3  }
0x20: {  	s26 =	smul.u32 $0xA000, s23;
	s23 =	sadd.s32 $0x18EEE, s11;
	[dreg:$0x16] =	wrdreg s15  }
0x21: {  	s10 =	sshll.u32 s25, $0x7;
	s21 =	sadd.s32 $0x18DF4, s11;
	[dreg:$0x1a] =	wrdreg s23  }
0x22: {  	s24 =	sadd.s32 s1, s4;
	s1 =	sadd.s32 s10, s2;
	[dreg:$0x19] =	wrdreg s21  }
0x23: {  	s25 =	sshrl.u32 s26, $0x2;
	s26 =	sadd.s32 s17, s5;
	[dreg:$0xf] =	wrdreg s1  }
0x24: {  	s12 =	simm.s32 $0x4;
	s10 =	sadd.s32 s19, s5;
	[dreg:$0x12] =	wrdreg s26  }
0x25: {  	s9 =	simm.s32 $0x0;
	s17 =	sadd.s32 $0x18C00, s11;
	[dreg:$0x14] =	wrdreg s10  }
0x26: {  	s23 =	simm.s32 $0x18790;
	s19 =	sadd.s32 $0x18CFA, s11;
	[dreg:$0x17] =	wrdreg s17  }
0x27: {  	s3 =	simm.s32 $0x0;
	s1 =	sadd.s32 s25, s5;
	[dreg:$0x18] =	wrdreg s19  }
0x28: {  	v0 =	vimm.f32 $0.0e+00;
	v1 =	vlaneseq.u32;
	s21 =	simm.s32 $0x1E890;
	s25 =	sadd.s32 $0x18FE8, s11;
	[dreg:$0x11] =	wrdreg s1  }
0x29: {  	v2 =	vimm.s32 $0x0;
	v3 =	vimm.s32 $0x1;
	v4 =	vimm.s32 $0x2;
	s26 =	smax.u32 s13, $0x1;
	s13 =	simm.s32 $0x18890;
	[dreg:$0x1b] =	wrdreg s25  }
0x2a: {  	v5 =	vimm.s32 $0x3;
	v6 =	vimm.s32 $0x4;
	v7 =	vimm.s32 $0x5;
	s17 =	simm.s32 $0x1D890;
	s19 =	simm.s32 $0x1E090;
	[dreg:$0x1c] =	wrdreg s26  }
0x2b: {  	v8 =	vimm.s32 $0x6;
	v9 =	vimm.s32 $0x7;
	v1 =	vor.u32 $0x8, v1;
	s25 =	simm.s32 $0x18810;
	s26 =	simm.s32 $0x80;
	s1 =	simm.s32 $0x1  }
.LBB2_1:
0x2c: {  	s6 =	rddreg [dreg:$0x1];
	s10 =	simm.s32 $0x1F090  }
0x2d: {  	[tilespmem:s10], [sflag:$0x4] =	stream.linear.gather [hbm4b:s6+s9], $0x10, $0x38;
	[tilespmem:$0x1F0A0] =	vst v63  }
0x2e: {  	_ =	swait.ge [sflag:s12], $0x10  }
0x2f: {  	[sflag:s12] =	ssyncset.done $0x0  }
0x30: {  	s6 =	simm.s32 $0x188D0;
	[sflag:s12] =	ssyncadd.s32 $0xFFFFFFF0  }
0x31: {  	[tilespmem:s6+$0xFFFFFFD0] =	vst v0  }
0x32: {  	[tilespmem:s6+$0xFFFFFFE0] =	vst v0  }
0x33: {  	[tilespmem:s6+$0xFFFFFFF0] =	vst v0  }
0x34: {  	[tilespmem:s6+$0x0] =	vst v0  }
0x35: {  	[tilespmem:s6+$0x10] =	vst v0  }
0x36: {  	[tilespmem:s6+$0x20] =	vst v0  }
0x37: {  	[tilespmem:s6+$0x30] =	vst v0  }
0x38: {  	s10 =	simm.s32 $0x0;
	s9 =	simm.s32 $0x40;
	[tilespmem:s6+$0xFFFFFFC0] =	vst v0  }
.LBB2_2:
0x39: {  	p0 =	sne.s32 s9, $0x1FC0;
	[tilespmem:s10+$0x1D890] =	vst v0;
	s6 =	sadd.s32 $0x80, s6  }
0x3a: {  	[tilespmem:s6+$0xFFFFFFD0] =	vst v0  }
0x3b: {  	[tilespmem:s6+$0xFFFFFFE0] =	vst v0  }
0x3c: {  	[tilespmem:s6+$0xFFFFFFF0] =	vst v0  }
.Ltmp0:
0x3d: {  	[tilespmem:s6+$0x0] =	vst v0;
	(pc) =	sbr.rel @p0 .LBB2_2-.Ltmp0, $4  }
0x3e: {  	[tilespmem:s6+$0x10] =	vst v0  }
0x3f: {  	[tilespmem:s6+$0x20] =	vst v0  }
0x40: {  	[tilespmem:s6+$0x30] =	vst v0  }
0x41: {  	s10 =	sshra.s32 s9, $0x2;
	s9 =	sadd.s32 $0x40, s9;
	[tilespmem:s6+$0xFFFFFFC0] =	vst v0  }
0x42: {  	[tilespmem:s10+$0x1D890] =	vst v0  }
0x43: {  	[spmem:s16] =	stream.linear.scatter [tilespmem:s13], [sflag:$0x4], $0x3E80, $0x38;
	[tilespmem:$0x1F0A0] =	vst v63  }
0x44: {  	_ =	swait.ge [sflag:s12], $0x3E80  }
0x45: {  	[sflag:s12] =	ssyncset.done $0x0  }
0x46: {  	[sflag:s12] =	ssyncadd.s32 $0xFFFFC180  }
0x47: {  	[spmem:s18] =	stream.linear.scatter [tilespmem:s17], [sflag:$0x4], $0x7D0, $0x38;
	[tilespmem:$0x1F0A0] =	vst v63  }
0x48: {  	_ =	swait.ge [sflag:s12], $0x7D0  }
0x49: {  	[sflag:s12] =	ssyncset.done $0x0  }
0x4a: {  	s6 =	rddreg [dreg:$0xb];
	[sflag:s12] =	ssyncadd.s32 $0xFFFFF830  }
0x4b: {  	[spmem:s6] =	stream.linear.scatter [tilespmem:s13], [sflag:$0x4], $0x3E80, $0x38;
	[tilespmem:$0x1F0A0] =	vst v63  }
0x4c: {  	_ =	swait.ge [sflag:s12], $0x3E80  }
0x4d: {  	[sflag:s12] =	ssyncset.done $0x0  }
0x4e: {  	[sflag:s12] =	ssyncadd.s32 $0xFFFFC180  }
0x4f: {  	[spmem:s22] =	stream.linear.scatter [tilespmem:s17], [sflag:$0x4], $0x7D0, $0x38;
	[tilespmem:$0x1F0A0] =	vst v63  }
0x50: {  	_ =	swait.ge [sflag:s12], $0x7D0  }
0x51: {  	[sflag:s12] =	ssyncset.done $0x0  }
0x52: {  	s9 =	rddreg [dreg:$0xc];
	[sflag:s12] =	ssyncadd.s32 $0xFFFFF830  }
0x53: {  	[spmem:s9] =	stream.linear.scatter [tilespmem:s13], [sflag:$0x4], $0x3E80, $0x38;
	[tilespmem:$0x1F0A0] =	vst v63  }
0x54: {  	_ =	swait.ge [sflag:s12], $0x3E80  }
0x55: {  	[sflag:s12] =	ssyncset.done $0x0  }
0x56: {  	[sflag:s12] =	ssyncadd.s32 $0xFFFFC180  }
0x57: {  	[spmem:s24] =	stream.linear.scatter [tilespmem:s17], [sflag:$0x4], $0x7D0, $0x38;
	[tilespmem:$0x1F0A0] =	vst v63  }
0x58: {  	_ =	swait.ge [sflag:s12], $0x7D0  }
0x59: {  	[sflag:s12] =	ssyncset.done $0x0  }
0x5a: {  	s10 =	rddreg [dreg:$0xd];
	[sflag:s12] =	ssyncadd.s32 $0xFFFFF830  }
0x5b: {  	[spmem:s10] =	stream.linear.scatter [tilespmem:s13], [sflag:$0x4], $0x3E80, $0x38;
	[tilespmem:$0x1F0A0] =	vst v63  }
0x5c: {  	_ =	swait.ge [sflag:s12], $0x3E80  }
0x5d: {  	[sflag:s12] =	ssyncset.done $0x0  }
0x5e: {  	[sflag:s12] =	ssyncadd.s32 $0xFFFFC180  }
0x5f: {  	[spmem:s20] =	stream.linear.scatter [tilespmem:s17], [sflag:$0x4], $0x7D0, $0x38;
	[tilespmem:$0x1F0A0] =	vst v63  }
0x60: {  	_ =	swait.ge [sflag:s12], $0x7D0  }
0x61: {  	[sflag:s12] =	ssyncset.done $0x0  }
0x62: {  	s11 =	rddreg [dreg:$0xf];
	[sflag:s12] =	ssyncadd.s32 $0xFFFFF830  }
0x63: {  	[spmem:s11] =	stream.linear.scatter [tilespmem:s13], [sflag:$0x4], $0x3E80, $0x38;
	[tilespmem:$0x1F0A0] =	vst v63  }
0x64: {  	_ =	swait.ge [sflag:s12], $0x3E80  }
0x65: {  	[sflag:s12] =	ssyncset.done $0x0  }
0x66: {  	s15 =	rddreg [dreg:$0x10];
	[sflag:s12] =	ssyncadd.s32 $0xFFFFC180  }
0x67: {  	[spmem:s15] =	stream.linear.scatter [tilespmem:s17], [sflag:$0x4], $0x7D0, $0x38;
	[tilespmem:$0x1F0A0] =	vst v63  }
0x68: {  	_ =	swait.ge [sflag:s12], $0x7D0  }
0x69: {  	[sflag:s12] =	ssyncset.done $0x0  }
0x6a: {  	s20 =	simm.s32 $0x0;
	s9 =	rddreg [dreg:$0x6];
	[sflag:s12] =	ssyncadd.s32 $0xFFFFF830  }
0x6b: {  	[tilespmem:s19], [sflag:$0x4] =	stream.linear.gather [hbm4b:s9+s20], $0x800, $0x38;
	[tilespmem:$0x1F0A0] =	vst v63  }
0x6c: {  	_ =	swait.ge [sflag:s12], $0x800  }
0x6d: {  	[sflag:s12] =	ssyncset.done $0x0  }
0x6e: {  	s6 =	simm.s32 $0x0;
	[sflag:s12] =	ssyncadd.s32 $0xFFFFF800  }
0x6f: {  	s9 =	simm.s32 $0x40;
	v10 =	vld [tilespmem:s6+$0x1E090]  }
.LBB2_4:
0x70: {  	p0 =	sne.s32 s9, $0x1FC0  }
.Ltmp1:
0x71: {  	_ = 	snop;
	(pc) =	sbr.rel @p0 .LBB2_4-.Ltmp1, $3  }
0x72: {  	_ =	sdelay $0x1  }
0x73: {  	[tilespmem:s6+$0x1E890] =	vst v10;
	s6 =	sshra.s32 s9, $0x2;
	s9 =	sadd.s32 $0x40, s9  }
0x74: {  	v10 =	vld [tilespmem:s6+$0x1E090]  }
0x75: {  	_ =	sdelay $0x3  }
0x76: {  	s15 =	rddreg [dreg:$0x11];
	[tilespmem:s6+$0x1E890] =	vst v10  }
0x77: {  	[spmem:s15] =	stream.linear.scatter [tilespmem:s21], [sflag:$0x4], $0x800, $0x38;
	[tilespmem:$0x1F0A0] =	vst v63  }
0x78: {  	_ =	swait.ge [sflag:s12], $0x800  }
0x79: {  	[sflag:s12] =	ssyncset.done $0x0  }
0x7a: {  	s20 =	simm.s32 $0x0;
	s9 =	rddreg [dreg:$0x7];
	[sflag:s12] =	ssyncadd.s32 $0xFFFFF800  }
0x7b: {  	[tilespmem:s19], [sflag:$0x4] =	stream.linear.gather [hbm4b:s9+s20], $0x800, $0x38;
	[tilespmem:$0x1F0A0] =	vst v63  }
0x7c: {  	_ =	swait.ge [sflag:s12], $0x800  }
0x7d: {  	[sflag:s12] =	ssyncset.done $0x0  }
0x7e: {  	s6 =	simm.s32 $0x0;
	[sflag:s12] =	ssyncadd.s32 $0xFFFFF800  }
0x7f: {  	s9 =	simm.s32 $0x40;
	v10 =	vld [tilespmem:s6+$0x1E090]  }
.LBB2_6:
0x80: {  	p0 =	sne.s32 s9, $0x1FC0  }
.Ltmp2:
0x81: {  	_ = 	snop;
	(pc) =	sbr.rel @p0 .LBB2_6-.Ltmp2, $3  }
0x82: {  	_ =	sdelay $0x1  }
0x83: {  	[tilespmem:s6+$0x1E890] =	vst v10;
	s6 =	sshra.s32 s9, $0x2;
	s9 =	sadd.s32 $0x40, s9  }
0x84: {  	v10 =	vld [tilespmem:s6+$0x1E090]  }
0x85: {  	_ =	sdelay $0x3  }
0x86: {  	s15 =	rddreg [dreg:$0x12];
	[tilespmem:s6+$0x1E890] =	vst v10  }
0x87: {  	[spmem:s15] =	stream.linear.scatter [tilespmem:s21], [sflag:$0x4], $0x800, $0x38;
	[tilespmem:$0x1F0A0] =	vst v63  }
0x88: {  	_ =	swait.ge [sflag:s12], $0x800  }
0x89: {  	s20 =	smov.u32 s18;
	[sflag:s12] =	ssyncset.done $0x0  }
0x8a: {  	s18 =	simm.s32 $0x0;
	s9 =	rddreg [dreg:$0x8];
	[sflag:s12] =	ssyncadd.s32 $0xFFFFF800  }
0x8b: {  	[tilespmem:s19], [sflag:$0x4] =	stream.linear.gather [hbm4b:s9+s18], $0x800, $0x38;
	[tilespmem:$0x1F0A0] =	vst v63  }
0x8c: {  	_ =	swait.ge [sflag:s12], $0x800  }
0x8d: {  	[sflag:s12] =	ssyncset.done $0x0  }
0x8e: {  	s6 =	simm.s32 $0x0;
	[sflag:s12] =	ssyncadd.s32 $0xFFFFF800  }
0x8f: {  	s9 =	simm.s32 $0x40;
	v10 =	vld [tilespmem:s6+$0x1E090]  }
.LBB2_8:
0x90: {  	p0 =	sne.s32 s9, $0x1FC0  }
.Ltmp3:
0x91: {  	_ = 	snop;
	(pc) =	sbr.rel @p0 .LBB2_8-.Ltmp3, $3  }
0x92: {  	_ =	sdelay $0x1  }
0x93: {  	[tilespmem:s6+$0x1E890] =	vst v10;
	s6 =	sshra.s32 s9, $0x2;
	s9 =	sadd.s32 $0x40, s9  }
0x94: {  	v10 =	vld [tilespmem:s6+$0x1E090]  }
0x95: {  	_ =	sdelay $0x3  }
0x96: {  	s15 =	rddreg [dreg:$0x13];
	[tilespmem:s6+$0x1E890] =	vst v10  }
0x97: {  	[spmem:s15] =	stream.linear.scatter [tilespmem:s21], [sflag:$0x4], $0x800, $0x38;
	[tilespmem:$0x1F0A0] =	vst v63  }
0x98: {  	_ =	swait.ge [sflag:s12], $0x800  }
0x99: {  	s18 =	smov.u32 s16;
	[sflag:s12] =	ssyncset.done $0x0  }
0x9a: {  	s16 =	simm.s32 $0x0;
	s9 =	rddreg [dreg:$0x9];
	[sflag:s12] =	ssyncadd.s32 $0xFFFFF800  }
0x9b: {  	[tilespmem:s19], [sflag:$0x4] =	stream.linear.gather [hbm4b:s9+s16], $0x800, $0x38;
	[tilespmem:$0x1F0A0] =	vst v63  }
0x9c: {  	_ =	swait.ge [sflag:s12], $0x800  }
0x9d: {  	[sflag:s12] =	ssyncset.done $0x0  }
0x9e: {  	s6 =	simm.s32 $0x0;
	[sflag:s12] =	ssyncadd.s32 $0xFFFFF800  }
0x9f: {  	s9 =	simm.s32 $0x40;
	v10 =	vld [tilespmem:s6+$0x1E090]  }
.LBB2_10:
0xa0: {  	p0 =	sne.s32 s9, $0x1FC0  }
.Ltmp4:
0xa1: {  	_ = 	snop;
	(pc) =	sbr.rel @p0 .LBB2_10-.Ltmp4, $3  }
0xa2: {  	_ =	sdelay $0x1  }
0xa3: {  	[tilespmem:s6+$0x1E890] =	vst v10;
	s6 =	sshra.s32 s9, $0x2;
	s9 =	sadd.s32 $0x40, s9  }
0xa4: {  	v10 =	vld [tilespmem:s6+$0x1E090]  }
0xa5: {  	_ =	sdelay $0x3  }
0xa6: {  	s15 =	rddreg [dreg:$0x14];
	[tilespmem:s6+$0x1E890] =	vst v10  }
0xa7: {  	[spmem:s15] =	stream.linear.scatter [tilespmem:s21], [sflag:$0x4], $0x800, $0x38;
	[tilespmem:$0x1F0A0] =	vst v63  }
0xa8: {  	_ =	swait.ge [sflag:s12], $0x800  }
0xa9: {  	[sflag:s12] =	ssyncset.done $0x0  }
0xaa: {  	s16 =	simm.s32 $0x0;
	s9 =	rddreg [dreg:$0xa];
	[sflag:s12] =	ssyncadd.s32 $0xFFFFF800  }
0xab: {  	[tilespmem:s19], [sflag:$0x4] =	stream.linear.gather [hbm4b:s9+s16], $0x800, $0x38;
	[tilespmem:$0x1F0A0] =	vst v63  }
0xac: {  	_ =	swait.ge [sflag:s12], $0x800  }
0xad: {  	[sflag:s12] =	ssyncset.done $0x0  }
0xae: {  	s6 =	simm.s32 $0x0;
	[sflag:s12] =	ssyncadd.s32 $0xFFFFF800  }
0xaf: {  	s9 =	simm.s32 $0x40;
	v10 =	vld [tilespmem:s6+$0x1E090]  }
.LBB2_12:
0xb0: {  	p0 =	sne.s32 s9, $0x1FC0  }
.Ltmp5:
0xb1: {  	_ = 	snop;
	(pc) =	sbr.rel @p0 .LBB2_12-.Ltmp5, $3  }
0xb2: {  	_ =	sdelay $0x1  }
0xb3: {  	[tilespmem:s6+$0x1E890] =	vst v10;
	s6 =	sshra.s32 s9, $0x2;
	s9 =	sadd.s32 $0x40, s9  }
0xb4: {  	v10 =	vld [tilespmem:s6+$0x1E090]  }
0xb5: {  	_ =	sdelay $0x3  }
0xb6: {  	s16 =	rddreg [dreg:$0x15];
	[tilespmem:s6+$0x1E890] =	vst v10  }
0xb7: {  	[spmem:s16] =	stream.linear.scatter [tilespmem:s21], [sflag:$0x4], $0x800, $0x38;
	[tilespmem:$0x1F0A0] =	vst v63  }
0xb8: {  	_ =	swait.ge [sflag:s12], $0x800  }
0xb9: {  	[sflag:s12] =	ssyncset.done $0x0  }
0xba: {  	[sflag:s12] =	ssyncadd.s32 $0xFFFFF800  }
0xbb: {  	[bflag:$0x0] =	sbarrier.arrive $0xFFFF  }
0xbc: {  	s9 =	simm.s32 $0x0;
	s6 =	simm.s32 $0x0;
	v10 =	vld [tilespmem:$0x1F090]  }
.LBB2_14:
0xbd: {  	s10 =	sshll.u32 s9, $0x7  }
0xbe: {  	s10 =	sadd.s32 s31, s10  }
0xbf: {  	s10 =	sshrl.u32 s10, $0x3  }
0xc0: {  	s11 =	sadd.s32 s8, s10  }
0xc1: {  	[tilespmem:s23], [sflag:$0x4] =	stream.linear.gather [hbm4b:s11+s6], $0x80, $0x38;
	[tilespmem:$0x1F0A0] =	vst v63  }
0xc2: {  	_ =	swait.ge [sflag:s12], $0x80  }
0xc3: {  	[sflag:s12] =	ssyncset.done $0x0  }
0xc4: {  	s10 =	sadd.s32 s14, s10;
	[sflag:s12] =	ssyncadd.s32 $0xFFFFFF80  }
0xc5: {  	[tilespmem:s25], [sflag:$0x4] =	stream.linear.gather [hbm4b:s10+s6], $0x80, $0x38;
	[tilespmem:$0x1F0A0] =	vst v63  }
0xc6: {  	_ =	swait.ge [sflag:s12], $0x80  }
0xc7: {  	[sflag:s12] =	ssyncset.done $0x0  }
0xc8: {  	[sflag:s12] =	ssyncadd.s32 $0xFFFFFF80  }
0xc9: {  	[tilespmem:s13], [sflag:$0x1] =	stream.indirect.gather [hbm4b:s7+s26], $0x80, s23, s26, $0xb8;
	[tilespmem:$0x1F0A0] =	vst v63  }
0xca: {  	_ = 	snop  }
0xcb: {  	[tilespmem:s28], [sflag:$0x2] =	stream.indirect.gather [spmem:s5], $0x10, s23, s26, $0xb8;
	[tilespmem:$0x1F0A0] =	vst v63  }
0xcc: {  	_ = 	snop  }
0xcd: {  	[tilespmem:s29], [sflag:$0x3] =	stream.indirect.gather [spmem:s5], $0x10, s25, s26, $0xb8;
	[tilespmem:$0x1F0A0] =	vst v63  }
0xce: {  	_ =	swait.ge [sflag:s30], $0x800  }
0xcf: {  	[sflag:s30] =	ssyncset.done $0x0  }
0xd0: {  	[sflag:s30] =	ssyncadd.s32 $0xFFFFF800  }
0xd1: {  	_ =	swait.ge [sflag:s0], $0x800  }
0xd2: {  	[sflag:s0] =	ssyncset.done $0x0  }
0xd3: {  	[sflag:s0] =	ssyncadd.s32 $0xFFFFF800  }
0xd4: {  	_ =	swait.ge [sflag:s1], $0x4000  }
0xd5: {  	[sflag:s1] =	ssyncset.done $0x0  }
0xd6: {  	s16 =	simm.s32 $0x0;
	[sflag:s1] =	ssyncadd.s32 $0xFFFFC000  }
0xd7: {  	v11 =	vld [tilespmem:s16+$0x1D090];
	_ =	sdelay $0x1  }
0xd8: {  	v12 =	vld [tilespmem:s16+$0x1C890];
	_ =	sdelay $0x2  }
0xd9: {  	v11 =	vperm.xlane v11, v1;
	_ =	sdelay $0x1  }
0xda: {  	v11 =	vadd.f32 v11, v12;
	_ =	sdelay $0x1  }
0xdb: {  	v12 =	vmul.f32 $2.000000030e-01, v11  }
0xdc: {  	vm0 =	vgt.f32 v11, $0.0e+00  }
0xdd: {  	v11 =	vsel vm0, v11, v12  }
0xde: {  	v11 =	vsub.f32 v11, v10;
	_ =	sdelay $0x1  }
0xdf: {  	v11 =	vmul.f32 $1.442695020e+00, v11;
	_ =	sdelay $0x1  }
0xe0: {  	(erf) = vpow2.f32 v11;
	_ =	sdelay $0x8  }
0xe1: {  	v11 =	vpop (erf)  }
0xe2: {  	s10 =	simm.s32 $0x188D0;
	[tilespmem:s16+$0x1D890] =	vst v11  }
0xe3: {  	v20 =	vld [tilespmem:s10+$0x30]  }
0xe4: {  	v17 =	vld [tilespmem:s10+$0xFFFFFFE0]  }
0xe5: {  	v16 =	vld [tilespmem:s10+$0x10]  }
0xe6: {  	v21 =	vperm.xlane v11, v9;
	v14 =	vld [tilespmem:s10+$0x20]  }
0xe7: {  	v12 =	vperm.xlane v11, v8;
	v18 =	vperm.xlane v11, v4;
	v15 =	vld [tilespmem:s10+$0x0]  }
0xe8: {  	s15 =	simm.s32 $0x188D0;
	s11 =	simm.s32 $0x40;
	v19 =	vperm.xlane v11, v7;
	v13 =	vld [tilespmem:s10+$0xFFFFFFF0];
	v20 =	vmul.f32 v20, v21  }
.LBB2_15:
0xe9: {  	p0 =	sne.s32 s11, $0x1FC0  }
0xea: {  	v21 =	vld [tilespmem:s10+$0xFFFFFFC0];
	v17 =	vmul.f32 v17, v18;
	s15 =	sadd.s32 $0x80, s15;
	s16 =	smov.u32 s11;
	s11 =	sadd.s32 $0x40, s11  }
0xeb: {  	v22 =	vperm.xlane v11, v6;
	v18 =	vld [tilespmem:s10+$0xFFFFFFD0];
	v16 =	vmul.f32 v16, v19;
	[tilespmem:s10+$0x30] =	vst v20  }
0xec: {  	[tilespmem:s10+$0xFFFFFFE0] =	vst v17;
	v17 =	vperm.xlane v11, v5;
	v12 =	vmul.f32 v14, v12  }
0xed: {  	v14 =	vperm.xlane v11, v2;
	v15 =	vmul.f32 v15, v22;
	[tilespmem:s10+$0x10] =	vst v16  }
0xee: {  	v11 =	vperm.xlane v11, v3;
	v13 =	vmul.f32 v13, v17;
	[tilespmem:s10+$0x20] =	vst v12  }
0xef: {  	v12 =	vmul.f32 v21, v14;
	[tilespmem:s10+$0x0] =	vst v15  }
0xf0: {  	v11 =	vmul.f32 v18, v11;
	[tilespmem:s10+$0xFFFFFFF0] =	vst v13  }
0xf1: {  	s16 =	sshra.s32 s16, $0x2;
	[tilespmem:s10+$0xFFFFFFC0] =	vst v12  }
0xf2: {  	[tilespmem:s10+$0xFFFFFFD0] =	vst v11;
	s10 =	smov.u32 s15  }
0xf3: {  	v11 =	vld [tilespmem:s16+$0x1D090]  }
0xf4: {  	v12 =	vld [tilespmem:s16+$0x1C890];
	_ =	sdelay $0x3  }
0xf5: {  	v11 =	vperm.xlane v11, v1;
	_ =	sdelay $0x1  }
0xf6: {  	v11 =	vadd.f32 v11, v12;
	_ =	sdelay $0x1  }
0xf7: {  	vm0 =	vgt.f32 v11, $0.0e+00;
	v12 =	vmul.f32 $2.000000030e-01, v11;
	_ =	sdelay $0x1  }
0xf8: {  	v11 =	vsel vm0, v11, v12  }
0xf9: {  	v11 =	vsub.f32 v11, v10;
	_ =	sdelay $0x1  }
0xfa: {  	v11 =	vmul.f32 $1.442695020e+00, v11;
	_ =	sdelay $0x1  }
0xfb: {  	(erf) = vpow2.f32 v11;
	_ =	sdelay $0x8  }
0xfc: {  	v11 =	vpop (erf)  }
0xfd: {  	[tilespmem:s16+$0x1D890] =	vst v11;
	v12 =	vperm.xlane v11, v8  }
0xfe: {  	v20 =	vld [tilespmem:s15+$0x30]  }
.Ltmp6:
0xff: {  	v17 =	vld [tilespmem:s15+$0xFFFFFFE0];
	(pc) =	sbr.rel @p0 .LBB2_15-.Ltmp6, $4  }
0x100: {  	v21 =	vperm.xlane v11, v9;
	v16 =	vld [tilespmem:s15+$0x10]  }
0x101: {  	v18 =	vperm.xlane v11, v4;
	v14 =	vld [tilespmem:s15+$0x20]  }
0x102: {  	v15 =	vld [tilespmem:s15+$0x0]  }
0x103: {  	v19 =	vperm.xlane v11, v7;
	v13 =	vld [tilespmem:s15+$0xFFFFFFF0];
	v20 =	vmul.f32 v20, v21  }
0x104: {  	v21 =	vld [tilespmem:s10+$0xFFFFFFC0];
	v17 =	vmul.f32 v17, v18  }
0x105: {  	v60 =	vld [tilespmem:s10+$0xFFFFFFD0];
	v22 =	vperm.xlane v11, v6;
	v16 =	vmul.f32 v16, v19;
	[tilespmem:s10+$0x30] =	vst v20  }
0x106: {  	v61 =	vperm.xlane v11, v5;
	[tilespmem:s10+$0xFFFFFFE0] =	vst v17;
	v12 =	vmul.f32 v14, v12  }
0x107: {  	v62 =	vperm.xlane v11, v2;
	v15 =	vmul.f32 v15, v22;
	[tilespmem:s10+$0x10] =	vst v16  }
0x108: {  	v11 =	vperm.xlane v11, v3;
	v13 =	vmul.f32 v13, v61;
	[tilespmem:s10+$0x20] =	vst v12  }
0x109: {  	v63 =	vmul.f32 v21, v62;
	[tilespmem:s10+$0x0] =	vst v15  }
0x10a: {  	v11 =	vmul.f32 v60, v11;
	[tilespmem:s10+$0xFFFFFFF0] =	vst v13  }
0x10b: {  	[tilespmem:s10+$0xFFFFFFC0] =	vst v63  }
0x10c: {  	[tilespmem:s10+$0xFFFFFFD0] =	vst v11  }
0x10d: {  	[spmem:s2] =	stream.indirect.scatter.add.f32 [tilespmem:s13], [sflag:$0x4], $0x80, s25, s26, $0xb8;
	[tilespmem:$0x1F0A0] =	vst v63  }
0x10e: {  	s9 =	sadd.s32 $0x1, s9;
	_ =	swait.ge [sflag:s12], $0x4000  }
0x10f: {  	p0 =	sne.s32 s9, $0x51;
	[sflag:s12] =	ssyncset.done $0x0  }
.Ltmp7:
0x110: {  	[sflag:s12] =	ssyncadd.s32 $0xFFFFC000;
	(pc) =	sbr.rel @p0 .LBB2_14-.Ltmp7, $4  }
0x111: {  	[spmem:s4] =	stream.indirect.scatter.add.f32 [tilespmem:s17], [sflag:$0x4], $0x10, s25, s26, $0xb8;
	[tilespmem:$0x1F0A0] =	vst v63  }
0x112: {  	_ =	swait.ge [sflag:s12], $0x800  }
0x113: {  	[sflag:s12] =	ssyncset.done $0x0  }
0x114: {  	[sflag:s12] =	ssyncadd.s32 $0xFFFFF800  }
0x115: {  	s6 =	stileid.u32  }
0x116: {  	[bflag:$0x0] =	sbarrier.arrive $0xFFFF;
	s6 =	sshll.u32 s6, $0x6  }
0x117: {  	s9 =	sshrl.u32 s18, $0x3;
	s10 =	rddreg [dreg:$0x16];
	s6 =	sor.u32 $0x1C04, s6  }
0x118: {  	[hbm:s10], [sflag:s6] =	dma.local [spmem:s9], $0x2710  }
0x119: {  	_ =	swait.ge [sflag:s12], $0x2710  }
0x11a: {  	[sflag:s12] =	ssyncset.done $0x0  }
0x11b: {  	[sflag:s12] =	ssyncadd.s32 $0xFFFFD8F0  }
0x11c: {  	[tilespmem:s21], [sflag:$0x4] =	stream.linear.gather [spmem:s20], $0x7D0, $0x38;
	[tilespmem:$0x1F0A0] =	vst v63  }
0x11d: {  	_ =	swait.ge [sflag:s12], $0x7D0  }
0x11e: {  	[sflag:s12] =	ssyncset.done $0x0  }
0x11f: {  	s6 =	simm.s32 $0x0;
	[sflag:s12] =	ssyncadd.s32 $0xFFFFF830  }
0x120: {  	s16 =	smov.u32 s18;
	s18 =	smov.u32 s20;
	s9 =	simm.s32 $0x40;
	v10 =	vld [tilespmem:s6+$0x1E890]  }
.LBB2_18:
0x121: {  	p0 =	sne.s32 s9, $0x1F00  }
.Ltmp8:
0x122: {  	_ = 	snop;
	(pc) =	sbr.rel @p0 .LBB2_18-.Ltmp8, $3  }
0x123: {  	_ =	sdelay $0x1  }
0x124: {  	[tilespmem:s6+$0x1E090] =	vst v10;
	s6 =	sshra.s32 s9, $0x2;
	s9 =	sadd.s32 $0x40, s9  }
0x125: {  	v10 =	vld [tilespmem:s6+$0x1E890]  }
0x126: {  	_ =	sdelay $0x3  }
0x127: {  	s20 =	simm.s32 $0x0;
	s9 =	rddreg [dreg:$0x17];
	[tilespmem:s6+$0x1E090] =	vst v10  }
0x128: {  	[hbm4b:s9+s20] =	stream.linear.scatter [tilespmem:s19], [sflag:$0x4], $0x7D0, $0x38;
	[tilespmem:$0x1F0A0] =	vst v63  }
0x129: {  	_ =	swait.ge [sflag:s12], $0x7D0  }
0x12a: {  	[sflag:s12] =	ssyncset.done $0x0  }
0x12b: {  	[sflag:s12] =	ssyncadd.s32 $0xFFFFF830  }
0x12c: {  	[tilespmem:s21], [sflag:$0x4] =	stream.linear.gather [spmem:s22], $0x7D0, $0x38;
	[tilespmem:$0x1F0A0] =	vst v63  }
0x12d: {  	_ =	swait.ge [sflag:s12], $0x7D0  }
0x12e: {  	[sflag:s12] =	ssyncset.done $0x0  }
0x12f: {  	s6 =	simm.s32 $0x0;
	[sflag:s12] =	ssyncadd.s32 $0xFFFFF830  }
0x130: {  	s9 =	simm.s32 $0x40;
	s20 =	rddreg [dreg:$0xe];
	v10 =	vld [tilespmem:s6+$0x1E890]  }
.LBB2_20:
0x131: {  	p0 =	sne.s32 s9, $0x1F00  }
.Ltmp9:
0x132: {  	_ = 	snop;
	(pc) =	sbr.rel @p0 .LBB2_20-.Ltmp9, $3  }
0x133: {  	_ =	sdelay $0x1  }
0x134: {  	[tilespmem:s6+$0x1E090] =	vst v10;
	s6 =	sshra.s32 s9, $0x2;
	s9 =	sadd.s32 $0x40, s9  }
0x135: {  	v10 =	vld [tilespmem:s6+$0x1E890]  }
0x136: {  	_ =	sdelay $0x3  }
0x137: {  	s15 =	simm.s32 $0x0;
	s9 =	rddreg [dreg:$0x18];
	[tilespmem:s6+$0x1E090] =	vst v10  }
0x138: {  	[hbm4b:s9+s15] =	stream.linear.scatter [tilespmem:s19], [sflag:$0x4], $0x7D0, $0x38;
	[tilespmem:$0x1F0A0] =	vst v63  }
0x139: {  	_ =	swait.ge [sflag:s12], $0x7D0  }
0x13a: {  	[sflag:s12] =	ssyncset.done $0x0  }
0x13b: {  	[sflag:s12] =	ssyncadd.s32 $0xFFFFF830  }
0x13c: {  	[tilespmem:s21], [sflag:$0x4] =	stream.linear.gather [spmem:s24], $0x7D0, $0x38;
	[tilespmem:$0x1F0A0] =	vst v63  }
0x13d: {  	_ =	swait.ge [sflag:s12], $0x7D0  }
0x13e: {  	[sflag:s12] =	ssyncset.done $0x0  }
0x13f: {  	s6 =	simm.s32 $0x0;
	[sflag:s12] =	ssyncadd.s32 $0xFFFFF830  }
0x140: {  	s9 =	simm.s32 $0x40;
	v10 =	vld [tilespmem:s6+$0x1E890]  }
.LBB2_22:
0x141: {  	p0 =	sne.s32 s9, $0x1F00  }
.Ltmp10:
0x142: {  	_ = 	snop;
	(pc) =	sbr.rel @p0 .LBB2_22-.Ltmp10, $3  }
0x143: {  	_ =	sdelay $0x1  }
0x144: {  	[tilespmem:s6+$0x1E090] =	vst v10;
	s6 =	sshra.s32 s9, $0x2;
	s9 =	sadd.s32 $0x40, s9  }
0x145: {  	v10 =	vld [tilespmem:s6+$0x1E890]  }
0x146: {  	_ =	sdelay $0x3  }
0x147: {  	s15 =	simm.s32 $0x0;
	s9 =	rddreg [dreg:$0x19];
	[tilespmem:s6+$0x1E090] =	vst v10  }
0x148: {  	[hbm4b:s9+s15] =	stream.linear.scatter [tilespmem:s19], [sflag:$0x4], $0x7D0, $0x38;
	[tilespmem:$0x1F0A0] =	vst v63  }
0x149: {  	_ =	swait.ge [sflag:s12], $0x7D0  }
0x14a: {  	[sflag:s12] =	ssyncset.done $0x0  }
0x14b: {  	[sflag:s12] =	ssyncadd.s32 $0xFFFFF830  }
0x14c: {  	[tilespmem:s21], [sflag:$0x4] =	stream.linear.gather [spmem:s20], $0x7D0, $0x38;
	[tilespmem:$0x1F0A0] =	vst v63  }
0x14d: {  	_ =	swait.ge [sflag:s12], $0x7D0  }
0x14e: {  	[sflag:s12] =	ssyncset.done $0x0  }
0x14f: {  	s6 =	simm.s32 $0x0;
	[sflag:s12] =	ssyncadd.s32 $0xFFFFF830  }
0x150: {  	s9 =	simm.s32 $0x40;
	v10 =	vld [tilespmem:s6+$0x1E890]  }
.LBB2_24:
0x151: {  	p0 =	sne.s32 s9, $0x1F00  }
.Ltmp11:
0x152: {  	_ = 	snop;
	(pc) =	sbr.rel @p0 .LBB2_24-.Ltmp11, $3  }
0x153: {  	_ =	sdelay $0x1  }
0x154: {  	[tilespmem:s6+$0x1E090] =	vst v10;
	s6 =	sshra.s32 s9, $0x2;
	s9 =	sadd.s32 $0x40, s9  }
0x155: {  	v10 =	vld [tilespmem:s6+$0x1E890]  }
0x156: {  	_ =	sdelay $0x3  }
0x157: {  	s11 =	simm.s32 $0x0;
	s9 =	rddreg [dreg:$0x1a];
	[tilespmem:s6+$0x1E090] =	vst v10  }
0x158: {  	[hbm4b:s9+s11] =	stream.linear.scatter [tilespmem:s19], [sflag:$0x4], $0x7D0, $0x38;
	[tilespmem:$0x1F0A0] =	vst v63  }
0x159: {  	_ =	swait.ge [sflag:s12], $0x7D0  }
0x15a: {  	[sflag:s12] =	ssyncset.done $0x0  }
0x15b: {  	s15 =	rddreg [dreg:$0x10];
	[sflag:s12] =	ssyncadd.s32 $0xFFFFF830  }
0x15c: {  	[tilespmem:s21], [sflag:$0x4] =	stream.linear.gather [spmem:s15], $0x7D0, $0x38;
	[tilespmem:$0x1F0A0] =	vst v63  }
0x15d: {  	_ =	swait.ge [sflag:s12], $0x7D0  }
0x15e: {  	[sflag:s12] =	ssyncset.done $0x0  }
0x15f: {  	s6 =	simm.s32 $0x0;
	[sflag:s12] =	ssyncadd.s32 $0xFFFFF830  }
0x160: {  	s9 =	simm.s32 $0x40;
	v10 =	vld [tilespmem:s6+$0x1E890]  }
.LBB2_26:
0x161: {  	p0 =	sne.s32 s9, $0x1F00  }
.Ltmp12:
0x162: {  	_ = 	snop;
	(pc) =	sbr.rel @p0 .LBB2_26-.Ltmp12, $3  }
0x163: {  	_ =	sdelay $0x1  }
0x164: {  	[tilespmem:s6+$0x1E090] =	vst v10;
	s6 =	sshra.s32 s9, $0x2;
	s9 =	sadd.s32 $0x40, s9  }
0x165: {  	v10 =	vld [tilespmem:s6+$0x1E890]  }
0x166: {  	_ =	sdelay $0x3  }
0x167: {  	s9 =	simm.s32 $0x0;
	s11 =	rddreg [dreg:$0x1b];
	[tilespmem:s6+$0x1E090] =	vst v10  }
0x168: {  	[hbm4b:s11+s9] =	stream.linear.scatter [tilespmem:s19], [sflag:$0x4], $0x7D0, $0x38;
	[tilespmem:$0x1F0A0] =	vst v63  }
0x169: {  	_ =	swait.ge [sflag:s12], $0x7D0  }
0x16a: {  	s3 =	sadd.s32 $0x1, s3;
	s15 =	rddreg [dreg:$0x1c]  }
0x16b: {  	p0 =	sne.s32 s3, s15  }
.Ltmp13:
0x16c: {  	_ = 	snop;
	(pc) =	sbr.rel @p0 .LBB2_1-.Ltmp13, $3  }
0x16d: {  	_ =	sdelay $0x1  }
0x16e: {  	[sflag:s12] =	ssyncset.done $0x0  }
0x16f: {  	[sflag:s12] =	ssyncadd.s32 $0xFFFFF830  }
0x170: {  	_ =	sfence.sel $0x180000  }
0x171: {  	[bflag:$0x0] =	sbarrier.arrive $0xFFFF  }
0x172: {  	_ =	strace $0x9000004A  }
0x173: {  	s0 =	stileid.u32;
	[bflag:$0x2] =	sbarrier.arrive $0xFFFF  }
0x174: {  	p0 =	sne.s32 s0, $0x0;
	s0 =	rddreg [dreg:$0x5]  }
0x175: {  	s0 =	sadd.s32 @!p0 $0x100000, s0  }
0x176: {  	[sflag:s0] =	ssyncadd.tile.s32 @!p0 $0x1;
	_ =	shalt  }
.Lfunc_end2:
_tile_overlayer_lowered:
.L_overlay_start_2:
0x177: {  	(tag) =	ssettag $0x2  }
0x178: {  	s0 =	rddreg [dreg:$0x0];
	s2 =	stileid.u32  }
0x179: {  	s1 =	rddreg [dreg:$0x1];
	p0 =	sne.s32 s2, $0x0  }
0x17a: {  	s3 =	rddreg [dreg:$0x2];
	[bflag:$0x3] =	sbarrier.arrive $0xFFFF;
	s2 =	simm.s32 @!p0 $0x1C04  }
0x17b: {  	[timem:s3], [sflag:s2] =	dma.local @!p0 [hbm:s0], s1  }
0x17c: {  	s0 =	simm.s32 @!p0 $0x4  }
0x17d: {  	_ =	swait.ge @!p0 [sflag:s0], s1  }
0x17e: {  	s1 =	ssub.s32 @!p0 $0x0, s1;
	[sflag:s0] =	ssyncset.done @!p0 $0x0  }
0x17f: {  	[sflag:s0] =	ssyncadd.s32 @!p0 s1  }
0x180: {  	[bflag:$0x3] =	sbarrier.arrive $0xFFFF  }
0x181: {  	_ =	shalt  }

// kernel: kernel.15.cloned.1.call-start
scs
__scs_entry_jumppad:
0x0: {  	(pc) =	sbr.rel $0x88, $3  }
0x1: {  	(tag) =	ssettag $0x0;
	lr =	simm.s32 $0x1  }
0x2: {  	[smem:$0x3F84] =	sst lr;
	_ =	strace $0xD0000000  }
0x3: {  	_ = 	snop  }
0x4: {  	_ = 	snop  }
0x5: {  	_ = 	snop  }
0x6: {  	_ = 	snop  }
0x7: {  	_ = 	snop  }
__scs_overlays_trampoline_lowered:
0x8: {  	[smem:$0x3F93] =	sst s0  }
0x9: {  	[smem:$0x3F94] =	sst s1  }
0xa: {  	[smem:$0x3F95] =	sst s2  }
0xb: {  	[smem:$0x3F96] =	sst s3  }
0xc: {  	[smem:$0x3F97] =	sst s4  }
0xd: {  	[smem:$0x3F98] =	sst s5  }
0xe: {  	[smem:$0x3F99] =	sst s6  }
0xf: {  	[smem:$0x3F9A] =	sst s7  }
0x10: {  	[smem:$0x3F9B] =	sst s8  }
0x11: {  	[smem:$0x3F9C] =	sst s9;
	s0 =	simm.s32 @!p0 $0x0  }
0x12: {  	s1 =	sld [smem:$0x3F82];
	s0 =	simm.s32 @p0 $0x1  }
0x13: {  	[smem:$0x3F9D] =	sst s0;
	s0 =	simm.s32 @!p1 $0x0  }
0x14: {  	s2 =	sld [smem:$0x3F81];
	s0 =	simm.s32 @p1 $0x1  }
0x15: {  	[smem:$0x3F9E] =	sst s0;
	s0 =	simm.s32 @!p2 $0x0  }
0x16: {  	s3 =	sld [smem:$0x3FDB];
	s0 =	simm.s32 @p2 $0x1  }
0x17: {  	s4 =	simm.s32 $0x1BF5;
	[smem:$0x3FA0] =	sst s0  }
0x18: {  	s0 =	sld [smem:$0x3F83];
	_ =	swait.ge [sflag:s4], $0x0  }
0x19: {  	s7 =	sld [smem:$0x3F84]  }
0x1a: {  	s8 =	sadd.s32 $0xFFFFE003, lr  }
0x1b: {  	s9 =	sadd.s32 $0xFFFFFEF7, lr;
	s5 =	simm.s32 $0xFFFFFFFF;
	p2 =	slt.u32 s8, $0xFFFFF086  }
0x1c: {  	p1 =	slt.u32 s9, $0xF7A;
	s5 =	simm.s32 @!p2 $0x0  }
0x1d: {  	s5 =	simm.s32 @p1 $0x1;
	p0 =	seq.s32 s7, s2  }
0x1e: {  	s7 =	smul.u32 @!p0 $0xF7A, s2;
	p2 =	seq.s32 @!p0 s5, $0x0  }
0x1f: {  	s9 =	smul.u32 $0xF7A, s1;
	s8 =	simm.s32 @!p0 $0x1BF5;
	p2 =	por !p2, p0  }
0x20: {  	[sflag:s8] =	ssyncset.s32 @!p0 $0xFFFFF086;
	s6 =	sadd.s32 @!p0 s3, s7;
	s7 =	simm.s32 @!p0 $0x108  }
0x21: {  	s3 =	sadd.s32 s3, s9;
	s6 =	sadd.s32 @!p0 $0x88, s6;
	s7 =	simm.s32 @p2 $0x1082  }
0x22: {  	[simem:s7], [sflag:s8] =	dma.local @!p0 [hbm:s6], $0xF7A  }
0x23: {  	s9 =	sor.u32 $0xD0000000, s2;
	s6 =	simm.s32 $0x108;
	_ =	swait.ge @!p0 [sflag:s8], $0x0  }
0x24: {  	s3 =	sadd.s32 $0x88, s3;
	s6 =	simm.s32 @!p1 $0x1082;
	[sflag:s4] =	ssyncset.s32 $0xFFFFF086  }
0x25: {  	[simem:s6], [sflag:s4] =	dma.local [hbm:s3], $0xF7A  }
0x26: {  	[smem:$0x3F84] =	sst s1;
	(tag) =	ssettag s2;
	_ =	strace s9  }
0x27: {  	s1 =	sld [smem:$0x3F94]  }
0x28: {  	s2 =	sld [smem:$0x3F95]  }
0x29: {  	s4 =	sld [smem:$0x3F97]  }
0x2a: {  	p0 =	seq.s32 s5, $0x0;
	s5 =	sld [smem:$0x3F98]  }
0x2b: {  	s6 =	sld [smem:$0x3F99]  }
0x2c: {  	s7 =	sld [smem:$0x3F9A]  }
0x2d: {  	s3 =	simm.s32 $0x108;
	s8 =	sld [smem:$0x3F9B]  }
0x2e: {  	s3 =	simm.s32 @!p0 $0x1082;
	s9 =	sld [smem:$0x3F9C]  }
0x2f: {  	lr =	sadd.s32 s0, s3;
	s0 =	sld [smem:$0x3F93]  }
0x30: {  	s3 =	sld [smem:$0x3F96]  }
0x31: {  	[smem:$0x3F9F] =	sst s10  }
0x32: {  	s10 =	sld [smem:$0x3F9D];
	_ =	sdelay $0x3  }
0x33: {  	p0 =	seq.s32 s10, $0x1;
	s10 =	sld [smem:$0x3F9F];
	_ =	sdelay $0x3  }
0x34: {  	[smem:$0x3F9F] =	sst s10  }
0x35: {  	s10 =	sld [smem:$0x3F9E];
	_ =	sdelay $0x3  }
0x36: {  	p1 =	seq.s32 s10, $0x1;
	s10 =	sld [smem:$0x3F9F];
	_ =	sdelay $0x3  }
0x37: {  	[smem:$0x3F9F] =	sst s10  }
0x38: {  	s10 =	sld [smem:$0x3FA0]  }
0x39: {  	_ = 	snop;
	(pc) =	sbr.ind lr, $3  }
0x3a: {  	_ = 	snop  }
0x3b: {  	_ = 	snop  }
0x3c: {  	p2 =	seq.s32 s10, $0x1;
	s10 =	sld [smem:$0x3F9F]  }
0x3d: {  	_ =	shalt  }
0x3e: {  	_ =	shalt  }
0x3f: {  	_ =	shalt  }
0x40: {  	_ =	shalt  }
0x41: {  	_ =	shalt  }
0x42: {  	_ =	shalt  }
0x43: {  	_ =	shalt  }
0x44: {  	_ =	shalt  }
0x45: {  	_ =	shalt  }
0x46: {  	_ =	shalt  }
0x47: {  	_ =	shalt  }
0x48: {  	_ =	shalt  }
0x49: {  	_ =	shalt  }
0x4a: {  	_ =	shalt  }
0x4b: {  	_ =	shalt  }
0x4c: {  	_ =	shalt  }
0x4d: {  	_ =	shalt  }
0x4e: {  	_ =	shalt  }
0x4f: {  	_ =	shalt  }
0x50: {  	_ =	shalt  }
0x51: {  	_ =	shalt  }
0x52: {  	_ =	shalt  }
0x53: {  	_ =	shalt  }
0x54: {  	_ =	shalt  }
0x55: {  	_ =	shalt  }
0x56: {  	_ =	shalt  }
0x57: {  	_ =	shalt  }
0x58: {  	_ =	shalt  }
0x59: {  	_ =	shalt  }
0x5a: {  	_ =	shalt  }
0x5b: {  	_ =	shalt  }
0x5c: {  	_ =	shalt  }
0x5d: {  	_ =	shalt  }
0x5e: {  	_ =	shalt  }
0x5f: {  	_ =	shalt  }
0x60: {  	_ =	shalt  }
0x61: {  	_ =	shalt  }
0x62: {  	_ =	shalt  }
0x63: {  	_ =	shalt  }
0x64: {  	_ =	shalt  }
0x65: {  	_ =	shalt  }
0x66: {  	_ =	shalt  }
0x67: {  	_ =	shalt  }
0x68: {  	_ =	shalt  }
0x69: {  	_ =	shalt  }
0x6a: {  	_ =	shalt  }
0x6b: {  	_ =	shalt  }
0x6c: {  	_ =	shalt  }
0x6d: {  	_ =	shalt  }
0x6e: {  	_ =	shalt  }
0x6f: {  	_ =	shalt  }
0x70: {  	_ =	shalt  }
0x71: {  	_ =	shalt  }
0x72: {  	_ =	shalt  }
0x73: {  	_ =	shalt  }
0x74: {  	_ =	shalt  }
0x75: {  	_ =	shalt  }
0x76: {  	_ =	shalt  }
0x77: {  	_ =	shalt  }
0x78: {  	_ =	shalt  }
0x79: {  	_ =	shalt  }
0x7a: {  	_ =	shalt  }
0x7b: {  	_ =	shalt  }
0x7c: {  	_ =	shalt  }
0x7d: {  	_ =	shalt  }
0x7e: {  	_ =	shalt  }
0x7f: {  	_ =	shalt  }
0x80: {  	_ =	shalt  }
0x81: {  	_ =	shalt  }
0x82: {  	_ =	shalt  }
0x83: {  	_ =	shalt  }
0x84: {  	_ =	shalt  }
0x85: {  	_ =	shalt  }
0x86: {  	_ =	shalt  }
0x87: {  	_ =	shalt  }
.Lfunc_end0:
.L_simem_size_0:
called_computation.2_lowered:
.L_overlay_start_0:
0x88: {  	s2 =	sld [smem:$0x3FD9]  }
0x89: {  	s3 =	sld [smem:$0x3FFE];
	_ =	sdelay $0x1  }
0x8a: {  	s1 =	srdreg.scid  }
0x8b: {  	s0 =	sand.u32 $0x1, s1  }
0x8c: {  	s17 =	sshll.u32 s0, $0xA;
	s2 =	sadd.s32 s3, s2  }
0x8d: {  	s2 =	sadd.s32 s2, s17  }
0x8e: {  	[smem:$0x3FAB] =	sst s2  }
0x8f: {  	_ = 	snop  }
0x90: {  	s2 =	sld [smem:$0x3FD0];
	(tm) =	ssettm $0x1  }
0x91: {  	s18 =	sld [smem:$0x3FFB];
	_ =	sdelay $0x3  }
0x92: {  	_ =	strace s18  }
0x93: {  	s3 =	sld [smem:$0x3FFC];
	_ =	sdelay $0x3  }
0x94: {  	_ =	strace s3  }
0x95: {  	s3 =	sld [smem:$0x3FFD];
	_ =	sdelay $0x3  }
0x96: {  	_ =	strace s3  }
0x97: {  	_ =	strace $0x8FFFFFFF  }
0x98: {  	s19 =	sld [smem:$0x3FDB];
	_ =	sdelay $0x1  }
0x99: {  	s4 =	simm.s32 $_scs_section_size  }
0x9a: {  	s5 =	simm.s32 $_size__tile_overlayer_lowered;
	s6 =	simm.s32 $_tile_overlayer_lowered  }
0x9b: {  	s22 =	simm.s32 $0x1BFF;
	s21 =	sshll.u32 s6, $0x1;
	s3 =	sadd.s32 s4, s19  }
0x9c: {  	s7 =	simm.s32 $0x0;
	s20 =	sshll.u32 s5, $0x1;
	s5 =	sadd.s32 s21, s3  }
0x9d: {  	[timem:s7], [sflag:s22] =	dma.local [hbm:s5], s20  }
0x9e: {  	_ =	swait.ge [sflag:s22], s20  }
0x9f: {  	s4 =	ssub.s32 $0x0, s20;
	[sflag:s22] =	ssyncset.done $0x0  }
0xa0: {  	[sflag:s22] =	ssyncadd.s32 s4;
	_ =	sdelay $0x1  }
0xa1: {  	s23 =	simm.s32 $0x1B8B  }
0xa2: {  	_ =	swait.ge [sflag:s23], $0x1  }
0xa3: {  	[sflag:s23] =	ssyncset.done $0x0  }
0xa4: {  	s25 =	simm.s32 $0x1B8E;
	s24 =	sld [smem:$0x3FFE];
	[sflag:s23] =	ssyncadd.s32 $0xFFFFFFFF  }
0xa5: {  	s26 =	simm.s32 $execute0_lowered;
	[smem:$0x3FD2] =	sst s25  }
0xa6: {  	s5 =	sshll.u32 s26, $0x1;
	_ =	strace $0x8000004C;
	[dreg:$0x1] =	wrdreg $0xFFFFFFFF  }
0xa7: {  	s28 =	simm.s32 $_size_execute0_lowered;
	s3 =	sadd.s32 s3, s5;
	[dreg:$0x0] =	wrdreg $0x0  }
0xa8: {  	s5 =	sshll.u32 s28, $0x1;
	[dreg:$0x2] =	wrdreg s3  }
0xa9: {  	[dreg:$0x3] =	wrdreg s5  }
0xaa: {  	[dreg:$0x4] =	wrdreg $0xC0  }
0xab: {  	_ =	task [dreg:s7], $0x5FFFF  }
0xac: {  	[dreg:$0x1] =	wrdreg $0xFFFFFFFF  }
0xad: {  	[dreg:$0x0] =	wrdreg $0x60  }
0xae: {  	[dreg:$0x2] =	wrdreg s24  }
0xaf: {  	[dreg:$0x3] =	wrdreg s2  }
0xb0: {  	[dreg:$0x4] =	wrdreg $0x0  }
0xb1: {  	[dreg:$0x5] =	wrdreg $0x138800  }
0xb2: {  	[dreg:$0x6] =	wrdreg $0x15F900  }
0xb3: {  	[dreg:$0x7] =	wrdreg $0x9  }
0xb4: {  	_ =	task.clear_ibuf [dreg:s7], $0x8FFFF;
	_ =	strace $0x9000004C  }
0xb5: {  	s29 =	simm.s32 $0x9;
	_ =	strace $0x8000004E  }
0xb6: {  	_ =	swait.ge [sflag:s29], $0x1  }
0xb7: {  	[sflag:s29] =	ssyncadd.s32 $0xFFFFFFFF  }
0xb8: {  	_ =	strace $0x9000004E  }
0xb9: {  	_ =	sfence  }
0xba: {  	s30 =	sld [smem:$0x0];
	_ =	sdelay $0x2  }
0xbb: {  	s31 =	sshll.u32 s1, $0xD;
	s1 =	sshrl.u32 s1, $0x2  }
0xbc: {  	s3 =	sand.u32 $0x4000, s31;
	s1 =	sadd.s32 s1, s30  }
0xbd: {  	s0 =	sor.u32 s3, s0;
	s1 =	sshll.u32 s1, $0x11  }
0xbe: {  	s0 =	sor.u32 s1, s0  }
0xbf: {  	s0 =	sadd.s32 $0x8F2B, s0  }
0xc0: {  	[sflag:s0] =	ssyncadd.remote.s32 $0x1  }
0xc1: {  	_ =	sfence.sel $0xFFFF  }
0xc2: {  	[dreg:$0x0] =	wrdreg $0xFFFFFFFF;
	(pc) =	sbr.abs _section_cstart, $3  }
0xc3: {  	[dreg:$0x1] =	wrdreg $0xFFFFFFFF  }
0xc4: {  	_ =	task.clear_ibuf [dreg:s7], $0x2FFFF;
	_ =	strace $0x9FFFFFFF  }
0xc5: {  	(tm) =	ssettm $0x7FFFFFFF  }
tec
execute0_lowered:
.L_overlay_start_1:
0x0: {  	(tag) =	ssettag $0x1  }
0x1: {  	s1 =	rddreg [dreg:$0x0]  }
0x2: {  	s2 =	rddreg [dreg:$0x2]  }
0x3: {  	s4 =	rddreg [dreg:$0x3]  }
0x4: {  	s5 =	rddreg [dreg:$0x4];
	s23 =	stileid.u32  }
0x5: {  	s0 =	srdreg.scid;
	s3 =	smul.u32 $0x13880, s23  }
0x6: {  	s6 =	simm.s32 $0x0;
	s28 =	simm.s32 $0x1C890;
	s9 =	smul.u32 $0x271, s23  }
0x7: {  	s29 =	simm.s32 $0x1D090;
	s0 =	sand.u32 $0x1, s0;
	s12 =	smul.u32 $0x2800, s23  }
0x8: {  	[smem:$0x7FF] =	sst s6;
	s7 =	sadd.s32 $0xE2000, s1;
	s15 =	smul.u32 $0x500, s23  }
0x9: {  	s10 =	sadd.s32 $0x40C00, s1;
	s8 =	sadd.s32 $0xEA00, s1;
	s25 =	smul.u32 $0x9C40, s23  }
0xa: {  	s30 =	simm.s32 $0x2;
	s20 =	smul.u32 $0x138800, s0;
	_ =	strace $0x8000004D  }
0xb: {  	s11 =	smul.u32 $0x2710, s0;
	s13 =	ssub.s32 $0x2, s0;
	s0 =	sshll.u32 s0, $0x4  }
0xc: {  	s14 =	sshrl.u32 s13, $0x1;
	s17 =	sadd.s32 $0x800, s12;
	s15 =	sadd.s32 s10, s15  }
0xd: {  	s19 =	sadd.s32 $0x1800, s12;
	s26 =	sadd.s32 $0x7D, s9;
	s0 =	sor.u32 s23, s0  }
0xe: {  	s6 =	sadd.s32 s3, s20;
	s11 =	sadd.s32 s9, s11;
	s13 =	ssub.s32 s13, s14  }
0xf: {  	s21 =	sshrl.u32 s17, $0x3;
	[dreg:$0x6] =	wrdreg s15;
	s15 =	sadd.s32 $0x1000, s12  }
0x10: {  	s12 =	sadd.s32 $0x2000, s12;
	s24 =	sshrl.u32 s19, $0x3;
	s20 =	sshrl.u32 s25, $0x2  }
0x11: {  	s25 =	sadd.s32 $0x177, s9;
	s31 =	smul.u32 $0x2880, s0;
	s6 =	sshrl.u32 s6, $0x3  }
0x12: {  	s11 =	sshll.u32 s11, $0x1;
	s14 =	sadd.s32 s10, s21;
	s22 =	sshrl.u32 s15, $0x3  }
0x13: {  	s16 =	sshrl.u32 s12, $0x3;
	s21 =	sshll.u32 s26, $0x7;
	s18 =	sadd.s32 s20, s4  }
0x14: {  	s12 =	sadd.s32 s12, s5;
	s6 =	sadd.s32 s6, s1;
	[dreg:$0x7] =	wrdreg s14  }
0x15: {  	s14 =	sadd.s32 s10, s22;
	s11 =	sadd.s32 s11, s1;
	[dreg:$0x15] =	wrdreg s12  }
0x16: {  	s22 =	sadd.s32 s21, s2;
	s21 =	sshll.u32 s25, $0x7;
	[dreg:$0x8] =	wrdreg s14  }
0x17: {  	s14 =	sadd.s32 s10, s24;
	s10 =	sadd.s32 s10, s16;
	s16 =	sadd.s32 s3, s2  }
0x18: {  	[dreg:$0xb] =	wrdreg s22;
	s24 =	sadd.s32 $0xFA, s9;
	s20 =	sadd.s32 s21, s2  }
0x19: {  	s21 =	sshll.u32 s25, $0x4;
	s25 =	sadd.s32 $0x1F4, s9;
	[dreg:$0x9] =	wrdreg s14  }
0x1a: {  	[dreg:$0xa] =	wrdreg s10;
	s14 =	sadd.s32 $0x4800, s1;
	s1 =	sshll.u32 s26, $0x4  }
0x1b: {  	s26 =	sshll.u32 s24, $0x7;
	[dreg:$0xd] =	wrdreg s20;
	s20 =	sadd.s32 s21, s4  }
0x1c: {  	s3 =	sshll.u32 s25, $0x4;
	s10 =	sadd.s32 s26, s2;
	[dreg:$0xe] =	wrdreg s20  }
0x1d: {  	s0 =	simm.s32 $0x3;
	s21 =	sadd.s32 s3, s4;
	[dreg:$0xc] =	wrdreg s10  }
0x1e: {  	s22 =	sadd.s32 s1, s4;
	s3 =	sadd.s32 s15, s5;
	[dreg:$0x10] =	wrdreg s21  }
0x1f: {  	s1 =	sshll.u32 s24, $0x4;
	s15 =	sadd.s32 $0x45C00, s6;
	[dreg:$0x13] =	wrdreg s3  }
0x20: {  	s26 =	smul.u32 $0xA000, s23;
	s23 =	sadd.s32 $0x18EEE, s11;
	[dreg:$0x16] =	wrdreg s15  }
0x21: {  	s10 =	sshll.u32 s25, $0x7;
	s21 =	sadd.s32 $0x18DF4, s11;
	[dreg:$0x1a] =	wrdreg s23  }
0x22: {  	s24 =	sadd.s32 s1, s4;
	s1 =	sadd.s32 s10, s2;
	[dreg:$0x19] =	wrdreg s21  }
0x23: {  	s25 =	sshrl.u32 s26, $0x2;
	s26 =	sadd.s32 s17, s5;
	[dreg:$0xf] =	wrdreg s1  }
0x24: {  	s12 =	simm.s32 $0x4;
	s10 =	sadd.s32 s19, s5;
	[dreg:$0x12] =	wrdreg s26  }
0x25: {  	s9 =	simm.s32 $0x0;
	s17 =	sadd.s32 $0x18C00, s11;
	[dreg:$0x14] =	wrdreg s10  }
0x26: {  	s23 =	simm.s32 $0x18790;
	s19 =	sadd.s32 $0x18CFA, s11;
	[dreg:$0x17] =	wrdreg s17  }
0x27: {  	s3 =	simm.s32 $0x0;
	s1 =	sadd.s32 s25, s5;
	[dreg:$0x18] =	wrdreg s19  }
0x28: {  	s21 =	simm.s32 $0x1E890;
	s25 =	sadd.s32 $0x18FE8, s11;
	[dreg:$0x11] =	wrdreg s1  }
0x29: {  	s26 =	smax.u32 s13, $0x1;
	s13 =	simm.s32 $0x18890;
	[dreg:$0x1b] =	wrdreg s25  }
0x2a: {  	v1 =	vlaneseq.u32;
	s17 =	simm.s32 $0x1D890;
	s19 =	simm.s32 $0x1E090;
	[dreg:$0x1c] =	wrdreg s26  }
0x2b: {  	v0 =	vimm.f32 $0.0e+00;
	v2 =	vimm.s32 $0x0;
	v1 =	vor.u32 $0x8, v1;
	s25 =	simm.s32 $0x18810;
	s26 =	simm.s32 $0x80;
	s1 =	simm.s32 $0x1  }
.LBB2_1:
0x2c: {  	s6 =	rddreg [dreg:$0x1];
	s10 =	simm.s32 $0x1F090  }
0x2d: {  	[tilespmem:s10], [sflag:$0x4] =	stream.linear.gather [hbm4b:s6+s9], $0x10, $0x38;
	[tilespmem:$0x1F0A0] =	vst v63  }
0x2e: {  	_ =	swait.ge [sflag:s12], $0x10  }
0x2f: {  	[sflag:s12] =	ssyncset.done $0x0  }
0x30: {  	s6 =	simm.s32 $0x188D0;
	[sflag:s12] =	ssyncadd.s32 $0xFFFFFFF0  }
0x31: {  	[tilespmem:s6+$0xFFFFFFD0] =	vst v0  }
0x32: {  	[tilespmem:s6+$0xFFFFFFE0] =	vst v0  }
0x33: {  	[tilespmem:s6+$0xFFFFFFF0] =	vst v0  }
0x34: {  	[tilespmem:s6+$0x0] =	vst v0  }
0x35: {  	[tilespmem:s6+$0x10] =	vst v0  }
0x36: {  	[tilespmem:s6+$0x20] =	vst v0  }
0x37: {  	[tilespmem:s6+$0x30] =	vst v0  }
0x38: {  	s10 =	simm.s32 $0x0;
	s9 =	simm.s32 $0x40;
	[tilespmem:s6+$0xFFFFFFC0] =	vst v0  }
.LBB2_2:
0x39: {  	p0 =	sne.s32 s9, $0x1FC0;
	[tilespmem:s10+$0x1D890] =	vst v0;
	s6 =	sadd.s32 $0x80, s6  }
0x3a: {  	[tilespmem:s6+$0xFFFFFFD0] =	vst v0  }
0x3b: {  	[tilespmem:s6+$0xFFFFFFE0] =	vst v0  }
0x3c: {  	[tilespmem:s6+$0xFFFFFFF0] =	vst v0  }
.Ltmp0:
0x3d: {  	[tilespmem:s6+$0x0] =	vst v0;
	(pc) =	sbr.rel @p0 .LBB2_2-.Ltmp0, $4  }
0x3e: {  	[tilespmem:s6+$0x10] =	vst v0  }
0x3f: {  	[tilespmem:s6+$0x20] =	vst v0  }
0x40: {  	[tilespmem:s6+$0x30] =	vst v0  }
0x41: {  	s10 =	sshra.s32 s9, $0x2;
	s9 =	sadd.s32 $0x40, s9;
	[tilespmem:s6+$0xFFFFFFC0] =	vst v0  }
0x42: {  	[tilespmem:s10+$0x1D890] =	vst v0  }
0x43: {  	[spmem:s16] =	stream.linear.scatter [tilespmem:s13], [sflag:$0x4], $0x3E80, $0x38;
	[tilespmem:$0x1F0A0] =	vst v63  }
0x44: {  	_ =	swait.ge [sflag:s12], $0x3E80  }
0x45: {  	[sflag:s12] =	ssyncset.done $0x0  }
0x46: {  	[sflag:s12] =	ssyncadd.s32 $0xFFFFC180  }
0x47: {  	[spmem:s18] =	stream.linear.scatter [tilespmem:s17], [sflag:$0x4], $0x7D0, $0x38;
	[tilespmem:$0x1F0A0] =	vst v63  }
0x48: {  	_ =	swait.ge [sflag:s12], $0x7D0  }
0x49: {  	[sflag:s12] =	ssyncset.done $0x0  }
0x4a: {  	s6 =	rddreg [dreg:$0xb];
	[sflag:s12] =	ssyncadd.s32 $0xFFFFF830  }
0x4b: {  	[spmem:s6] =	stream.linear.scatter [tilespmem:s13], [sflag:$0x4], $0x3E80, $0x38;
	[tilespmem:$0x1F0A0] =	vst v63  }
0x4c: {  	_ =	swait.ge [sflag:s12], $0x3E80  }
0x4d: {  	[sflag:s12] =	ssyncset.done $0x0  }
0x4e: {  	[sflag:s12] =	ssyncadd.s32 $0xFFFFC180  }
0x4f: {  	[spmem:s22] =	stream.linear.scatter [tilespmem:s17], [sflag:$0x4], $0x7D0, $0x38;
	[tilespmem:$0x1F0A0] =	vst v63  }
0x50: {  	_ =	swait.ge [sflag:s12], $0x7D0  }
0x51: {  	[sflag:s12] =	ssyncset.done $0x0  }
0x52: {  	s9 =	rddreg [dreg:$0xc];
	[sflag:s12] =	ssyncadd.s32 $0xFFFFF830  }
0x53: {  	[spmem:s9] =	stream.linear.scatter [tilespmem:s13], [sflag:$0x4], $0x3E80, $0x38;
	[tilespmem:$0x1F0A0] =	vst v63  }
0x54: {  	_ =	swait.ge [sflag:s12], $0x3E80  }
0x55: {  	[sflag:s12] =	ssyncset.done $0x0  }
0x56: {  	[sflag:s12] =	ssyncadd.s32 $0xFFFFC180  }
0x57: {  	[spmem:s24] =	stream.linear.scatter [tilespmem:s17], [sflag:$0x4], $0x7D0, $0x38;
	[tilespmem:$0x1F0A0] =	vst v63  }
0x58: {  	_ =	swait.ge [sflag:s12], $0x7D0  }
0x59: {  	[sflag:s12] =	ssyncset.done $0x0  }
0x5a: {  	s10 =	rddreg [dreg:$0xd];
	[sflag:s12] =	ssyncadd.s32 $0xFFFFF830  }
0x5b: {  	[spmem:s10] =	stream.linear.scatter [tilespmem:s13], [sflag:$0x4], $0x3E80, $0x38;
	[tilespmem:$0x1F0A0] =	vst v63  }
0x5c: {  	_ =	swait.ge [sflag:s12], $0x3E80  }
0x5d: {  	[sflag:s12] =	ssyncset.done $0x0  }
0x5e: {  	[sflag:s12] =	ssyncadd.s32 $0xFFFFC180  }
0x5f: {  	[spmem:s20] =	stream.linear.scatter [tilespmem:s17], [sflag:$0x4], $0x7D0, $0x38;
	[tilespmem:$0x1F0A0] =	vst v63  }
0x60: {  	_ =	swait.ge [sflag:s12], $0x7D0  }
0x61: {  	[sflag:s12] =	ssyncset.done $0x0  }
0x62: {  	s11 =	rddreg [dreg:$0xf];
	[sflag:s12] =	ssyncadd.s32 $0xFFFFF830  }
0x63: {  	[spmem:s11] =	stream.linear.scatter [tilespmem:s13], [sflag:$0x4], $0x3E80, $0x38;
	[tilespmem:$0x1F0A0] =	vst v63  }
0x64: {  	_ =	swait.ge [sflag:s12], $0x3E80  }
0x65: {  	[sflag:s12] =	ssyncset.done $0x0  }
0x66: {  	s15 =	rddreg [dreg:$0x10];
	[sflag:s12] =	ssyncadd.s32 $0xFFFFC180  }
0x67: {  	[spmem:s15] =	stream.linear.scatter [tilespmem:s17], [sflag:$0x4], $0x7D0, $0x38;
	[tilespmem:$0x1F0A0] =	vst v63  }
0x68: {  	_ =	swait.ge [sflag:s12], $0x7D0  }
0x69: {  	[sflag:s12] =	ssyncset.done $0x0  }
0x6a: {  	s20 =	simm.s32 $0x0;
	s9 =	rddreg [dreg:$0x6];
	[sflag:s12] =	ssyncadd.s32 $0xFFFFF830  }
0x6b: {  	[tilespmem:s19], [sflag:$0x4] =	stream.linear.gather [hbm4b:s9+s20], $0x800, $0x38;
	[tilespmem:$0x1F0A0] =	vst v63  }
0x6c: {  	_ =	swait.ge [sflag:s12], $0x800  }
0x6d: {  	[sflag:s12] =	ssyncset.done $0x0  }
0x6e: {  	s6 =	simm.s32 $0x0;
	[sflag:s12] =	ssyncadd.s32 $0xFFFFF800  }
0x6f: {  	s9 =	simm.s32 $0x40;
	v3 =	vld [tilespmem:s6+$0x1E090]  }
.LBB2_4:
0x70: {  	p0 =	sne.s32 s9, $0x1FC0  }
.Ltmp1:
0x71: {  	_ = 	snop;
	(pc) =	sbr.rel @p0 .LBB2_4-.Ltmp1, $3  }
0x72: {  	_ =	sdelay $0x1  }
0x73: {  	[tilespmem:s6+$0x1E890] =	vst v3;
	s6 =	sshra.s32 s9, $0x2;
	s9 =	sadd.s32 $0x40, s9  }
0x74: {  	v3 =	vld [tilespmem:s6+$0x1E090]  }
0x75: {  	_ =	sdelay $0x3  }
0x76: {  	s15 =	rddreg [dreg:$0x11];
	[tilespmem:s6+$0x1E890] =	vst v3  }
0x77: {  	[spmem:s15] =	stream.linear.scatter [tilespmem:s21], [sflag:$0x4], $0x800, $0x38;
	[tilespmem:$0x1F0A0] =	vst v63  }
0x78: {  	_ =	swait.ge [sflag:s12], $0x800  }
0x79: {  	[sflag:s12] =	ssyncset.done $0x0  }
0x7a: {  	s20 =	simm.s32 $0x0;
	s9 =	rddreg [dreg:$0x7];
	[sflag:s12] =	ssyncadd.s32 $0xFFFFF800  }
0x7b: {  	[tilespmem:s19], [sflag:$0x4] =	stream.linear.gather [hbm4b:s9+s20], $0x800, $0x38;
	[tilespmem:$0x1F0A0] =	vst v63  }
0x7c: {  	_ =	swait.ge [sflag:s12], $0x800  }
0x7d: {  	[sflag:s12] =	ssyncset.done $0x0  }
0x7e: {  	s6 =	simm.s32 $0x0;
	[sflag:s12] =	ssyncadd.s32 $0xFFFFF800  }
0x7f: {  	s9 =	simm.s32 $0x40;
	v3 =	vld [tilespmem:s6+$0x1E090]  }
.LBB2_6:
0x80: {  	p0 =	sne.s32 s9, $0x1FC0  }
.Ltmp2:
0x81: {  	_ = 	snop;
	(pc) =	sbr.rel @p0 .LBB2_6-.Ltmp2, $3  }
0x82: {  	_ =	sdelay $0x1  }
0x83: {  	[tilespmem:s6+$0x1E890] =	vst v3;
	s6 =	sshra.s32 s9, $0x2;
	s9 =	sadd.s32 $0x40, s9  }
0x84: {  	v3 =	vld [tilespmem:s6+$0x1E090]  }
0x85: {  	_ =	sdelay $0x3  }
0x86: {  	s15 =	rddreg [dreg:$0x12];
	[tilespmem:s6+$0x1E890] =	vst v3  }
0x87: {  	[spmem:s15] =	stream.linear.scatter [tilespmem:s21], [sflag:$0x4], $0x800, $0x38;
	[tilespmem:$0x1F0A0] =	vst v63  }
0x88: {  	_ =	swait.ge [sflag:s12], $0x800  }
0x89: {  	s20 =	smov.u32 s18;
	[sflag:s12] =	ssyncset.done $0x0  }
0x8a: {  	s18 =	simm.s32 $0x0;
	s9 =	rddreg [dreg:$0x8];
	[sflag:s12] =	ssyncadd.s32 $0xFFFFF800  }
0x8b: {  	[tilespmem:s19], [sflag:$0x4] =	stream.linear.gather [hbm4b:s9+s18], $0x800, $0x38;
	[tilespmem:$0x1F0A0] =	vst v63  }
0x8c: {  	_ =	swait.ge [sflag:s12], $0x800  }
0x8d: {  	[sflag:s12] =	ssyncset.done $0x0  }
0x8e: {  	s6 =	simm.s32 $0x0;
	[sflag:s12] =	ssyncadd.s32 $0xFFFFF800  }
0x8f: {  	s9 =	simm.s32 $0x40;
	v3 =	vld [tilespmem:s6+$0x1E090]  }
.LBB2_8:
0x90: {  	p0 =	sne.s32 s9, $0x1FC0  }
.Ltmp3:
0x91: {  	_ = 	snop;
	(pc) =	sbr.rel @p0 .LBB2_8-.Ltmp3, $3  }
0x92: {  	_ =	sdelay $0x1  }
0x93: {  	[tilespmem:s6+$0x1E890] =	vst v3;
	s6 =	sshra.s32 s9, $0x2;
	s9 =	sadd.s32 $0x40, s9  }
0x94: {  	v3 =	vld [tilespmem:s6+$0x1E090]  }
0x95: {  	_ =	sdelay $0x3  }
0x96: {  	s15 =	rddreg [dreg:$0x13];
	[tilespmem:s6+$0x1E890] =	vst v3  }
0x97: {  	[spmem:s15] =	stream.linear.scatter [tilespmem:s21], [sflag:$0x4], $0x800, $0x38;
	[tilespmem:$0x1F0A0] =	vst v63  }
0x98: {  	_ =	swait.ge [sflag:s12], $0x800  }
0x99: {  	s18 =	smov.u32 s16;
	[sflag:s12] =	ssyncset.done $0x0  }
0x9a: {  	s16 =	simm.s32 $0x0;
	s9 =	rddreg [dreg:$0x9];
	[sflag:s12] =	ssyncadd.s32 $0xFFFFF800  }
0x9b: {  	[tilespmem:s19], [sflag:$0x4] =	stream.linear.gather [hbm4b:s9+s16], $0x800, $0x38;
	[tilespmem:$0x1F0A0] =	vst v63  }
0x9c: {  	_ =	swait.ge [sflag:s12], $0x800  }
0x9d: {  	[sflag:s12] =	ssyncset.done $0x0  }
0x9e: {  	s6 =	simm.s32 $0x0;
	[sflag:s12] =	ssyncadd.s32 $0xFFFFF800  }
0x9f: {  	s9 =	simm.s32 $0x40;
	v3 =	vld [tilespmem:s6+$0x1E090]  }
.LBB2_10:
0xa0: {  	p0 =	sne.s32 s9, $0x1FC0  }
.Ltmp4:
0xa1: {  	_ = 	snop;
	(pc) =	sbr.rel @p0 .LBB2_10-.Ltmp4, $3  }
0xa2: {  	_ =	sdelay $0x1  }
0xa3: {  	[tilespmem:s6+$0x1E890] =	vst v3;
	s6 =	sshra.s32 s9, $0x2;
	s9 =	sadd.s32 $0x40, s9  }
0xa4: {  	v3 =	vld [tilespmem:s6+$0x1E090]  }
0xa5: {  	_ =	sdelay $0x3  }
0xa6: {  	s15 =	rddreg [dreg:$0x14];
	[tilespmem:s6+$0x1E890] =	vst v3  }
0xa7: {  	[spmem:s15] =	stream.linear.scatter [tilespmem:s21], [sflag:$0x4], $0x800, $0x38;
	[tilespmem:$0x1F0A0] =	vst v63  }
0xa8: {  	_ =	swait.ge [sflag:s12], $0x800  }
0xa9: {  	[sflag:s12] =	ssyncset.done $0x0  }
0xaa: {  	s16 =	simm.s32 $0x0;
	s9 =	rddreg [dreg:$0xa];
	[sflag:s12] =	ssyncadd.s32 $0xFFFFF800  }
0xab: {  	[tilespmem:s19], [sflag:$0x4] =	stream.linear.gather [hbm4b:s9+s16], $0x800, $0x38;
	[tilespmem:$0x1F0A0] =	vst v63  }
0xac: {  	_ =	swait.ge [sflag:s12], $0x800  }
0xad: {  	[sflag:s12] =	ssyncset.done $0x0  }
0xae: {  	s6 =	simm.s32 $0x0;
	[sflag:s12] =	ssyncadd.s32 $0xFFFFF800  }
0xaf: {  	s9 =	simm.s32 $0x40;
	v3 =	vld [tilespmem:s6+$0x1E090]  }
.LBB2_12:
0xb0: {  	p0 =	sne.s32 s9, $0x1FC0  }
.Ltmp5:
0xb1: {  	_ = 	snop;
	(pc) =	sbr.rel @p0 .LBB2_12-.Ltmp5, $3  }
0xb2: {  	_ =	sdelay $0x1  }
0xb3: {  	[tilespmem:s6+$0x1E890] =	vst v3;
	s6 =	sshra.s32 s9, $0x2;
	s9 =	sadd.s32 $0x40, s9  }
0xb4: {  	v3 =	vld [tilespmem:s6+$0x1E090]  }
0xb5: {  	_ =	sdelay $0x3  }
0xb6: {  	s16 =	rddreg [dreg:$0x15];
	[tilespmem:s6+$0x1E890] =	vst v3  }
0xb7: {  	[spmem:s16] =	stream.linear.scatter [tilespmem:s21], [sflag:$0x4], $0x800, $0x38;
	[tilespmem:$0x1F0A0] =	vst v63  }
0xb8: {  	_ =	swait.ge [sflag:s12], $0x800  }
0xb9: {  	[sflag:s12] =	ssyncset.done $0x0  }
0xba: {  	[sflag:s12] =	ssyncadd.s32 $0xFFFFF800  }
0xbb: {  	[bflag:$0x0] =	sbarrier.arrive $0xFFFF  }
0xbc: {  	s9 =	simm.s32 $0x0;
	s6 =	simm.s32 $0x0;
	v3 =	vld [tilespmem:$0x1F090]  }
.LBB2_14:
0xbd: {  	s10 =	sshll.u32 s9, $0x7  }
0xbe: {  	s10 =	sadd.s32 s31, s10  }
0xbf: {  	s10 =	sshrl.u32 s10, $0x3  }
0xc0: {  	s11 =	sadd.s32 s8, s10  }
0xc1: {  	[tilespmem:s23], [sflag:$0x4] =	stream.linear.gather [hbm4b:s11+s6], $0x80, $0x38;
	[tilespmem:$0x1F0A0] =	vst v63  }
0xc2: {  	_ =	swait.ge [sflag:s12], $0x80  }
0xc3: {  	[sflag:s12] =	ssyncset.done $0x0  }
0xc4: {  	s10 =	sadd.s32 s14, s10;
	[sflag:s12] =	ssyncadd.s32 $0xFFFFFF80  }
0xc5: {  	[tilespmem:s25], [sflag:$0x4] =	stream.linear.gather [hbm4b:s10+s6], $0x80, $0x38;
	[tilespmem:$0x1F0A0] =	vst v63  }
0xc6: {  	_ =	swait.ge [sflag:s12], $0x80  }
0xc7: {  	[sflag:s12] =	ssyncset.done $0x0  }
0xc8: {  	[sflag:s12] =	ssyncadd.s32 $0xFFFFFF80  }
0xc9: {  	[tilespmem:s13], [sflag:$0x1] =	stream.indirect.gather [hbm4b:s7+s26], $0x80, s23, s26, $0xb8;
	[tilespmem:$0x1F0A0] =	vst v63  }
0xca: {  	_ = 	snop  }
0xcb: {  	[tilespmem:s28], [sflag:$0x2] =	stream.indirect.gather [spmem:s5], $0x10, s23, s26, $0xb8;
	[tilespmem:$0x1F0A0] =	vst v63  }
0xcc: {  	_ = 	snop  }
0xcd: {  	[tilespmem:s29], [sflag:$0x3] =	stream.indirect.gather [spmem:s5], $0x10, s25, s26, $0xb8;
	[tilespmem:$0x1F0A0] =	vst v63  }
0xce: {  	_ =	swait.ge [sflag:s30], $0x800  }
0xcf: {  	[sflag:s30] =	ssyncset.done $0x0  }
0xd0: {  	[sflag:s30] =	ssyncadd.s32 $0xFFFFF800  }
0xd1: {  	_ =	swait.ge [sflag:s0], $0x800  }
0xd2: {  	[sflag:s0] =	ssyncset.done $0x0  }
0xd3: {  	[sflag:s0] =	ssyncadd.s32 $0xFFFFF800  }
0xd4: {  	_ =	swait.ge [sflag:s1], $0x4000  }
0xd5: {  	[sflag:s1] =	ssyncset.done $0x0  }
0xd6: {  	s16 =	simm.s32 $0x0;
	[sflag:s1] =	ssyncadd.s32 $0xFFFFC000  }
0xd7: {  	v4 =	vld [tilespmem:s16+$0x1D090];
	_ =	sdelay $0x1  }
0xd8: {  	v5 =	vld [tilespmem:s16+$0x1C890];
	_ =	sdelay $0x2  }
0xd9: {  	v4 =	vperm.xlane v4, v1;
	_ =	sdelay $0x1  }
0xda: {  	v4 =	vadd.f32 v4, v5;
	_ =	sdelay $0x1  }
0xdb: {  	v5 =	vmul.f32 $2.000000030e-01, v4  }
0xdc: {  	vm0 =	vgt.f32 v4, $0.0e+00  }
0xdd: {  	v4 =	vsel vm0, v4, v5  }
0xde: {  	v4 =	vsub.f32 v4, v3;
	_ =	sdelay $0x1  }
0xdf: {  	v4 =	vmul.f32 $1.442695020e+00, v4;
	_ =	sdelay $0x1  }
0xe0: {  	(erf) = vpow2.f32 v4;
	_ =	sdelay $0x8  }
0xe1: {  	v4 =	vpop (erf)  }
0xe2: {  	s10 =	simm.s32 $0x188D0;
	[tilespmem:s16+$0x1D890] =	vst v4  }
0xe3: {  	v10 =	vld [tilespmem:s10+$0x30]  }
0xe4: {  	v9 =	vld [tilespmem:s10+$0xFFFFFFE0]  }
0xe5: {  	v8 =	vld [tilespmem:s10+$0x10]  }
0xe6: {  	v4 =	vperm.xlane v4, v2;
	v6 =	vld [tilespmem:s10+$0x20]  }
0xe7: {  	v7 =	vld [tilespmem:s10+$0x0]  }
0xe8: {  	s15 =	simm.s32 $0x188D0;
	s11 =	simm.s32 $0x40;
	v5 =	vld [tilespmem:s10+$0xFFFFFFF0];
	v10 =	vmul.f32 v10, v4  }
.LBB2_15:
0xe9: {  	p0 =	sne.s32 s11, $0x1FC0  }
0xea: {  	v11 =	vld [tilespmem:s10+$0xFFFFFFC0];
	v9 =	vmul.f32 v9, v4;
	s15 =	sadd.s32 $0x80, s15;
	s16 =	smov.u32 s11;
	s11 =	sadd.s32 $0x40, s11  }
0xeb: {  	v12 =	vld [tilespmem:s10+$0xFFFFFFD0];
	v8 =	vmul.f32 v8, v4;
	[tilespmem:s10+$0x30] =	vst v10  }
0xec: {  	[tilespmem:s10+$0xFFFFFFE0] =	vst v9;
	v6 =	vmul.f32 v6, v4  }
0xed: {  	v7 =	vmul.f32 v7, v4;
	[tilespmem:s10+$0x10] =	vst v8  }
0xee: {  	v5 =	vmul.f32 v5, v4;
	[tilespmem:s10+$0x20] =	vst v6  }
0xef: {  	v6 =	vmul.f32 v11, v4;
	[tilespmem:s10+$0x0] =	vst v7  }
0xf0: {  	v4 =	vmul.f32 v12, v4;
	[tilespmem:s10+$0xFFFFFFF0] =	vst v5  }
0xf1: {  	s16 =	sshra.s32 s16, $0x2;
	[tilespmem:s10+$0xFFFFFFC0] =	vst v6  }
0xf2: {  	[tilespmem:s10+$0xFFFFFFD0] =	vst v4;
	s10 =	smov.u32 s15  }
0xf3: {  	v4 =	vld [tilespmem:s16+$0x1D090]  }
0xf4: {  	v5 =	vld [tilespmem:s16+$0x1C890];
	_ =	sdelay $0x3  }
0xf5: {  	v4 =	vperm.xlane v4, v1;
	_ =	sdelay $0x1  }
0xf6: {  	v4 =	vadd.f32 v4, v5;
	_ =	sdelay $0x1  }
0xf7: {  	vm0 =	vgt.f32 v4, $0.0e+00;
	v5 =	vmul.f32 $2.000000030e-01, v4;
	_ =	sdelay $0x1  }
0xf8: {  	v4 =	vsel vm0, v4, v5  }
0xf9: {  	v4 =	vsub.f32 v4, v3;
	_ =	sdelay $0x1  }
0xfa: {  	v4 =	vmul.f32 $1.442695020e+00, v4;
	_ =	sdelay $0x1  }
0xfb: {  	(erf) = vpow2.f32 v4;
	_ =	sdelay $0x8  }
0xfc: {  	v4 =	vpop (erf)  }
0xfd: {  	[tilespmem:s16+$0x1D890] =	vst v4  }
0xfe: {  	v10 =	vld [tilespmem:s15+$0x30]  }
.Ltmp6:
0xff: {  	v9 =	vld [tilespmem:s15+$0xFFFFFFE0];
	(pc) =	sbr.rel @p0 .LBB2_15-.Ltmp6, $4  }
0x100: {  	v4 =	vperm.xlane v4, v2;
	v8 =	vld [tilespmem:s15+$0x10]  }
0x101: {  	v6 =	vld [tilespmem:s15+$0x20]  }
0x102: {  	v7 =	vld [tilespmem:s15+$0x0]  }
0x103: {  	v5 =	vld [tilespmem:s15+$0xFFFFFFF0];
	v10 =	vmul.f32 v10, v4  }
0x104: {  	v11 =	vld [tilespmem:s10+$0xFFFFFFC0];
	v9 =	vmul.f32 v9, v4  }
0x105: {  	v12 =	vld [tilespmem:s10+$0xFFFFFFD0];
	v8 =	vmul.f32 v8, v4;
	[tilespmem:s10+$0x30] =	vst v10  }
0x106: {  	[tilespmem:s10+$0xFFFFFFE0] =	vst v9;
	v6 =	vmul.f32 v6, v4  }
0x107: {  	v7 =	vmul.f32 v7, v4;
	[tilespmem:s10+$0x10] =	vst v8  }
0x108: {  	v5 =	vmul.f32 v5, v4;
	[tilespmem:s10+$0x20] =	vst v6  }
0x109: {  	v63 =	vmul.f32 v11, v4;
	[tilespmem:s10+$0x0] =	vst v7  }
0x10a: {  	v4 =	vmul.f32 v12, v4;
	[tilespmem:s10+$0xFFFFFFF0] =	vst v5  }
0x10b: {  	[tilespmem:s10+$0xFFFFFFC0] =	vst v63  }
0x10c: {  	[tilespmem:s10+$0xFFFFFFD0] =	vst v4  }
0x10d: {  	[spmem:s2] =	stream.indirect.scatter.add.f32 [tilespmem:s13], [sflag:$0x4], $0x80, s25, s26, $0xb8;
	[tilespmem:$0x1F0A0] =	vst v63  }
0x10e: {  	s9 =	sadd.s32 $0x1, s9;
	_ =	swait.ge [sflag:s12], $0x4000  }
0x10f: {  	p0 =	sne.s32 s9, $0x51;
	[sflag:s12] =	ssyncset.done $0x0  }
.Ltmp7:
0x110: {  	[sflag:s12] =	ssyncadd.s32 $0xFFFFC000;
	(pc) =	sbr.rel @p0 .LBB2_14-.Ltmp7, $4  }
0x111: {  	[spmem:s4] =	stream.indirect.scatter.add.f32 [tilespmem:s17], [sflag:$0x4], $0x10, s25, s26, $0xb8;
	[tilespmem:$0x1F0A0] =	vst v63  }
0x112: {  	_ =	swait.ge [sflag:s12], $0x800  }
0x113: {  	[sflag:s12] =	ssyncset.done $0x0  }
0x114: {  	[sflag:s12] =	ssyncadd.s32 $0xFFFFF800  }
0x115: {  	s6 =	stileid.u32  }
0x116: {  	[bflag:$0x0] =	sbarrier.arrive $0xFFFF;
	s6 =	sshll.u32 s6, $0x6  }
0x117: {  	s9 =	sshrl.u32 s18, $0x3;
	s10 =	rddreg [dreg:$0x16];
	s6 =	sor.u32 $0x1C04, s6  }
0x118: {  	[hbm:s10], [sflag:s6] =	dma.local [spmem:s9], $0x2710  }
0x119: {  	_ =	swait.ge [sflag:s12], $0x2710  }
0x11a: {  	[sflag:s12] =	ssyncset.done $0x0  }
0x11b: {  	[sflag:s12] =	ssyncadd.s32 $0xFFFFD8F0  }
0x11c: {  	[tilespmem:s21], [sflag:$0x4] =	stream.linear.gather [spmem:s20], $0x7D0, $0x38;
	[tilespmem:$0x1F0A0] =	vst v63  }
0x11d: {  	_ =	swait.ge [sflag:s12], $0x7D0  }
0x11e: {  	[sflag:s12] =	ssyncset.done $0x0  }
0x11f: {  	s6 =	simm.s32 $0x0;
	[sflag:s12] =	ssyncadd.s32 $0xFFFFF830  }
0x120: {  	s16 =	smov.u32 s18;
	s18 =	smov.u32 s20;
	s9 =	simm.s32 $0x40;
	v3 =	vld [tilespmem:s6+$0x1E890]  }
.LBB2_18:
0x121: {  	p0 =	sne.s32 s9, $0x1F00  }
.Ltmp8:
0x122: {  	_ = 	snop;
	(pc) =	sbr.rel @p0 .LBB2_18-.Ltmp8, $3  }
0x123: {  	_ =	sdelay $0x1  }
0x124: {  	[tilespmem:s6+$0x1E090] =	vst v3;
	s6 =	sshra.s32 s9, $0x2;
	s9 =	sadd.s32 $0x40, s9  }
0x125: {  	v3 =	vld [tilespmem:s6+$0x1E890]  }
0x126: {  	_ =	sdelay $0x3  }
0x127: {  	s20 =	simm.s32 $0x0;
	s9 =	rddreg [dreg:$0x17];
	[tilespmem:s6+$0x1E090] =	vst v3  }
0x128: {  	[hbm4b:s9+s20] =	stream.linear.scatter [tilespmem:s19], [sflag:$0x4], $0x7D0, $0x38;
	[tilespmem:$0x1F0A0] =	vst v63  }
0x129: {  	_ =	swait.ge [sflag:s12], $0x7D0  }
0x12a: {  	[sflag:s12] =	ssyncset.done $0x0  }
0x12b: {  	[sflag:s12] =	ssyncadd.s32 $0xFFFFF830  }
0x12c: {  	[tilespmem:s21], [sflag:$0x4] =	stream.linear.gather [spmem:s22], $0x7D0, $0x38;
	[tilespmem:$0x1F0A0] =	vst v63  }
0x12d: {  	_ =	swait.ge [sflag:s12], $0x7D0  }
0x12e: {  	[sflag:s12] =	ssyncset.done $0x0  }
0x12f: {  	s6 =	simm.s32 $0x0;
	[sflag:s12] =	ssyncadd.s32 $0xFFFFF830  }
0x130: {  	s9 =	simm.s32 $0x40;
	s20 =	rddreg [dreg:$0xe];
	v3 =	vld [tilespmem:s6+$0x1E890]  }
.LBB2_20:
0x131: {  	p0 =	sne.s32 s9, $0x1F00  }
.Ltmp9:
0x132: {  	_ = 	snop;
	(pc) =	sbr.rel @p0 .LBB2_20-.Ltmp9, $3  }
0x133: {  	_ =	sdelay $0x1  }
0x134: {  	[tilespmem:s6+$0x1E090] =	vst v3;
	s6 =	sshra.s32 s9, $0x2;
	s9 =	sadd.s32 $0x40, s9  }
0x135: {  	v3 =	vld [tilespmem:s6+$0x1E890]  }
0x136: {  	_ =	sdelay $0x3  }
0x137: {  	s15 =	simm.s32 $0x0;
	s9 =	rddreg [dreg:$0x18];
	[tilespmem:s6+$0x1E090] =	vst v3  }
0x138: {  	[hbm4b:s9+s15] =	stream.linear.scatter [tilespmem:s19], [sflag:$0x4], $0x7D0, $0x38;
	[tilespmem:$0x1F0A0] =	vst v63  }
0x139: {  	_ =	swait.ge [sflag:s12], $0x7D0  }
0x13a: {  	[sflag:s12] =	ssyncset.done $0x0  }
0x13b: {  	[sflag:s12] =	ssyncadd.s32 $0xFFFFF830  }
0x13c: {  	[tilespmem:s21], [sflag:$0x4] =	stream.linear.gather [spmem:s24], $0x7D0, $0x38;
	[tilespmem:$0x1F0A0] =	vst v63  }
0x13d: {  	_ =	swait.ge [sflag:s12], $0x7D0  }
0x13e: {  	[sflag:s12] =	ssyncset.done $0x0  }
0x13f: {  	s6 =	simm.s32 $0x0;
	[sflag:s12] =	ssyncadd.s32 $0xFFFFF830  }
0x140: {  	s9 =	simm.s32 $0x40;
	v3 =	vld [tilespmem:s6+$0x1E890]  }
.LBB2_22:
0x141: {  	p0 =	sne.s32 s9, $0x1F00  }
.Ltmp10:
0x142: {  	_ = 	snop;
	(pc) =	sbr.rel @p0 .LBB2_22-.Ltmp10, $3  }
0x143: {  	_ =	sdelay $0x1  }
0x144: {  	[tilespmem:s6+$0x1E090] =	vst v3;
	s6 =	sshra.s32 s9, $0x2;
	s9 =	sadd.s32 $0x40, s9  }
0x145: {  	v3 =	vld [tilespmem:s6+$0x1E890]  }
0x146: {  	_ =	sdelay $0x3  }
0x147: {  	s15 =	simm.s32 $0x0;
	s9 =	rddreg [dreg:$0x19];
	[tilespmem:s6+$0x1E090] =	vst v3  }
0x148: {  	[hbm4b:s9+s15] =	stream.linear.scatter [tilespmem:s19], [sflag:$0x4], $0x7D0, $0x38;
	[tilespmem:$0x1F0A0] =	vst v63  }
0x149: {  	_ =	swait.ge [sflag:s12], $0x7D0  }
0x14a: {  	[sflag:s12] =	ssyncset.done $0x0  }
0x14b: {  	[sflag:s12] =	ssyncadd.s32 $0xFFFFF830  }
0x14c: {  	[tilespmem:s21], [sflag:$0x4] =	stream.linear.gather [spmem:s20], $0x7D0, $0x38;
	[tilespmem:$0x1F0A0] =	vst v63  }
0x14d: {  	_ =	swait.ge [sflag:s12], $0x7D0  }
0x14e: {  	[sflag:s12] =	ssyncset.done $0x0  }
0x14f: {  	s6 =	simm.s32 $0x0;
	[sflag:s12] =	ssyncadd.s32 $0xFFFFF830  }
0x150: {  	s9 =	simm.s32 $0x40;
	v3 =	vld [tilespmem:s6+$0x1E890]  }
.LBB2_24:
0x151: {  	p0 =	sne.s32 s9, $0x1F00  }
.Ltmp11:
0x152: {  	_ = 	snop;
	(pc) =	sbr.rel @p0 .LBB2_24-.Ltmp11, $3  }
0x153: {  	_ =	sdelay $0x1  }
0x154: {  	[tilespmem:s6+$0x1E090] =	vst v3;
	s6 =	sshra.s32 s9, $0x2;
	s9 =	sadd.s32 $0x40, s9  }
0x155: {  	v3 =	vld [tilespmem:s6+$0x1E890]  }
0x156: {  	_ =	sdelay $0x3  }
0x157: {  	s11 =	simm.s32 $0x0;
	s9 =	rddreg [dreg:$0x1a];
	[tilespmem:s6+$0x1E090] =	vst v3  }
0x158: {  	[hbm4b:s9+s11] =	stream.linear.scatter [tilespmem:s19], [sflag:$0x4], $0x7D0, $0x38;
	[tilespmem:$0x1F0A0] =	vst v63  }
0x159: {  	_ =	swait.ge [sflag:s12], $0x7D0  }
0x15a: {  	[sflag:s12] =	ssyncset.done $0x0  }
0x15b: {  	s15 =	rddreg [dreg:$0x10];
	[sflag:s12] =	ssyncadd.s32 $0xFFFFF830  }
0x15c: {  	[tilespmem:s21], [sflag:$0x4] =	stream.linear.gather [spmem:s15], $0x7D0, $0x38;
	[tilespmem:$0x1F0A0] =	vst v63  }
0x15d: {  	_ =	swait.ge [sflag:s12], $0x7D0  }
0x15e: {  	[sflag:s12] =	ssyncset.done $0x0  }
0x15f: {  	s6 =	simm.s32 $0x0;
	[sflag:s12] =	ssyncadd.s32 $0xFFFFF830  }
0x160: {  	s9 =	simm.s32 $0x40;
	v3 =	vld [tilespmem:s6+$0x1E890]  }
.LBB2_26:
0x161: {  	p0 =	sne.s32 s9, $0x1F00  }
.Ltmp12:
0x162: {  	_ = 	snop;
	(pc) =	sbr.rel @p0 .LBB2_26-.Ltmp12, $3  }
0x163: {  	_ =	sdelay $0x1  }
0x164: {  	[tilespmem:s6+$0x1E090] =	vst v3;
	s6 =	sshra.s32 s9, $0x2;
	s9 =	sadd.s32 $0x40, s9  }
0x165: {  	v3 =	vld [tilespmem:s6+$0x1E890]  }
0x166: {  	_ =	sdelay $0x3  }
0x167: {  	s9 =	simm.s32 $0x0;
	s11 =	rddreg [dreg:$0x1b];
	[tilespmem:s6+$0x1E090] =	vst v3  }
0x168: {  	[hbm4b:s11+s9] =	stream.linear.scatter [tilespmem:s19], [sflag:$0x4], $0x7D0, $0x38;
	[tilespmem:$0x1F0A0] =	vst v63  }
0x169: {  	_ =	swait.ge [sflag:s12], $0x7D0  }
0x16a: {  	s3 =	sadd.s32 $0x1, s3;
	s15 =	rddreg [dreg:$0x1c]  }
0x16b: {  	p0 =	sne.s32 s3, s15  }
.Ltmp13:
0x16c: {  	_ = 	snop;
	(pc) =	sbr.rel @p0 .LBB2_1-.Ltmp13, $3  }
0x16d: {  	_ =	sdelay $0x1  }
0x16e: {  	[sflag:s12] =	ssyncset.done $0x0  }
0x16f: {  	[sflag:s12] =	ssyncadd.s32 $0xFFFFF830  }
0x170: {  	_ =	sfence.sel $0x180000  }
0x171: {  	[bflag:$0x0] =	sbarrier.arrive $0xFFFF  }
0x172: {  	_ =	strace $0x9000004D  }
0x173: {  	s0 =	stileid.u32;
	[bflag:$0x2] =	sbarrier.arrive $0xFFFF  }
0x174: {  	p0 =	sne.s32 s0, $0x0;
	s0 =	rddreg [dreg:$0x5]  }
0x175: {  	s0 =	sadd.s32 @!p0 $0x100000, s0  }
0x176: {  	[sflag:s0] =	ssyncadd.tile.s32 @!p0 $0x1;
	_ =	shalt  }
.Lfunc_end2:
_tile_overlayer_lowered:
.L_overlay_start_2:
0x177: {  	(tag) =	ssettag $0x2  }
0x178: {  	s0 =	rddreg [dreg:$0x0];
	s2 =	stileid.u32  }
0x179: {  	s1 =	rddreg [dreg:$0x1];
	p0 =	sne.s32 s2, $0x0  }
0x17a: {  	s3 =	rddreg [dreg:$0x2];
	[bflag:$0x3] =	sbarrier.arrive $0xFFFF;
	s2 =	simm.s32 @!p0 $0x1C04  }
0x17b: {  	[timem:s3], [sflag:s2] =	dma.local @!p0 [hbm:s0], s1  }
0x17c: {  	s0 =	simm.s32 @!p0 $0x4  }
0x17d: {  	_ =	swait.ge @!p0 [sflag:s0], s1  }
0x17e: {  	s1 =	ssub.s32 @!p0 $0x0, s1;
	[sflag:s0] =	ssyncset.done @!p0 $0x0  }
0x17f: {  	[sflag:s0] =	ssyncadd.s32 @!p0 s1  }
0x180: {  	[bflag:$0x3] =	sbarrier.arrive $0xFFFF  }
0x181: {  	_ =	shalt  }

// kernel: kernel.9.cloned.1.call-start
scs
__scs_entry_jumppad:
0x0: {  	(pc) =	sbr.rel $0x88, $3  }
0x1: {  	(tag) =	ssettag $0x0;
	lr =	simm.s32 $0x1  }
0x2: {  	[smem:$0x3F84] =	sst lr;
	_ =	strace $0xD0000000  }
0x3: {  	_ = 	snop  }
0x4: {  	_ = 	snop  }
0x5: {  	_ = 	snop  }
0x6: {  	_ = 	snop  }
0x7: {  	_ = 	snop  }
__scs_overlays_trampoline_lowered:
0x8: {  	[smem:$0x3F93] =	sst s0  }
0x9: {  	[smem:$0x3F94] =	sst s1  }
0xa: {  	[smem:$0x3F95] =	sst s2  }
0xb: {  	[smem:$0x3F96] =	sst s3  }
0xc: {  	[smem:$0x3F97] =	sst s4  }
0xd: {  	[smem:$0x3F98] =	sst s5  }
0xe: {  	[smem:$0x3F99] =	sst s6  }
0xf: {  	[smem:$0x3F9A] =	sst s7  }
0x10: {  	[smem:$0x3F9B] =	sst s8  }
0x11: {  	[smem:$0x3F9C] =	sst s9;
	s0 =	simm.s32 @!p0 $0x0  }
0x12: {  	s1 =	sld [smem:$0x3F82];
	s0 =	simm.s32 @p0 $0x1  }
0x13: {  	[smem:$0x3F9D] =	sst s0;
	s0 =	simm.s32 @!p1 $0x0  }
0x14: {  	s2 =	sld [smem:$0x3F81];
	s0 =	simm.s32 @p1 $0x1  }
0x15: {  	[smem:$0x3F9E] =	sst s0;
	s0 =	simm.s32 @!p2 $0x0  }
0x16: {  	s3 =	sld [smem:$0x3FDB];
	s0 =	simm.s32 @p2 $0x1  }
0x17: {  	s4 =	simm.s32 $0x1BF5;
	[smem:$0x3FA0] =	sst s0  }
0x18: {  	s0 =	sld [smem:$0x3F83];
	_ =	swait.ge [sflag:s4], $0x0  }
0x19: {  	s7 =	sld [smem:$0x3F84]  }
0x1a: {  	s8 =	sadd.s32 $0xFFFFE003, lr  }
0x1b: {  	s9 =	sadd.s32 $0xFFFFFEF7, lr;
	s5 =	simm.s32 $0xFFFFFFFF;
	p2 =	slt.u32 s8, $0xFFFFF086  }
0x1c: {  	p1 =	slt.u32 s9, $0xF7A;
	s5 =	simm.s32 @!p2 $0x0  }
0x1d: {  	s5 =	simm.s32 @p1 $0x1;
	p0 =	seq.s32 s7, s2  }
0x1e: {  	s7 =	smul.u32 @!p0 $0xF7A, s2;
	p2 =	seq.s32 @!p0 s5, $0x0  }
0x1f: {  	s9 =	smul.u32 $0xF7A, s1;
	s8 =	simm.s32 @!p0 $0x1BF5;
	p2 =	por !p2, p0  }
0x20: {  	[sflag:s8] =	ssyncset.s32 @!p0 $0xFFFFF086;
	s6 =	sadd.s32 @!p0 s3, s7;
	s7 =	simm.s32 @!p0 $0x108  }
0x21: {  	s3 =	sadd.s32 s3, s9;
	s6 =	sadd.s32 @!p0 $0x88, s6;
	s7 =	simm.s32 @p2 $0x1082  }
0x22: {  	[simem:s7], [sflag:s8] =	dma.local @!p0 [hbm:s6], $0xF7A  }
0x23: {  	s9 =	sor.u32 $0xD0000000, s2;
	s6 =	simm.s32 $0x108;
	_ =	swait.ge @!p0 [sflag:s8], $0x0  }
0x24: {  	s3 =	sadd.s32 $0x88, s3;
	s6 =	simm.s32 @!p1 $0x1082;
	[sflag:s4] =	ssyncset.s32 $0xFFFFF086  }
0x25: {  	[simem:s6], [sflag:s4] =	dma.local [hbm:s3], $0xF7A  }
0x26: {  	[smem:$0x3F84] =	sst s1;
	(tag) =	ssettag s2;
	_ =	strace s9  }
0x27: {  	s1 =	sld [smem:$0x3F94]  }
0x28: {  	s2 =	sld [smem:$0x3F95]  }
0x29: {  	s4 =	sld [smem:$0x3F97]  }
0x2a: {  	p0 =	seq.s32 s5, $0x0;
	s5 =	sld [smem:$0x3F98]  }
0x2b: {  	s6 =	sld [smem:$0x3F99]  }
0x2c: {  	s7 =	sld [smem:$0x3F9A]  }
0x2d: {  	s3 =	simm.s32 $0x108;
	s8 =	sld [smem:$0x3F9B]  }
0x2e: {  	s3 =	simm.s32 @!p0 $0x1082;
	s9 =	sld [smem:$0x3F9C]  }
0x2f: {  	lr =	sadd.s32 s0, s3;
	s0 =	sld [smem:$0x3F93]  }
0x30: {  	s3 =	sld [smem:$0x3F96]  }
0x31: {  	[smem:$0x3F9F] =	sst s10  }
0x32: {  	s10 =	sld [smem:$0x3F9D];
	_ =	sdelay $0x3  }
0x33: {  	p0 =	seq.s32 s10, $0x1;
	s10 =	sld [smem:$0x3F9F];
	_ =	sdelay $0x3  }
0x34: {  	[smem:$0x3F9F] =	sst s10  }
0x35: {  	s10 =	sld [smem:$0x3F9E];
	_ =	sdelay $0x3  }
0x36: {  	p1 =	seq.s32 s10, $0x1;
	s10 =	sld [smem:$0x3F9F];
	_ =	sdelay $0x3  }
0x37: {  	[smem:$0x3F9F] =	sst s10  }
0x38: {  	s10 =	sld [smem:$0x3FA0]  }
0x39: {  	_ = 	snop;
	(pc) =	sbr.ind lr, $3  }
0x3a: {  	_ = 	snop  }
0x3b: {  	_ = 	snop  }
0x3c: {  	p2 =	seq.s32 s10, $0x1;
	s10 =	sld [smem:$0x3F9F]  }
0x3d: {  	_ =	shalt  }
0x3e: {  	_ =	shalt  }
0x3f: {  	_ =	shalt  }
0x40: {  	_ =	shalt  }
0x41: {  	_ =	shalt  }
0x42: {  	_ =	shalt  }
0x43: {  	_ =	shalt  }
0x44: {  	_ =	shalt  }
0x45: {  	_ =	shalt  }
0x46: {  	_ =	shalt  }
0x47: {  	_ =	shalt  }
0x48: {  	_ =	shalt  }
0x49: {  	_ =	shalt  }
0x4a: {  	_ =	shalt  }
0x4b: {  	_ =	shalt  }
0x4c: {  	_ =	shalt  }
0x4d: {  	_ =	shalt  }
0x4e: {  	_ =	shalt  }
0x4f: {  	_ =	shalt  }
0x50: {  	_ =	shalt  }
0x51: {  	_ =	shalt  }
0x52: {  	_ =	shalt  }
0x53: {  	_ =	shalt  }
0x54: {  	_ =	shalt  }
0x55: {  	_ =	shalt  }
0x56: {  	_ =	shalt  }
0x57: {  	_ =	shalt  }
0x58: {  	_ =	shalt  }
0x59: {  	_ =	shalt  }
0x5a: {  	_ =	shalt  }
0x5b: {  	_ =	shalt  }
0x5c: {  	_ =	shalt  }
0x5d: {  	_ =	shalt  }
0x5e: {  	_ =	shalt  }
0x5f: {  	_ =	shalt  }
0x60: {  	_ =	shalt  }
0x61: {  	_ =	shalt  }
0x62: {  	_ =	shalt  }
0x63: {  	_ =	shalt  }
0x64: {  	_ =	shalt  }
0x65: {  	_ =	shalt  }
0x66: {  	_ =	shalt  }
0x67: {  	_ =	shalt  }
0x68: {  	_ =	shalt  }
0x69: {  	_ =	shalt  }
0x6a: {  	_ =	shalt  }
0x6b: {  	_ =	shalt  }
0x6c: {  	_ =	shalt  }
0x6d: {  	_ =	shalt  }
0x6e: {  	_ =	shalt  }
0x6f: {  	_ =	shalt  }
0x70: {  	_ =	shalt  }
0x71: {  	_ =	shalt  }
0x72: {  	_ =	shalt  }
0x73: {  	_ =	shalt  }
0x74: {  	_ =	shalt  }
0x75: {  	_ =	shalt  }
0x76: {  	_ =	shalt  }
0x77: {  	_ =	shalt  }
0x78: {  	_ =	shalt  }
0x79: {  	_ =	shalt  }
0x7a: {  	_ =	shalt  }
0x7b: {  	_ =	shalt  }
0x7c: {  	_ =	shalt  }
0x7d: {  	_ =	shalt  }
0x7e: {  	_ =	shalt  }
0x7f: {  	_ =	shalt  }
0x80: {  	_ =	shalt  }
0x81: {  	_ =	shalt  }
0x82: {  	_ =	shalt  }
0x83: {  	_ =	shalt  }
0x84: {  	_ =	shalt  }
0x85: {  	_ =	shalt  }
0x86: {  	_ =	shalt  }
0x87: {  	_ =	shalt  }
.Lfunc_end0:
.L_simem_size_0:
called_computation_lowered:
.L_overlay_start_0:
0x88: {  	s2 =	sld [smem:$0x3FD9]  }
0x89: {  	s3 =	sld [smem:$0x3FFE];
	_ =	sdelay $0x1  }
0x8a: {  	s1 =	srdreg.scid  }
0x8b: {  	s0 =	sand.u32 $0x1, s1  }
0x8c: {  	s17 =	sshll.u32 s0, $0xA;
	s2 =	sadd.s32 s3, s2  }
0x8d: {  	s2 =	sadd.s32 s2, s17  }
0x8e: {  	[smem:$0x3FAB] =	sst s2  }
0x8f: {  	_ = 	snop  }
0x90: {  	s2 =	sld [smem:$0x3FD0];
	(tm) =	ssettm $0x1  }
0x91: {  	s18 =	sld [smem:$0x3FFB];
	_ =	sdelay $0x3  }
0x92: {  	_ =	strace s18  }
0x93: {  	s3 =	sld [smem:$0x3FFC];
	_ =	sdelay $0x3  }
0x94: {  	_ =	strace s3  }
0x95: {  	s3 =	sld [smem:$0x3FFD];
	_ =	sdelay $0x3  }
0x96: {  	_ =	strace s3  }
0x97: {  	_ =	strace $0x8FFFFFFF  }
0x98: {  	s19 =	sld [smem:$0x3FDB];
	_ =	sdelay $0x1  }
0x99: {  	s4 =	simm.s32 $_scs_section_size  }
0x9a: {  	s5 =	simm.s32 $_size__tile_overlayer_lowered;
	s6 =	simm.s32 $_tile_overlayer_lowered  }
0x9b: {  	s22 =	simm.s32 $0x1BFF;
	s21 =	sshll.u32 s6, $0x1;
	s3 =	sadd.s32 s4, s19  }
0x9c: {  	s7 =	simm.s32 $0x0;
	s20 =	sshll.u32 s5, $0x1;
	s5 =	sadd.s32 s21, s3  }
0x9d: {  	[timem:s7], [sflag:s22] =	dma.local [hbm:s5], s20  }
0x9e: {  	_ =	swait.ge [sflag:s22], s20  }
0x9f: {  	s4 =	ssub.s32 $0x0, s20;
	[sflag:s22] =	ssyncset.done $0x0  }
0xa0: {  	[sflag:s22] =	ssyncadd.s32 s4;
	_ =	sdelay $0x1  }
0xa1: {  	s23 =	simm.s32 $0x1B8B  }
0xa2: {  	_ =	swait.ge [sflag:s23], $0x1  }
0xa3: {  	[sflag:s23] =	ssyncset.done $0x0  }
0xa4: {  	s25 =	simm.s32 $0x1B8E;
	s24 =	sld [smem:$0x3FFE];
	[sflag:s23] =	ssyncadd.s32 $0xFFFFFFFF  }
0xa5: {  	s26 =	simm.s32 $execute0_lowered;
	[smem:$0x3FD2] =	sst s25  }
0xa6: {  	s5 =	sshll.u32 s26, $0x1;
	_ =	strace $0x80000046;
	[dreg:$0x1] =	wrdreg $0xFFFFFFFF  }
0xa7: {  	s28 =	simm.s32 $_size_execute0_lowered;
	s3 =	sadd.s32 s3, s5;
	[dreg:$0x0] =	wrdreg $0x0  }
0xa8: {  	s5 =	sshll.u32 s28, $0x1;
	[dreg:$0x2] =	wrdreg s3  }
0xa9: {  	[dreg:$0x3] =	wrdreg s5  }
0xaa: {  	[dreg:$0x4] =	wrdreg $0xC0  }
0xab: {  	_ =	task [dreg:s7], $0x5FFFF  }
0xac: {  	[dreg:$0x1] =	wrdreg $0xFFFFFFFF  }
0xad: {  	[dreg:$0x0] =	wrdreg $0x60  }
0xae: {  	[dreg:$0x2] =	wrdreg s24  }
0xaf: {  	[dreg:$0x3] =	wrdreg s2  }
0xb0: {  	[dreg:$0x4] =	wrdreg $0x0  }
0xb1: {  	[dreg:$0x5] =	wrdreg $0x138800  }
0xb2: {  	[dreg:$0x6] =	wrdreg $0x15F900  }
0xb3: {  	[dreg:$0x7] =	wrdreg $0x9  }
0xb4: {  	_ =	task.clear_ibuf [dreg:s7], $0x8FFFF;
	_ =	strace $0x90000046  }
0xb5: {  	s29 =	simm.s32 $0x9;
	_ =	strace $0x80000048  }
0xb6: {  	_ =	swait.ge [sflag:s29], $0x1  }
0xb7: {  	[sflag:s29] =	ssyncadd.s32 $0xFFFFFFFF  }
0xb8: {  	_ =	strace $0x90000048  }
0xb9: {  	_ =	sfence  }
0xba: {  	s30 =	sld [smem:$0x0];
	_ =	sdelay $0x2  }
0xbb: {  	s31 =	sshll.u32 s1, $0xD;
	s1 =	sshrl.u32 s1, $0x2  }
0xbc: {  	s3 =	sand.u32 $0x4000, s31;
	s1 =	sadd.s32 s1, s30  }
0xbd: {  	s0 =	sor.u32 s3, s0;
	s1 =	sshll.u32 s1, $0x11  }
0xbe: {  	s0 =	sor.u32 s1, s0  }
0xbf: {  	s0 =	sadd.s32 $0x8F2B, s0  }
0xc0: {  	[sflag:s0] =	ssyncadd.remote.s32 $0x1  }
0xc1: {  	_ =	sfence.sel $0xFFFF  }
0xc2: {  	[dreg:$0x0] =	wrdreg $0xFFFFFFFF;
	(pc) =	sbr.abs _section_cstart, $3  }
0xc3: {  	[dreg:$0x1] =	wrdreg $0xFFFFFFFF  }
0xc4: {  	_ =	task.clear_ibuf [dreg:s7], $0x2FFFF;
	_ =	strace $0x9FFFFFFF  }
0xc5: {  	(tm) =	ssettm $0x7FFFFFFF  }
tec
execute0_lowered:
.L_overlay_start_1:
0x0: {  	(tag) =	ssettag $0x1  }
0x1: {  	s1 =	rddreg [dreg:$0x0]  }
0x2: {  	s2 =	rddreg [dreg:$0x2]  }
0x3: {  	s4 =	rddreg [dreg:$0x3]  }
0x4: {  	s5 =	rddreg [dreg:$0x4];
	s23 =	stileid.u32  }
0x5: {  	s0 =	srdreg.scid;
	s3 =	smul.u32 $0x13880, s23  }
0x6: {  	s6 =	simm.s32 $0x0;
	s28 =	simm.s32 $0x1C890;
	s9 =	smul.u32 $0x271, s23  }
0x7: {  	s29 =	simm.s32 $0x1D090;
	s0 =	sand.u32 $0x1, s0;
	s12 =	smul.u32 $0x2800, s23  }
0x8: {  	[smem:$0x7FF] =	sst s6;
	s7 =	sadd.s32 $0x2C800, s1;
	s15 =	smul.u32 $0x500, s23  }
0x9: {  	s10 =	sadd.s32 $0x7AC00, s1;
	s8 =	sadd.s32 $0xEA00, s1;
	s25 =	smul.u32 $0x9C40, s23  }
0xa: {  	s30 =	simm.s32 $0x2;
	s20 =	smul.u32 $0x138800, s0;
	_ =	strace $0x80000047  }
0xb: {  	s11 =	smul.u32 $0x2710, s0;
	s13 =	ssub.s32 $0x2, s0;
	s0 =	sshll.u32 s0, $0x4  }
0xc: {  	s14 =	sshrl.u32 s13, $0x1;
	s17 =	sadd.s32 $0x800, s12;
	s15 =	sadd.s32 s10, s15  }
0xd: {  	s19 =	sadd.s32 $0x1800, s12;
	s26 =	sadd.s32 $0x7D, s9;
	s0 =	sor.u32 s23, s0  }
0xe: {  	s6 =	sadd.s32 s3, s20;
	s11 =	sadd.s32 s9, s11;
	s13 =	ssub.s32 s13, s14  }
0xf: {  	s21 =	sshrl.u32 s17, $0x3;
	[dreg:$0x6] =	wrdreg s15;
	s15 =	sadd.s32 $0x1000, s12  }
0x10: {  	s12 =	sadd.s32 $0x2000, s12;
	s24 =	sshrl.u32 s19, $0x3;
	s20 =	sshrl.u32 s25, $0x2  }
0x11: {  	s25 =	sadd.s32 $0x177, s9;
	s31 =	smul.u32 $0x2880, s0;
	s6 =	sshrl.u32 s6, $0x3  }
0x12: {  	s11 =	sshll.u32 s11, $0x1;
	s14 =	sadd.s32 s10, s21;
	s22 =	sshrl.u32 s15, $0x3  }
0x13: {  	s16 =	sshrl.u32 s12, $0x3;
	s21 =	sshll.u32 s26, $0x7;
	s18 =	sadd.s32 s20, s4  }
0x14: {  	s12 =	sadd.s32 s12, s5;
	s6 =	sadd.s32 s6, s1;
	[dreg:$0x7] =	wrdreg s14  }
0x15: {  	s14 =	sadd.s32 s10, s22;
	s11 =	sadd.s32 s11, s1;
	[dreg:$0x15] =	wrdreg s12  }
0x16: {  	s22 =	sadd.s32 s21, s2;
	s21 =	sshll.u32 s25, $0x7;
	[dreg:$0x8] =	wrdreg s14  }
0x17: {  	s14 =	sadd.s32 s10, s24;
	s10 =	sadd.s32 s10, s16;
	s16 =	sadd.s32 s3, s2  }
0x18: {  	[dreg:$0xb] =	wrdreg s22;
	s24 =	sadd.s32 $0xFA, s9;
	s20 =	sadd.s32 s21, s2  }
0x19: {  	s21 =	sshll.u32 s25, $0x4;
	s25 =	sadd.s32 $0x1F4, s9;
	[dreg:$0x9] =	wrdreg s14  }
0x1a: {  	[dreg:$0xa] =	wrdreg s10;
	s14 =	sadd.s32 $0x4800, s1;
	s1 =	sshll.u32 s26, $0x4  }
0x1b: {  	s26 =	sshll.u32 s24, $0x7;
	[dreg:$0xd] =	wrdreg s20;
	s20 =	sadd.s32 s21, s4  }
0x1c: {  	s3 =	sshll.u32 s25, $0x4;
	s10 =	sadd.s32 s26, s2;
	[dreg:$0xe] =	wrdreg s20  }
0x1d: {  	s0 =	simm.s32 $0x3;
	s21 =	sadd.s32 s3, s4;
	[dreg:$0xc] =	wrdreg s10  }
0x1e: {  	s22 =	sadd.s32 s1, s4;
	s3 =	sadd.s32 s15, s5;
	[dreg:$0x10] =	wrdreg s21  }
0x1f: {  	s1 =	sshll.u32 s24, $0x4;
	s15 =	sadd.s32 $0x7FC00, s6;
	[dreg:$0x13] =	wrdreg s3  }
0x20: {  	s26 =	smul.u32 $0xA000, s23;
	s23 =	sadd.s32 $0x18EEE, s11;
	[dreg:$0x16] =	wrdreg s15  }
0x21: {  	s10 =	sshll.u32 s25, $0x7;
	s21 =	sadd.s32 $0x18DF4, s11;
	[dreg:$0x1a] =	wrdreg s23  }
0x22: {  	s24 =	sadd.s32 s1, s4;
	s1 =	sadd.s32 s10, s2;
	[dreg:$0x19] =	wrdreg s21  }
0x23: {  	s25 =	sshrl.u32 s26, $0x2;
	s26 =	sadd.s32 s17, s5;
	[dreg:$0xf] =	wrdreg s1  }
0x24: {  	s12 =	simm.s32 $0x4;
	s10 =	sadd.s32 s19, s5;
	[dreg:$0x12] =	wrdreg s26  }
0x25: {  	s9 =	simm.s32 $0x0;
	s17 =	sadd.s32 $0x18C00, s11;
	[dreg:$0x14] =	wrdreg s10  }
0x26: {  	s23 =	simm.s32 $0x18790;
	s19 =	sadd.s32 $0x18CFA, s11;
	[dreg:$0x17] =	wrdreg s17  }
0x27: {  	s3 =	simm.s32 $0x0;
	s1 =	sadd.s32 s25, s5;
	[dreg:$0x18] =	wrdreg s19  }
0x28: {  	v0 =	vimm.f32 $0.0e+00;
	v1 =	vlaneseq.u32;
	s21 =	simm.s32 $0x1E890;
	s25 =	sadd.s32 $0x18FE8, s11;
	[dreg:$0x11] =	wrdreg s1  }
0x29: {  	v2 =	vimm.s32 $0x0;
	v3 =	vimm.s32 $0x1;
	v4 =	vimm.s32 $0x2;
	s26 =	smax.u32 s13, $0x1;
	s13 =	simm.s32 $0x18890;
	[dreg:$0x1b] =	wrdreg s25  }
0x2a: {  	v5 =	vimm.s32 $0x3;
	v6 =	vimm.s32 $0x4;
	v7 =	vimm.s32 $0x5;
	s17 =	simm.s32 $0x1D890;
	s19 =	simm.s32 $0x1E090;
	[dreg:$0x1c] =	wrdreg s26  }
0x2b: {  	v8 =	vimm.s32 $0x6;
	v9 =	vimm.s32 $0x7;
	v1 =	vor.u32 $0x8, v1;
	s25 =	simm.s32 $0x18810;
	s26 =	simm.s32 $0x80;
	s1 =	simm.s32 $0x1  }
.LBB2_1:
0x2c: {  	s6 =	rddreg [dreg:$0x1];
	s10 =	simm.s32 $0x1F090  }
0x2d: {  	[tilespmem:s10], [sflag:$0x4] =	stream.linear.gather [hbm4b:s6+s9], $0x10, $0x38;
	[tilespmem:$0x1F0A0] =	vst v63  }
0x2e: {  	_ =	swait.ge [sflag:s12], $0x10  }
0x2f: {  	[sflag:s12] =	ssyncset.done $0x0  }
0x30: {  	s6 =	simm.s32 $0x188D0;
	[sflag:s12] =	ssyncadd.s32 $0xFFFFFFF0  }
0x31: {  	[tilespmem:s6+$0xFFFFFFD0] =	vst v0  }
0x32: {  	[tilespmem:s6+$0xFFFFFFE0] =	vst v0  }
0x33: {  	[tilespmem:s6+$0xFFFFFFF0] =	vst v0  }
0x34: {  	[tilespmem:s6+$0x0] =	vst v0  }
0x35: {  	[tilespmem:s6+$0x10] =	vst v0  }
0x36: {  	[tilespmem:s6+$0x20] =	vst v0  }
0x37: {  	[tilespmem:s6+$0x30] =	vst v0  }
0x38: {  	s10 =	simm.s32 $0x0;
	s9 =	simm.s32 $0x40;
	[tilespmem:s6+$0xFFFFFFC0] =	vst v0  }
.LBB2_2:
0x39: {  	p0 =	sne.s32 s9, $0x1FC0;
	[tilespmem:s10+$0x1D890] =	vst v0;
	s6 =	sadd.s32 $0x80, s6  }
0x3a: {  	[tilespmem:s6+$0xFFFFFFD0] =	vst v0  }
0x3b: {  	[tilespmem:s6+$0xFFFFFFE0] =	vst v0  }
0x3c: {  	[tilespmem:s6+$0xFFFFFFF0] =	vst v0  }
.Ltmp0:
0x3d: {  	[tilespmem:s6+$0x0] =	vst v0;
	(pc) =	sbr.rel @p0 .LBB2_2-.Ltmp0, $4  }
0x3e: {  	[tilespmem:s6+$0x10] =	vst v0  }
0x3f: {  	[tilespmem:s6+$0x20] =	vst v0  }
0x40: {  	[tilespmem:s6+$0x30] =	vst v0  }
0x41: {  	s10 =	sshra.s32 s9, $0x2;
	s9 =	sadd.s32 $0x40, s9;
	[tilespmem:s6+$0xFFFFFFC0] =	vst v0  }
0x42: {  	[tilespmem:s10+$0x1D890] =	vst v0  }
0x43: {  	[spmem:s16] =	stream.linear.scatter [tilespmem:s13], [sflag:$0x4], $0x3E80, $0x38;
	[tilespmem:$0x1F0A0] =	vst v63  }
0x44: {  	_ =	swait.ge [sflag:s12], $0x3E80  }
0x45: {  	[sflag:s12] =	ssyncset.done $0x0  }
0x46: {  	[sflag:s12] =	ssyncadd.s32 $0xFFFFC180  }
0x47: {  	[spmem:s18] =	stream.linear.scatter [tilespmem:s17], [sflag:$0x4], $0x7D0, $0x38;
	[tilespmem:$0x1F0A0] =	vst v63  }
0x48: {  	_ =	swait.ge [sflag:s12], $0x7D0  }
0x49: {  	[sflag:s12] =	ssyncset.done $0x0  }
0x4a: {  	s6 =	rddreg [dreg:$0xb];
	[sflag:s12] =	ssyncadd.s32 $0xFFFFF830  }
0x4b: {  	[spmem:s6] =	stream.linear.scatter [tilespmem:s13], [sflag:$0x4], $0x3E80, $0x38;
	[tilespmem:$0x1F0A0] =	vst v63  }
0x4c: {  	_ =	swait.ge [sflag:s12], $0x3E80  }
0x4d: {  	[sflag:s12] =	ssyncset.done $0x0  }
0x4e: {  	[sflag:s12] =	ssyncadd.s32 $0xFFFFC180  }
0x4f: {  	[spmem:s22] =	stream.linear.scatter [tilespmem:s17], [sflag:$0x4], $0x7D0, $0x38;
	[tilespmem:$0x1F0A0] =	vst v63  }
0x50: {  	_ =	swait.ge [sflag:s12], $0x7D0  }
0x51: {  	[sflag:s12] =	ssyncset.done $0x0  }
0x52: {  	s9 =	rddreg [dreg:$0xc];
	[sflag:s12] =	ssyncadd.s32 $0xFFFFF830  }
0x53: {  	[spmem:s9] =	stream.linear.scatter [tilespmem:s13], [sflag:$0x4], $0x3E80, $0x38;
	[tilespmem:$0x1F0A0] =	vst v63  }
0x54: {  	_ =	swait.ge [sflag:s12], $0x3E80  }
0x55: {  	[sflag:s12] =	ssyncset.done $0x0  }
0x56: {  	[sflag:s12] =	ssyncadd.s32 $0xFFFFC180  }
0x57: {  	[spmem:s24] =	stream.linear.scatter [tilespmem:s17], [sflag:$0x4], $0x7D0, $0x38;
	[tilespmem:$0x1F0A0] =	vst v63  }
0x58: {  	_ =	swait.ge [sflag:s12], $0x7D0  }
0x59: {  	[sflag:s12] =	ssyncset.done $0x0  }
0x5a: {  	s10 =	rddreg [dreg:$0xd];
	[sflag:s12] =	ssyncadd.s32 $0xFFFFF830  }
0x5b: {  	[spmem:s10] =	stream.linear.scatter [tilespmem:s13], [sflag:$0x4], $0x3E80, $0x38;
	[tilespmem:$0x1F0A0] =	vst v63  }
0x5c: {  	_ =	swait.ge [sflag:s12], $0x3E80  }
0x5d: {  	[sflag:s12] =	ssyncset.done $0x0  }
0x5e: {  	[sflag:s12] =	ssyncadd.s32 $0xFFFFC180  }
0x5f: {  	[spmem:s20] =	stream.linear.scatter [tilespmem:s17], [sflag:$0x4], $0x7D0, $0x38;
	[tilespmem:$0x1F0A0] =	vst v63  }
0x60: {  	_ =	swait.ge [sflag:s12], $0x7D0  }
0x61: {  	[sflag:s12] =	ssyncset.done $0x0  }
0x62: {  	s11 =	rddreg [dreg:$0xf];
	[sflag:s12] =	ssyncadd.s32 $0xFFFFF830  }
0x63: {  	[spmem:s11] =	stream.linear.scatter [tilespmem:s13], [sflag:$0x4], $0x3E80, $0x38;
	[tilespmem:$0x1F0A0] =	vst v63  }
0x64: {  	_ =	swait.ge [sflag:s12], $0x3E80  }
0x65: {  	[sflag:s12] =	ssyncset.done $0x0  }
0x66: {  	s15 =	rddreg [dreg:$0x10];
	[sflag:s12] =	ssyncadd.s32 $0xFFFFC180  }
0x67: {  	[spmem:s15] =	stream.linear.scatter [tilespmem:s17], [sflag:$0x4], $0x7D0, $0x38;
	[tilespmem:$0x1F0A0] =	vst v63  }
0x68: {  	_ =	swait.ge [sflag:s12], $0x7D0  }
0x69: {  	[sflag:s12] =	ssyncset.done $0x0  }
0x6a: {  	s20 =	simm.s32 $0x0;
	s9 =	rddreg [dreg:$0x6];
	[sflag:s12] =	ssyncadd.s32 $0xFFFFF830  }
0x6b: {  	[tilespmem:s19], [sflag:$0x4] =	stream.linear.gather [hbm4b:s9+s20], $0x800, $0x38;
	[tilespmem:$0x1F0A0] =	vst v63  }
0x6c: {  	_ =	swait.ge [sflag:s12], $0x800  }
0x6d: {  	[sflag:s12] =	ssyncset.done $0x0  }
0x6e: {  	s6 =	simm.s32 $0x0;
	[sflag:s12] =	ssyncadd.s32 $0xFFFFF800  }
0x6f: {  	s9 =	simm.s32 $0x40;
	v10 =	vld [tilespmem:s6+$0x1E090]  }
.LBB2_4:
0x70: {  	p0 =	sne.s32 s9, $0x1FC0  }
.Ltmp1:
0x71: {  	_ = 	snop;
	(pc) =	sbr.rel @p0 .LBB2_4-.Ltmp1, $3  }
0x72: {  	_ =	sdelay $0x1  }
0x73: {  	[tilespmem:s6+$0x1E890] =	vst v10;
	s6 =	sshra.s32 s9, $0x2;
	s9 =	sadd.s32 $0x40, s9  }
0x74: {  	v10 =	vld [tilespmem:s6+$0x1E090]  }
0x75: {  	_ =	sdelay $0x3  }
0x76: {  	s15 =	rddreg [dreg:$0x11];
	[tilespmem:s6+$0x1E890] =	vst v10  }
0x77: {  	[spmem:s15] =	stream.linear.scatter [tilespmem:s21], [sflag:$0x4], $0x800, $0x38;
	[tilespmem:$0x1F0A0] =	vst v63  }
0x78: {  	_ =	swait.ge [sflag:s12], $0x800  }
0x79: {  	[sflag:s12] =	ssyncset.done $0x0  }
0x7a: {  	s20 =	simm.s32 $0x0;
	s9 =	rddreg [dreg:$0x7];
	[sflag:s12] =	ssyncadd.s32 $0xFFFFF800  }
0x7b: {  	[tilespmem:s19], [sflag:$0x4] =	stream.linear.gather [hbm4b:s9+s20], $0x800, $0x38;
	[tilespmem:$0x1F0A0] =	vst v63  }
0x7c: {  	_ =	swait.ge [sflag:s12], $0x800  }
0x7d: {  	[sflag:s12] =	ssyncset.done $0x0  }
0x7e: {  	s6 =	simm.s32 $0x0;
	[sflag:s12] =	ssyncadd.s32 $0xFFFFF800  }
0x7f: {  	s9 =	simm.s32 $0x40;
	v10 =	vld [tilespmem:s6+$0x1E090]  }
.LBB2_6:
0x80: {  	p0 =	sne.s32 s9, $0x1FC0  }
.Ltmp2:
0x81: {  	_ = 	snop;
	(pc) =	sbr.rel @p0 .LBB2_6-.Ltmp2, $3  }
0x82: {  	_ =	sdelay $0x1  }
0x83: {  	[tilespmem:s6+$0x1E890] =	vst v10;
	s6 =	sshra.s32 s9, $0x2;
	s9 =	sadd.s32 $0x40, s9  }
0x84: {  	v10 =	vld [tilespmem:s6+$0x1E090]  }
0x85: {  	_ =	sdelay $0x3  }
0x86: {  	s15 =	rddreg [dreg:$0x12];
	[tilespmem:s6+$0x1E890] =	vst v10  }
0x87: {  	[spmem:s15] =	stream.linear.scatter [tilespmem:s21], [sflag:$0x4], $0x800, $0x38;
	[tilespmem:$0x1F0A0] =	vst v63  }
0x88: {  	_ =	swait.ge [sflag:s12], $0x800  }
0x89: {  	s20 =	smov.u32 s18;
	[sflag:s12] =	ssyncset.done $0x0  }
0x8a: {  	s18 =	simm.s32 $0x0;
	s9 =	rddreg [dreg:$0x8];
	[sflag:s12] =	ssyncadd.s32 $0xFFFFF800  }
0x8b: {  	[tilespmem:s19], [sflag:$0x4] =	stream.linear.gather [hbm4b:s9+s18], $0x800, $0x38;
	[tilespmem:$0x1F0A0] =	vst v63  }
0x8c: {  	_ =	swait.ge [sflag:s12], $0x800  }
0x8d: {  	[sflag:s12] =	ssyncset.done $0x0  }
0x8e: {  	s6 =	simm.s32 $0x0;
	[sflag:s12] =	ssyncadd.s32 $0xFFFFF800  }
0x8f: {  	s9 =	simm.s32 $0x40;
	v10 =	vld [tilespmem:s6+$0x1E090]  }
.LBB2_8:
0x90: {  	p0 =	sne.s32 s9, $0x1FC0  }
.Ltmp3:
0x91: {  	_ = 	snop;
	(pc) =	sbr.rel @p0 .LBB2_8-.Ltmp3, $3  }
0x92: {  	_ =	sdelay $0x1  }
0x93: {  	[tilespmem:s6+$0x1E890] =	vst v10;
	s6 =	sshra.s32 s9, $0x2;
	s9 =	sadd.s32 $0x40, s9  }
0x94: {  	v10 =	vld [tilespmem:s6+$0x1E090]  }
0x95: {  	_ =	sdelay $0x3  }
0x96: {  	s15 =	rddreg [dreg:$0x13];
	[tilespmem:s6+$0x1E890] =	vst v10  }
0x97: {  	[spmem:s15] =	stream.linear.scatter [tilespmem:s21], [sflag:$0x4], $0x800, $0x38;
	[tilespmem:$0x1F0A0] =	vst v63  }
0x98: {  	_ =	swait.ge [sflag:s12], $0x800  }
0x99: {  	s18 =	smov.u32 s16;
	[sflag:s12] =	ssyncset.done $0x0  }
0x9a: {  	s16 =	simm.s32 $0x0;
	s9 =	rddreg [dreg:$0x9];
	[sflag:s12] =	ssyncadd.s32 $0xFFFFF800  }
0x9b: {  	[tilespmem:s19], [sflag:$0x4] =	stream.linear.gather [hbm4b:s9+s16], $0x800, $0x38;
	[tilespmem:$0x1F0A0] =	vst v63  }
0x9c: {  	_ =	swait.ge [sflag:s12], $0x800  }
0x9d: {  	[sflag:s12] =	ssyncset.done $0x0  }
0x9e: {  	s6 =	simm.s32 $0x0;
	[sflag:s12] =	ssyncadd.s32 $0xFFFFF800  }
0x9f: {  	s9 =	simm.s32 $0x40;
	v10 =	vld [tilespmem:s6+$0x1E090]  }
.LBB2_10:
0xa0: {  	p0 =	sne.s32 s9, $0x1FC0  }
.Ltmp4:
0xa1: {  	_ = 	snop;
	(pc) =	sbr.rel @p0 .LBB2_10-.Ltmp4, $3  }
0xa2: {  	_ =	sdelay $0x1  }
0xa3: {  	[tilespmem:s6+$0x1E890] =	vst v10;
	s6 =	sshra.s32 s9, $0x2;
	s9 =	sadd.s32 $0x40, s9  }
0xa4: {  	v10 =	vld [tilespmem:s6+$0x1E090]  }
0xa5: {  	_ =	sdelay $0x3  }
0xa6: {  	s15 =	rddreg [dreg:$0x14];
	[tilespmem:s6+$0x1E890] =	vst v10  }
0xa7: {  	[spmem:s15] =	stream.linear.scatter [tilespmem:s21], [sflag:$0x4], $0x800, $0x38;
	[tilespmem:$0x1F0A0] =	vst v63  }
0xa8: {  	_ =	swait.ge [sflag:s12], $0x800  }
0xa9: {  	[sflag:s12] =	ssyncset.done $0x0  }
0xaa: {  	s16 =	simm.s32 $0x0;
	s9 =	rddreg [dreg:$0xa];
	[sflag:s12] =	ssyncadd.s32 $0xFFFFF800  }
0xab: {  	[tilespmem:s19], [sflag:$0x4] =	stream.linear.gather [hbm4b:s9+s16], $0x800, $0x38;
	[tilespmem:$0x1F0A0] =	vst v63  }
0xac: {  	_ =	swait.ge [sflag:s12], $0x800  }
0xad: {  	[sflag:s12] =	ssyncset.done $0x0  }
0xae: {  	s6 =	simm.s32 $0x0;
	[sflag:s12] =	ssyncadd.s32 $0xFFFFF800  }
0xaf: {  	s9 =	simm.s32 $0x40;
	v10 =	vld [tilespmem:s6+$0x1E090]  }
.LBB2_12:
0xb0: {  	p0 =	sne.s32 s9, $0x1FC0  }
.Ltmp5:
0xb1: {  	_ = 	snop;
	(pc) =	sbr.rel @p0 .LBB2_12-.Ltmp5, $3  }
0xb2: {  	_ =	sdelay $0x1  }
0xb3: {  	[tilespmem:s6+$0x1E890] =	vst v10;
	s6 =	sshra.s32 s9, $0x2;
	s9 =	sadd.s32 $0x40, s9  }
0xb4: {  	v10 =	vld [tilespmem:s6+$0x1E090]  }
0xb5: {  	_ =	sdelay $0x3  }
0xb6: {  	s16 =	rddreg [dreg:$0x15];
	[tilespmem:s6+$0x1E890] =	vst v10  }
0xb7: {  	[spmem:s16] =	stream.linear.scatter [tilespmem:s21], [sflag:$0x4], $0x800, $0x38;
	[tilespmem:$0x1F0A0] =	vst v63  }
0xb8: {  	_ =	swait.ge [sflag:s12], $0x800  }
0xb9: {  	[sflag:s12] =	ssyncset.done $0x0  }
0xba: {  	[sflag:s12] =	ssyncadd.s32 $0xFFFFF800  }
0xbb: {  	[bflag:$0x0] =	sbarrier.arrive $0xFFFF  }
0xbc: {  	s9 =	simm.s32 $0x0;
	s6 =	simm.s32 $0x0;
	v10 =	vld [tilespmem:$0x1F090]  }
.LBB2_14:
0xbd: {  	s10 =	sshll.u32 s9, $0x7  }
0xbe: {  	s10 =	sadd.s32 s31, s10  }
0xbf: {  	s10 =	sshrl.u32 s10, $0x3  }
0xc0: {  	s11 =	sadd.s32 s8, s10  }
0xc1: {  	[tilespmem:s23], [sflag:$0x4] =	stream.linear.gather [hbm4b:s11+s6], $0x80, $0x38;
	[tilespmem:$0x1F0A0] =	vst v63  }
0xc2: {  	_ =	swait.ge [sflag:s12], $0x80  }
0xc3: {  	[sflag:s12] =	ssyncset.done $0x0  }
0xc4: {  	s10 =	sadd.s32 s14, s10;
	[sflag:s12] =	ssyncadd.s32 $0xFFFFFF80  }
0xc5: {  	[tilespmem:s25], [sflag:$0x4] =	stream.linear.gather [hbm4b:s10+s6], $0x80, $0x38;
	[tilespmem:$0x1F0A0] =	vst v63  }
0xc6: {  	_ =	swait.ge [sflag:s12], $0x80  }
0xc7: {  	[sflag:s12] =	ssyncset.done $0x0  }
0xc8: {  	[sflag:s12] =	ssyncadd.s32 $0xFFFFFF80  }
0xc9: {  	[tilespmem:s13], [sflag:$0x1] =	stream.indirect.gather [hbm4b:s7+s26], $0x80, s23, s26, $0xb8;
	[tilespmem:$0x1F0A0] =	vst v63  }
0xca: {  	_ = 	snop  }
0xcb: {  	[tilespmem:s28], [sflag:$0x2] =	stream.indirect.gather [spmem:s5], $0x10, s23, s26, $0xb8;
	[tilespmem:$0x1F0A0] =	vst v63  }
0xcc: {  	_ = 	snop  }
0xcd: {  	[tilespmem:s29], [sflag:$0x3] =	stream.indirect.gather [spmem:s5], $0x10, s25, s26, $0xb8;
	[tilespmem:$0x1F0A0] =	vst v63  }
0xce: {  	_ =	swait.ge [sflag:s30], $0x800  }
0xcf: {  	[sflag:s30] =	ssyncset.done $0x0  }
0xd0: {  	[sflag:s30] =	ssyncadd.s32 $0xFFFFF800  }
0xd1: {  	_ =	swait.ge [sflag:s0], $0x800  }
0xd2: {  	[sflag:s0] =	ssyncset.done $0x0  }
0xd3: {  	[sflag:s0] =	ssyncadd.s32 $0xFFFFF800  }
0xd4: {  	_ =	swait.ge [sflag:s1], $0x4000  }
0xd5: {  	[sflag:s1] =	ssyncset.done $0x0  }
0xd6: {  	s16 =	simm.s32 $0x0;
	[sflag:s1] =	ssyncadd.s32 $0xFFFFC000  }
0xd7: {  	v11 =	vld [tilespmem:s16+$0x1D090];
	_ =	sdelay $0x1  }
0xd8: {  	v12 =	vld [tilespmem:s16+$0x1C890];
	_ =	sdelay $0x2  }
0xd9: {  	v11 =	vperm.xlane v11, v1;
	_ =	sdelay $0x1  }
0xda: {  	v11 =	vadd.f32 v11, v12;
	_ =	sdelay $0x1  }
0xdb: {  	v12 =	vmul.f32 $2.000000030e-01, v11  }
0xdc: {  	vm0 =	vgt.f32 v11, $0.0e+00  }
0xdd: {  	v11 =	vsel vm0, v11, v12  }
0xde: {  	v11 =	vsub.f32 v11, v10;
	_ =	sdelay $0x1  }
0xdf: {  	v11 =	vmul.f32 $1.442695020e+00, v11;
	_ =	sdelay $0x1  }
0xe0: {  	(erf) = vpow2.f32 v11;
	_ =	sdelay $0x8  }
0xe1: {  	v11 =	vpop (erf)  }
0xe2: {  	s10 =	simm.s32 $0x188D0;
	[tilespmem:s16+$0x1D890] =	vst v11  }
0xe3: {  	v20 =	vld [tilespmem:s10+$0x30]  }
0xe4: {  	v17 =	vld [tilespmem:s10+$0xFFFFFFE0]  }
0xe5: {  	v16 =	vld [tilespmem:s10+$0x10]  }
0xe6: {  	v21 =	vperm.xlane v11, v9;
	v14 =	vld [tilespmem:s10+$0x20]  }
0xe7: {  	v12 =	vperm.xlane v11, v8;
	v18 =	vperm.xlane v11, v4;
	v15 =	vld [tilespmem:s10+$0x0]  }
0xe8: {  	s15 =	simm.s32 $0x188D0;
	s11 =	simm.s32 $0x40;
	v19 =	vperm.xlane v11, v7;
	v13 =	vld [tilespmem:s10+$0xFFFFFFF0];
	v20 =	vmul.f32 v20, v21  }
.LBB2_15:
0xe9: {  	p0 =	sne.s32 s11, $0x1FC0  }
0xea: {  	v21 =	vld [tilespmem:s10+$0xFFFFFFC0];
	v17 =	vmul.f32 v17, v18;
	s15 =	sadd.s32 $0x80, s15;
	s16 =	smov.u32 s11;
	s11 =	sadd.s32 $0x40, s11  }
0xeb: {  	v22 =	vperm.xlane v11, v6;
	v18 =	vld [tilespmem:s10+$0xFFFFFFD0];
	v16 =	vmul.f32 v16, v19;
	[tilespmem:s10+$0x30] =	vst v20  }
0xec: {  	[tilespmem:s10+$0xFFFFFFE0] =	vst v17;
	v17 =	vperm.xlane v11, v5;
	v12 =	vmul.f32 v14, v12  }
0xed: {  	v14 =	vperm.xlane v11, v2;
	v15 =	vmul.f32 v15, v22;
	[tilespmem:s10+$0x10] =	vst v16  }
0xee: {  	v11 =	vperm.xlane v11, v3;
	v13 =	vmul.f32 v13, v17;
	[tilespmem:s10+$0x20] =	vst v12  }
0xef: {  	v12 =	vmul.f32 v21, v14;
	[tilespmem:s10+$0x0] =	vst v15  }
0xf0: {  	v11 =	vmul.f32 v18, v11;
	[tilespmem:s10+$0xFFFFFFF0] =	vst v13  }
0xf1: {  	s16 =	sshra.s32 s16, $0x2;
	[tilespmem:s10+$0xFFFFFFC0] =	vst v12  }
0xf2: {  	[tilespmem:s10+$0xFFFFFFD0] =	vst v11;
	s10 =	smov.u32 s15  }
0xf3: {  	v11 =	vld [tilespmem:s16+$0x1D090]  }
0xf4: {  	v12 =	vld [tilespmem:s16+$0x1C890];
	_ =	sdelay $0x3  }
0xf5: {  	v11 =	vperm.xlane v11, v1;
	_ =	sdelay $0x1  }
0xf6: {  	v11 =	vadd.f32 v11, v12;
	_ =	sdelay $0x1  }
0xf7: {  	vm0 =	vgt.f32 v11, $0.0e+00;
	v12 =	vmul.f32 $2.000000030e-01, v11;
	_ =	sdelay $0x1  }
0xf8: {  	v11 =	vsel vm0, v11, v12  }
0xf9: {  	v11 =	vsub.f32 v11, v10;
	_ =	sdelay $0x1  }
0xfa: {  	v11 =	vmul.f32 $1.442695020e+00, v11;
	_ =	sdelay $0x1  }
0xfb: {  	(erf) = vpow2.f32 v11;
	_ =	sdelay $0x8  }
0xfc: {  	v11 =	vpop (erf)  }
0xfd: {  	[tilespmem:s16+$0x1D890] =	vst v11;
	v12 =	vperm.xlane v11, v8  }
0xfe: {  	v20 =	vld [tilespmem:s15+$0x30]  }
.Ltmp6:
0xff: {  	v17 =	vld [tilespmem:s15+$0xFFFFFFE0];
	(pc) =	sbr.rel @p0 .LBB2_15-.Ltmp6, $4  }
0x100: {  	v21 =	vperm.xlane v11, v9;
	v16 =	vld [tilespmem:s15+$0x10]  }
0x101: {  	v18 =	vperm.xlane v11, v4;
	v14 =	vld [tilespmem:s15+$0x20]  }
0x102: {  	v15 =	vld [tilespmem:s15+$0x0]  }
0x103: {  	v19 =	vperm.xlane v11, v7;
	v13 =	vld [tilespmem:s15+$0xFFFFFFF0];
	v20 =	vmul.f32 v20, v21  }
0x104: {  	v21 =	vld [tilespmem:s10+$0xFFFFFFC0];
	v17 =	vmul.f32 v17, v18  }
0x105: {  	v60 =	vld [tilespmem:s10+$0xFFFFFFD0];
	v22 =	vperm.xlane v11, v6;
	v16 =	vmul.f32 v16, v19;
	[tilespmem:s10+$0x30] =	vst v20  }
0x106: {  	v61 =	vperm.xlane v11, v5;
	[tilespmem:s10+$0xFFFFFFE0] =	vst v17;
	v12 =	vmul.f32 v14, v12  }
0x107: {  	v62 =	vperm.xlane v11, v2;
	v15 =	vmul.f32 v15, v22;
	[tilespmem:s10+$0x10] =	vst v16  }
0x108: {  	v11 =	vperm.xlane v11, v3;
	v13 =	vmul.f32 v13, v61;
	[tilespmem:s10+$0x20] =	vst v12  }
0x109: {  	v63 =	vmul.f32 v21, v62;
	[tilespmem:s10+$0x0] =	vst v15  }
0x10a: {  	v11 =	vmul.f32 v60, v11;
	[tilespmem:s10+$0xFFFFFFF0] =	vst v13  }
0x10b: {  	[tilespmem:s10+$0xFFFFFFC0] =	vst v63  }
0x10c: {  	[tilespmem:s10+$0xFFFFFFD0] =	vst v11  }
0x10d: {  	[spmem:s2] =	stream.indirect.scatter.add.f32 [tilespmem:s13], [sflag:$0x4], $0x80, s25, s26, $0xb8;
	[tilespmem:$0x1F0A0] =	vst v63  }
0x10e: {  	s9 =	sadd.s32 $0x1, s9;
	_ =	swait.ge [sflag:s12], $0x4000  }
0x10f: {  	p0 =	sne.s32 s9, $0x51;
	[sflag:s12] =	ssyncset.done $0x0  }
.Ltmp7:
0x110: {  	[sflag:s12] =	ssyncadd.s32 $0xFFFFC000;
	(pc) =	sbr.rel @p0 .LBB2_14-.Ltmp7, $4  }
0x111: {  	[spmem:s4] =	stream.indirect.scatter.add.f32 [tilespmem:s17], [sflag:$0x4], $0x10, s25, s26, $0xb8;
	[tilespmem:$0x1F0A0] =	vst v63  }
0x112: {  	_ =	swait.ge [sflag:s12], $0x800  }
0x113: {  	[sflag:s12] =	ssyncset.done $0x0  }
0x114: {  	[sflag:s12] =	ssyncadd.s32 $0xFFFFF800  }
0x115: {  	s6 =	stileid.u32  }
0x116: {  	[bflag:$0x0] =	sbarrier.arrive $0xFFFF;
	s6 =	sshll.u32 s6, $0x6  }
0x117: {  	s9 =	sshrl.u32 s18, $0x3;
	s10 =	rddreg [dreg:$0x16];
	s6 =	sor.u32 $0x1C04, s6  }
0x118: {  	[hbm:s10], [sflag:s6] =	dma.local [spmem:s9], $0x2710  }
0x119: {  	_ =	swait.ge [sflag:s12], $0x2710  }
0x11a: {  	[sflag:s12] =	ssyncset.done $0x0  }
0x11b: {  	[sflag:s12] =	ssyncadd.s32 $0xFFFFD8F0  }
0x11c: {  	[tilespmem:s21], [sflag:$0x4] =	stream.linear.gather [spmem:s20], $0x7D0, $0x38;
	[tilespmem:$0x1F0A0] =	vst v63  }
0x11d: {  	_ =	swait.ge [sflag:s12], $0x7D0  }
0x11e: {  	[sflag:s12] =	ssyncset.done $0x0  }
0x11f: {  	s6 =	simm.s32 $0x0;
	[sflag:s12] =	ssyncadd.s32 $0xFFFFF830  }
0x120: {  	s16 =	smov.u32 s18;
	s18 =	smov.u32 s20;
	s9 =	simm.s32 $0x40;
	v10 =	vld [tilespmem:s6+$0x1E890]  }
.LBB2_18:
0x121: {  	p0 =	sne.s32 s9, $0x1F00  }
.Ltmp8:
0x122: {  	_ = 	snop;
	(pc) =	sbr.rel @p0 .LBB2_18-.Ltmp8, $3  }
0x123: {  	_ =	sdelay $0x1  }
0x124: {  	[tilespmem:s6+$0x1E090] =	vst v10;
	s6 =	sshra.s32 s9, $0x2;
	s9 =	sadd.s32 $0x40, s9  }
0x125: {  	v10 =	vld [tilespmem:s6+$0x1E890]  }
0x126: {  	_ =	sdelay $0x3  }
0x127: {  	s20 =	simm.s32 $0x0;
	s9 =	rddreg [dreg:$0x17];
	[tilespmem:s6+$0x1E090] =	vst v10  }
0x128: {  	[hbm4b:s9+s20] =	stream.linear.scatter [tilespmem:s19], [sflag:$0x4], $0x7D0, $0x38;
	[tilespmem:$0x1F0A0] =	vst v63  }
0x129: {  	_ =	swait.ge [sflag:s12], $0x7D0  }
0x12a: {  	[sflag:s12] =	ssyncset.done $0x0  }
0x12b: {  	[sflag:s12] =	ssyncadd.s32 $0xFFFFF830  }
0x12c: {  	[tilespmem:s21], [sflag:$0x4] =	stream.linear.gather [spmem:s22], $0x7D0, $0x38;
	[tilespmem:$0x1F0A0] =	vst v63  }
0x12d: {  	_ =	swait.ge [sflag:s12], $0x7D0  }
0x12e: {  	[sflag:s12] =	ssyncset.done $0x0  }
0x12f: {  	s6 =	simm.s32 $0x0;
	[sflag:s12] =	ssyncadd.s32 $0xFFFFF830  }
0x130: {  	s9 =	simm.s32 $0x40;
	s20 =	rddreg [dreg:$0xe];
	v10 =	vld [tilespmem:s6+$0x1E890]  }
.LBB2_20:
0x131: {  	p0 =	sne.s32 s9, $0x1F00  }
.Ltmp9:
0x132: {  	_ = 	snop;
	(pc) =	sbr.rel @p0 .LBB2_20-.Ltmp9, $3  }
0x133: {  	_ =	sdelay $0x1  }
0x134: {  	[tilespmem:s6+$0x1E090] =	vst v10;
	s6 =	sshra.s32 s9, $0x2;
	s9 =	sadd.s32 $0x40, s9  }
0x135: {  	v10 =	vld [tilespmem:s6+$0x1E890]  }
0x136: {  	_ =	sdelay $0x3  }
0x137: {  	s15 =	simm.s32 $0x0;
	s9 =	rddreg [dreg:$0x18];
	[tilespmem:s6+$0x1E090] =	vst v10  }
0x138: {  	[hbm4b:s9+s15] =	stream.linear.scatter [tilespmem:s19], [sflag:$0x4], $0x7D0, $0x38;
	[tilespmem:$0x1F0A0] =	vst v63  }
0x139: {  	_ =	swait.ge [sflag:s12], $0x7D0  }
0x13a: {  	[sflag:s12] =	ssyncset.done $0x0  }
0x13b: {  	[sflag:s12] =	ssyncadd.s32 $0xFFFFF830  }
0x13c: {  	[tilespmem:s21], [sflag:$0x4] =	stream.linear.gather [spmem:s24], $0x7D0, $0x38;
	[tilespmem:$0x1F0A0] =	vst v63  }
0x13d: {  	_ =	swait.ge [sflag:s12], $0x7D0  }
0x13e: {  	[sflag:s12] =	ssyncset.done $0x0  }
0x13f: {  	s6 =	simm.s32 $0x0;
	[sflag:s12] =	ssyncadd.s32 $0xFFFFF830  }
0x140: {  	s9 =	simm.s32 $0x40;
	v10 =	vld [tilespmem:s6+$0x1E890]  }
.LBB2_22:
0x141: {  	p0 =	sne.s32 s9, $0x1F00  }
.Ltmp10:
0x142: {  	_ = 	snop;
	(pc) =	sbr.rel @p0 .LBB2_22-.Ltmp10, $3  }
0x143: {  	_ =	sdelay $0x1  }
0x144: {  	[tilespmem:s6+$0x1E090] =	vst v10;
	s6 =	sshra.s32 s9, $0x2;
	s9 =	sadd.s32 $0x40, s9  }
0x145: {  	v10 =	vld [tilespmem:s6+$0x1E890]  }
0x146: {  	_ =	sdelay $0x3  }
0x147: {  	s15 =	simm.s32 $0x0;
	s9 =	rddreg [dreg:$0x19];
	[tilespmem:s6+$0x1E090] =	vst v10  }
0x148: {  	[hbm4b:s9+s15] =	stream.linear.scatter [tilespmem:s19], [sflag:$0x4], $0x7D0, $0x38;
	[tilespmem:$0x1F0A0] =	vst v63  }
0x149: {  	_ =	swait.ge [sflag:s12], $0x7D0  }
0x14a: {  	[sflag:s12] =	ssyncset.done $0x0  }
0x14b: {  	[sflag:s12] =	ssyncadd.s32 $0xFFFFF830  }
0x14c: {  	[tilespmem:s21], [sflag:$0x4] =	stream.linear.gather [spmem:s20], $0x7D0, $0x38;
	[tilespmem:$0x1F0A0] =	vst v63  }
0x14d: {  	_ =	swait.ge [sflag:s12], $0x7D0  }
0x14e: {  	[sflag:s12] =	ssyncset.done $0x0  }
0x14f: {  	s6 =	simm.s32 $0x0;
	[sflag:s12] =	ssyncadd.s32 $0xFFFFF830  }
0x150: {  	s9 =	simm.s32 $0x40;
	v10 =	vld [tilespmem:s6+$0x1E890]  }
.LBB2_24:
0x151: {  	p0 =	sne.s32 s9, $0x1F00  }
.Ltmp11:
0x152: {  	_ = 	snop;
	(pc) =	sbr.rel @p0 .LBB2_24-.Ltmp11, $3  }
0x153: {  	_ =	sdelay $0x1  }
0x154: {  	[tilespmem:s6+$0x1E090] =	vst v10;
	s6 =	sshra.s32 s9, $0x2;
	s9 =	sadd.s32 $0x40, s9  }
0x155: {  	v10 =	vld [tilespmem:s6+$0x1E890]  }
0x156: {  	_ =	sdelay $0x3  }
0x157: {  	s11 =	simm.s32 $0x0;
	s9 =	rddreg [dreg:$0x1a];
	[tilespmem:s6+$0x1E090] =	vst v10  }
0x158: {  	[hbm4b:s9+s11] =	stream.linear.scatter [tilespmem:s19], [sflag:$0x4], $0x7D0, $0x38;
	[tilespmem:$0x1F0A0] =	vst v63  }
0x159: {  	_ =	swait.ge [sflag:s12], $0x7D0  }
0x15a: {  	[sflag:s12] =	ssyncset.done $0x0  }
0x15b: {  	s15 =	rddreg [dreg:$0x10];
	[sflag:s12] =	ssyncadd.s32 $0xFFFFF830  }
0x15c: {  	[tilespmem:s21], [sflag:$0x4] =	stream.linear.gather [spmem:s15], $0x7D0, $0x38;
	[tilespmem:$0x1F0A0] =	vst v63  }
0x15d: {  	_ =	swait.ge [sflag:s12], $0x7D0  }
0x15e: {  	[sflag:s12] =	ssyncset.done $0x0  }
0x15f: {  	s6 =	simm.s32 $0x0;
	[sflag:s12] =	ssyncadd.s32 $0xFFFFF830  }
0x160: {  	s9 =	simm.s32 $0x40;
	v10 =	vld [tilespmem:s6+$0x1E890]  }
.LBB2_26:
0x161: {  	p0 =	sne.s32 s9, $0x1F00  }
.Ltmp12:
0x162: {  	_ = 	snop;
	(pc) =	sbr.rel @p0 .LBB2_26-.Ltmp12, $3  }
0x163: {  	_ =	sdelay $0x1  }
0x164: {  	[tilespmem:s6+$0x1E090] =	vst v10;
	s6 =	sshra.s32 s9, $0x2;
	s9 =	sadd.s32 $0x40, s9  }
0x165: {  	v10 =	vld [tilespmem:s6+$0x1E890]  }
0x166: {  	_ =	sdelay $0x3  }
0x167: {  	s9 =	simm.s32 $0x0;
	s11 =	rddreg [dreg:$0x1b];
	[tilespmem:s6+$0x1E090] =	vst v10  }
0x168: {  	[hbm4b:s11+s9] =	stream.linear.scatter [tilespmem:s19], [sflag:$0x4], $0x7D0, $0x38;
	[tilespmem:$0x1F0A0] =	vst v63  }
0x169: {  	_ =	swait.ge [sflag:s12], $0x7D0  }
0x16a: {  	s3 =	sadd.s32 $0x1, s3;
	s15 =	rddreg [dreg:$0x1c]  }
0x16b: {  	p0 =	sne.s32 s3, s15  }
.Ltmp13:
0x16c: {  	_ = 	snop;
	(pc) =	sbr.rel @p0 .LBB2_1-.Ltmp13, $3  }
0x16d: {  	_ =	sdelay $0x1  }
0x16e: {  	[sflag:s12] =	ssyncset.done $0x0  }
0x16f: {  	[sflag:s12] =	ssyncadd.s32 $0xFFFFF830  }
0x170: {  	_ =	sfence.sel $0x180000  }
0x171: {  	[bflag:$0x0] =	sbarrier.arrive $0xFFFF  }
0x172: {  	_ =	strace $0x90000047  }
0x173: {  	s0 =	stileid.u32;
	[bflag:$0x2] =	sbarrier.arrive $0xFFFF  }
0x174: {  	p0 =	sne.s32 s0, $0x0;
	s0 =	rddreg [dreg:$0x5]  }
0x175: {  	s0 =	sadd.s32 @!p0 $0x100000, s0  }
0x176: {  	[sflag:s0] =	ssyncadd.tile.s32 @!p0 $0x1;
	_ =	shalt  }
.Lfunc_end2:
_tile_overlayer_lowered:
.L_overlay_start_2:
0x177: {  	(tag) =	ssettag $0x2  }
0x178: {  	s0 =	rddreg [dreg:$0x0];
	s2 =	stileid.u32  }
0x179: {  	s1 =	rddreg [dreg:$0x1];
	p0 =	sne.s32 s2, $0x0  }
0x17a: {  	s3 =	rddreg [dreg:$0x2];
	[bflag:$0x3] =	sbarrier.arrive $0xFFFF;
	s2 =	simm.s32 @!p0 $0x1C04  }
0x17b: {  	[timem:s3], [sflag:s2] =	dma.local @!p0 [hbm:s0], s1  }
0x17c: {  	s0 =	simm.s32 @!p0 $0x4  }
0x17d: {  	_ =	swait.ge @!p0 [sflag:s0], s1  }
0x17e: {  	s1 =	ssub.s32 @!p0 $0x0, s1;
	[sflag:s0] =	ssyncset.done @!p0 $0x0  }
0x17f: {  	[sflag:s0] =	ssyncadd.s32 @!p0 s1  }
0x180: {  	[bflag:$0x3] =	sbarrier.arrive $0xFFFF  }
0x181: {  	_ =	shalt  }

</sc_bundles>
